<compile_context>
chip_gen: v7x
topology: tpu7x:2x2x1
jax: 0.10.2.dev20260603
libtpu: 0.0.44.dev20260713+nightly
codegen_flags: <defaults>
</compile_context>

<pallas_src>
import jax
import jax.numpy as jnp
from jax import lax
from jax.experimental import pallas as pl
from jax.experimental.pallas import tpu as pltpu
from jax.experimental.pallas import tpu_sc as plsc

N = 10000
E = 320000
D = 128
H = 4
F = 32
HF = H * F
HD = HF // 2

NC = 2
NS = 16
EW = E // NS
C = 80
NCHUNK = EW // C
NT_STRIDE = 624

_I32 = jnp.int32
_F32 = jnp.float32


def _pro_body(x_ref, w_ref, a_ref, feat_ref, elr_ref):
    feat = jnp.dot(x_ref[...], w_ref[...], preferred_element_type=_F32)
    feat_ref[0] = feat[:, :HD]
    feat_ref[1] = feat[:, HD:]
    elr_ref[...] = jnp.dot(feat, a_ref[...], preferred_element_type=_F32)


def _prologue(x, W, A):
    BR = 1000
    return pl.pallas_call(
        _pro_body,
        grid=(N // BR,),
        in_specs=[
            pl.BlockSpec((BR, D), lambda i: (i, 0)),
            pl.BlockSpec((D, HF), lambda i: (0, 0)),
            pl.BlockSpec((D, 16), lambda i: (0, 0)),
        ],
        out_specs=[
            pl.BlockSpec((2, BR, HD), lambda i: (0, i, 0)),
            pl.BlockSpec((BR, 16), lambda i: (i, 0)),
        ],
        out_shape=[
            jax.ShapeDtypeStruct((2, N, HD), _F32),
            jax.ShapeDtypeStruct((N, 16), _F32),
        ],
    )(x, W, A)


def _sc_body(elr_hbm, pk_hbm, feat_hbm,
             rst_out, den_out,
             pk_v0, src_v0, dst_v0, srcf_v0, rows_v0, ee_v0, els_v0, eld_v0,
             rowso_v0,
             pk_v1, src_v1, dst_v1, srcf_v1, rows_v1, ee_v1, els_v1, eld_v1,
             rowso_v1,
             rst_sh, den_sh, sem_g0, sem_e0, sem_s0, sem_g1, sem_e1, sem_s1):
    cid = lax.axis_index("c")
    sid = lax.axis_index("s")
    r0 = sid * NT_STRIDE
    hbase = 2 * cid

    iota = lax.iota(_I32, 16)
    ebase = sid * EW

    bufs = [
        (pk_v0, src_v0, dst_v0, srcf_v0, rows_v0, ee_v0, els_v0, eld_v0,
         rowso_v0, sem_g0, sem_e0, sem_s0),
        (pk_v1, src_v1, dst_v1, srcf_v1, rows_v1, ee_v1, els_v1, eld_v1,
         rowso_v1, sem_g1, sem_e1, sem_s1),
    ]

    zv = jnp.zeros((16,), _F32)

    def zrow(g, c2):
        gv = jnp.full((16,), g * 16, _I32) + iota
        for k in range(HF):
            plsc.store_scatter(rows_v0, [gv, jnp.full((16,), k, _I32)], zv)
        for k in range(16):
            plsc.store_scatter(ee_v0, [gv, jnp.full((16,), k, _I32)], zv)
        return c2

    lax.fori_loop(0, C // 16, zrow, 0)
    for j in range(8):
        off = jnp.minimum((sid * 8 + j) * C, N - C)
        pltpu.sync_copy(rows_v0, rst_sh.at[pl.ds(off, C)])
        pltpu.sync_copy(ee_v0, den_sh.at[pl.ds(off, C)])
    plsc.subcore_barrier()

    def process(i, b, first):
        (pk_v, src_v, dst_v, srcf_v, rows_v, ee_v, els_v, eld_v,
         rowso_v, sem_g, sem_e, sem_s) = bufs[b]
        base = ebase + i * C
        if not first:
            pltpu.make_async_copy(rowso_v, rst_sh.at[dst_v], sem_s).wait()
            pltpu.make_async_copy(ee_v, den_sh.at[dst_v], sem_s).wait()
        pltpu.sync_copy(pk_hbm.at[pl.ds(base, C)], pk_v)

        def unpack(g, c2):
            gv = jnp.full((16,), g * 16, _I32) + iota
            p16 = plsc.load_gather(pk_v, [gv])
            s16 = p16 & 0x3FFF
            d16 = p16 >> 14
            plsc.store_scatter(src_v, [gv], s16)
            plsc.store_scatter(dst_v, [gv], d16)
            plsc.store_scatter(srcf_v, [gv], s16 + cid * N)
            return c2

        lax.fori_loop(0, C // 16, unpack, 0)
        cp = pltpu.async_copy(feat_hbm.at[srcf_v], rows_v, sem_g)
        ce1 = pltpu.async_copy(elr_hbm.at[src_v], els_v, sem_e)
        ce2 = pltpu.async_copy(elr_hbm.at[dst_v], eld_v, sem_e)
        ce1.wait()
        ce2.wait()

        def eeg(g, c2):
            gv = jnp.full((16,), g * 16, _I32) + iota
            for dh in range(2):
                h = hbase + dh
                el = plsc.load_gather(els_v, [gv, jnp.full((16,), h, _I32)])
                er = plsc.load_gather(eld_v, [gv, jnp.full((16,), H + h, _I32)])
                e = el + er
                e = jnp.where(e >= 0.0, e, e * 0.2)
                ee = jnp.exp(e)
                plsc.store_scatter(ee_v, [gv, jnp.full((16,), dh, _I32)], ee)
            return c2

        lax.fori_loop(0, C // 16, eeg, 0)
        cp.wait()

        def mulg(g, c2):
            gv = jnp.full((16,), g * 16, _I32) + iota
            for dh in range(2):
                scale = plsc.load_gather(ee_v, [gv, jnp.full((16,), dh, _I32)])
                for k in range(F):
                    fv = jnp.full((16,), dh * F + k, _I32)
                    v = plsc.load_gather(rows_v, [gv, fv])
                    plsc.store_scatter(rowso_v, [gv, fv], v * scale)
            return c2

        lax.fori_loop(0, C // 16, mulg, 0)

        pltpu.async_copy(rowso_v, rst_sh.at[dst_v], sem_s, add=True)
        pltpu.async_copy(ee_v, den_sh.at[dst_v], sem_s, add=True)

    process(0, 0, True)
    process(1, 1, True)

    def it_body(j, carry):
        process(2 * j + 2, 0, False)
        process(2 * j + 3, 1, False)
        return carry

    lax.fori_loop(0, NCHUNK // 2 - 1, it_body, 0)
    for b in range(2):
        (pk_v, src_v, dst_v, srcf_v, rows_v, ee_v, els_v, eld_v,
         rowso_v, sem_g, sem_e, sem_s) = bufs[b]
        pltpu.make_async_copy(rowso_v, rst_sh.at[dst_v], sem_s).wait()
        pltpu.make_async_copy(ee_v, den_sh.at[dst_v], sem_s).wait()
    plsc.subcore_barrier()

    pltpu.sync_copy(rst_sh.at[pl.ds(r0, 640)],
                    rst_out.at[cid, pl.ds(r0, 640)])
    pltpu.sync_copy(den_sh.at[pl.ds(r0, 640)],
                    den_out.at[cid, pl.ds(r0, 640)])


def _sc_main(elr, pk, feat):
    mesh = plsc.VectorSubcoreMesh(
        core_axis_name="c", subcore_axis_name="s",
        num_cores=NC, num_subcores=NS)
    fn = pl.kernel(
        _sc_body,
        out_type=[
            pltpu.MemorySpace.HBM((NC, N, HD), _F32),
            pltpu.MemorySpace.HBM((NC, N, 16), _F32),
        ],
        mesh=mesh,
        scratch_types=(
            [pltpu.VMEM((C,), _I32),
             pltpu.VMEM((C,), _I32),
             pltpu.VMEM((C,), _I32),
             pltpu.VMEM((C,), _I32),
             pltpu.VMEM((C, HD), _F32),
             pltpu.VMEM((C, 16), _F32),
             pltpu.VMEM((C, 16), _F32),
             pltpu.VMEM((C, 16), _F32),
             pltpu.VMEM((C, HD), _F32)] * 2 +
            [pltpu.VMEM_SHARED((N, HD), _F32),
             pltpu.VMEM_SHARED((N, 16), _F32)] +
            [pltpu.SemaphoreType.DMA] * 6
        ),
        compiler_params=pltpu.CompilerParams(
            needs_layout_passes=False, use_tc_tiling_on_sc=False),
    )
    return fn(elr, pk, feat)


def _epi_body(r0_ref, r1_ref, d0_ref, d1_ref, b_ref, out_ref):
    d4 = jnp.concatenate([d0_ref[...][:, :2], d1_ref[...][:, :2]], axis=1)
    recip = jnp.where(d4 > 0.0, 1.0 / d4, 0.0)
    col = lax.broadcasted_iota(_I32, (H, HF), 1)
    row = lax.broadcasted_iota(_I32, (H, HF), 0)
    expand = (col // F == row).astype(_F32)
    scale = jnp.dot(recip, expand, preferred_element_type=_F32)
    r = jnp.concatenate([r0_ref[...], r1_ref[...]], axis=1)
    out_ref[...] = r * scale + b_ref[...]


def _epilogue(rst0, rst1, den0, den1, bias2d):
    BR = 1000
    return pl.pallas_call(
        _epi_body,
        grid=(N // BR,),
        in_specs=[
            pl.BlockSpec((BR, HD), lambda i: (i, 0)),
            pl.BlockSpec((BR, HD), lambda i: (i, 0)),
            pl.BlockSpec((BR, 16), lambda i: (i, 0)),
            pl.BlockSpec((BR, 16), lambda i: (i, 0)),
            pl.BlockSpec((1, HF), lambda i: (0, 0)),
        ],
        out_specs=pl.BlockSpec((BR, HF), lambda i: (i, 0)),
        out_shape=jax.ShapeDtypeStruct((N, HF), _F32),
    )(rst0, rst1, den0, den1, bias2d)


def kernel(x, edge_index, W, attn_l, attn_r, bias):
    Al = attn_l.reshape(H, F)
    Ar = attn_r.reshape(H, F)
    A = jnp.zeros((H, F, 16), _F32)
    hh = jnp.arange(H)[:, None]
    ff = jnp.arange(F)[None, :]
    A = A.at[hh, ff, hh].set(Al)
    A = A.at[hh, ff, hh + H].set(Ar)
    A = A.reshape(HF, 16)

    feat2, elr = _prologue(x, W, A)
    featf = feat2.reshape(2 * N, HD)

    pk = edge_index[0] | (edge_index[1] << 14)
    rstU, den = _sc_main(elr, pk, featf)

    return _epilogue(rstU[0], rstU[1], den[0], den[1], bias.reshape(1, HF))

# --- scband reference (transcript-rebuilt; emitter-appended) ---
"""Pipeline reference for scband-dist-gat-45621142618443 (READ-ONLY COPY).

The authoritative reference and input builder live on the scoring server;
editing this copy changes nothing except your own understanding.
"""

import jax, jax.numpy as jnp
import numpy as np

N = 10000
E = 320000
D = 128
H = 4
F = 32


def setup_inputs(seed: int = 0) -> dict:
    key = jax.random.key(seed)
    k1, k2, k3, k4, k5, k6 = jax.random.split(key, 6)
    x = jax.random.normal(k1, (N, D), dtype=jnp.float32)
    edge_index = jax.random.randint(k2, (2, E), 0, N, dtype=jnp.int32)
    W = jax.random.normal(k3, (D, H * F), dtype=jnp.float32) * 0.1
    attn_l = jax.random.normal(k4, (1, H, F), dtype=jnp.float32) * 0.1
    attn_r = jax.random.normal(k5, (1, H, F), dtype=jnp.float32) * 0.1
    bias = jax.random.normal(k6, (H * F,), dtype=jnp.float32) * 0.01
    return {"x": x, "edge_index": edge_index, "W": W, "attn_l": attn_l, "attn_r": attn_r, "bias": bias}


def reference(x, edge_index, W, attn_l, attn_r, bias):
    # fc: shared linear projection, then reshape to heads
    feat = (x @ W).reshape(N, H, F)            # [N, H, F]
    # attention logits per node
    el = jnp.sum(feat * attn_l, axis=-1)       # [N, H]
    er = jnp.sum(feat * attn_r, axis=-1)       # [N, H]
    src = edge_index[0]
    dst = edge_index[1]
    # u_add_v then leaky relu (negative_slope=0.2)
    e = jax.nn.leaky_relu(el[src] + er[dst], negative_slope=0.2)  # [E, H]
    # edge softmax over incoming edges of each dst node
    emax = jax.ops.segment_max(e, dst, num_segments=N)            # [N, H]
    emax = jnp.where(jnp.isfinite(emax), emax, 0.0)
    ee = jnp.exp(e - jax.lax.stop_gradient(emax)[dst])            # [E, H]
    denom = jax.ops.segment_sum(ee, dst, num_segments=N)          # [N, H]
    a = ee / denom[dst]                                           # [E, H]
    # u_mul_e message + sum aggregation
    m = feat[src] * a[:, :, None]                                 # [E, H, F]
    rst = jax.ops.segment_sum(m, dst, num_segments=N)             # [N, H, F]
    rst = rst + bias.reshape(1, H, F)
    # heads_aggregation == 'flatten'
    rst = rst.reshape(N, H * F)
    return rst

if __name__ == "__main__":
    import jax
    _d = setup_inputs()
    print(jax.jit(kernel)(*tuple(_d.values())))

</pallas_src>

<mosaic_0001>
#map = affine_map<(d0, d1) -> (0, 0)>
#map1 = affine_map<(d0, d1) -> (0)>
#map2 = affine_map<(d0, d1) -> (0, 0, 0)>
module attributes {stable_mosaic.version = 14 : i64} {
  func.func @_sc_body(%arg0: i32, %arg1: i32, %arg2: memref<10000x16xf32, #tpu.memory_space<hbm>>, %arg3: memref<320000xi32, #tpu.memory_space<hbm>>, %arg4: memref<20000x64xf32, #tpu.memory_space<hbm>>, %arg5: memref<2x10000x64xf32, #tpu.memory_space<hbm>>, %arg6: memref<2x10000x16xf32, #tpu.memory_space<hbm>>, %arg7: memref<80xi32, #tpu.memory_space<vmem>>, %arg8: memref<80xi32, #tpu.memory_space<vmem>>, %arg9: memref<80xi32, #tpu.memory_space<vmem>>, %arg10: memref<80xi32, #tpu.memory_space<vmem>>, %arg11: memref<80x64xf32, #tpu.memory_space<vmem>>, %arg12: memref<80x16xf32, #tpu.memory_space<vmem>>, %arg13: memref<80x16xf32, #tpu.memory_space<vmem>>, %arg14: memref<80x16xf32, #tpu.memory_space<vmem>>, %arg15: memref<80x64xf32, #tpu.memory_space<vmem>>, %arg16: memref<80xi32, #tpu.memory_space<vmem>>, %arg17: memref<80xi32, #tpu.memory_space<vmem>>, %arg18: memref<80xi32, #tpu.memory_space<vmem>>, %arg19: memref<80xi32, #tpu.memory_space<vmem>>, %arg20: memref<80x64xf32, #tpu.memory_space<vmem>>, %arg21: memref<80x16xf32, #tpu.memory_space<vmem>>, %arg22: memref<80x16xf32, #tpu.memory_space<vmem>>, %arg23: memref<80x16xf32, #tpu.memory_space<vmem>>, %arg24: memref<80x64xf32, #tpu.memory_space<vmem>>, %arg25: memref<10000x64xf32, #tpu.memory_space<vmem_shared>>, %arg26: memref<10000x16xf32, #tpu.memory_space<vmem_shared>>, %arg27: memref<!tpu.dma_semaphore, #tpu.memory_space<semaphore_mem>>, %arg28: memref<!tpu.dma_semaphore, #tpu.memory_space<semaphore_mem>>, %arg29: memref<!tpu.dma_semaphore, #tpu.memory_space<semaphore_mem>>, %arg30: memref<!tpu.dma_semaphore, #tpu.memory_space<semaphore_mem>>, %arg31: memref<!tpu.dma_semaphore, #tpu.memory_space<semaphore_mem>>, %arg32: memref<!tpu.dma_semaphore, #tpu.memory_space<semaphore_mem>>) attributes {dimension_semantics = [#tpu.dimension_semantics<core_parallel>, #tpu.dimension_semantics<subcore_parallel>], iteration_bounds = array<i64: 2, 16>, scalar_prefetch = 0 : i64, scratch_operands = 26 : i64, tpu.core_type = #tpu.core_type<sc_vector_subcore>, window_params = [{transform_indices = #map}, {transform_indices = #map1}, {transform_indices = #map}, {transform_indices = #map2}, {transform_indices = #map2}]} {
    %mul3A = arith.constant 624 : i32
    %mul3A_0 = arith.muli %arg1, %mul3A : i32
    %mul3A_1 = arith.constant 2 : i32
    %mul3A_2 = arith.muli %mul3A_1, %arg0 : i32
    %iota3A = tpu.iota {dimensions = array<i32: 0>} : vector<16xi32>
    %mul3A_3 = arith.constant 20000 : i32
    %mul3A_4 = arith.muli %arg1, %mul3A_3 : i32
    %broadcast_in_dim3A = arith.constant 0.000000e+00 : f32
    %broadcast_in_dim3A_5 = vector.broadcast %broadcast_in_dim3A : f32 to vector<16xf32>
    %scan3A = arith.constant 0 : i32
    %scan3A_6 = arith.constant 0 : i32
    %scan3A_7 = arith.constant 5 : i32
    %scan3A_8 = arith.addi %scan3A_6, %scan3A_7 : i32
    %scan3A_9 = arith.constant 1 : i32
    scf.for %scan3A_178 = %scan3A_6 to %scan3A_8 step %scan3A_9  : i32 {
      %mul3A_179 = arith.constant 16 : i32
      %mul3A_180 = arith.muli %scan3A_178, %mul3A_179 : i32
      %broadcast_in_dim3A_181 = vector.broadcast %mul3A_180 : i32 to vector<16xi32>
      %add3A_182 = arith.addi %broadcast_in_dim3A_181, %iota3A : vector<16xi32>
      %broadcast_in_dim3A_183 = arith.constant 0 : i32
      %broadcast_in_dim3A_184 = vector.broadcast %broadcast_in_dim3A_183 : i32 to vector<16xi32>
      tpu.vector_store_idx %arg11[%add3A_182, %broadcast_in_dim3A_184], %broadcast_in_dim3A_5 : memref<80x64xf32, #tpu.memory_space<vmem>>[vector<16xi32>, vector<16xi32>], vector<16xf32>,
      %broadcast_in_dim3A_185 = arith.constant 1 : i32
      %broadcast_in_dim3A_186 = vector.broadcast %broadcast_in_dim3A_185 : i32 to vector<16xi32>
      tpu.vector_store_idx %arg11[%add3A_182, %broadcast_in_dim3A_186], %broadcast_in_dim3A_5 : memref<80x64xf32, #tpu.memory_space<vmem>>[vector<16xi32>, vector<16xi32>], vector<16xf32>,
      %broadcast_in_dim3A_187 = arith.constant 2 : i32
      %broadcast_in_dim3A_188 = vector.broadcast %broadcast_in_dim3A_187 : i32 to vector<16xi32>
      tpu.vector_store_idx %arg11[%add3A_182, %broadcast_in_dim3A_188], %broadcast_in_dim3A_5 : memref<80x64xf32, #tpu.memory_space<vmem>>[vector<16xi32>, vector<16xi32>], vector<16xf32>,
      %broadcast_in_dim3A_189 = arith.constant 3 : i32
      %broadcast_in_dim3A_190 = vector.broadcast %broadcast_in_dim3A_189 : i32 to vector<16xi32>
      tpu.vector_store_idx %arg11[%add3A_182, %broadcast_in_dim3A_190], %broadcast_in_dim3A_5 : memref<80x64xf32, #tpu.memory_space<vmem>>[vector<16xi32>, vector<16xi32>], vector<16xf32>,
      %broadcast_in_dim3A_191 = arith.constant 4 : i32
      %broadcast_in_dim3A_192 = vector.broadcast %broadcast_in_dim3A_191 : i32 to vector<16xi32>
      tpu.vector_store_idx %arg11[%add3A_182, %broadcast_in_dim3A_192], %broadcast_in_dim3A_5 : memref<80x64xf32, #tpu.memory_space<vmem>>[vector<16xi32>, vector<16xi32>], vector<16xf32>,
      %broadcast_in_dim3A_193 = arith.constant 5 : i32
      %broadcast_in_dim3A_194 = vector.broadcast %broadcast_in_dim3A_193 : i32 to vector<16xi32>
      tpu.vector_store_idx %arg11[%add3A_182, %broadcast_in_dim3A_194], %broadcast_in_dim3A_5 : memref<80x64xf32, #tpu.memory_space<vmem>>[vector<16xi32>, vector<16xi32>], vector<16xf32>,
      %broadcast_in_dim3A_195 = arith.constant 6 : i32
      %broadcast_in_dim3A_196 = vector.broadcast %broadcast_in_dim3A_195 : i32 to vector<16xi32>
      tpu.vector_store_idx %arg11[%add3A_182, %broadcast_in_dim3A_196], %broadcast_in_dim3A_5 : memref<80x64xf32, #tpu.memory_space<vmem>>[vector<16xi32>, vector<16xi32>], vector<16xf32>,
      %broadcast_in_dim3A_197 = arith.constant 7 : i32
      %broadcast_in_dim3A_198 = vector.broadcast %broadcast_in_dim3A_197 : i32 to vector<16xi32>
      tpu.vector_store_idx %arg11[%add3A_182, %broadcast_in_dim3A_198], %broadcast_in_dim3A_5 : memref<80x64xf32, #tpu.memory_space<vmem>>[vector<16xi32>, vector<16xi32>], vector<16xf32>,
      %broadcast_in_dim3A_199 = arith.constant 8 : i32
      %broadcast_in_dim3A_200 = vector.broadcast %broadcast_in_dim3A_199 : i32 to vector<16xi32>
      tpu.vector_store_idx %arg11[%add3A_182, %broadcast_in_dim3A_200], %broadcast_in_dim3A_5 : memref<80x64xf32, #tpu.memory_space<vmem>>[vector<16xi32>, vector<16xi32>], vector<16xf32>,
      %broadcast_in_dim3A_201 = arith.constant 9 : i32
      %broadcast_in_dim3A_202 = vector.broadcast %broadcast_in_dim3A_201 : i32 to vector<16xi32>
      tpu.vector_store_idx %arg11[%add3A_182, %broadcast_in_dim3A_202], %broadcast_in_dim3A_5 : memref<80x64xf32, #tpu.memory_space<vmem>>[vector<16xi32>, vector<16xi32>], vector<16xf32>,
      %broadcast_in_dim3A_203 = arith.constant 10 : i32
      %broadcast_in_dim3A_204 = vector.broadcast %broadcast_in_dim3A_203 : i32 to vector<16xi32>
      tpu.vector_store_idx %arg11[%add3A_182, %broadcast_in_dim3A_204], %broadcast_in_dim3A_5 : memref<80x64xf32, #tpu.memory_space<vmem>>[vector<16xi32>, vector<16xi32>], vector<16xf32>,
      %broadcast_in_dim3A_205 = arith.constant 11 : i32
      %broadcast_in_dim3A_206 = vector.broadcast %broadcast_in_dim3A_205 : i32 to vector<16xi32>
      tpu.vector_store_idx %arg11[%add3A_182, %broadcast_in_dim3A_206], %broadcast_in_dim3A_5 : memref<80x64xf32, #tpu.memory_space<vmem>>[vector<16xi32>, vector<16xi32>], vector<16xf32>,
      %broadcast_in_dim3A_207 = arith.constant 12 : i32
      %broadcast_in_dim3A_208 = vector.broadcast %broadcast_in_dim3A_207 : i32 to vector<16xi32>
      tpu.vector_store_idx %arg11[%add3A_182, %broadcast_in_dim3A_208], %broadcast_in_dim3A_5 : memref<80x64xf32, #tpu.memory_space<vmem>>[vector<16xi32>, vector<16xi32>], vector<16xf32>,
      %broadcast_in_dim3A_209 = arith.constant 13 : i32
      %broadcast_in_dim3A_210 = vector.broadcast %broadcast_in_dim3A_209 : i32 to vector<16xi32>
      tpu.vector_store_idx %arg11[%add3A_182, %broadcast_in_dim3A_210], %broadcast_in_dim3A_5 : memref<80x64xf32, #tpu.memory_space<vmem>>[vector<16xi32>, vector<16xi32>], vector<16xf32>,
      %broadcast_in_dim3A_211 = arith.constant 14 : i32
      %broadcast_in_dim3A_212 = vector.broadcast %broadcast_in_dim3A_211 : i32 to vector<16xi32>
      tpu.vector_store_idx %arg11[%add3A_182, %broadcast_in_dim3A_212], %broadcast_in_dim3A_5 : memref<80x64xf32, #tpu.memory_space<vmem>>[vector<16xi32>, vector<16xi32>], vector<16xf32>,
      %broadcast_in_dim3A_213 = arith.constant 15 : i32
      %broadcast_in_dim3A_214 = vector.broadcast %broadcast_in_dim3A_213 : i32 to vector<16xi32>
      tpu.vector_store_idx %arg11[%add3A_182, %broadcast_in_dim3A_214], %broadcast_in_dim3A_5 : memref<80x64xf32, #tpu.memory_space<vmem>>[vector<16xi32>, vector<16xi32>], vector<16xf32>,
      %broadcast_in_dim3A_215 = arith.constant 16 : i32
      %broadcast_in_dim3A_216 = vector.broadcast %broadcast_in_dim3A_215 : i32 to vector<16xi32>
      tpu.vector_store_idx %arg11[%add3A_182, %broadcast_in_dim3A_216], %broadcast_in_dim3A_5 : memref<80x64xf32, #tpu.memory_space<vmem>>[vector<16xi32>, vector<16xi32>], vector<16xf32>,
      %broadcast_in_dim3A_217 = arith.constant 17 : i32
      %broadcast_in_dim3A_218 = vector.broadcast %broadcast_in_dim3A_217 : i32 to vector<16xi32>
      tpu.vector_store_idx %arg11[%add3A_182, %broadcast_in_dim3A_218], %broadcast_in_dim3A_5 : memref<80x64xf32, #tpu.memory_space<vmem>>[vector<16xi32>, vector<16xi32>], vector<16xf32>,
      %broadcast_in_dim3A_219 = arith.constant 18 : i32
      %broadcast_in_dim3A_220 = vector.broadcast %broadcast_in_dim3A_219 : i32 to vector<16xi32>
      tpu.vector_store_idx %arg11[%add3A_182, %broadcast_in_dim3A_220], %broadcast_in_dim3A_5 : memref<80x64xf32, #tpu.memory_space<vmem>>[vector<16xi32>, vector<16xi32>], vector<16xf32>,
      %broadcast_in_dim3A_221 = arith.constant 19 : i32
      %broadcast_in_dim3A_222 = vector.broadcast %broadcast_in_dim3A_221 : i32 to vector<16xi32>
      tpu.vector_store_idx %arg11[%add3A_182, %broadcast_in_dim3A_222], %broadcast_in_dim3A_5 : memref<80x64xf32, #tpu.memory_space<vmem>>[vector<16xi32>, vector<16xi32>], vector<16xf32>,
      %broadcast_in_dim3A_223 = arith.constant 20 : i32
      %broadcast_in_dim3A_224 = vector.broadcast %broadcast_in_dim3A_223 : i32 to vector<16xi32>
      tpu.vector_store_idx %arg11[%add3A_182, %broadcast_in_dim3A_224], %broadcast_in_dim3A_5 : memref<80x64xf32, #tpu.memory_space<vmem>>[vector<16xi32>, vector<16xi32>], vector<16xf32>,
      %broadcast_in_dim3A_225 = arith.constant 21 : i32
      %broadcast_in_dim3A_226 = vector.broadcast %broadcast_in_dim3A_225 : i32 to vector<16xi32>
      tpu.vector_store_idx %arg11[%add3A_182, %broadcast_in_dim3A_226], %broadcast_in_dim3A_5 : memref<80x64xf32, #tpu.memory_space<vmem>>[vector<16xi32>, vector<16xi32>], vector<16xf32>,
      %broadcast_in_dim3A_227 = arith.constant 22 : i32
      %broadcast_in_dim3A_228 = vector.broadcast %broadcast_in_dim3A_227 : i32 to vector<16xi32>
      tpu.vector_store_idx %arg11[%add3A_182, %broadcast_in_dim3A_228], %broadcast_in_dim3A_5 : memref<80x64xf32, #tpu.memory_space<vmem>>[vector<16xi32>, vector<16xi32>], vector<16xf32>,
      %broadcast_in_dim3A_229 = arith.constant 23 : i32
      %broadcast_in_dim3A_230 = vector.broadcast %broadcast_in_dim3A_229 : i32 to vector<16xi32>
      tpu.vector_store_idx %arg11[%add3A_182, %broadcast_in_dim3A_230], %broadcast_in_dim3A_5 : memref<80x64xf32, #tpu.memory_space<vmem>>[vector<16xi32>, vector<16xi32>], vector<16xf32>,
      %broadcast_in_dim3A_231 = arith.constant 24 : i32
      %broadcast_in_dim3A_232 = vector.broadcast %broadcast_in_dim3A_231 : i32 to vector<16xi32>
      tpu.vector_store_idx %arg11[%add3A_182, %broadcast_in_dim3A_232], %broadcast_in_dim3A_5 : memref<80x64xf32, #tpu.memory_space<vmem>>[vector<16xi32>, vector<16xi32>], vector<16xf32>,
      %broadcast_in_dim3A_233 = arith.constant 25 : i32
      %broadcast_in_dim3A_234 = vector.broadcast %broadcast_in_dim3A_233 : i32 to vector<16xi32>
      tpu.vector_store_idx %arg11[%add3A_182, %broadcast_in_dim3A_234], %broadcast_in_dim3A_5 : memref<80x64xf32, #tpu.memory_space<vmem>>[vector<16xi32>, vector<16xi32>], vector<16xf32>,
      %broadcast_in_dim3A_235 = arith.constant 26 : i32
      %broadcast_in_dim3A_236 = vector.broadcast %broadcast_in_dim3A_235 : i32 to vector<16xi32>
      tpu.vector_store_idx %arg11[%add3A_182, %broadcast_in_dim3A_236], %broadcast_in_dim3A_5 : memref<80x64xf32, #tpu.memory_space<vmem>>[vector<16xi32>, vector<16xi32>], vector<16xf32>,
      %broadcast_in_dim3A_237 = arith.constant 27 : i32
      %broadcast_in_dim3A_238 = vector.broadcast %broadcast_in_dim3A_237 : i32 to vector<16xi32>
      tpu.vector_store_idx %arg11[%add3A_182, %broadcast_in_dim3A_238], %broadcast_in_dim3A_5 : memref<80x64xf32, #tpu.memory_space<vmem>>[vector<16xi32>, vector<16xi32>], vector<16xf32>,
      %broadcast_in_dim3A_239 = arith.constant 28 : i32
      %broadcast_in_dim3A_240 = vector.broadcast %broadcast_in_dim3A_239 : i32 to vector<16xi32>
      tpu.vector_store_idx %arg11[%add3A_182, %broadcast_in_dim3A_240], %broadcast_in_dim3A_5 : memref<80x64xf32, #tpu.memory_space<vmem>>[vector<16xi32>, vector<16xi32>], vector<16xf32>,
      %broadcast_in_dim3A_241 = arith.constant 29 : i32
      %broadcast_in_dim3A_242 = vector.broadcast %broadcast_in_dim3A_241 : i32 to vector<16xi32>
      tpu.vector_store_idx %arg11[%add3A_182, %broadcast_in_dim3A_242], %broadcast_in_dim3A_5 : memref<80x64xf32, #tpu.memory_space<vmem>>[vector<16xi32>, vector<16xi32>], vector<16xf32>,
      %broadcast_in_dim3A_243 = arith.constant 30 : i32
      %broadcast_in_dim3A_244 = vector.broadcast %broadcast_in_dim3A_243 : i32 to vector<16xi32>
      tpu.vector_store_idx %arg11[%add3A_182, %broadcast_in_dim3A_244], %broadcast_in_dim3A_5 : memref<80x64xf32, #tpu.memory_space<vmem>>[vector<16xi32>, vector<16xi32>], vector<16xf32>,
      %broadcast_in_dim3A_245 = arith.constant 31 : i32
      %broadcast_in_dim3A_246 = vector.broadcast %broadcast_in_dim3A_245 : i32 to vector<16xi32>
      tpu.vector_store_idx %arg11[%add3A_182, %broadcast_in_dim3A_246], %broadcast_in_dim3A_5 : memref<80x64xf32, #tpu.memory_space<vmem>>[vector<16xi32>, vector<16xi32>], vector<16xf32>,
      %broadcast_in_dim3A_247 = arith.constant 32 : i32
      %broadcast_in_dim3A_248 = vector.broadcast %broadcast_in_dim3A_247 : i32 to vector<16xi32>
      tpu.vector_store_idx %arg11[%add3A_182, %broadcast_in_dim3A_248], %broadcast_in_dim3A_5 : memref<80x64xf32, #tpu.memory_space<vmem>>[vector<16xi32>, vector<16xi32>], vector<16xf32>,
      %broadcast_in_dim3A_249 = arith.constant 33 : i32
      %broadcast_in_dim3A_250 = vector.broadcast %broadcast_in_dim3A_249 : i32 to vector<16xi32>
      tpu.vector_store_idx %arg11[%add3A_182, %broadcast_in_dim3A_250], %broadcast_in_dim3A_5 : memref<80x64xf32, #tpu.memory_space<vmem>>[vector<16xi32>, vector<16xi32>], vector<16xf32>,
      %broadcast_in_dim3A_251 = arith.constant 34 : i32
      %broadcast_in_dim3A_252 = vector.broadcast %broadcast_in_dim3A_251 : i32 to vector<16xi32>
      tpu.vector_store_idx %arg11[%add3A_182, %broadcast_in_dim3A_252], %broadcast_in_dim3A_5 : memref<80x64xf32, #tpu.memory_space<vmem>>[vector<16xi32>, vector<16xi32>], vector<16xf32>,
      %broadcast_in_dim3A_253 = arith.constant 35 : i32
      %broadcast_in_dim3A_254 = vector.broadcast %broadcast_in_dim3A_253 : i32 to vector<16xi32>
      tpu.vector_store_idx %arg11[%add3A_182, %broadcast_in_dim3A_254], %broadcast_in_dim3A_5 : memref<80x64xf32, #tpu.memory_space<vmem>>[vector<16xi32>, vector<16xi32>], vector<16xf32>,
      %broadcast_in_dim3A_255 = arith.constant 36 : i32
      %broadcast_in_dim3A_256 = vector.broadcast %broadcast_in_dim3A_255 : i32 to vector<16xi32>
      tpu.vector_store_idx %arg11[%add3A_182, %broadcast_in_dim3A_256], %broadcast_in_dim3A_5 : memref<80x64xf32, #tpu.memory_space<vmem>>[vector<16xi32>, vector<16xi32>], vector<16xf32>,
      %broadcast_in_dim3A_257 = arith.constant 37 : i32
      %broadcast_in_dim3A_258 = vector.broadcast %broadcast_in_dim3A_257 : i32 to vector<16xi32>
      tpu.vector_store_idx %arg11[%add3A_182, %broadcast_in_dim3A_258], %broadcast_in_dim3A_5 : memref<80x64xf32, #tpu.memory_space<vmem>>[vector<16xi32>, vector<16xi32>], vector<16xf32>,
      %broadcast_in_dim3A_259 = arith.constant 38 : i32
      %broadcast_in_dim3A_260 = vector.broadcast %broadcast_in_dim3A_259 : i32 to vector<16xi32>
      tpu.vector_store_idx %arg11[%add3A_182, %broadcast_in_dim3A_260], %broadcast_in_dim3A_5 : memref<80x64xf32, #tpu.memory_space<vmem>>[vector<16xi32>, vector<16xi32>], vector<16xf32>,
      %broadcast_in_dim3A_261 = arith.constant 39 : i32
      %broadcast_in_dim3A_262 = vector.broadcast %broadcast_in_dim3A_261 : i32 to vector<16xi32>
      tpu.vector_store_idx %arg11[%add3A_182, %broadcast_in_dim3A_262], %broadcast_in_dim3A_5 : memref<80x64xf32, #tpu.memory_space<vmem>>[vector<16xi32>, vector<16xi32>], vector<16xf32>,
      %broadcast_in_dim3A_263 = arith.constant 40 : i32
      %broadcast_in_dim3A_264 = vector.broadcast %broadcast_in_dim3A_263 : i32 to vector<16xi32>
      tpu.vector_store_idx %arg11[%add3A_182, %broadcast_in_dim3A_264], %broadcast_in_dim3A_5 : memref<80x64xf32, #tpu.memory_space<vmem>>[vector<16xi32>, vector<16xi32>], vector<16xf32>,
      %broadcast_in_dim3A_265 = arith.constant 41 : i32
      %broadcast_in_dim3A_266 = vector.broadcast %broadcast_in_dim3A_265 : i32 to vector<16xi32>
      tpu.vector_store_idx %arg11[%add3A_182, %broadcast_in_dim3A_266], %broadcast_in_dim3A_5 : memref<80x64xf32, #tpu.memory_space<vmem>>[vector<16xi32>, vector<16xi32>], vector<16xf32>,
      %broadcast_in_dim3A_267 = arith.constant 42 : i32
      %broadcast_in_dim3A_268 = vector.broadcast %broadcast_in_dim3A_267 : i32 to vector<16xi32>
      tpu.vector_store_idx %arg11[%add3A_182, %broadcast_in_dim3A_268], %broadcast_in_dim3A_5 : memref<80x64xf32, #tpu.memory_space<vmem>>[vector<16xi32>, vector<16xi32>], vector<16xf32>,
      %broadcast_in_dim3A_269 = arith.constant 43 : i32
      %broadcast_in_dim3A_270 = vector.broadcast %broadcast_in_dim3A_269 : i32 to vector<16xi32>
      tpu.vector_store_idx %arg11[%add3A_182, %broadcast_in_dim3A_270], %broadcast_in_dim3A_5 : memref<80x64xf32, #tpu.memory_space<vmem>>[vector<16xi32>, vector<16xi32>], vector<16xf32>,
      %broadcast_in_dim3A_271 = arith.constant 44 : i32
      %broadcast_in_dim3A_272 = vector.broadcast %broadcast_in_dim3A_271 : i32 to vector<16xi32>
      tpu.vector_store_idx %arg11[%add3A_182, %broadcast_in_dim3A_272], %broadcast_in_dim3A_5 : memref<80x64xf32, #tpu.memory_space<vmem>>[vector<16xi32>, vector<16xi32>], vector<16xf32>,
      %broadcast_in_dim3A_273 = arith.constant 45 : i32
      %broadcast_in_dim3A_274 = vector.broadcast %broadcast_in_dim3A_273 : i32 to vector<16xi32>
      tpu.vector_store_idx %arg11[%add3A_182, %broadcast_in_dim3A_274], %broadcast_in_dim3A_5 : memref<80x64xf32, #tpu.memory_space<vmem>>[vector<16xi32>, vector<16xi32>], vector<16xf32>,
      %broadcast_in_dim3A_275 = arith.constant 46 : i32
      %broadcast_in_dim3A_276 = vector.broadcast %broadcast_in_dim3A_275 : i32 to vector<16xi32>
      tpu.vector_store_idx %arg11[%add3A_182, %broadcast_in_dim3A_276], %broadcast_in_dim3A_5 : memref<80x64xf32, #tpu.memory_space<vmem>>[vector<16xi32>, vector<16xi32>], vector<16xf32>,
      %broadcast_in_dim3A_277 = arith.constant 47 : i32
      %broadcast_in_dim3A_278 = vector.broadcast %broadcast_in_dim3A_277 : i32 to vector<16xi32>
      tpu.vector_store_idx %arg11[%add3A_182, %broadcast_in_dim3A_278], %broadcast_in_dim3A_5 : memref<80x64xf32, #tpu.memory_space<vmem>>[vector<16xi32>, vector<16xi32>], vector<16xf32>,
      %broadcast_in_dim3A_279 = arith.constant 48 : i32
      %broadcast_in_dim3A_280 = vector.broadcast %broadcast_in_dim3A_279 : i32 to vector<16xi32>
      tpu.vector_store_idx %arg11[%add3A_182, %broadcast_in_dim3A_280], %broadcast_in_dim3A_5 : memref<80x64xf32, #tpu.memory_space<vmem>>[vector<16xi32>, vector<16xi32>], vector<16xf32>,
      %broadcast_in_dim3A_281 = arith.constant 49 : i32
      %broadcast_in_dim3A_282 = vector.broadcast %broadcast_in_dim3A_281 : i32 to vector<16xi32>
      tpu.vector_store_idx %arg11[%add3A_182, %broadcast_in_dim3A_282], %broadcast_in_dim3A_5 : memref<80x64xf32, #tpu.memory_space<vmem>>[vector<16xi32>, vector<16xi32>], vector<16xf32>,
      %broadcast_in_dim3A_283 = arith.constant 50 : i32
      %broadcast_in_dim3A_284 = vector.broadcast %broadcast_in_dim3A_283 : i32 to vector<16xi32>
      tpu.vector_store_idx %arg11[%add3A_182, %broadcast_in_dim3A_284], %broadcast_in_dim3A_5 : memref<80x64xf32, #tpu.memory_space<vmem>>[vector<16xi32>, vector<16xi32>], vector<16xf32>,
      %broadcast_in_dim3A_285 = arith.constant 51 : i32
      %broadcast_in_dim3A_286 = vector.broadcast %broadcast_in_dim3A_285 : i32 to vector<16xi32>
      tpu.vector_store_idx %arg11[%add3A_182, %broadcast_in_dim3A_286], %broadcast_in_dim3A_5 : memref<80x64xf32, #tpu.memory_space<vmem>>[vector<16xi32>, vector<16xi32>], vector<16xf32>,
      %broadcast_in_dim3A_287 = arith.constant 52 : i32
      %broadcast_in_dim3A_288 = vector.broadcast %broadcast_in_dim3A_287 : i32 to vector<16xi32>
      tpu.vector_store_idx %arg11[%add3A_182, %broadcast_in_dim3A_288], %broadcast_in_dim3A_5 : memref<80x64xf32, #tpu.memory_space<vmem>>[vector<16xi32>, vector<16xi32>], vector<16xf32>,
      %broadcast_in_dim3A_289 = arith.constant 53 : i32
      %broadcast_in_dim3A_290 = vector.broadcast %broadcast_in_dim3A_289 : i32 to vector<16xi32>
      tpu.vector_store_idx %arg11[%add3A_182, %broadcast_in_dim3A_290], %broadcast_in_dim3A_5 : memref<80x64xf32, #tpu.memory_space<vmem>>[vector<16xi32>, vector<16xi32>], vector<16xf32>,
      %broadcast_in_dim3A_291 = arith.constant 54 : i32
      %broadcast_in_dim3A_292 = vector.broadcast %broadcast_in_dim3A_291 : i32 to vector<16xi32>
      tpu.vector_store_idx %arg11[%add3A_182, %broadcast_in_dim3A_292], %broadcast_in_dim3A_5 : memref<80x64xf32, #tpu.memory_space<vmem>>[vector<16xi32>, vector<16xi32>], vector<16xf32>,
      %broadcast_in_dim3A_293 = arith.constant 55 : i32
      %broadcast_in_dim3A_294 = vector.broadcast %broadcast_in_dim3A_293 : i32 to vector<16xi32>
      tpu.vector_store_idx %arg11[%add3A_182, %broadcast_in_dim3A_294], %broadcast_in_dim3A_5 : memref<80x64xf32, #tpu.memory_space<vmem>>[vector<16xi32>, vector<16xi32>], vector<16xf32>,
      %broadcast_in_dim3A_295 = arith.constant 56 : i32
      %broadcast_in_dim3A_296 = vector.broadcast %broadcast_in_dim3A_295 : i32 to vector<16xi32>
      tpu.vector_store_idx %arg11[%add3A_182, %broadcast_in_dim3A_296], %broadcast_in_dim3A_5 : memref<80x64xf32, #tpu.memory_space<vmem>>[vector<16xi32>, vector<16xi32>], vector<16xf32>,
      %broadcast_in_dim3A_297 = arith.constant 57 : i32
      %broadcast_in_dim3A_298 = vector.broadcast %broadcast_in_dim3A_297 : i32 to vector<16xi32>
      tpu.vector_store_idx %arg11[%add3A_182, %broadcast_in_dim3A_298], %broadcast_in_dim3A_5 : memref<80x64xf32, #tpu.memory_space<vmem>>[vector<16xi32>, vector<16xi32>], vector<16xf32>,
      %broadcast_in_dim3A_299 = arith.constant 58 : i32
      %broadcast_in_dim3A_300 = vector.broadcast %broadcast_in_dim3A_299 : i32 to vector<16xi32>
      tpu.vector_store_idx %arg11[%add3A_182, %broadcast_in_dim3A_300], %broadcast_in_dim3A_5 : memref<80x64xf32, #tpu.memory_space<vmem>>[vector<16xi32>, vector<16xi32>], vector<16xf32>,
      %broadcast_in_dim3A_301 = arith.constant 59 : i32
      %broadcast_in_dim3A_302 = vector.broadcast %broadcast_in_dim3A_301 : i32 to vector<16xi32>
      tpu.vector_store_idx %arg11[%add3A_182, %broadcast_in_dim3A_302], %broadcast_in_dim3A_5 : memref<80x64xf32, #tpu.memory_space<vmem>>[vector<16xi32>, vector<16xi32>], vector<16xf32>,
      %broadcast_in_dim3A_303 = arith.constant 60 : i32
      %broadcast_in_dim3A_304 = vector.broadcast %broadcast_in_dim3A_303 : i32 to vector<16xi32>
      tpu.vector_store_idx %arg11[%add3A_182, %broadcast_in_dim3A_304], %broadcast_in_dim3A_5 : memref<80x64xf32, #tpu.memory_space<vmem>>[vector<16xi32>, vector<16xi32>], vector<16xf32>,
      %broadcast_in_dim3A_305 = arith.constant 61 : i32
      %broadcast_in_dim3A_306 = vector.broadcast %broadcast_in_dim3A_305 : i32 to vector<16xi32>
      tpu.vector_store_idx %arg11[%add3A_182, %broadcast_in_dim3A_306], %broadcast_in_dim3A_5 : memref<80x64xf32, #tpu.memory_space<vmem>>[vector<16xi32>, vector<16xi32>], vector<16xf32>,
      %broadcast_in_dim3A_307 = arith.constant 62 : i32
      %broadcast_in_dim3A_308 = vector.broadcast %broadcast_in_dim3A_307 : i32 to vector<16xi32>
      tpu.vector_store_idx %arg11[%add3A_182, %broadcast_in_dim3A_308], %broadcast_in_dim3A_5 : memref<80x64xf32, #tpu.memory_space<vmem>>[vector<16xi32>, vector<16xi32>], vector<16xf32>,
      %broadcast_in_dim3A_309 = arith.constant 63 : i32
      %broadcast_in_dim3A_310 = vector.broadcast %broadcast_in_dim3A_309 : i32 to vector<16xi32>
      tpu.vector_store_idx %arg11[%add3A_182, %broadcast_in_dim3A_310], %broadcast_in_dim3A_5 : memref<80x64xf32, #tpu.memory_space<vmem>>[vector<16xi32>, vector<16xi32>], vector<16xf32>,
      %broadcast_in_dim3A_311 = arith.constant 64 : i32
      %broadcast_in_dim3A_312 = vector.broadcast %broadcast_in_dim3A_311 : i32 to vector<16xi32>
      tpu.vector_store_idx %arg11[%add3A_182, %broadcast_in_dim3A_312], %broadcast_in_dim3A_5 : memref<80x64xf32, #tpu.memory_space<vmem>>[vector<16xi32>, vector<16xi32>], vector<16xf32>,
      %broadcast_in_dim3A_313 = arith.constant 65 : i32
      %broadcast_in_dim3A_314 = vector.broadcast %broadcast_in_dim3A_313 : i32 to vector<16xi32>
      tpu.vector_store_idx %arg11[%add3A_182, %broadcast_in_dim3A_314], %broadcast_in_dim3A_5 : memref<80x64xf32, #tpu.memory_space<vmem>>[vector<16xi32>, vector<16xi32>], vector<16xf32>,
      %broadcast_in_dim3A_315 = arith.constant 66 : i32
      %broadcast_in_dim3A_316 = vector.broadcast %broadcast_in_dim3A_315 : i32 to vector<16xi32>
      tpu.vector_store_idx %arg11[%add3A_182, %broadcast_in_dim3A_316], %broadcast_in_dim3A_5 : memref<80x64xf32, #tpu.memory_space<vmem>>[vector<16xi32>, vector<16xi32>], vector<16xf32>,
      %broadcast_in_dim3A_317 = arith.constant 67 : i32
      %broadcast_in_dim3A_318 = vector.broadcast %broadcast_in_dim3A_317 : i32 to vector<16xi32>
      tpu.vector_store_idx %arg11[%add3A_182, %broadcast_in_dim3A_318], %broadcast_in_dim3A_5 : memref<80x64xf32, #tpu.memory_space<vmem>>[vector<16xi32>, vector<16xi32>], vector<16xf32>,
      %broadcast_in_dim3A_319 = arith.constant 68 : i32
      %broadcast_in_dim3A_320 = vector.broadcast %broadcast_in_dim3A_319 : i32 to vector<16xi32>
      tpu.vector_store_idx %arg11[%add3A_182, %broadcast_in_dim3A_320], %broadcast_in_dim3A_5 : memref<80x64xf32, #tpu.memory_space<vmem>>[vector<16xi32>, vector<16xi32>], vector<16xf32>,
      %broadcast_in_dim3A_321 = arith.constant 69 : i32
      %broadcast_in_dim3A_322 = vector.broadcast %broadcast_in_dim3A_321 : i32 to vector<16xi32>
      tpu.vector_store_idx %arg11[%add3A_182, %broadcast_in_dim3A_322], %broadcast_in_dim3A_5 : memref<80x64xf32, #tpu.memory_space<vmem>>[vector<16xi32>, vector<16xi32>], vector<16xf32>,
      %broadcast_in_dim3A_323 = arith.constant 70 : i32
      %broadcast_in_dim3A_324 = vector.broadcast %broadcast_in_dim3A_323 : i32 to vector<16xi32>
      tpu.vector_store_idx %arg11[%add3A_182, %broadcast_in_dim3A_324], %broadcast_in_dim3A_5 : memref<80x64xf32, #tpu.memory_space<vmem>>[vector<16xi32>, vector<16xi32>], vector<16xf32>,
      %broadcast_in_dim3A_325 = arith.constant 71 : i32
      %broadcast_in_dim3A_326 = vector.broadcast %broadcast_in_dim3A_325 : i32 to vector<16xi32>
      tpu.vector_store_idx %arg11[%add3A_182, %broadcast_in_dim3A_326], %broadcast_in_dim3A_5 : memref<80x64xf32, #tpu.memory_space<vmem>>[vector<16xi32>, vector<16xi32>], vector<16xf32>,
      %broadcast_in_dim3A_327 = arith.constant 72 : i32
      %broadcast_in_dim3A_328 = vector.broadcast %broadcast_in_dim3A_327 : i32 to vector<16xi32>
      tpu.vector_store_idx %arg11[%add3A_182, %broadcast_in_dim3A_328], %broadcast_in_dim3A_5 : memref<80x64xf32, #tpu.memory_space<vmem>>[vector<16xi32>, vector<16xi32>], vector<16xf32>,
      %broadcast_in_dim3A_329 = arith.constant 73 : i32
      %broadcast_in_dim3A_330 = vector.broadcast %broadcast_in_dim3A_329 : i32 to vector<16xi32>
      tpu.vector_store_idx %arg11[%add3A_182, %broadcast_in_dim3A_330], %broadcast_in_dim3A_5 : memref<80x64xf32, #tpu.memory_space<vmem>>[vector<16xi32>, vector<16xi32>], vector<16xf32>,
      %broadcast_in_dim3A_331 = arith.constant 74 : i32
      %broadcast_in_dim3A_332 = vector.broadcast %broadcast_in_dim3A_331 : i32 to vector<16xi32>
      tpu.vector_store_idx %arg11[%add3A_182, %broadcast_in_dim3A_332], %broadcast_in_dim3A_5 : memref<80x64xf32, #tpu.memory_space<vmem>>[vector<16xi32>, vector<16xi32>], vector<16xf32>,
      %broadcast_in_dim3A_333 = arith.constant 75 : i32
      %broadcast_in_dim3A_334 = vector.broadcast %broadcast_in_dim3A_333 : i32 to vector<16xi32>
      tpu.vector_store_idx %arg11[%add3A_182, %broadcast_in_dim3A_334], %broadcast_in_dim3A_5 : memref<80x64xf32, #tpu.memory_space<vmem>>[vector<16xi32>, vector<16xi32>], vector<16xf32>,
      %broadcast_in_dim3A_335 = arith.constant 76 : i32
      %broadcast_in_dim3A_336 = vector.broadcast %broadcast_in_dim3A_335 : i32 to vector<16xi32>
      tpu.vector_store_idx %arg11[%add3A_182, %broadcast_in_dim3A_336], %broadcast_in_dim3A_5 : memref<80x64xf32, #tpu.memory_space<vmem>>[vector<16xi32>, vector<16xi32>], vector<16xf32>,
      %broadcast_in_dim3A_337 = arith.constant 77 : i32
      %broadcast_in_dim3A_338 = vector.broadcast %broadcast_in_dim3A_337 : i32 to vector<16xi32>
      tpu.vector_store_idx %arg11[%add3A_182, %broadcast_in_dim3A_338], %broadcast_in_dim3A_5 : memref<80x64xf32, #tpu.memory_space<vmem>>[vector<16xi32>, vector<16xi32>], vector<16xf32>,
      %broadcast_in_dim3A_339 = arith.constant 78 : i32
      %broadcast_in_dim3A_340 = vector.broadcast %broadcast_in_dim3A_339 : i32 to vector<16xi32>
      tpu.vector_store_idx %arg11[%add3A_182, %broadcast_in_dim3A_340], %broadcast_in_dim3A_5 : memref<80x64xf32, #tpu.memory_space<vmem>>[vector<16xi32>, vector<16xi32>], vector<16xf32>,
      %broadcast_in_dim3A_341 = arith.constant 79 : i32
      %broadcast_in_dim3A_342 = vector.broadcast %broadcast_in_dim3A_341 : i32 to vector<16xi32>
      tpu.vector_store_idx %arg11[%add3A_182, %broadcast_in_dim3A_342], %broadcast_in_dim3A_5 : memref<80x64xf32, #tpu.memory_space<vmem>>[vector<16xi32>, vector<16xi32>], vector<16xf32>,
      %broadcast_in_dim3A_343 = arith.constant 80 : i32
      %broadcast_in_dim3A_344 = vector.broadcast %broadcast_in_dim3A_343 : i32 to vector<16xi32>
      tpu.vector_store_idx %arg11[%add3A_182, %broadcast_in_dim3A_344], %broadcast_in_dim3A_5 : memref<80x64xf32, #tpu.memory_space<vmem>>[vector<16xi32>, vector<16xi32>], vector<16xf32>,
      %broadcast_in_dim3A_345 = arith.constant 81 : i32
      %broadcast_in_dim3A_346 = vector.broadcast %broadcast_in_dim3A_345 : i32 to vector<16xi32>
      tpu.vector_store_idx %arg11[%add3A_182, %broadcast_in_dim3A_346], %broadcast_in_dim3A_5 : memref<80x64xf32, #tpu.memory_space<vmem>>[vector<16xi32>, vector<16xi32>], vector<16xf32>,
      %broadcast_in_dim3A_347 = arith.constant 82 : i32
      %broadcast_in_dim3A_348 = vector.broadcast %broadcast_in_dim3A_347 : i32 to vector<16xi32>
      tpu.vector_store_idx %arg11[%add3A_182, %broadcast_in_dim3A_348], %broadcast_in_dim3A_5 : memref<80x64xf32, #tpu.memory_space<vmem>>[vector<16xi32>, vector<16xi32>], vector<16xf32>,
      %broadcast_in_dim3A_349 = arith.constant 83 : i32
      %broadcast_in_dim3A_350 = vector.broadcast %broadcast_in_dim3A_349 : i32 to vector<16xi32>
      tpu.vector_store_idx %arg11[%add3A_182, %broadcast_in_dim3A_350], %broadcast_in_dim3A_5 : memref<80x64xf32, #tpu.memory_space<vmem>>[vector<16xi32>, vector<16xi32>], vector<16xf32>,
      %broadcast_in_dim3A_351 = arith.constant 84 : i32
      %broadcast_in_dim3A_352 = vector.broadcast %broadcast_in_dim3A_351 : i32 to vector<16xi32>
      tpu.vector_store_idx %arg11[%add3A_182, %broadcast_in_dim3A_352], %broadcast_in_dim3A_5 : memref<80x64xf32, #tpu.memory_space<vmem>>[vector<16xi32>, vector<16xi32>], vector<16xf32>,
      %broadcast_in_dim3A_353 = arith.constant 85 : i32
      %broadcast_in_dim3A_354 = vector.broadcast %broadcast_in_dim3A_353 : i32 to vector<16xi32>
      tpu.vector_store_idx %arg11[%add3A_182, %broadcast_in_dim3A_354], %broadcast_in_dim3A_5 : memref<80x64xf32, #tpu.memory_space<vmem>>[vector<16xi32>, vector<16xi32>], vector<16xf32>,
      %broadcast_in_dim3A_355 = arith.constant 86 : i32
      %broadcast_in_dim3A_356 = vector.broadcast %broadcast_in_dim3A_355 : i32 to vector<16xi32>
      tpu.vector_store_idx %arg11[%add3A_182, %broadcast_in_dim3A_356], %broadcast_in_dim3A_5 : memref<80x64xf32, #tpu.memory_space<vmem>>[vector<16xi32>, vector<16xi32>], vector<16xf32>,
      %broadcast_in_dim3A_357 = arith.constant 87 : i32
      %broadcast_in_dim3A_358 = vector.broadcast %broadcast_in_dim3A_357 : i32 to vector<16xi32>
      tpu.vector_store_idx %arg11[%add3A_182, %broadcast_in_dim3A_358], %broadcast_in_dim3A_5 : memref<80x64xf32, #tpu.memory_space<vmem>>[vector<16xi32>, vector<16xi32>], vector<16xf32>,
      %broadcast_in_dim3A_359 = arith.constant 88 : i32
      %broadcast_in_dim3A_360 = vector.broadcast %broadcast_in_dim3A_359 : i32 to vector<16xi32>
      tpu.vector_store_idx %arg11[%add3A_182, %broadcast_in_dim3A_360], %broadcast_in_dim3A_5 : memref<80x64xf32, #tpu.memory_space<vmem>>[vector<16xi32>, vector<16xi32>], vector<16xf32>,
      %broadcast_in_dim3A_361 = arith.constant 89 : i32
      %broadcast_in_dim3A_362 = vector.broadcast %broadcast_in_dim3A_361 : i32 to vector<16xi32>
      tpu.vector_store_idx %arg11[%add3A_182, %broadcast_in_dim3A_362], %broadcast_in_dim3A_5 : memref<80x64xf32, #tpu.memory_space<vmem>>[vector<16xi32>, vector<16xi32>], vector<16xf32>,
      %broadcast_in_dim3A_363 = arith.constant 90 : i32
      %broadcast_in_dim3A_364 = vector.broadcast %broadcast_in_dim3A_363 : i32 to vector<16xi32>
      tpu.vector_store_idx %arg11[%add3A_182, %broadcast_in_dim3A_364], %broadcast_in_dim3A_5 : memref<80x64xf32, #tpu.memory_space<vmem>>[vector<16xi32>, vector<16xi32>], vector<16xf32>,
      %broadcast_in_dim3A_365 = arith.constant 91 : i32
      %broadcast_in_dim3A_366 = vector.broadcast %broadcast_in_dim3A_365 : i32 to vector<16xi32>
      tpu.vector_store_idx %arg11[%add3A_182, %broadcast_in_dim3A_366], %broadcast_in_dim3A_5 : memref<80x64xf32, #tpu.memory_space<vmem>>[vector<16xi32>, vector<16xi32>], vector<16xf32>,
      %broadcast_in_dim3A_367 = arith.constant 92 : i32
      %broadcast_in_dim3A_368 = vector.broadcast %broadcast_in_dim3A_367 : i32 to vector<16xi32>
      tpu.vector_store_idx %arg11[%add3A_182, %broadcast_in_dim3A_368], %broadcast_in_dim3A_5 : memref<80x64xf32, #tpu.memory_space<vmem>>[vector<16xi32>, vector<16xi32>], vector<16xf32>,
      %broadcast_in_dim3A_369 = arith.constant 93 : i32
      %broadcast_in_dim3A_370 = vector.broadcast %broadcast_in_dim3A_369 : i32 to vector<16xi32>
      tpu.vector_store_idx %arg11[%add3A_182, %broadcast_in_dim3A_370], %broadcast_in_dim3A_5 : memref<80x64xf32, #tpu.memory_space<vmem>>[vector<16xi32>, vector<16xi32>], vector<16xf32>,
      %broadcast_in_dim3A_371 = arith.constant 94 : i32
      %broadcast_in_dim3A_372 = vector.broadcast %broadcast_in_dim3A_371 : i32 to vector<16xi32>
      tpu.vector_store_idx %arg11[%add3A_182, %broadcast_in_dim3A_372], %broadcast_in_dim3A_5 : memref<80x64xf32, #tpu.memory_space<vmem>>[vector<16xi32>, vector<16xi32>], vector<16xf32>,
      %broadcast_in_dim3A_373 = arith.constant 95 : i32
      %broadcast_in_dim3A_374 = vector.broadcast %broadcast_in_dim3A_373 : i32 to vector<16xi32>
      tpu.vector_store_idx %arg11[%add3A_182, %broadcast_in_dim3A_374], %broadcast_in_dim3A_5 : memref<80x64xf32, #tpu.memory_space<vmem>>[vector<16xi32>, vector<16xi32>], vector<16xf32>,
      %broadcast_in_dim3A_375 = arith.constant 96 : i32
      %broadcast_in_dim3A_376 = vector.broadcast %broadcast_in_dim3A_375 : i32 to vector<16xi32>
      tpu.vector_store_idx %arg11[%add3A_182, %broadcast_in_dim3A_376], %broadcast_in_dim3A_5 : memref<80x64xf32, #tpu.memory_space<vmem>>[vector<16xi32>, vector<16xi32>], vector<16xf32>,
      %broadcast_in_dim3A_377 = arith.constant 97 : i32
      %broadcast_in_dim3A_378 = vector.broadcast %broadcast_in_dim3A_377 : i32 to vector<16xi32>
      tpu.vector_store_idx %arg11[%add3A_182, %broadcast_in_dim3A_378], %broadcast_in_dim3A_5 : memref<80x64xf32, #tpu.memory_space<vmem>>[vector<16xi32>, vector<16xi32>], vector<16xf32>,
      %broadcast_in_dim3A_379 = arith.constant 98 : i32
      %broadcast_in_dim3A_380 = vector.broadcast %broadcast_in_dim3A_379 : i32 to vector<16xi32>
      tpu.vector_store_idx %arg11[%add3A_182, %broadcast_in_dim3A_380], %broadcast_in_dim3A_5 : memref<80x64xf32, #tpu.memory_space<vmem>>[vector<16xi32>, vector<16xi32>], vector<16xf32>,
      %broadcast_in_dim3A_381 = arith.constant 99 : i32
      %broadcast_in_dim3A_382 = vector.broadcast %broadcast_in_dim3A_381 : i32 to vector<16xi32>
      tpu.vector_store_idx %arg11[%add3A_182, %broadcast_in_dim3A_382], %broadcast_in_dim3A_5 : memref<80x64xf32, #tpu.memory_space<vmem>>[vector<16xi32>, vector<16xi32>], vector<16xf32>,
      %broadcast_in_dim3A_383 = arith.constant 100 : i32
      %broadcast_in_dim3A_384 = vector.broadcast %broadcast_in_dim3A_383 : i32 to vector<16xi32>
      tpu.vector_store_idx %arg11[%add3A_182, %broadcast_in_dim3A_384], %broadcast_in_dim3A_5 : memref<80x64xf32, #tpu.memory_space<vmem>>[vector<16xi32>, vector<16xi32>], vector<16xf32>,
      %broadcast_in_dim3A_385 = arith.constant 101 : i32
      %broadcast_in_dim3A_386 = vector.broadcast %broadcast_in_dim3A_385 : i32 to vector<16xi32>
      tpu.vector_store_idx %arg11[%add3A_182, %broadcast_in_dim3A_386], %broadcast_in_dim3A_5 : memref<80x64xf32, #tpu.memory_space<vmem>>[vector<16xi32>, vector<16xi32>], vector<16xf32>,
      %broadcast_in_dim3A_387 = arith.constant 102 : i32
      %broadcast_in_dim3A_388 = vector.broadcast %broadcast_in_dim3A_387 : i32 to vector<16xi32>
      tpu.vector_store_idx %arg11[%add3A_182, %broadcast_in_dim3A_388], %broadcast_in_dim3A_5 : memref<80x64xf32, #tpu.memory_space<vmem>>[vector<16xi32>, vector<16xi32>], vector<16xf32>,
      %broadcast_in_dim3A_389 = arith.constant 103 : i32
      %broadcast_in_dim3A_390 = vector.broadcast %broadcast_in_dim3A_389 : i32 to vector<16xi32>
      tpu.vector_store_idx %arg11[%add3A_182, %broadcast_in_dim3A_390], %broadcast_in_dim3A_5 : memref<80x64xf32, #tpu.memory_space<vmem>>[vector<16xi32>, vector<16xi32>], vector<16xf32>,
      %broadcast_in_dim3A_391 = arith.constant 104 : i32
      %broadcast_in_dim3A_392 = vector.broadcast %broadcast_in_dim3A_391 : i32 to vector<16xi32>
      tpu.vector_store_idx %arg11[%add3A_182, %broadcast_in_dim3A_392], %broadcast_in_dim3A_5 : memref<80x64xf32, #tpu.memory_space<vmem>>[vector<16xi32>, vector<16xi32>], vector<16xf32>,
      %broadcast_in_dim3A_393 = arith.constant 105 : i32
      %broadcast_in_dim3A_394 = vector.broadcast %broadcast_in_dim3A_393 : i32 to vector<16xi32>
      tpu.vector_store_idx %arg11[%add3A_182, %broadcast_in_dim3A_394], %broadcast_in_dim3A_5 : memref<80x64xf32, #tpu.memory_space<vmem>>[vector<16xi32>, vector<16xi32>], vector<16xf32>,
      %broadcast_in_dim3A_395 = arith.constant 106 : i32
      %broadcast_in_dim3A_396 = vector.broadcast %broadcast_in_dim3A_395 : i32 to vector<16xi32>
      tpu.vector_store_idx %arg11[%add3A_182, %broadcast_in_dim3A_396], %broadcast_in_dim3A_5 : memref<80x64xf32, #tpu.memory_space<vmem>>[vector<16xi32>, vector<16xi32>], vector<16xf32>,
      %broadcast_in_dim3A_397 = arith.constant 107 : i32
      %broadcast_in_dim3A_398 = vector.broadcast %broadcast_in_dim3A_397 : i32 to vector<16xi32>
      tpu.vector_store_idx %arg11[%add3A_182, %broadcast_in_dim3A_398], %broadcast_in_dim3A_5 : memref<80x64xf32, #tpu.memory_space<vmem>>[vector<16xi32>, vector<16xi32>], vector<16xf32>,
      %broadcast_in_dim3A_399 = arith.constant 108 : i32
      %broadcast_in_dim3A_400 = vector.broadcast %broadcast_in_dim3A_399 : i32 to vector<16xi32>
      tpu.vector_store_idx %arg11[%add3A_182, %broadcast_in_dim3A_400], %broadcast_in_dim3A_5 : memref<80x64xf32, #tpu.memory_space<vmem>>[vector<16xi32>, vector<16xi32>], vector<16xf32>,
      %broadcast_in_dim3A_401 = arith.constant 109 : i32
      %broadcast_in_dim3A_402 = vector.broadcast %broadcast_in_dim3A_401 : i32 to vector<16xi32>
      tpu.vector_store_idx %arg11[%add3A_182, %broadcast_in_dim3A_402], %broadcast_in_dim3A_5 : memref<80x64xf32, #tpu.memory_space<vmem>>[vector<16xi32>, vector<16xi32>], vector<16xf32>,
      %broadcast_in_dim3A_403 = arith.constant 110 : i32
      %broadcast_in_dim3A_404 = vector.broadcast %broadcast_in_dim3A_403 : i32 to vector<16xi32>
      tpu.vector_store_idx %arg11[%add3A_182, %broadcast_in_dim3A_404], %broadcast_in_dim3A_5 : memref<80x64xf32, #tpu.memory_space<vmem>>[vector<16xi32>, vector<16xi32>], vector<16xf32>,
      %broadcast_in_dim3A_405 = arith.constant 111 : i32
      %broadcast_in_dim3A_406 = vector.broadcast %broadcast_in_dim3A_405 : i32 to vector<16xi32>
      tpu.vector_store_idx %arg11[%add3A_182, %broadcast_in_dim3A_406], %broadcast_in_dim3A_5 : memref<80x64xf32, #tpu.memory_space<vmem>>[vector<16xi32>, vector<16xi32>], vector<16xf32>,
      %broadcast_in_dim3A_407 = arith.constant 112 : i32
      %broadcast_in_dim3A_408 = vector.broadcast %broadcast_in_dim3A_407 : i32 to vector<16xi32>
      tpu.vector_store_idx %arg11[%add3A_182, %broadcast_in_dim3A_408], %broadcast_in_dim3A_5 : memref<80x64xf32, #tpu.memory_space<vmem>>[vector<16xi32>, vector<16xi32>], vector<16xf32>,
      %broadcast_in_dim3A_409 = arith.constant 113 : i32
      %broadcast_in_dim3A_410 = vector.broadcast %broadcast_in_dim3A_409 : i32 to vector<16xi32>
      tpu.vector_store_idx %arg11[%add3A_182, %broadcast_in_dim3A_410], %broadcast_in_dim3A_5 : memref<80x64xf32, #tpu.memory_space<vmem>>[vector<16xi32>, vector<16xi32>], vector<16xf32>,
      %broadcast_in_dim3A_411 = arith.constant 114 : i32
      %broadcast_in_dim3A_412 = vector.broadcast %broadcast_in_dim3A_411 : i32 to vector<16xi32>
      tpu.vector_store_idx %arg11[%add3A_182, %broadcast_in_dim3A_412], %broadcast_in_dim3A_5 : memref<80x64xf32, #tpu.memory_space<vmem>>[vector<16xi32>, vector<16xi32>], vector<16xf32>,
      %broadcast_in_dim3A_413 = arith.constant 115 : i32
      %broadcast_in_dim3A_414 = vector.broadcast %broadcast_in_dim3A_413 : i32 to vector<16xi32>
      tpu.vector_store_idx %arg11[%add3A_182, %broadcast_in_dim3A_414], %broadcast_in_dim3A_5 : memref<80x64xf32, #tpu.memory_space<vmem>>[vector<16xi32>, vector<16xi32>], vector<16xf32>,
      %broadcast_in_dim3A_415 = arith.constant 116 : i32
      %broadcast_in_dim3A_416 = vector.broadcast %broadcast_in_dim3A_415 : i32 to vector<16xi32>
      tpu.vector_store_idx %arg11[%add3A_182, %broadcast_in_dim3A_416], %broadcast_in_dim3A_5 : memref<80x64xf32, #tpu.memory_space<vmem>>[vector<16xi32>, vector<16xi32>], vector<16xf32>,
      %broadcast_in_dim3A_417 = arith.constant 117 : i32
      %broadcast_in_dim3A_418 = vector.broadcast %broadcast_in_dim3A_417 : i32 to vector<16xi32>
      tpu.vector_store_idx %arg11[%add3A_182, %broadcast_in_dim3A_418], %broadcast_in_dim3A_5 : memref<80x64xf32, #tpu.memory_space<vmem>>[vector<16xi32>, vector<16xi32>], vector<16xf32>,
      %broadcast_in_dim3A_419 = arith.constant 118 : i32
      %broadcast_in_dim3A_420 = vector.broadcast %broadcast_in_dim3A_419 : i32 to vector<16xi32>
      tpu.vector_store_idx %arg11[%add3A_182, %broadcast_in_dim3A_420], %broadcast_in_dim3A_5 : memref<80x64xf32, #tpu.memory_space<vmem>>[vector<16xi32>, vector<16xi32>], vector<16xf32>,
      %broadcast_in_dim3A_421 = arith.constant 119 : i32
      %broadcast_in_dim3A_422 = vector.broadcast %broadcast_in_dim3A_421 : i32 to vector<16xi32>
      tpu.vector_store_idx %arg11[%add3A_182, %broadcast_in_dim3A_422], %broadcast_in_dim3A_5 : memref<80x64xf32, #tpu.memory_space<vmem>>[vector<16xi32>, vector<16xi32>], vector<16xf32>,
      %broadcast_in_dim3A_423 = arith.constant 120 : i32
      %broadcast_in_dim3A_424 = vector.broadcast %broadcast_in_dim3A_423 : i32 to vector<16xi32>
      tpu.vector_store_idx %arg11[%add3A_182, %broadcast_in_dim3A_424], %broadcast_in_dim3A_5 : memref<80x64xf32, #tpu.memory_space<vmem>>[vector<16xi32>, vector<16xi32>], vector<16xf32>,
      %broadcast_in_dim3A_425 = arith.constant 121 : i32
      %broadcast_in_dim3A_426 = vector.broadcast %broadcast_in_dim3A_425 : i32 to vector<16xi32>
      tpu.vector_store_idx %arg11[%add3A_182, %broadcast_in_dim3A_426], %broadcast_in_dim3A_5 : memref<80x64xf32, #tpu.memory_space<vmem>>[vector<16xi32>, vector<16xi32>], vector<16xf32>,
      %broadcast_in_dim3A_427 = arith.constant 122 : i32
      %broadcast_in_dim3A_428 = vector.broadcast %broadcast_in_dim3A_427 : i32 to vector<16xi32>
      tpu.vector_store_idx %arg11[%add3A_182, %broadcast_in_dim3A_428], %broadcast_in_dim3A_5 : memref<80x64xf32, #tpu.memory_space<vmem>>[vector<16xi32>, vector<16xi32>], vector<16xf32>,
      %broadcast_in_dim3A_429 = arith.constant 123 : i32
      %broadcast_in_dim3A_430 = vector.broadcast %broadcast_in_dim3A_429 : i32 to vector<16xi32>
      tpu.vector_store_idx %arg11[%add3A_182, %broadcast_in_dim3A_430], %broadcast_in_dim3A_5 : memref<80x64xf32, #tpu.memory_space<vmem>>[vector<16xi32>, vector<16xi32>], vector<16xf32>,
      %broadcast_in_dim3A_431 = arith.constant 124 : i32
      %broadcast_in_dim3A_432 = vector.broadcast %broadcast_in_dim3A_431 : i32 to vector<16xi32>
      tpu.vector_store_idx %arg11[%add3A_182, %broadcast_in_dim3A_432], %broadcast_in_dim3A_5 : memref<80x64xf32, #tpu.memory_space<vmem>>[vector<16xi32>, vector<16xi32>], vector<16xf32>,
      %broadcast_in_dim3A_433 = arith.constant 125 : i32
      %broadcast_in_dim3A_434 = vector.broadcast %broadcast_in_dim3A_433 : i32 to vector<16xi32>
      tpu.vector_store_idx %arg11[%add3A_182, %broadcast_in_dim3A_434], %broadcast_in_dim3A_5 : memref<80x64xf32, #tpu.memory_space<vmem>>[vector<16xi32>, vector<16xi32>], vector<16xf32>,
      %broadcast_in_dim3A_435 = arith.constant 126 : i32
      %broadcast_in_dim3A_436 = vector.broadcast %broadcast_in_dim3A_435 : i32 to vector<16xi32>
      tpu.vector_store_idx %arg11[%add3A_182, %broadcast_in_dim3A_436], %broadcast_in_dim3A_5 : memref<80x64xf32, #tpu.memory_space<vmem>>[vector<16xi32>, vector<16xi32>], vector<16xf32>,
      %broadcast_in_dim3A_437 = arith.constant 127 : i32
      %broadcast_in_dim3A_438 = vector.broadcast %broadcast_in_dim3A_437 : i32 to vector<16xi32>
      tpu.vector_store_idx %arg11[%add3A_182, %broadcast_in_dim3A_438], %broadcast_in_dim3A_5 : memref<80x64xf32, #tpu.memory_space<vmem>>[vector<16xi32>, vector<16xi32>], vector<16xf32>,
      %broadcast_in_dim3A_439 = arith.constant 0 : i32
      %broadcast_in_dim3A_440 = vector.broadcast %broadcast_in_dim3A_439 : i32 to vector<16xi32>
      tpu.vector_store_idx %arg12[%add3A_182, %broadcast_in_dim3A_440], %broadcast_in_dim3A_5 : memref<80x16xf32, #tpu.memory_space<vmem>>[vector<16xi32>, vector<16xi32>], vector<16xf32>,
      %broadcast_in_dim3A_441 = arith.constant 1 : i32
      %broadcast_in_dim3A_442 = vector.broadcast %broadcast_in_dim3A_441 : i32 to vector<16xi32>
      tpu.vector_store_idx %arg12[%add3A_182, %broadcast_in_dim3A_442], %broadcast_in_dim3A_5 : memref<80x16xf32, #tpu.memory_space<vmem>>[vector<16xi32>, vector<16xi32>], vector<16xf32>,
      %broadcast_in_dim3A_443 = arith.constant 2 : i32
      %broadcast_in_dim3A_444 = vector.broadcast %broadcast_in_dim3A_443 : i32 to vector<16xi32>
      tpu.vector_store_idx %arg12[%add3A_182, %broadcast_in_dim3A_444], %broadcast_in_dim3A_5 : memref<80x16xf32, #tpu.memory_space<vmem>>[vector<16xi32>, vector<16xi32>], vector<16xf32>,
      %broadcast_in_dim3A_445 = arith.constant 3 : i32
      %broadcast_in_dim3A_446 = vector.broadcast %broadcast_in_dim3A_445 : i32 to vector<16xi32>
      tpu.vector_store_idx %arg12[%add3A_182, %broadcast_in_dim3A_446], %broadcast_in_dim3A_5 : memref<80x16xf32, #tpu.memory_space<vmem>>[vector<16xi32>, vector<16xi32>], vector<16xf32>,
      %broadcast_in_dim3A_447 = arith.constant 4 : i32
      %broadcast_in_dim3A_448 = vector.broadcast %broadcast_in_dim3A_447 : i32 to vector<16xi32>
      tpu.vector_store_idx %arg12[%add3A_182, %broadcast_in_dim3A_448], %broadcast_in_dim3A_5 : memref<80x16xf32, #tpu.memory_space<vmem>>[vector<16xi32>, vector<16xi32>], vector<16xf32>,
      %broadcast_in_dim3A_449 = arith.constant 5 : i32
      %broadcast_in_dim3A_450 = vector.broadcast %broadcast_in_dim3A_449 : i32 to vector<16xi32>
      tpu.vector_store_idx %arg12[%add3A_182, %broadcast_in_dim3A_450], %broadcast_in_dim3A_5 : memref<80x16xf32, #tpu.memory_space<vmem>>[vector<16xi32>, vector<16xi32>], vector<16xf32>,
      %broadcast_in_dim3A_451 = arith.constant 6 : i32
      %broadcast_in_dim3A_452 = vector.broadcast %broadcast_in_dim3A_451 : i32 to vector<16xi32>
      tpu.vector_store_idx %arg12[%add3A_182, %broadcast_in_dim3A_452], %broadcast_in_dim3A_5 : memref<80x16xf32, #tpu.memory_space<vmem>>[vector<16xi32>, vector<16xi32>], vector<16xf32>,
      %broadcast_in_dim3A_453 = arith.constant 7 : i32
      %broadcast_in_dim3A_454 = vector.broadcast %broadcast_in_dim3A_453 : i32 to vector<16xi32>
      tpu.vector_store_idx %arg12[%add3A_182, %broadcast_in_dim3A_454], %broadcast_in_dim3A_5 : memref<80x16xf32, #tpu.memory_space<vmem>>[vector<16xi32>, vector<16xi32>], vector<16xf32>,
      %broadcast_in_dim3A_455 = arith.constant 8 : i32
      %broadcast_in_dim3A_456 = vector.broadcast %broadcast_in_dim3A_455 : i32 to vector<16xi32>
      tpu.vector_store_idx %arg12[%add3A_182, %broadcast_in_dim3A_456], %broadcast_in_dim3A_5 : memref<80x16xf32, #tpu.memory_space<vmem>>[vector<16xi32>, vector<16xi32>], vector<16xf32>,
      %broadcast_in_dim3A_457 = arith.constant 9 : i32
      %broadcast_in_dim3A_458 = vector.broadcast %broadcast_in_dim3A_457 : i32 to vector<16xi32>
      tpu.vector_store_idx %arg12[%add3A_182, %broadcast_in_dim3A_458], %broadcast_in_dim3A_5 : memref<80x16xf32, #tpu.memory_space<vmem>>[vector<16xi32>, vector<16xi32>], vector<16xf32>,
      %broadcast_in_dim3A_459 = arith.constant 10 : i32
      %broadcast_in_dim3A_460 = vector.broadcast %broadcast_in_dim3A_459 : i32 to vector<16xi32>
      tpu.vector_store_idx %arg12[%add3A_182, %broadcast_in_dim3A_460], %broadcast_in_dim3A_5 : memref<80x16xf32, #tpu.memory_space<vmem>>[vector<16xi32>, vector<16xi32>], vector<16xf32>,
      %broadcast_in_dim3A_461 = arith.constant 11 : i32
      %broadcast_in_dim3A_462 = vector.broadcast %broadcast_in_dim3A_461 : i32 to vector<16xi32>
      tpu.vector_store_idx %arg12[%add3A_182, %broadcast_in_dim3A_462], %broadcast_in_dim3A_5 : memref<80x16xf32, #tpu.memory_space<vmem>>[vector<16xi32>, vector<16xi32>], vector<16xf32>,
      %broadcast_in_dim3A_463 = arith.constant 12 : i32
      %broadcast_in_dim3A_464 = vector.broadcast %broadcast_in_dim3A_463 : i32 to vector<16xi32>
      tpu.vector_store_idx %arg12[%add3A_182, %broadcast_in_dim3A_464], %broadcast_in_dim3A_5 : memref<80x16xf32, #tpu.memory_space<vmem>>[vector<16xi32>, vector<16xi32>], vector<16xf32>,
      %broadcast_in_dim3A_465 = arith.constant 13 : i32
      %broadcast_in_dim3A_466 = vector.broadcast %broadcast_in_dim3A_465 : i32 to vector<16xi32>
      tpu.vector_store_idx %arg12[%add3A_182, %broadcast_in_dim3A_466], %broadcast_in_dim3A_5 : memref<80x16xf32, #tpu.memory_space<vmem>>[vector<16xi32>, vector<16xi32>], vector<16xf32>,
      %broadcast_in_dim3A_467 = arith.constant 14 : i32
      %broadcast_in_dim3A_468 = vector.broadcast %broadcast_in_dim3A_467 : i32 to vector<16xi32>
      tpu.vector_store_idx %arg12[%add3A_182, %broadcast_in_dim3A_468], %broadcast_in_dim3A_5 : memref<80x16xf32, #tpu.memory_space<vmem>>[vector<16xi32>, vector<16xi32>], vector<16xf32>,
      %broadcast_in_dim3A_469 = arith.constant 15 : i32
      %broadcast_in_dim3A_470 = vector.broadcast %broadcast_in_dim3A_469 : i32 to vector<16xi32>
      tpu.vector_store_idx %arg12[%add3A_182, %broadcast_in_dim3A_470], %broadcast_in_dim3A_5 : memref<80x16xf32, #tpu.memory_space<vmem>>[vector<16xi32>, vector<16xi32>], vector<16xf32>,
    }
    %scan3A_10 = arith.constant 5 : i32
    %mul3A_11 = arith.constant 8 : i32
    %mul3A_12 = arith.muli %arg1, %mul3A_11 : i32
    %add3A = arith.constant 0 : i32
    %add3A_13 = arith.addi %mul3A_12, %add3A : i32
    %mul3A_14 = arith.constant 80 : i32
    %mul3A_15 = arith.muli %add3A_13, %mul3A_14 : i32
    %min3A = arith.constant 9920 : i32
    %min3A_16 = arith.minsi %mul3A_15, %min3A : i32
    "tpu.region"() ({
      %run_scoped3A = tpu.sem_alloc : memref<!tpu.dma_semaphore, #tpu.memory_space<semaphore_mem>>
      %dma_start3A_178 = arith.constant 0 : i32
      %dma_start3A_179 = tpu.memref_slice %arg25[%min3A_16, %dma_start3A_178] : memref<10000x64xf32, #tpu.memory_space<vmem_shared>> -> memref<80x64xf32, #tpu.memory_space<vmem_shared>>
      %dma_start3A_180 = arith.constant 0 : i32
      %dma_start3A_181 = tpu.memref_slice %arg25[%min3A_16, %dma_start3A_180] : memref<10000x64xf32, #tpu.memory_space<vmem_shared>> -> memref<80x64xf32, #tpu.memory_space<vmem_shared>>
      tpu.enqueue_dma source(%arg11 : memref<80x64xf32, #tpu.memory_space<vmem>>) target(%dma_start3A_181 : memref<80x64xf32, #tpu.memory_space<vmem_shared>>) target_semaphore(%run_scoped3A : memref<!tpu.dma_semaphore, #tpu.memory_space<semaphore_mem>>)
      %dma_wait3A_182 = arith.constant 0 : i32
      %dma_wait3A_183 = tpu.memref_slice %arg25[%min3A_16, %dma_wait3A_182] : memref<10000x64xf32, #tpu.memory_space<vmem_shared>> -> memref<80x64xf32, #tpu.memory_space<vmem_shared>>
      %dma_wait3A_184 = arith.constant 0 : i32
      %dma_wait3A_185 = tpu.memref_slice %arg25[%min3A_16, %dma_wait3A_184] : memref<10000x64xf32, #tpu.memory_space<vmem_shared>> -> memref<80x64xf32, #tpu.memory_space<vmem_shared>>
      tpu.wait_dma2 semaphore(%run_scoped3A : memref<!tpu.dma_semaphore, #tpu.memory_space<semaphore_mem>>) src(%arg11 : memref<80x64xf32, #tpu.memory_space<vmem>>) dst(%dma_wait3A_185 : memref<80x64xf32, #tpu.memory_space<vmem_shared>>)
      tpu.yield
    }) : () -> ()
    "tpu.region"() ({
      %run_scoped3A = tpu.sem_alloc : memref<!tpu.dma_semaphore, #tpu.memory_space<semaphore_mem>>
      %dma_start3A_178 = arith.constant 0 : i32
      %dma_start3A_179 = tpu.memref_slice %arg26[%min3A_16, %dma_start3A_178] : memref<10000x16xf32, #tpu.memory_space<vmem_shared>> -> memref<80x16xf32, #tpu.memory_space<vmem_shared>>
      %dma_start3A_180 = arith.constant 0 : i32
      %dma_start3A_181 = tpu.memref_slice %arg26[%min3A_16, %dma_start3A_180] : memref<10000x16xf32, #tpu.memory_space<vmem_shared>> -> memref<80x16xf32, #tpu.memory_space<vmem_shared>>
      tpu.enqueue_dma source(%arg12 : memref<80x16xf32, #tpu.memory_space<vmem>>) target(%dma_start3A_181 : memref<80x16xf32, #tpu.memory_space<vmem_shared>>) target_semaphore(%run_scoped3A : memref<!tpu.dma_semaphore, #tpu.memory_space<semaphore_mem>>)
      %dma_wait3A_182 = arith.constant 0 : i32
      %dma_wait3A_183 = tpu.memref_slice %arg26[%min3A_16, %dma_wait3A_182] : memref<10000x16xf32, #tpu.memory_space<vmem_shared>> -> memref<80x16xf32, #tpu.memory_space<vmem_shared>>
      %dma_wait3A_184 = arith.constant 0 : i32
      %dma_wait3A_185 = tpu.memref_slice %arg26[%min3A_16, %dma_wait3A_184] : memref<10000x16xf32, #tpu.memory_space<vmem_shared>> -> memref<80x16xf32, #tpu.memory_space<vmem_shared>>
      tpu.wait_dma2 semaphore(%run_scoped3A : memref<!tpu.dma_semaphore, #tpu.memory_space<semaphore_mem>>) src(%arg12 : memref<80x16xf32, #tpu.memory_space<vmem>>) dst(%dma_wait3A_185 : memref<80x16xf32, #tpu.memory_space<vmem_shared>>)
      tpu.yield
    }) : () -> ()
    %mul3A_17 = arith.constant 8 : i32
    %mul3A_18 = arith.muli %arg1, %mul3A_17 : i32
    %add3A_19 = arith.constant 1 : i32
    %add3A_20 = arith.addi %mul3A_18, %add3A_19 : i32
    %mul3A_21 = arith.constant 80 : i32
    %mul3A_22 = arith.muli %add3A_20, %mul3A_21 : i32
    %min3A_23 = arith.constant 9920 : i32
    %min3A_24 = arith.minsi %mul3A_22, %min3A_23 : i32
    "tpu.region"() ({
      %run_scoped3A = tpu.sem_alloc : memref<!tpu.dma_semaphore, #tpu.memory_space<semaphore_mem>>
      %dma_start3A_178 = arith.constant 0 : i32
      %dma_start3A_179 = tpu.memref_slice %arg25[%min3A_24, %dma_start3A_178] : memref<10000x64xf32, #tpu.memory_space<vmem_shared>> -> memref<80x64xf32, #tpu.memory_space<vmem_shared>>
      %dma_start3A_180 = arith.constant 0 : i32
      %dma_start3A_181 = tpu.memref_slice %arg25[%min3A_24, %dma_start3A_180] : memref<10000x64xf32, #tpu.memory_space<vmem_shared>> -> memref<80x64xf32, #tpu.memory_space<vmem_shared>>
      tpu.enqueue_dma source(%arg11 : memref<80x64xf32, #tpu.memory_space<vmem>>) target(%dma_start3A_181 : memref<80x64xf32, #tpu.memory_space<vmem_shared>>) target_semaphore(%run_scoped3A : memref<!tpu.dma_semaphore, #tpu.memory_space<semaphore_mem>>)
      %dma_wait3A_182 = arith.constant 0 : i32
      %dma_wait3A_183 = tpu.memref_slice %arg25[%min3A_24, %dma_wait3A_182] : memref<10000x64xf32, #tpu.memory_space<vmem_shared>> -> memref<80x64xf32, #tpu.memory_space<vmem_shared>>
      %dma_wait3A_184 = arith.constant 0 : i32
      %dma_wait3A_185 = tpu.memref_slice %arg25[%min3A_24, %dma_wait3A_184] : memref<10000x64xf32, #tpu.memory_space<vmem_shared>> -> memref<80x64xf32, #tpu.memory_space<vmem_shared>>
      tpu.wait_dma2 semaphore(%run_scoped3A : memref<!tpu.dma_semaphore, #tpu.memory_space<semaphore_mem>>) src(%arg11 : memref<80x64xf32, #tpu.memory_space<vmem>>) dst(%dma_wait3A_185 : memref<80x64xf32, #tpu.memory_space<vmem_shared>>)
      tpu.yield
    }) : () -> ()
    "tpu.region"() ({
      %run_scoped3A = tpu.sem_alloc : memref<!tpu.dma_semaphore, #tpu.memory_space<semaphore_mem>>
      %dma_start3A_178 = arith.constant 0 : i32
      %dma_start3A_179 = tpu.memref_slice %arg26[%min3A_24, %dma_start3A_178] : memref<10000x16xf32, #tpu.memory_space<vmem_shared>> -> memref<80x16xf32, #tpu.memory_space<vmem_shared>>
      %dma_start3A_180 = arith.constant 0 : i32
      %dma_start3A_181 = tpu.memref_slice %arg26[%min3A_24, %dma_start3A_180] : memref<10000x16xf32, #tpu.memory_space<vmem_shared>> -> memref<80x16xf32, #tpu.memory_space<vmem_shared>>
      tpu.enqueue_dma source(%arg12 : memref<80x16xf32, #tpu.memory_space<vmem>>) target(%dma_start3A_181 : memref<80x16xf32, #tpu.memory_space<vmem_shared>>) target_semaphore(%run_scoped3A : memref<!tpu.dma_semaphore, #tpu.memory_space<semaphore_mem>>)
      %dma_wait3A_182 = arith.constant 0 : i32
      %dma_wait3A_183 = tpu.memref_slice %arg26[%min3A_24, %dma_wait3A_182] : memref<10000x16xf32, #tpu.memory_space<vmem_shared>> -> memref<80x16xf32, #tpu.memory_space<vmem_shared>>
      %dma_wait3A_184 = arith.constant 0 : i32
      %dma_wait3A_185 = tpu.memref_slice %arg26[%min3A_24, %dma_wait3A_184] : memref<10000x16xf32, #tpu.memory_space<vmem_shared>> -> memref<80x16xf32, #tpu.memory_space<vmem_shared>>
      tpu.wait_dma2 semaphore(%run_scoped3A : memref<!tpu.dma_semaphore, #tpu.memory_space<semaphore_mem>>) src(%arg12 : memref<80x16xf32, #tpu.memory_space<vmem>>) dst(%dma_wait3A_185 : memref<80x16xf32, #tpu.memory_space<vmem_shared>>)
      tpu.yield
    }) : () -> ()
    %mul3A_25 = arith.constant 8 : i32
    %mul3A_26 = arith.muli %arg1, %mul3A_25 : i32
    %add3A_27 = arith.constant 2 : i32
    %add3A_28 = arith.addi %mul3A_26, %add3A_27 : i32
    %mul3A_29 = arith.constant 80 : i32
    %mul3A_30 = arith.muli %add3A_28, %mul3A_29 : i32
    %min3A_31 = arith.constant 9920 : i32
    %min3A_32 = arith.minsi %mul3A_30, %min3A_31 : i32
    "tpu.region"() ({
      %run_scoped3A = tpu.sem_alloc : memref<!tpu.dma_semaphore, #tpu.memory_space<semaphore_mem>>
      %dma_start3A_178 = arith.constant 0 : i32
      %dma_start3A_179 = tpu.memref_slice %arg25[%min3A_32, %dma_start3A_178] : memref<10000x64xf32, #tpu.memory_space<vmem_shared>> -> memref<80x64xf32, #tpu.memory_space<vmem_shared>>
      %dma_start3A_180 = arith.constant 0 : i32
      %dma_start3A_181 = tpu.memref_slice %arg25[%min3A_32, %dma_start3A_180] : memref<10000x64xf32, #tpu.memory_space<vmem_shared>> -> memref<80x64xf32, #tpu.memory_space<vmem_shared>>
      tpu.enqueue_dma source(%arg11 : memref<80x64xf32, #tpu.memory_space<vmem>>) target(%dma_start3A_181 : memref<80x64xf32, #tpu.memory_space<vmem_shared>>) target_semaphore(%run_scoped3A : memref<!tpu.dma_semaphore, #tpu.memory_space<semaphore_mem>>)
      %dma_wait3A_182 = arith.constant 0 : i32
      %dma_wait3A_183 = tpu.memref_slice %arg25[%min3A_32, %dma_wait3A_182] : memref<10000x64xf32, #tpu.memory_space<vmem_shared>> -> memref<80x64xf32, #tpu.memory_space<vmem_shared>>
      %dma_wait3A_184 = arith.constant 0 : i32
      %dma_wait3A_185 = tpu.memref_slice %arg25[%min3A_32, %dma_wait3A_184] : memref<10000x64xf32, #tpu.memory_space<vmem_shared>> -> memref<80x64xf32, #tpu.memory_space<vmem_shared>>
      tpu.wait_dma2 semaphore(%run_scoped3A : memref<!tpu.dma_semaphore, #tpu.memory_space<semaphore_mem>>) src(%arg11 : memref<80x64xf32, #tpu.memory_space<vmem>>) dst(%dma_wait3A_185 : memref<80x64xf32, #tpu.memory_space<vmem_shared>>)
      tpu.yield
    }) : () -> ()
    "tpu.region"() ({
      %run_scoped3A = tpu.sem_alloc : memref<!tpu.dma_semaphore, #tpu.memory_space<semaphore_mem>>
      %dma_start3A_178 = arith.constant 0 : i32
      %dma_start3A_179 = tpu.memref_slice %arg26[%min3A_32, %dma_start3A_178] : memref<10000x16xf32, #tpu.memory_space<vmem_shared>> -> memref<80x16xf32, #tpu.memory_space<vmem_shared>>
      %dma_start3A_180 = arith.constant 0 : i32
      %dma_start3A_181 = tpu.memref_slice %arg26[%min3A_32, %dma_start3A_180] : memref<10000x16xf32, #tpu.memory_space<vmem_shared>> -> memref<80x16xf32, #tpu.memory_space<vmem_shared>>
      tpu.enqueue_dma source(%arg12 : memref<80x16xf32, #tpu.memory_space<vmem>>) target(%dma_start3A_181 : memref<80x16xf32, #tpu.memory_space<vmem_shared>>) target_semaphore(%run_scoped3A : memref<!tpu.dma_semaphore, #tpu.memory_space<semaphore_mem>>)
      %dma_wait3A_182 = arith.constant 0 : i32
      %dma_wait3A_183 = tpu.memref_slice %arg26[%min3A_32, %dma_wait3A_182] : memref<10000x16xf32, #tpu.memory_space<vmem_shared>> -> memref<80x16xf32, #tpu.memory_space<vmem_shared>>
      %dma_wait3A_184 = arith.constant 0 : i32
      %dma_wait3A_185 = tpu.memref_slice %arg26[%min3A_32, %dma_wait3A_184] : memref<10000x16xf32, #tpu.memory_space<vmem_shared>> -> memref<80x16xf32, #tpu.memory_space<vmem_shared>>
      tpu.wait_dma2 semaphore(%run_scoped3A : memref<!tpu.dma_semaphore, #tpu.memory_space<semaphore_mem>>) src(%arg12 : memref<80x16xf32, #tpu.memory_space<vmem>>) dst(%dma_wait3A_185 : memref<80x16xf32, #tpu.memory_space<vmem_shared>>)
      tpu.yield
    }) : () -> ()
    %mul3A_33 = arith.constant 8 : i32
    %mul3A_34 = arith.muli %arg1, %mul3A_33 : i32
    %add3A_35 = arith.constant 3 : i32
    %add3A_36 = arith.addi %mul3A_34, %add3A_35 : i32
    %mul3A_37 = arith.constant 80 : i32
    %mul3A_38 = arith.muli %add3A_36, %mul3A_37 : i32
    %min3A_39 = arith.constant 9920 : i32
    %min3A_40 = arith.minsi %mul3A_38, %min3A_39 : i32
    "tpu.region"() ({
      %run_scoped3A = tpu.sem_alloc : memref<!tpu.dma_semaphore, #tpu.memory_space<semaphore_mem>>
      %dma_start3A_178 = arith.constant 0 : i32
      %dma_start3A_179 = tpu.memref_slice %arg25[%min3A_40, %dma_start3A_178] : memref<10000x64xf32, #tpu.memory_space<vmem_shared>> -> memref<80x64xf32, #tpu.memory_space<vmem_shared>>
      %dma_start3A_180 = arith.constant 0 : i32
      %dma_start3A_181 = tpu.memref_slice %arg25[%min3A_40, %dma_start3A_180] : memref<10000x64xf32, #tpu.memory_space<vmem_shared>> -> memref<80x64xf32, #tpu.memory_space<vmem_shared>>
      tpu.enqueue_dma source(%arg11 : memref<80x64xf32, #tpu.memory_space<vmem>>) target(%dma_start3A_181 : memref<80x64xf32, #tpu.memory_space<vmem_shared>>) target_semaphore(%run_scoped3A : memref<!tpu.dma_semaphore, #tpu.memory_space<semaphore_mem>>)
      %dma_wait3A_182 = arith.constant 0 : i32
      %dma_wait3A_183 = tpu.memref_slice %arg25[%min3A_40, %dma_wait3A_182] : memref<10000x64xf32, #tpu.memory_space<vmem_shared>> -> memref<80x64xf32, #tpu.memory_space<vmem_shared>>
      %dma_wait3A_184 = arith.constant 0 : i32
      %dma_wait3A_185 = tpu.memref_slice %arg25[%min3A_40, %dma_wait3A_184] : memref<10000x64xf32, #tpu.memory_space<vmem_shared>> -> memref<80x64xf32, #tpu.memory_space<vmem_shared>>
      tpu.wait_dma2 semaphore(%run_scoped3A : memref<!tpu.dma_semaphore, #tpu.memory_space<semaphore_mem>>) src(%arg11 : memref<80x64xf32, #tpu.memory_space<vmem>>) dst(%dma_wait3A_185 : memref<80x64xf32, #tpu.memory_space<vmem_shared>>)
      tpu.yield
    }) : () -> ()
    "tpu.region"() ({
      %run_scoped3A = tpu.sem_alloc : memref<!tpu.dma_semaphore, #tpu.memory_space<semaphore_mem>>
      %dma_start3A_178 = arith.constant 0 : i32
      %dma_start3A_179 = tpu.memref_slice %arg26[%min3A_40, %dma_start3A_178] : memref<10000x16xf32, #tpu.memory_space<vmem_shared>> -> memref<80x16xf32, #tpu.memory_space<vmem_shared>>
      %dma_start3A_180 = arith.constant 0 : i32
      %dma_start3A_181 = tpu.memref_slice %arg26[%min3A_40, %dma_start3A_180] : memref<10000x16xf32, #tpu.memory_space<vmem_shared>> -> memref<80x16xf32, #tpu.memory_space<vmem_shared>>
      tpu.enqueue_dma source(%arg12 : memref<80x16xf32, #tpu.memory_space<vmem>>) target(%dma_start3A_181 : memref<80x16xf32, #tpu.memory_space<vmem_shared>>) target_semaphore(%run_scoped3A : memref<!tpu.dma_semaphore, #tpu.memory_space<semaphore_mem>>)
      %dma_wait3A_182 = arith.constant 0 : i32
      %dma_wait3A_183 = tpu.memref_slice %arg26[%min3A_40, %dma_wait3A_182] : memref<10000x16xf32, #tpu.memory_space<vmem_shared>> -> memref<80x16xf32, #tpu.memory_space<vmem_shared>>
      %dma_wait3A_184 = arith.constant 0 : i32
      %dma_wait3A_185 = tpu.memref_slice %arg26[%min3A_40, %dma_wait3A_184] : memref<10000x16xf32, #tpu.memory_space<vmem_shared>> -> memref<80x16xf32, #tpu.memory_space<vmem_shared>>
      tpu.wait_dma2 semaphore(%run_scoped3A : memref<!tpu.dma_semaphore, #tpu.memory_space<semaphore_mem>>) src(%arg12 : memref<80x16xf32, #tpu.memory_space<vmem>>) dst(%dma_wait3A_185 : memref<80x16xf32, #tpu.memory_space<vmem_shared>>)
      tpu.yield
    }) : () -> ()
    %mul3A_41 = arith.constant 8 : i32
    %mul3A_42 = arith.muli %arg1, %mul3A_41 : i32
    %add3A_43 = arith.constant 4 : i32
    %add3A_44 = arith.addi %mul3A_42, %add3A_43 : i32
    %mul3A_45 = arith.constant 80 : i32
    %mul3A_46 = arith.muli %add3A_44, %mul3A_45 : i32
    %min3A_47 = arith.constant 9920 : i32
    %min3A_48 = arith.minsi %mul3A_46, %min3A_47 : i32
    "tpu.region"() ({
      %run_scoped3A = tpu.sem_alloc : memref<!tpu.dma_semaphore, #tpu.memory_space<semaphore_mem>>
      %dma_start3A_178 = arith.constant 0 : i32
      %dma_start3A_179 = tpu.memref_slice %arg25[%min3A_48, %dma_start3A_178] : memref<10000x64xf32, #tpu.memory_space<vmem_shared>> -> memref<80x64xf32, #tpu.memory_space<vmem_shared>>
      %dma_start3A_180 = arith.constant 0 : i32
      %dma_start3A_181 = tpu.memref_slice %arg25[%min3A_48, %dma_start3A_180] : memref<10000x64xf32, #tpu.memory_space<vmem_shared>> -> memref<80x64xf32, #tpu.memory_space<vmem_shared>>
      tpu.enqueue_dma source(%arg11 : memref<80x64xf32, #tpu.memory_space<vmem>>) target(%dma_start3A_181 : memref<80x64xf32, #tpu.memory_space<vmem_shared>>) target_semaphore(%run_scoped3A : memref<!tpu.dma_semaphore, #tpu.memory_space<semaphore_mem>>)
      %dma_wait3A_182 = arith.constant 0 : i32
      %dma_wait3A_183 = tpu.memref_slice %arg25[%min3A_48, %dma_wait3A_182] : memref<10000x64xf32, #tpu.memory_space<vmem_shared>> -> memref<80x64xf32, #tpu.memory_space<vmem_shared>>
      %dma_wait3A_184 = arith.constant 0 : i32
      %dma_wait3A_185 = tpu.memref_slice %arg25[%min3A_48, %dma_wait3A_184] : memref<10000x64xf32, #tpu.memory_space<vmem_shared>> -> memref<80x64xf32, #tpu.memory_space<vmem_shared>>
      tpu.wait_dma2 semaphore(%run_scoped3A : memref<!tpu.dma_semaphore, #tpu.memory_space<semaphore_mem>>) src(%arg11 : memref<80x64xf32, #tpu.memory_space<vmem>>) dst(%dma_wait3A_185 : memref<80x64xf32, #tpu.memory_space<vmem_shared>>)
      tpu.yield
    }) : () -> ()
    "tpu.region"() ({
      %run_scoped3A = tpu.sem_alloc : memref<!tpu.dma_semaphore, #tpu.memory_space<semaphore_mem>>
      %dma_start3A_178 = arith.constant 0 : i32
      %dma_start3A_179 = tpu.memref_slice %arg26[%min3A_48, %dma_start3A_178] : memref<10000x16xf32, #tpu.memory_space<vmem_shared>> -> memref<80x16xf32, #tpu.memory_space<vmem_shared>>
      %dma_start3A_180 = arith.constant 0 : i32
      %dma_start3A_181 = tpu.memref_slice %arg26[%min3A_48, %dma_start3A_180] : memref<10000x16xf32, #tpu.memory_space<vmem_shared>> -> memref<80x16xf32, #tpu.memory_space<vmem_shared>>
      tpu.enqueue_dma source(%arg12 : memref<80x16xf32, #tpu.memory_space<vmem>>) target(%dma_start3A_181 : memref<80x16xf32, #tpu.memory_space<vmem_shared>>) target_semaphore(%run_scoped3A : memref<!tpu.dma_semaphore, #tpu.memory_space<semaphore_mem>>)
      %dma_wait3A_182 = arith.constant 0 : i32
      %dma_wait3A_183 = tpu.memref_slice %arg26[%min3A_48, %dma_wait3A_182] : memref<10000x16xf32, #tpu.memory_space<vmem_shared>> -> memref<80x16xf32, #tpu.memory_space<vmem_shared>>
      %dma_wait3A_184 = arith.constant 0 : i32
      %dma_wait3A_185 = tpu.memref_slice %arg26[%min3A_48, %dma_wait3A_184] : memref<10000x16xf32, #tpu.memory_space<vmem_shared>> -> memref<80x16xf32, #tpu.memory_space<vmem_shared>>
      tpu.wait_dma2 semaphore(%run_scoped3A : memref<!tpu.dma_semaphore, #tpu.memory_space<semaphore_mem>>) src(%arg12 : memref<80x16xf32, #tpu.memory_space<vmem>>) dst(%dma_wait3A_185 : memref<80x16xf32, #tpu.memory_space<vmem_shared>>)
      tpu.yield
    }) : () -> ()
    %mul3A_49 = arith.constant 8 : i32
    %mul3A_50 = arith.muli %arg1, %mul3A_49 : i32
    %add3A_51 = arith.constant 5 : i32
    %add3A_52 = arith.addi %mul3A_50, %add3A_51 : i32
    %mul3A_53 = arith.constant 80 : i32
    %mul3A_54 = arith.muli %add3A_52, %mul3A_53 : i32
    %min3A_55 = arith.constant 9920 : i32
    %min3A_56 = arith.minsi %mul3A_54, %min3A_55 : i32
    "tpu.region"() ({
      %run_scoped3A = tpu.sem_alloc : memref<!tpu.dma_semaphore, #tpu.memory_space<semaphore_mem>>
      %dma_start3A_178 = arith.constant 0 : i32
      %dma_start3A_179 = tpu.memref_slice %arg25[%min3A_56, %dma_start3A_178] : memref<10000x64xf32, #tpu.memory_space<vmem_shared>> -> memref<80x64xf32, #tpu.memory_space<vmem_shared>>
      %dma_start3A_180 = arith.constant 0 : i32
      %dma_start3A_181 = tpu.memref_slice %arg25[%min3A_56, %dma_start3A_180] : memref<10000x64xf32, #tpu.memory_space<vmem_shared>> -> memref<80x64xf32, #tpu.memory_space<vmem_shared>>
      tpu.enqueue_dma source(%arg11 : memref<80x64xf32, #tpu.memory_space<vmem>>) target(%dma_start3A_181 : memref<80x64xf32, #tpu.memory_space<vmem_shared>>) target_semaphore(%run_scoped3A : memref<!tpu.dma_semaphore, #tpu.memory_space<semaphore_mem>>)
      %dma_wait3A_182 = arith.constant 0 : i32
      %dma_wait3A_183 = tpu.memref_slice %arg25[%min3A_56, %dma_wait3A_182] : memref<10000x64xf32, #tpu.memory_space<vmem_shared>> -> memref<80x64xf32, #tpu.memory_space<vmem_shared>>
      %dma_wait3A_184 = arith.constant 0 : i32
      %dma_wait3A_185 = tpu.memref_slice %arg25[%min3A_56, %dma_wait3A_184] : memref<10000x64xf32, #tpu.memory_space<vmem_shared>> -> memref<80x64xf32, #tpu.memory_space<vmem_shared>>
      tpu.wait_dma2 semaphore(%run_scoped3A : memref<!tpu.dma_semaphore, #tpu.memory_space<semaphore_mem>>) src(%arg11 : memref<80x64xf32, #tpu.memory_space<vmem>>) dst(%dma_wait3A_185 : memref<80x64xf32, #tpu.memory_space<vmem_shared>>)
      tpu.yield
    }) : () -> ()
    "tpu.region"() ({
      %run_scoped3A = tpu.sem_alloc : memref<!tpu.dma_semaphore, #tpu.memory_space<semaphore_mem>>
      %dma_start3A_178 = arith.constant 0 : i32
      %dma_start3A_179 = tpu.memref_slice %arg26[%min3A_56, %dma_start3A_178] : memref<10000x16xf32, #tpu.memory_space<vmem_shared>> -> memref<80x16xf32, #tpu.memory_space<vmem_shared>>
      %dma_start3A_180 = arith.constant 0 : i32
      %dma_start3A_181 = tpu.memref_slice %arg26[%min3A_56, %dma_start3A_180] : memref<10000x16xf32, #tpu.memory_space<vmem_shared>> -> memref<80x16xf32, #tpu.memory_space<vmem_shared>>
      tpu.enqueue_dma source(%arg12 : memref<80x16xf32, #tpu.memory_space<vmem>>) target(%dma_start3A_181 : memref<80x16xf32, #tpu.memory_space<vmem_shared>>) target_semaphore(%run_scoped3A : memref<!tpu.dma_semaphore, #tpu.memory_space<semaphore_mem>>)
      %dma_wait3A_182 = arith.constant 0 : i32
      %dma_wait3A_183 = tpu.memref_slice %arg26[%min3A_56, %dma_wait3A_182] : memref<10000x16xf32, #tpu.memory_space<vmem_shared>> -> memref<80x16xf32, #tpu.memory_space<vmem_shared>>
      %dma_wait3A_184 = arith.constant 0 : i32
      %dma_wait3A_185 = tpu.memref_slice %arg26[%min3A_56, %dma_wait3A_184] : memref<10000x16xf32, #tpu.memory_space<vmem_shared>> -> memref<80x16xf32, #tpu.memory_space<vmem_shared>>
      tpu.wait_dma2 semaphore(%run_scoped3A : memref<!tpu.dma_semaphore, #tpu.memory_space<semaphore_mem>>) src(%arg12 : memref<80x16xf32, #tpu.memory_space<vmem>>) dst(%dma_wait3A_185 : memref<80x16xf32, #tpu.memory_space<vmem_shared>>)
      tpu.yield
    }) : () -> ()
    %mul3A_57 = arith.constant 8 : i32
    %mul3A_58 = arith.muli %arg1, %mul3A_57 : i32
    %add3A_59 = arith.constant 6 : i32
    %add3A_60 = arith.addi %mul3A_58, %add3A_59 : i32
    %mul3A_61 = arith.constant 80 : i32
    %mul3A_62 = arith.muli %add3A_60, %mul3A_61 : i32
    %min3A_63 = arith.constant 9920 : i32
    %min3A_64 = arith.minsi %mul3A_62, %min3A_63 : i32
    "tpu.region"() ({
      %run_scoped3A = tpu.sem_alloc : memref<!tpu.dma_semaphore, #tpu.memory_space<semaphore_mem>>
      %dma_start3A_178 = arith.constant 0 : i32
      %dma_start3A_179 = tpu.memref_slice %arg25[%min3A_64, %dma_start3A_178] : memref<10000x64xf32, #tpu.memory_space<vmem_shared>> -> memref<80x64xf32, #tpu.memory_space<vmem_shared>>
      %dma_start3A_180 = arith.constant 0 : i32
      %dma_start3A_181 = tpu.memref_slice %arg25[%min3A_64, %dma_start3A_180] : memref<10000x64xf32, #tpu.memory_space<vmem_shared>> -> memref<80x64xf32, #tpu.memory_space<vmem_shared>>
      tpu.enqueue_dma source(%arg11 : memref<80x64xf32, #tpu.memory_space<vmem>>) target(%dma_start3A_181 : memref<80x64xf32, #tpu.memory_space<vmem_shared>>) target_semaphore(%run_scoped3A : memref<!tpu.dma_semaphore, #tpu.memory_space<semaphore_mem>>)
      %dma_wait3A_182 = arith.constant 0 : i32
      %dma_wait3A_183 = tpu.memref_slice %arg25[%min3A_64, %dma_wait3A_182] : memref<10000x64xf32, #tpu.memory_space<vmem_shared>> -> memref<80x64xf32, #tpu.memory_space<vmem_shared>>
      %dma_wait3A_184 = arith.constant 0 : i32
      %dma_wait3A_185 = tpu.memref_slice %arg25[%min3A_64, %dma_wait3A_184] : memref<10000x64xf32, #tpu.memory_space<vmem_shared>> -> memref<80x64xf32, #tpu.memory_space<vmem_shared>>
      tpu.wait_dma2 semaphore(%run_scoped3A : memref<!tpu.dma_semaphore, #tpu.memory_space<semaphore_mem>>) src(%arg11 : memref<80x64xf32, #tpu.memory_space<vmem>>) dst(%dma_wait3A_185 : memref<80x64xf32, #tpu.memory_space<vmem_shared>>)
      tpu.yield
    }) : () -> ()
    "tpu.region"() ({
      %run_scoped3A = tpu.sem_alloc : memref<!tpu.dma_semaphore, #tpu.memory_space<semaphore_mem>>
      %dma_start3A_178 = arith.constant 0 : i32
      %dma_start3A_179 = tpu.memref_slice %arg26[%min3A_64, %dma_start3A_178] : memref<10000x16xf32, #tpu.memory_space<vmem_shared>> -> memref<80x16xf32, #tpu.memory_space<vmem_shared>>
      %dma_start3A_180 = arith.constant 0 : i32
      %dma_start3A_181 = tpu.memref_slice %arg26[%min3A_64, %dma_start3A_180] : memref<10000x16xf32, #tpu.memory_space<vmem_shared>> -> memref<80x16xf32, #tpu.memory_space<vmem_shared>>
      tpu.enqueue_dma source(%arg12 : memref<80x16xf32, #tpu.memory_space<vmem>>) target(%dma_start3A_181 : memref<80x16xf32, #tpu.memory_space<vmem_shared>>) target_semaphore(%run_scoped3A : memref<!tpu.dma_semaphore, #tpu.memory_space<semaphore_mem>>)
      %dma_wait3A_182 = arith.constant 0 : i32
      %dma_wait3A_183 = tpu.memref_slice %arg26[%min3A_64, %dma_wait3A_182] : memref<10000x16xf32, #tpu.memory_space<vmem_shared>> -> memref<80x16xf32, #tpu.memory_space<vmem_shared>>
      %dma_wait3A_184 = arith.constant 0 : i32
      %dma_wait3A_185 = tpu.memref_slice %arg26[%min3A_64, %dma_wait3A_184] : memref<10000x16xf32, #tpu.memory_space<vmem_shared>> -> memref<80x16xf32, #tpu.memory_space<vmem_shared>>
      tpu.wait_dma2 semaphore(%run_scoped3A : memref<!tpu.dma_semaphore, #tpu.memory_space<semaphore_mem>>) src(%arg12 : memref<80x16xf32, #tpu.memory_space<vmem>>) dst(%dma_wait3A_185 : memref<80x16xf32, #tpu.memory_space<vmem_shared>>)
      tpu.yield
    }) : () -> ()
    %mul3A_65 = arith.constant 8 : i32
    %mul3A_66 = arith.muli %arg1, %mul3A_65 : i32
    %add3A_67 = arith.constant 7 : i32
    %add3A_68 = arith.addi %mul3A_66, %add3A_67 : i32
    %mul3A_69 = arith.constant 80 : i32
    %mul3A_70 = arith.muli %add3A_68, %mul3A_69 : i32
    %min3A_71 = arith.constant 9920 : i32
    %min3A_72 = arith.minsi %mul3A_70, %min3A_71 : i32
    "tpu.region"() ({
      %run_scoped3A = tpu.sem_alloc : memref<!tpu.dma_semaphore, #tpu.memory_space<semaphore_mem>>
      %dma_start3A_178 = arith.constant 0 : i32
      %dma_start3A_179 = tpu.memref_slice %arg25[%min3A_72, %dma_start3A_178] : memref<10000x64xf32, #tpu.memory_space<vmem_shared>> -> memref<80x64xf32, #tpu.memory_space<vmem_shared>>
      %dma_start3A_180 = arith.constant 0 : i32
      %dma_start3A_181 = tpu.memref_slice %arg25[%min3A_72, %dma_start3A_180] : memref<10000x64xf32, #tpu.memory_space<vmem_shared>> -> memref<80x64xf32, #tpu.memory_space<vmem_shared>>
      tpu.enqueue_dma source(%arg11 : memref<80x64xf32, #tpu.memory_space<vmem>>) target(%dma_start3A_181 : memref<80x64xf32, #tpu.memory_space<vmem_shared>>) target_semaphore(%run_scoped3A : memref<!tpu.dma_semaphore, #tpu.memory_space<semaphore_mem>>)
      %dma_wait3A_182 = arith.constant 0 : i32
      %dma_wait3A_183 = tpu.memref_slice %arg25[%min3A_72, %dma_wait3A_182] : memref<10000x64xf32, #tpu.memory_space<vmem_shared>> -> memref<80x64xf32, #tpu.memory_space<vmem_shared>>
      %dma_wait3A_184 = arith.constant 0 : i32
      %dma_wait3A_185 = tpu.memref_slice %arg25[%min3A_72, %dma_wait3A_184] : memref<10000x64xf32, #tpu.memory_space<vmem_shared>> -> memref<80x64xf32, #tpu.memory_space<vmem_shared>>
      tpu.wait_dma2 semaphore(%run_scoped3A : memref<!tpu.dma_semaphore, #tpu.memory_space<semaphore_mem>>) src(%arg11 : memref<80x64xf32, #tpu.memory_space<vmem>>) dst(%dma_wait3A_185 : memref<80x64xf32, #tpu.memory_space<vmem_shared>>)
      tpu.yield
    }) : () -> ()
    "tpu.region"() ({
      %run_scoped3A = tpu.sem_alloc : memref<!tpu.dma_semaphore, #tpu.memory_space<semaphore_mem>>
      %dma_start3A_178 = arith.constant 0 : i32
      %dma_start3A_179 = tpu.memref_slice %arg26[%min3A_72, %dma_start3A_178] : memref<10000x16xf32, #tpu.memory_space<vmem_shared>> -> memref<80x16xf32, #tpu.memory_space<vmem_shared>>
      %dma_start3A_180 = arith.constant 0 : i32
      %dma_start3A_181 = tpu.memref_slice %arg26[%min3A_72, %dma_start3A_180] : memref<10000x16xf32, #tpu.memory_space<vmem_shared>> -> memref<80x16xf32, #tpu.memory_space<vmem_shared>>
      tpu.enqueue_dma source(%arg12 : memref<80x16xf32, #tpu.memory_space<vmem>>) target(%dma_start3A_181 : memref<80x16xf32, #tpu.memory_space<vmem_shared>>) target_semaphore(%run_scoped3A : memref<!tpu.dma_semaphore, #tpu.memory_space<semaphore_mem>>)
      %dma_wait3A_182 = arith.constant 0 : i32
      %dma_wait3A_183 = tpu.memref_slice %arg26[%min3A_72, %dma_wait3A_182] : memref<10000x16xf32, #tpu.memory_space<vmem_shared>> -> memref<80x16xf32, #tpu.memory_space<vmem_shared>>
      %dma_wait3A_184 = arith.constant 0 : i32
      %dma_wait3A_185 = tpu.memref_slice %arg26[%min3A_72, %dma_wait3A_184] : memref<10000x16xf32, #tpu.memory_space<vmem_shared>> -> memref<80x16xf32, #tpu.memory_space<vmem_shared>>
      tpu.wait_dma2 semaphore(%run_scoped3A : memref<!tpu.dma_semaphore, #tpu.memory_space<semaphore_mem>>) src(%arg12 : memref<80x16xf32, #tpu.memory_space<vmem>>) dst(%dma_wait3A_185 : memref<80x16xf32, #tpu.memory_space<vmem_shared>>)
      tpu.yield
    }) : () -> ()
    %barrier3A = arith.constant 0 : index
    tpu.barrier barrier_id(%barrier3A)
    %add3A_73 = arith.constant 0 : i32
    %add3A_74 = arith.addi %mul3A_4, %add3A_73 : i32
    "tpu.region"() ({
      %run_scoped3A = tpu.sem_alloc : memref<!tpu.dma_semaphore, #tpu.memory_space<semaphore_mem>>
      %dma_start3A_178 = tpu.memref_slice %arg3[%add3A_74] : memref<320000xi32, #tpu.memory_space<hbm>> -> memref<80xi32, #tpu.memory_space<hbm>>
      %dma_start3A_179 = tpu.memref_slice %arg3[%add3A_74] : memref<320000xi32, #tpu.memory_space<hbm>> -> memref<80xi32, #tpu.memory_space<hbm>>
      tpu.enqueue_dma source(%dma_start3A_179 : memref<80xi32, #tpu.memory_space<hbm>>) target(%arg7 : memref<80xi32, #tpu.memory_space<vmem>>) target_semaphore(%run_scoped3A : memref<!tpu.dma_semaphore, #tpu.memory_space<semaphore_mem>>)
      %dma_wait3A_180 = tpu.memref_slice %arg3[%add3A_74] : memref<320000xi32, #tpu.memory_space<hbm>> -> memref<80xi32, #tpu.memory_space<hbm>>
      %dma_wait3A_181 = tpu.memref_slice %arg3[%add3A_74] : memref<320000xi32, #tpu.memory_space<hbm>> -> memref<80xi32, #tpu.memory_space<hbm>>
      tpu.wait_dma2 semaphore(%run_scoped3A : memref<!tpu.dma_semaphore, #tpu.memory_space<semaphore_mem>>) src(%dma_wait3A_181 : memref<80xi32, #tpu.memory_space<hbm>>) dst(%arg7 : memref<80xi32, #tpu.memory_space<vmem>>)
      tpu.yield
    }) : () -> ()
    %scan3A_75 = arith.constant 0 : i32
    %scan3A_76 = arith.constant 0 : i32
    %scan3A_77 = arith.constant 5 : i32
    %scan3A_78 = arith.addi %scan3A_76, %scan3A_77 : i32
    %scan3A_79 = arith.constant 1 : i32
    scf.for %scan3A_178 = %scan3A_76 to %scan3A_78 step %scan3A_79  : i32 {
      %mul3A_179 = arith.constant 16 : i32
      %mul3A_180 = arith.muli %scan3A_178, %mul3A_179 : i32
      %broadcast_in_dim3A_181 = vector.broadcast %mul3A_180 : i32 to vector<16xi32>
      %add3A_182 = arith.addi %broadcast_in_dim3A_181, %iota3A : vector<16xi32>
      %gather3A = tpu.vector_load_idx %arg7[%add3A_182] : memref<80xi32, #tpu.memory_space<vmem>>[vector<16xi32>], vector<16xi32>,
      %and3A = arith.constant 16383 : i32
      %and3A_183 = vector.broadcast %and3A : i32 to vector<16xi32>
      %and3A_184 = arith.andi %gather3A, %and3A_183 : vector<16xi32>
      %shift_right_arithmetic3A = arith.constant 14 : i32
      %shift_right_arithmetic3A_185 = vector.broadcast %shift_right_arithmetic3A : i32 to vector<16xi32>
      %shift_right_arithmetic3A_186 = arith.shrsi %gather3A, %shift_right_arithmetic3A_185 : vector<16xi32>
      tpu.vector_store_idx %arg8[%add3A_182], %and3A_184 : memref<80xi32, #tpu.memory_space<vmem>>[vector<16xi32>], vector<16xi32>,
      tpu.vector_store_idx %arg9[%add3A_182], %shift_right_arithmetic3A_186 : memref<80xi32, #tpu.memory_space<vmem>>[vector<16xi32>], vector<16xi32>,
      %mul3A_187 = arith.constant 10000 : i32
      %mul3A_188 = arith.muli %arg0, %mul3A_187 : i32
      %add3A_189 = vector.broadcast %mul3A_188 : i32 to vector<16xi32>
      %add3A_190 = arith.addi %and3A_184, %add3A_189 : vector<16xi32>
      tpu.vector_store_idx %arg10[%add3A_182], %add3A_190 : memref<80xi32, #tpu.memory_space<vmem>>[vector<16xi32>], vector<16xi32>,
    }
    %scan3A_80 = arith.constant 5 : i32
    %dma_start3A = arith.constant 0 : i32
    %dma_start3A_81 = arith.constant 0 : i32
    %dma_start3A_82 = tpu.memref_slice %arg4[%dma_start3A, %dma_start3A_81] : memref<20000x64xf32, #tpu.memory_space<hbm>> -> memref<20000x64xf32, #tpu.memory_space<hbm>>
    tpu.enqueue_indirect_dma source(%dma_start3A_82 : memref<20000x64xf32, #tpu.memory_space<hbm>>) target(%arg11 : memref<80x64xf32, #tpu.memory_space<vmem>>) offsets(%arg10 : memref<80xi32, #tpu.memory_space<vmem>>) semaphore(%arg27 : memref<!tpu.dma_semaphore, #tpu.memory_space<semaphore_mem>>)
    %dma_start3A_83 = arith.constant 0 : i32
    %dma_start3A_84 = arith.constant 0 : i32
    %dma_start3A_85 = tpu.memref_slice %arg2[%dma_start3A_83, %dma_start3A_84] : memref<10000x16xf32, #tpu.memory_space<hbm>> -> memref<10000x16xf32, #tpu.memory_space<hbm>>
    tpu.enqueue_indirect_dma source(%dma_start3A_85 : memref<10000x16xf32, #tpu.memory_space<hbm>>) target(%arg13 : memref<80x16xf32, #tpu.memory_space<vmem>>) offsets(%arg8 : memref<80xi32, #tpu.memory_space<vmem>>) semaphore(%arg28 : memref<!tpu.dma_semaphore, #tpu.memory_space<semaphore_mem>>)
    %dma_start3A_86 = arith.constant 0 : i32
    %dma_start3A_87 = arith.constant 0 : i32
    %dma_start3A_88 = tpu.memref_slice %arg2[%dma_start3A_86, %dma_start3A_87] : memref<10000x16xf32, #tpu.memory_space<hbm>> -> memref<10000x16xf32, #tpu.memory_space<hbm>>
    tpu.enqueue_indirect_dma source(%dma_start3A_88 : memref<10000x16xf32, #tpu.memory_space<hbm>>) target(%arg14 : memref<80x16xf32, #tpu.memory_space<vmem>>) offsets(%arg9 : memref<80xi32, #tpu.memory_space<vmem>>) semaphore(%arg28 : memref<!tpu.dma_semaphore, #tpu.memory_space<semaphore_mem>>)
    %dma_wait3A = arith.constant 0 : i32
    %dma_wait3A_89 = arith.constant 0 : i32
    %dma_wait3A_90 = tpu.memref_slice %arg2[%dma_wait3A, %dma_wait3A_89] : memref<10000x16xf32, #tpu.memory_space<hbm>> -> memref<10000x16xf32, #tpu.memory_space<hbm>>
    tpu.wait_indirect_dma semaphore(%arg28 : memref<!tpu.dma_semaphore, #tpu.memory_space<semaphore_mem>>) src(%dma_wait3A_90 : memref<10000x16xf32, #tpu.memory_space<hbm>>) dst(%arg13 : memref<80x16xf32, #tpu.memory_space<vmem>>)
    %dma_wait3A_91 = arith.constant 0 : i32
    %dma_wait3A_92 = arith.constant 0 : i32
    %dma_wait3A_93 = tpu.memref_slice %arg2[%dma_wait3A_91, %dma_wait3A_92] : memref<10000x16xf32, #tpu.memory_space<hbm>> -> memref<10000x16xf32, #tpu.memory_space<hbm>>
    tpu.wait_indirect_dma semaphore(%arg28 : memref<!tpu.dma_semaphore, #tpu.memory_space<semaphore_mem>>) src(%dma_wait3A_93 : memref<10000x16xf32, #tpu.memory_space<hbm>>) dst(%arg14 : memref<80x16xf32, #tpu.memory_space<vmem>>)
    %scan3A_94 = arith.constant 0 : i32
    %scan3A_95 = arith.constant 0 : i32
    %scan3A_96 = arith.constant 5 : i32
    %scan3A_97 = arith.addi %scan3A_95, %scan3A_96 : i32
    %scan3A_98 = arith.constant 1 : i32
    scf.for %scan3A_178 = %scan3A_95 to %scan3A_97 step %scan3A_98  : i32 {
      %mul3A_179 = arith.constant 16 : i32
      %mul3A_180 = arith.muli %scan3A_178, %mul3A_179 : i32
      %broadcast_in_dim3A_181 = vector.broadcast %mul3A_180 : i32 to vector<16xi32>
      %add3A_182 = arith.addi %broadcast_in_dim3A_181, %iota3A : vector<16xi32>
      %add3A_183 = arith.constant 0 : i32
      %add3A_184 = arith.addi %mul3A_2, %add3A_183 : i32
      %broadcast_in_dim3A_185 = vector.broadcast %add3A_184 : i32 to vector<16xi32>
      %gather3A = tpu.vector_load_idx %arg13[%add3A_182, %broadcast_in_dim3A_185] : memref<80x16xf32, #tpu.memory_space<vmem>>[vector<16xi32>, vector<16xi32>], vector<16xf32>,
      %add3A_186 = arith.constant 4 : i32
      %add3A_187 = arith.addi %add3A_186, %add3A_184 : i32
      %broadcast_in_dim3A_188 = vector.broadcast %add3A_187 : i32 to vector<16xi32>
      %gather3A_189 = tpu.vector_load_idx %arg14[%add3A_182, %broadcast_in_dim3A_188] : memref<80x16xf32, #tpu.memory_space<vmem>>[vector<16xi32>, vector<16xi32>], vector<16xf32>,
      %add3A_190 = arith.addf %gather3A, %gather3A_189 : vector<16xf32>
      %ge3A = arith.constant 0.000000e+00 : f32
      %ge3A_191 = vector.broadcast %ge3A : f32 to vector<16xf32>
      %ge3A_192 = arith.cmpf oge, %add3A_190, %ge3A_191 : vector<16xf32>
      %mul3A_193 = arith.constant 2.000000e-01 : f32
      %mul3A_194 = vector.broadcast %mul3A_193 : f32 to vector<16xf32>
      %mul3A_195 = arith.mulf %add3A_190, %mul3A_194 : vector<16xf32>
      %select_n3A = arith.select %ge3A_192, %add3A_190, %mul3A_195 : vector<16xi1>, vector<16xf32>
      %exp3A = math.exp %select_n3A : vector<16xf32>
      %broadcast_in_dim3A_196 = arith.constant 0 : i32
      %broadcast_in_dim3A_197 = vector.broadcast %broadcast_in_dim3A_196 : i32 to vector<16xi32>
      tpu.vector_store_idx %arg12[%add3A_182, %broadcast_in_dim3A_197], %exp3A : memref<80x16xf32, #tpu.memory_space<vmem>>[vector<16xi32>, vector<16xi32>], vector<16xf32>,
      %add3A_198 = arith.constant 1 : i32
      %add3A_199 = arith.addi %mul3A_2, %add3A_198 : i32
      %broadcast_in_dim3A_200 = vector.broadcast %add3A_199 : i32 to vector<16xi32>
      %gather3A_201 = tpu.vector_load_idx %arg13[%add3A_182, %broadcast_in_dim3A_200] : memref<80x16xf32, #tpu.memory_space<vmem>>[vector<16xi32>, vector<16xi32>], vector<16xf32>,
      %add3A_202 = arith.constant 4 : i32
      %add3A_203 = arith.addi %add3A_202, %add3A_199 : i32
      %broadcast_in_dim3A_204 = vector.broadcast %add3A_203 : i32 to vector<16xi32>
      %gather3A_205 = tpu.vector_load_idx %arg14[%add3A_182, %broadcast_in_dim3A_204] : memref<80x16xf32, #tpu.memory_space<vmem>>[vector<16xi32>, vector<16xi32>], vector<16xf32>,
      %add3A_206 = arith.addf %gather3A_201, %gather3A_205 : vector<16xf32>
      %ge3A_207 = arith.constant 0.000000e+00 : f32
      %ge3A_208 = vector.broadcast %ge3A_207 : f32 to vector<16xf32>
      %ge3A_209 = arith.cmpf oge, %add3A_206, %ge3A_208 : vector<16xf32>
      %mul3A_210 = arith.constant 2.000000e-01 : f32
      %mul3A_211 = vector.broadcast %mul3A_210 : f32 to vector<16xf32>
      %mul3A_212 = arith.mulf %add3A_206, %mul3A_211 : vector<16xf32>
      %select_n3A_213 = arith.select %ge3A_209, %add3A_206, %mul3A_212 : vector<16xi1>, vector<16xf32>
      %exp3A_214 = math.exp %select_n3A_213 : vector<16xf32>
      %broadcast_in_dim3A_215 = arith.constant 1 : i32
      %broadcast_in_dim3A_216 = vector.broadcast %broadcast_in_dim3A_215 : i32 to vector<16xi32>
      tpu.vector_store_idx %arg12[%add3A_182, %broadcast_in_dim3A_216], %exp3A_214 : memref<80x16xf32, #tpu.memory_space<vmem>>[vector<16xi32>, vector<16xi32>], vector<16xf32>,
    }
    %scan3A_99 = arith.constant 5 : i32
    %dma_wait3A_100 = arith.constant 0 : i32
    %dma_wait3A_101 = arith.constant 0 : i32
    %dma_wait3A_102 = tpu.memref_slice %arg4[%dma_wait3A_100, %dma_wait3A_101] : memref<20000x64xf32, #tpu.memory_space<hbm>> -> memref<20000x64xf32, #tpu.memory_space<hbm>>
    tpu.wait_indirect_dma semaphore(%arg27 : memref<!tpu.dma_semaphore, #tpu.memory_space<semaphore_mem>>) src(%dma_wait3A_102 : memref<20000x64xf32, #tpu.memory_space<hbm>>) dst(%arg11 : memref<80x64xf32, #tpu.memory_space<vmem>>)
    %scan3A_103 = arith.constant 0 : i32
    %scan3A_104 = arith.constant 0 : i32
    %scan3A_105 = arith.constant 5 : i32
    %scan3A_106 = arith.addi %scan3A_104, %scan3A_105 : i32
    %scan3A_107 = arith.constant 1 : i32
    scf.for %scan3A_178 = %scan3A_104 to %scan3A_106 step %scan3A_107  : i32 {
      %mul3A_179 = arith.constant 16 : i32
      %mul3A_180 = arith.muli %scan3A_178, %mul3A_179 : i32
      %broadcast_in_dim3A_181 = vector.broadcast %mul3A_180 : i32 to vector<16xi32>
      %add3A_182 = arith.addi %broadcast_in_dim3A_181, %iota3A : vector<16xi32>
      %broadcast_in_dim3A_183 = arith.constant 0 : i32
      %broadcast_in_dim3A_184 = vector.broadcast %broadcast_in_dim3A_183 : i32 to vector<16xi32>
      %gather3A = tpu.vector_load_idx %arg12[%add3A_182, %broadcast_in_dim3A_184] : memref<80x16xf32, #tpu.memory_space<vmem>>[vector<16xi32>, vector<16xi32>], vector<16xf32>,
      %broadcast_in_dim3A_185 = arith.constant 0 : i32
      %broadcast_in_dim3A_186 = vector.broadcast %broadcast_in_dim3A_185 : i32 to vector<16xi32>
      %gather3A_187 = tpu.vector_load_idx %arg11[%add3A_182, %broadcast_in_dim3A_186] : memref<80x64xf32, #tpu.memory_space<vmem>>[vector<16xi32>, vector<16xi32>], vector<16xf32>,
      %mul3A_188 = arith.mulf %gather3A_187, %gather3A : vector<16xf32>
      tpu.vector_store_idx %arg15[%add3A_182, %broadcast_in_dim3A_186], %mul3A_188 : memref<80x64xf32, #tpu.memory_space<vmem>>[vector<16xi32>, vector<16xi32>], vector<16xf32>,
      %broadcast_in_dim3A_189 = arith.constant 1 : i32
      %broadcast_in_dim3A_190 = vector.broadcast %broadcast_in_dim3A_189 : i32 to vector<16xi32>
      %gather3A_191 = tpu.vector_load_idx %arg11[%add3A_182, %broadcast_in_dim3A_190] : memref<80x64xf32, #tpu.memory_space<vmem>>[vector<16xi32>, vector<16xi32>], vector<16xf32>,
      %mul3A_192 = arith.mulf %gather3A_191, %gather3A : vector<16xf32>
      tpu.vector_store_idx %arg15[%add3A_182, %broadcast_in_dim3A_190], %mul3A_192 : memref<80x64xf32, #tpu.memory_space<vmem>>[vector<16xi32>, vector<16xi32>], vector<16xf32>,
      %broadcast_in_dim3A_193 = arith.constant 2 : i32
      %broadcast_in_dim3A_194 = vector.broadcast %broadcast_in_dim3A_193 : i32 to vector<16xi32>
      %gather3A_195 = tpu.vector_load_idx %arg11[%add3A_182, %broadcast_in_dim3A_194] : memref<80x64xf32, #tpu.memory_space<vmem>>[vector<16xi32>, vector<16xi32>], vector<16xf32>,
      %mul3A_196 = arith.mulf %gather3A_195, %gather3A : vector<16xf32>
      tpu.vector_store_idx %arg15[%add3A_182, %broadcast_in_dim3A_194], %mul3A_196 : memref<80x64xf32, #tpu.memory_space<vmem>>[vector<16xi32>, vector<16xi32>], vector<16xf32>,
      %broadcast_in_dim3A_197 = arith.constant 3 : i32
      %broadcast_in_dim3A_198 = vector.broadcast %broadcast_in_dim3A_197 : i32 to vector<16xi32>
      %gather3A_199 = tpu.vector_load_idx %arg11[%add3A_182, %broadcast_in_dim3A_198] : memref<80x64xf32, #tpu.memory_space<vmem>>[vector<16xi32>, vector<16xi32>], vector<16xf32>,
      %mul3A_200 = arith.mulf %gather3A_199, %gather3A : vector<16xf32>
      tpu.vector_store_idx %arg15[%add3A_182, %broadcast_in_dim3A_198], %mul3A_200 : memref<80x64xf32, #tpu.memory_space<vmem>>[vector<16xi32>, vector<16xi32>], vector<16xf32>,
      %broadcast_in_dim3A_201 = arith.constant 4 : i32
      %broadcast_in_dim3A_202 = vector.broadcast %broadcast_in_dim3A_201 : i32 to vector<16xi32>
      %gather3A_203 = tpu.vector_load_idx %arg11[%add3A_182, %broadcast_in_dim3A_202] : memref<80x64xf32, #tpu.memory_space<vmem>>[vector<16xi32>, vector<16xi32>], vector<16xf32>,
      %mul3A_204 = arith.mulf %gather3A_203, %gather3A : vector<16xf32>
      tpu.vector_store_idx %arg15[%add3A_182, %broadcast_in_dim3A_202], %mul3A_204 : memref<80x64xf32, #tpu.memory_space<vmem>>[vector<16xi32>, vector<16xi32>], vector<16xf32>,
      %broadcast_in_dim3A_205 = arith.constant 5 : i32
      %broadcast_in_dim3A_206 = vector.broadcast %broadcast_in_dim3A_205 : i32 to vector<16xi32>
      %gather3A_207 = tpu.vector_load_idx %arg11[%add3A_182, %broadcast_in_dim3A_206] : memref<80x64xf32, #tpu.memory_space<vmem>>[vector<16xi32>, vector<16xi32>], vector<16xf32>,
      %mul3A_208 = arith.mulf %gather3A_207, %gather3A : vector<16xf32>
      tpu.vector_store_idx %arg15[%add3A_182, %broadcast_in_dim3A_206], %mul3A_208 : memref<80x64xf32, #tpu.memory_space<vmem>>[vector<16xi32>, vector<16xi32>], vector<16xf32>,
      %broadcast_in_dim3A_209 = arith.constant 6 : i32
      %broadcast_in_dim3A_210 = vector.broadcast %broadcast_in_dim3A_209 : i32 to vector<16xi32>
      %gather3A_211 = tpu.vector_load_idx %arg11[%add3A_182, %broadcast_in_dim3A_210] : memref<80x64xf32, #tpu.memory_space<vmem>>[vector<16xi32>, vector<16xi32>], vector<16xf32>,
      %mul3A_212 = arith.mulf %gather3A_211, %gather3A : vector<16xf32>
      tpu.vector_store_idx %arg15[%add3A_182, %broadcast_in_dim3A_210], %mul3A_212 : memref<80x64xf32, #tpu.memory_space<vmem>>[vector<16xi32>, vector<16xi32>], vector<16xf32>,
      %broadcast_in_dim3A_213 = arith.constant 7 : i32
      %broadcast_in_dim3A_214 = vector.broadcast %broadcast_in_dim3A_213 : i32 to vector<16xi32>
      %gather3A_215 = tpu.vector_load_idx %arg11[%add3A_182, %broadcast_in_dim3A_214] : memref<80x64xf32, #tpu.memory_space<vmem>>[vector<16xi32>, vector<16xi32>], vector<16xf32>,
      %mul3A_216 = arith.mulf %gather3A_215, %gather3A : vector<16xf32>
      tpu.vector_store_idx %arg15[%add3A_182, %broadcast_in_dim3A_214], %mul3A_216 : memref<80x64xf32, #tpu.memory_space<vmem>>[vector<16xi32>, vector<16xi32>], vector<16xf32>,
      %broadcast_in_dim3A_217 = arith.constant 8 : i32
      %broadcast_in_dim3A_218 = vector.broadcast %broadcast_in_dim3A_217 : i32 to vector<16xi32>
      %gather3A_219 = tpu.vector_load_idx %arg11[%add3A_182, %broadcast_in_dim3A_218] : memref<80x64xf32, #tpu.memory_space<vmem>>[vector<16xi32>, vector<16xi32>], vector<16xf32>,
      %mul3A_220 = arith.mulf %gather3A_219, %gather3A : vector<16xf32>
      tpu.vector_store_idx %arg15[%add3A_182, %broadcast_in_dim3A_218], %mul3A_220 : memref<80x64xf32, #tpu.memory_space<vmem>>[vector<16xi32>, vector<16xi32>], vector<16xf32>,
      %broadcast_in_dim3A_221 = arith.constant 9 : i32
      %broadcast_in_dim3A_222 = vector.broadcast %broadcast_in_dim3A_221 : i32 to vector<16xi32>
      %gather3A_223 = tpu.vector_load_idx %arg11[%add3A_182, %broadcast_in_dim3A_222] : memref<80x64xf32, #tpu.memory_space<vmem>>[vector<16xi32>, vector<16xi32>], vector<16xf32>,
      %mul3A_224 = arith.mulf %gather3A_223, %gather3A : vector<16xf32>
      tpu.vector_store_idx %arg15[%add3A_182, %broadcast_in_dim3A_222], %mul3A_224 : memref<80x64xf32, #tpu.memory_space<vmem>>[vector<16xi32>, vector<16xi32>], vector<16xf32>,
      %broadcast_in_dim3A_225 = arith.constant 10 : i32
      %broadcast_in_dim3A_226 = vector.broadcast %broadcast_in_dim3A_225 : i32 to vector<16xi32>
      %gather3A_227 = tpu.vector_load_idx %arg11[%add3A_182, %broadcast_in_dim3A_226] : memref<80x64xf32, #tpu.memory_space<vmem>>[vector<16xi32>, vector<16xi32>], vector<16xf32>,
      %mul3A_228 = arith.mulf %gather3A_227, %gather3A : vector<16xf32>
      tpu.vector_store_idx %arg15[%add3A_182, %broadcast_in_dim3A_226], %mul3A_228 : memref<80x64xf32, #tpu.memory_space<vmem>>[vector<16xi32>, vector<16xi32>], vector<16xf32>,
      %broadcast_in_dim3A_229 = arith.constant 11 : i32
      %broadcast_in_dim3A_230 = vector.broadcast %broadcast_in_dim3A_229 : i32 to vector<16xi32>
      %gather3A_231 = tpu.vector_load_idx %arg11[%add3A_182, %broadcast_in_dim3A_230] : memref<80x64xf32, #tpu.memory_space<vmem>>[vector<16xi32>, vector<16xi32>], vector<16xf32>,
      %mul3A_232 = arith.mulf %gather3A_231, %gather3A : vector<16xf32>
      tpu.vector_store_idx %arg15[%add3A_182, %broadcast_in_dim3A_230], %mul3A_232 : memref<80x64xf32, #tpu.memory_space<vmem>>[vector<16xi32>, vector<16xi32>], vector<16xf32>,
      %broadcast_in_dim3A_233 = arith.constant 12 : i32
      %broadcast_in_dim3A_234 = vector.broadcast %broadcast_in_dim3A_233 : i32 to vector<16xi32>
      %gather3A_235 = tpu.vector_load_idx %arg11[%add3A_182, %broadcast_in_dim3A_234] : memref<80x64xf32, #tpu.memory_space<vmem>>[vector<16xi32>, vector<16xi32>], vector<16xf32>,
      %mul3A_236 = arith.mulf %gather3A_235, %gather3A : vector<16xf32>
      tpu.vector_store_idx %arg15[%add3A_182, %broadcast_in_dim3A_234], %mul3A_236 : memref<80x64xf32, #tpu.memory_space<vmem>>[vector<16xi32>, vector<16xi32>], vector<16xf32>,
      %broadcast_in_dim3A_237 = arith.constant 13 : i32
      %broadcast_in_dim3A_238 = vector.broadcast %broadcast_in_dim3A_237 : i32 to vector<16xi32>
      %gather3A_239 = tpu.vector_load_idx %arg11[%add3A_182, %broadcast_in_dim3A_238] : memref<80x64xf32, #tpu.memory_space<vmem>>[vector<16xi32>, vector<16xi32>], vector<16xf32>,
      %mul3A_240 = arith.mulf %gather3A_239, %gather3A : vector<16xf32>
      tpu.vector_store_idx %arg15[%add3A_182, %broadcast_in_dim3A_238], %mul3A_240 : memref<80x64xf32, #tpu.memory_space<vmem>>[vector<16xi32>, vector<16xi32>], vector<16xf32>,
      %broadcast_in_dim3A_241 = arith.constant 14 : i32
      %broadcast_in_dim3A_242 = vector.broadcast %broadcast_in_dim3A_241 : i32 to vector<16xi32>
      %gather3A_243 = tpu.vector_load_idx %arg11[%add3A_182, %broadcast_in_dim3A_242] : memref<80x64xf32, #tpu.memory_space<vmem>>[vector<16xi32>, vector<16xi32>], vector<16xf32>,
      %mul3A_244 = arith.mulf %gather3A_243, %gather3A : vector<16xf32>
      tpu.vector_store_idx %arg15[%add3A_182, %broadcast_in_dim3A_242], %mul3A_244 : memref<80x64xf32, #tpu.memory_space<vmem>>[vector<16xi32>, vector<16xi32>], vector<16xf32>,
      %broadcast_in_dim3A_245 = arith.constant 15 : i32
      %broadcast_in_dim3A_246 = vector.broadcast %broadcast_in_dim3A_245 : i32 to vector<16xi32>
      %gather3A_247 = tpu.vector_load_idx %arg11[%add3A_182, %broadcast_in_dim3A_246] : memref<80x64xf32, #tpu.memory_space<vmem>>[vector<16xi32>, vector<16xi32>], vector<16xf32>,
      %mul3A_248 = arith.mulf %gather3A_247, %gather3A : vector<16xf32>
      tpu.vector_store_idx %arg15[%add3A_182, %broadcast_in_dim3A_246], %mul3A_248 : memref<80x64xf32, #tpu.memory_space<vmem>>[vector<16xi32>, vector<16xi32>], vector<16xf32>,
      %broadcast_in_dim3A_249 = arith.constant 16 : i32
      %broadcast_in_dim3A_250 = vector.broadcast %broadcast_in_dim3A_249 : i32 to vector<16xi32>
      %gather3A_251 = tpu.vector_load_idx %arg11[%add3A_182, %broadcast_in_dim3A_250] : memref<80x64xf32, #tpu.memory_space<vmem>>[vector<16xi32>, vector<16xi32>], vector<16xf32>,
      %mul3A_252 = arith.mulf %gather3A_251, %gather3A : vector<16xf32>
      tpu.vector_store_idx %arg15[%add3A_182, %broadcast_in_dim3A_250], %mul3A_252 : memref<80x64xf32, #tpu.memory_space<vmem>>[vector<16xi32>, vector<16xi32>], vector<16xf32>,
      %broadcast_in_dim3A_253 = arith.constant 17 : i32
      %broadcast_in_dim3A_254 = vector.broadcast %broadcast_in_dim3A_253 : i32 to vector<16xi32>
      %gather3A_255 = tpu.vector_load_idx %arg11[%add3A_182, %broadcast_in_dim3A_254] : memref<80x64xf32, #tpu.memory_space<vmem>>[vector<16xi32>, vector<16xi32>], vector<16xf32>,
      %mul3A_256 = arith.mulf %gather3A_255, %gather3A : vector<16xf32>
      tpu.vector_store_idx %arg15[%add3A_182, %broadcast_in_dim3A_254], %mul3A_256 : memref<80x64xf32, #tpu.memory_space<vmem>>[vector<16xi32>, vector<16xi32>], vector<16xf32>,
      %broadcast_in_dim3A_257 = arith.constant 18 : i32
      %broadcast_in_dim3A_258 = vector.broadcast %broadcast_in_dim3A_257 : i32 to vector<16xi32>
      %gather3A_259 = tpu.vector_load_idx %arg11[%add3A_182, %broadcast_in_dim3A_258] : memref<80x64xf32, #tpu.memory_space<vmem>>[vector<16xi32>, vector<16xi32>], vector<16xf32>,
      %mul3A_260 = arith.mulf %gather3A_259, %gather3A : vector<16xf32>
      tpu.vector_store_idx %arg15[%add3A_182, %broadcast_in_dim3A_258], %mul3A_260 : memref<80x64xf32, #tpu.memory_space<vmem>>[vector<16xi32>, vector<16xi32>], vector<16xf32>,
      %broadcast_in_dim3A_261 = arith.constant 19 : i32
      %broadcast_in_dim3A_262 = vector.broadcast %broadcast_in_dim3A_261 : i32 to vector<16xi32>
      %gather3A_263 = tpu.vector_load_idx %arg11[%add3A_182, %broadcast_in_dim3A_262] : memref<80x64xf32, #tpu.memory_space<vmem>>[vector<16xi32>, vector<16xi32>], vector<16xf32>,
      %mul3A_264 = arith.mulf %gather3A_263, %gather3A : vector<16xf32>
      tpu.vector_store_idx %arg15[%add3A_182, %broadcast_in_dim3A_262], %mul3A_264 : memref<80x64xf32, #tpu.memory_space<vmem>>[vector<16xi32>, vector<16xi32>], vector<16xf32>,
      %broadcast_in_dim3A_265 = arith.constant 20 : i32
      %broadcast_in_dim3A_266 = vector.broadcast %broadcast_in_dim3A_265 : i32 to vector<16xi32>
      %gather3A_267 = tpu.vector_load_idx %arg11[%add3A_182, %broadcast_in_dim3A_266] : memref<80x64xf32, #tpu.memory_space<vmem>>[vector<16xi32>, vector<16xi32>], vector<16xf32>,
      %mul3A_268 = arith.mulf %gather3A_267, %gather3A : vector<16xf32>
      tpu.vector_store_idx %arg15[%add3A_182, %broadcast_in_dim3A_266], %mul3A_268 : memref<80x64xf32, #tpu.memory_space<vmem>>[vector<16xi32>, vector<16xi32>], vector<16xf32>,
      %broadcast_in_dim3A_269 = arith.constant 21 : i32
      %broadcast_in_dim3A_270 = vector.broadcast %broadcast_in_dim3A_269 : i32 to vector<16xi32>
      %gather3A_271 = tpu.vector_load_idx %arg11[%add3A_182, %broadcast_in_dim3A_270] : memref<80x64xf32, #tpu.memory_space<vmem>>[vector<16xi32>, vector<16xi32>], vector<16xf32>,
      %mul3A_272 = arith.mulf %gather3A_271, %gather3A : vector<16xf32>
      tpu.vector_store_idx %arg15[%add3A_182, %broadcast_in_dim3A_270], %mul3A_272 : memref<80x64xf32, #tpu.memory_space<vmem>>[vector<16xi32>, vector<16xi32>], vector<16xf32>,
      %broadcast_in_dim3A_273 = arith.constant 22 : i32
      %broadcast_in_dim3A_274 = vector.broadcast %broadcast_in_dim3A_273 : i32 to vector<16xi32>
      %gather3A_275 = tpu.vector_load_idx %arg11[%add3A_182, %broadcast_in_dim3A_274] : memref<80x64xf32, #tpu.memory_space<vmem>>[vector<16xi32>, vector<16xi32>], vector<16xf32>,
      %mul3A_276 = arith.mulf %gather3A_275, %gather3A : vector<16xf32>
      tpu.vector_store_idx %arg15[%add3A_182, %broadcast_in_dim3A_274], %mul3A_276 : memref<80x64xf32, #tpu.memory_space<vmem>>[vector<16xi32>, vector<16xi32>], vector<16xf32>,
      %broadcast_in_dim3A_277 = arith.constant 23 : i32
      %broadcast_in_dim3A_278 = vector.broadcast %broadcast_in_dim3A_277 : i32 to vector<16xi32>
      %gather3A_279 = tpu.vector_load_idx %arg11[%add3A_182, %broadcast_in_dim3A_278] : memref<80x64xf32, #tpu.memory_space<vmem>>[vector<16xi32>, vector<16xi32>], vector<16xf32>,
      %mul3A_280 = arith.mulf %gather3A_279, %gather3A : vector<16xf32>
      tpu.vector_store_idx %arg15[%add3A_182, %broadcast_in_dim3A_278], %mul3A_280 : memref<80x64xf32, #tpu.memory_space<vmem>>[vector<16xi32>, vector<16xi32>], vector<16xf32>,
      %broadcast_in_dim3A_281 = arith.constant 24 : i32
      %broadcast_in_dim3A_282 = vector.broadcast %broadcast_in_dim3A_281 : i32 to vector<16xi32>
      %gather3A_283 = tpu.vector_load_idx %arg11[%add3A_182, %broadcast_in_dim3A_282] : memref<80x64xf32, #tpu.memory_space<vmem>>[vector<16xi32>, vector<16xi32>], vector<16xf32>,
      %mul3A_284 = arith.mulf %gather3A_283, %gather3A : vector<16xf32>
      tpu.vector_store_idx %arg15[%add3A_182, %broadcast_in_dim3A_282], %mul3A_284 : memref<80x64xf32, #tpu.memory_space<vmem>>[vector<16xi32>, vector<16xi32>], vector<16xf32>,
      %broadcast_in_dim3A_285 = arith.constant 25 : i32
      %broadcast_in_dim3A_286 = vector.broadcast %broadcast_in_dim3A_285 : i32 to vector<16xi32>
      %gather3A_287 = tpu.vector_load_idx %arg11[%add3A_182, %broadcast_in_dim3A_286] : memref<80x64xf32, #tpu.memory_space<vmem>>[vector<16xi32>, vector<16xi32>], vector<16xf32>,
      %mul3A_288 = arith.mulf %gather3A_287, %gather3A : vector<16xf32>
      tpu.vector_store_idx %arg15[%add3A_182, %broadcast_in_dim3A_286], %mul3A_288 : memref<80x64xf32, #tpu.memory_space<vmem>>[vector<16xi32>, vector<16xi32>], vector<16xf32>,
      %broadcast_in_dim3A_289 = arith.constant 26 : i32
      %broadcast_in_dim3A_290 = vector.broadcast %broadcast_in_dim3A_289 : i32 to vector<16xi32>
      %gather3A_291 = tpu.vector_load_idx %arg11[%add3A_182, %broadcast_in_dim3A_290] : memref<80x64xf32, #tpu.memory_space<vmem>>[vector<16xi32>, vector<16xi32>], vector<16xf32>,
      %mul3A_292 = arith.mulf %gather3A_291, %gather3A : vector<16xf32>
      tpu.vector_store_idx %arg15[%add3A_182, %broadcast_in_dim3A_290], %mul3A_292 : memref<80x64xf32, #tpu.memory_space<vmem>>[vector<16xi32>, vector<16xi32>], vector<16xf32>,
      %broadcast_in_dim3A_293 = arith.constant 27 : i32
      %broadcast_in_dim3A_294 = vector.broadcast %broadcast_in_dim3A_293 : i32 to vector<16xi32>
      %gather3A_295 = tpu.vector_load_idx %arg11[%add3A_182, %broadcast_in_dim3A_294] : memref<80x64xf32, #tpu.memory_space<vmem>>[vector<16xi32>, vector<16xi32>], vector<16xf32>,
      %mul3A_296 = arith.mulf %gather3A_295, %gather3A : vector<16xf32>
      tpu.vector_store_idx %arg15[%add3A_182, %broadcast_in_dim3A_294], %mul3A_296 : memref<80x64xf32, #tpu.memory_space<vmem>>[vector<16xi32>, vector<16xi32>], vector<16xf32>,
      %broadcast_in_dim3A_297 = arith.constant 28 : i32
      %broadcast_in_dim3A_298 = vector.broadcast %broadcast_in_dim3A_297 : i32 to vector<16xi32>
      %gather3A_299 = tpu.vector_load_idx %arg11[%add3A_182, %broadcast_in_dim3A_298] : memref<80x64xf32, #tpu.memory_space<vmem>>[vector<16xi32>, vector<16xi32>], vector<16xf32>,
      %mul3A_300 = arith.mulf %gather3A_299, %gather3A : vector<16xf32>
      tpu.vector_store_idx %arg15[%add3A_182, %broadcast_in_dim3A_298], %mul3A_300 : memref<80x64xf32, #tpu.memory_space<vmem>>[vector<16xi32>, vector<16xi32>], vector<16xf32>,
      %broadcast_in_dim3A_301 = arith.constant 29 : i32
      %broadcast_in_dim3A_302 = vector.broadcast %broadcast_in_dim3A_301 : i32 to vector<16xi32>
      %gather3A_303 = tpu.vector_load_idx %arg11[%add3A_182, %broadcast_in_dim3A_302] : memref<80x64xf32, #tpu.memory_space<vmem>>[vector<16xi32>, vector<16xi32>], vector<16xf32>,
      %mul3A_304 = arith.mulf %gather3A_303, %gather3A : vector<16xf32>
      tpu.vector_store_idx %arg15[%add3A_182, %broadcast_in_dim3A_302], %mul3A_304 : memref<80x64xf32, #tpu.memory_space<vmem>>[vector<16xi32>, vector<16xi32>], vector<16xf32>,
      %broadcast_in_dim3A_305 = arith.constant 30 : i32
      %broadcast_in_dim3A_306 = vector.broadcast %broadcast_in_dim3A_305 : i32 to vector<16xi32>
      %gather3A_307 = tpu.vector_load_idx %arg11[%add3A_182, %broadcast_in_dim3A_306] : memref<80x64xf32, #tpu.memory_space<vmem>>[vector<16xi32>, vector<16xi32>], vector<16xf32>,
      %mul3A_308 = arith.mulf %gather3A_307, %gather3A : vector<16xf32>
      tpu.vector_store_idx %arg15[%add3A_182, %broadcast_in_dim3A_306], %mul3A_308 : memref<80x64xf32, #tpu.memory_space<vmem>>[vector<16xi32>, vector<16xi32>], vector<16xf32>,
      %broadcast_in_dim3A_309 = arith.constant 31 : i32
      %broadcast_in_dim3A_310 = vector.broadcast %broadcast_in_dim3A_309 : i32 to vector<16xi32>
      %gather3A_311 = tpu.vector_load_idx %arg11[%add3A_182, %broadcast_in_dim3A_310] : memref<80x64xf32, #tpu.memory_space<vmem>>[vector<16xi32>, vector<16xi32>], vector<16xf32>,
      %mul3A_312 = arith.mulf %gather3A_311, %gather3A : vector<16xf32>
      tpu.vector_store_idx %arg15[%add3A_182, %broadcast_in_dim3A_310], %mul3A_312 : memref<80x64xf32, #tpu.memory_space<vmem>>[vector<16xi32>, vector<16xi32>], vector<16xf32>,
      %broadcast_in_dim3A_313 = arith.constant 1 : i32
      %broadcast_in_dim3A_314 = vector.broadcast %broadcast_in_dim3A_313 : i32 to vector<16xi32>
      %gather3A_315 = tpu.vector_load_idx %arg12[%add3A_182, %broadcast_in_dim3A_314] : memref<80x16xf32, #tpu.memory_space<vmem>>[vector<16xi32>, vector<16xi32>], vector<16xf32>,
      %broadcast_in_dim3A_316 = arith.constant 32 : i32
      %broadcast_in_dim3A_317 = vector.broadcast %broadcast_in_dim3A_316 : i32 to vector<16xi32>
      %gather3A_318 = tpu.vector_load_idx %arg11[%add3A_182, %broadcast_in_dim3A_317] : memref<80x64xf32, #tpu.memory_space<vmem>>[vector<16xi32>, vector<16xi32>], vector<16xf32>,
      %mul3A_319 = arith.mulf %gather3A_318, %gather3A_315 : vector<16xf32>
      tpu.vector_store_idx %arg15[%add3A_182, %broadcast_in_dim3A_317], %mul3A_319 : memref<80x64xf32, #tpu.memory_space<vmem>>[vector<16xi32>, vector<16xi32>], vector<16xf32>,
      %broadcast_in_dim3A_320 = arith.constant 33 : i32
      %broadcast_in_dim3A_321 = vector.broadcast %broadcast_in_dim3A_320 : i32 to vector<16xi32>
      %gather3A_322 = tpu.vector_load_idx %arg11[%add3A_182, %broadcast_in_dim3A_321] : memref<80x64xf32, #tpu.memory_space<vmem>>[vector<16xi32>, vector<16xi32>], vector<16xf32>,
      %mul3A_323 = arith.mulf %gather3A_322, %gather3A_315 : vector<16xf32>
      tpu.vector_store_idx %arg15[%add3A_182, %broadcast_in_dim3A_321], %mul3A_323 : memref<80x64xf32, #tpu.memory_space<vmem>>[vector<16xi32>, vector<16xi32>], vector<16xf32>,
      %broadcast_in_dim3A_324 = arith.constant 34 : i32
      %broadcast_in_dim3A_325 = vector.broadcast %broadcast_in_dim3A_324 : i32 to vector<16xi32>
      %gather3A_326 = tpu.vector_load_idx %arg11[%add3A_182, %broadcast_in_dim3A_325] : memref<80x64xf32, #tpu.memory_space<vmem>>[vector<16xi32>, vector<16xi32>], vector<16xf32>,
      %mul3A_327 = arith.mulf %gather3A_326, %gather3A_315 : vector<16xf32>
      tpu.vector_store_idx %arg15[%add3A_182, %broadcast_in_dim3A_325], %mul3A_327 : memref<80x64xf32, #tpu.memory_space<vmem>>[vector<16xi32>, vector<16xi32>], vector<16xf32>,
      %broadcast_in_dim3A_328 = arith.constant 35 : i32
      %broadcast_in_dim3A_329 = vector.broadcast %broadcast_in_dim3A_328 : i32 to vector<16xi32>
      %gather3A_330 = tpu.vector_load_idx %arg11[%add3A_182, %broadcast_in_dim3A_329] : memref<80x64xf32, #tpu.memory_space<vmem>>[vector<16xi32>, vector<16xi32>], vector<16xf32>,
      %mul3A_331 = arith.mulf %gather3A_330, %gather3A_315 : vector<16xf32>
      tpu.vector_store_idx %arg15[%add3A_182, %broadcast_in_dim3A_329], %mul3A_331 : memref<80x64xf32, #tpu.memory_space<vmem>>[vector<16xi32>, vector<16xi32>], vector<16xf32>,
      %broadcast_in_dim3A_332 = arith.constant 36 : i32
      %broadcast_in_dim3A_333 = vector.broadcast %broadcast_in_dim3A_332 : i32 to vector<16xi32>
      %gather3A_334 = tpu.vector_load_idx %arg11[%add3A_182, %broadcast_in_dim3A_333] : memref<80x64xf32, #tpu.memory_space<vmem>>[vector<16xi32>, vector<16xi32>], vector<16xf32>,
      %mul3A_335 = arith.mulf %gather3A_334, %gather3A_315 : vector<16xf32>
      tpu.vector_store_idx %arg15[%add3A_182, %broadcast_in_dim3A_333], %mul3A_335 : memref<80x64xf32, #tpu.memory_space<vmem>>[vector<16xi32>, vector<16xi32>], vector<16xf32>,
      %broadcast_in_dim3A_336 = arith.constant 37 : i32
      %broadcast_in_dim3A_337 = vector.broadcast %broadcast_in_dim3A_336 : i32 to vector<16xi32>
      %gather3A_338 = tpu.vector_load_idx %arg11[%add3A_182, %broadcast_in_dim3A_337] : memref<80x64xf32, #tpu.memory_space<vmem>>[vector<16xi32>, vector<16xi32>], vector<16xf32>,
      %mul3A_339 = arith.mulf %gather3A_338, %gather3A_315 : vector<16xf32>
      tpu.vector_store_idx %arg15[%add3A_182, %broadcast_in_dim3A_337], %mul3A_339 : memref<80x64xf32, #tpu.memory_space<vmem>>[vector<16xi32>, vector<16xi32>], vector<16xf32>,
      %broadcast_in_dim3A_340 = arith.constant 38 : i32
      %broadcast_in_dim3A_341 = vector.broadcast %broadcast_in_dim3A_340 : i32 to vector<16xi32>
      %gather3A_342 = tpu.vector_load_idx %arg11[%add3A_182, %broadcast_in_dim3A_341] : memref<80x64xf32, #tpu.memory_space<vmem>>[vector<16xi32>, vector<16xi32>], vector<16xf32>,
      %mul3A_343 = arith.mulf %gather3A_342, %gather3A_315 : vector<16xf32>
      tpu.vector_store_idx %arg15[%add3A_182, %broadcast_in_dim3A_341], %mul3A_343 : memref<80x64xf32, #tpu.memory_space<vmem>>[vector<16xi32>, vector<16xi32>], vector<16xf32>,
      %broadcast_in_dim3A_344 = arith.constant 39 : i32
      %broadcast_in_dim3A_345 = vector.broadcast %broadcast_in_dim3A_344 : i32 to vector<16xi32>
      %gather3A_346 = tpu.vector_load_idx %arg11[%add3A_182, %broadcast_in_dim3A_345] : memref<80x64xf32, #tpu.memory_space<vmem>>[vector<16xi32>, vector<16xi32>], vector<16xf32>,
      %mul3A_347 = arith.mulf %gather3A_346, %gather3A_315 : vector<16xf32>
      tpu.vector_store_idx %arg15[%add3A_182, %broadcast_in_dim3A_345], %mul3A_347 : memref<80x64xf32, #tpu.memory_space<vmem>>[vector<16xi32>, vector<16xi32>], vector<16xf32>,
      %broadcast_in_dim3A_348 = arith.constant 40 : i32
      %broadcast_in_dim3A_349 = vector.broadcast %broadcast_in_dim3A_348 : i32 to vector<16xi32>
      %gather3A_350 = tpu.vector_load_idx %arg11[%add3A_182, %broadcast_in_dim3A_349] : memref<80x64xf32, #tpu.memory_space<vmem>>[vector<16xi32>, vector<16xi32>], vector<16xf32>,
      %mul3A_351 = arith.mulf %gather3A_350, %gather3A_315 : vector<16xf32>
      tpu.vector_store_idx %arg15[%add3A_182, %broadcast_in_dim3A_349], %mul3A_351 : memref<80x64xf32, #tpu.memory_space<vmem>>[vector<16xi32>, vector<16xi32>], vector<16xf32>,
      %broadcast_in_dim3A_352 = arith.constant 41 : i32
      %broadcast_in_dim3A_353 = vector.broadcast %broadcast_in_dim3A_352 : i32 to vector<16xi32>
      %gather3A_354 = tpu.vector_load_idx %arg11[%add3A_182, %broadcast_in_dim3A_353] : memref<80x64xf32, #tpu.memory_space<vmem>>[vector<16xi32>, vector<16xi32>], vector<16xf32>,
      %mul3A_355 = arith.mulf %gather3A_354, %gather3A_315 : vector<16xf32>
      tpu.vector_store_idx %arg15[%add3A_182, %broadcast_in_dim3A_353], %mul3A_355 : memref<80x64xf32, #tpu.memory_space<vmem>>[vector<16xi32>, vector<16xi32>], vector<16xf32>,
      %broadcast_in_dim3A_356 = arith.constant 42 : i32
      %broadcast_in_dim3A_357 = vector.broadcast %broadcast_in_dim3A_356 : i32 to vector<16xi32>
      %gather3A_358 = tpu.vector_load_idx %arg11[%add3A_182, %broadcast_in_dim3A_357] : memref<80x64xf32, #tpu.memory_space<vmem>>[vector<16xi32>, vector<16xi32>], vector<16xf32>,
      %mul3A_359 = arith.mulf %gather3A_358, %gather3A_315 : vector<16xf32>
      tpu.vector_store_idx %arg15[%add3A_182, %broadcast_in_dim3A_357], %mul3A_359 : memref<80x64xf32, #tpu.memory_space<vmem>>[vector<16xi32>, vector<16xi32>], vector<16xf32>,
      %broadcast_in_dim3A_360 = arith.constant 43 : i32
      %broadcast_in_dim3A_361 = vector.broadcast %broadcast_in_dim3A_360 : i32 to vector<16xi32>
      %gather3A_362 = tpu.vector_load_idx %arg11[%add3A_182, %broadcast_in_dim3A_361] : memref<80x64xf32, #tpu.memory_space<vmem>>[vector<16xi32>, vector<16xi32>], vector<16xf32>,
      %mul3A_363 = arith.mulf %gather3A_362, %gather3A_315 : vector<16xf32>
      tpu.vector_store_idx %arg15[%add3A_182, %broadcast_in_dim3A_361], %mul3A_363 : memref<80x64xf32, #tpu.memory_space<vmem>>[vector<16xi32>, vector<16xi32>], vector<16xf32>,
      %broadcast_in_dim3A_364 = arith.constant 44 : i32
      %broadcast_in_dim3A_365 = vector.broadcast %broadcast_in_dim3A_364 : i32 to vector<16xi32>
      %gather3A_366 = tpu.vector_load_idx %arg11[%add3A_182, %broadcast_in_dim3A_365] : memref<80x64xf32, #tpu.memory_space<vmem>>[vector<16xi32>, vector<16xi32>], vector<16xf32>,
      %mul3A_367 = arith.mulf %gather3A_366, %gather3A_315 : vector<16xf32>
      tpu.vector_store_idx %arg15[%add3A_182, %broadcast_in_dim3A_365], %mul3A_367 : memref<80x64xf32, #tpu.memory_space<vmem>>[vector<16xi32>, vector<16xi32>], vector<16xf32>,
      %broadcast_in_dim3A_368 = arith.constant 45 : i32
      %broadcast_in_dim3A_369 = vector.broadcast %broadcast_in_dim3A_368 : i32 to vector<16xi32>
      %gather3A_370 = tpu.vector_load_idx %arg11[%add3A_182, %broadcast_in_dim3A_369] : memref<80x64xf32, #tpu.memory_space<vmem>>[vector<16xi32>, vector<16xi32>], vector<16xf32>,
      %mul3A_371 = arith.mulf %gather3A_370, %gather3A_315 : vector<16xf32>
      tpu.vector_store_idx %arg15[%add3A_182, %broadcast_in_dim3A_369], %mul3A_371 : memref<80x64xf32, #tpu.memory_space<vmem>>[vector<16xi32>, vector<16xi32>], vector<16xf32>,
      %broadcast_in_dim3A_372 = arith.constant 46 : i32
      %broadcast_in_dim3A_373 = vector.broadcast %broadcast_in_dim3A_372 : i32 to vector<16xi32>
      %gather3A_374 = tpu.vector_load_idx %arg11[%add3A_182, %broadcast_in_dim3A_373] : memref<80x64xf32, #tpu.memory_space<vmem>>[vector<16xi32>, vector<16xi32>], vector<16xf32>,
      %mul3A_375 = arith.mulf %gather3A_374, %gather3A_315 : vector<16xf32>
      tpu.vector_store_idx %arg15[%add3A_182, %broadcast_in_dim3A_373], %mul3A_375 : memref<80x64xf32, #tpu.memory_space<vmem>>[vector<16xi32>, vector<16xi32>], vector<16xf32>,
      %broadcast_in_dim3A_376 = arith.constant 47 : i32
      %broadcast_in_dim3A_377 = vector.broadcast %broadcast_in_dim3A_376 : i32 to vector<16xi32>
      %gather3A_378 = tpu.vector_load_idx %arg11[%add3A_182, %broadcast_in_dim3A_377] : memref<80x64xf32, #tpu.memory_space<vmem>>[vector<16xi32>, vector<16xi32>], vector<16xf32>,
      %mul3A_379 = arith.mulf %gather3A_378, %gather3A_315 : vector<16xf32>
      tpu.vector_store_idx %arg15[%add3A_182, %broadcast_in_dim3A_377], %mul3A_379 : memref<80x64xf32, #tpu.memory_space<vmem>>[vector<16xi32>, vector<16xi32>], vector<16xf32>,
      %broadcast_in_dim3A_380 = arith.constant 48 : i32
      %broadcast_in_dim3A_381 = vector.broadcast %broadcast_in_dim3A_380 : i32 to vector<16xi32>
      %gather3A_382 = tpu.vector_load_idx %arg11[%add3A_182, %broadcast_in_dim3A_381] : memref<80x64xf32, #tpu.memory_space<vmem>>[vector<16xi32>, vector<16xi32>], vector<16xf32>,
      %mul3A_383 = arith.mulf %gather3A_382, %gather3A_315 : vector<16xf32>
      tpu.vector_store_idx %arg15[%add3A_182, %broadcast_in_dim3A_381], %mul3A_383 : memref<80x64xf32, #tpu.memory_space<vmem>>[vector<16xi32>, vector<16xi32>], vector<16xf32>,
      %broadcast_in_dim3A_384 = arith.constant 49 : i32
      %broadcast_in_dim3A_385 = vector.broadcast %broadcast_in_dim3A_384 : i32 to vector<16xi32>
      %gather3A_386 = tpu.vector_load_idx %arg11[%add3A_182, %broadcast_in_dim3A_385] : memref<80x64xf32, #tpu.memory_space<vmem>>[vector<16xi32>, vector<16xi32>], vector<16xf32>,
      %mul3A_387 = arith.mulf %gather3A_386, %gather3A_315 : vector<16xf32>
      tpu.vector_store_idx %arg15[%add3A_182, %broadcast_in_dim3A_385], %mul3A_387 : memref<80x64xf32, #tpu.memory_space<vmem>>[vector<16xi32>, vector<16xi32>], vector<16xf32>,
      %broadcast_in_dim3A_388 = arith.constant 50 : i32
      %broadcast_in_dim3A_389 = vector.broadcast %broadcast_in_dim3A_388 : i32 to vector<16xi32>
      %gather3A_390 = tpu.vector_load_idx %arg11[%add3A_182, %broadcast_in_dim3A_389] : memref<80x64xf32, #tpu.memory_space<vmem>>[vector<16xi32>, vector<16xi32>], vector<16xf32>,
      %mul3A_391 = arith.mulf %gather3A_390, %gather3A_315 : vector<16xf32>
      tpu.vector_store_idx %arg15[%add3A_182, %broadcast_in_dim3A_389], %mul3A_391 : memref<80x64xf32, #tpu.memory_space<vmem>>[vector<16xi32>, vector<16xi32>], vector<16xf32>,
      %broadcast_in_dim3A_392 = arith.constant 51 : i32
      %broadcast_in_dim3A_393 = vector.broadcast %broadcast_in_dim3A_392 : i32 to vector<16xi32>
      %gather3A_394 = tpu.vector_load_idx %arg11[%add3A_182, %broadcast_in_dim3A_393] : memref<80x64xf32, #tpu.memory_space<vmem>>[vector<16xi32>, vector<16xi32>], vector<16xf32>,
      %mul3A_395 = arith.mulf %gather3A_394, %gather3A_315 : vector<16xf32>
      tpu.vector_store_idx %arg15[%add3A_182, %broadcast_in_dim3A_393], %mul3A_395 : memref<80x64xf32, #tpu.memory_space<vmem>>[vector<16xi32>, vector<16xi32>], vector<16xf32>,
      %broadcast_in_dim3A_396 = arith.constant 52 : i32
      %broadcast_in_dim3A_397 = vector.broadcast %broadcast_in_dim3A_396 : i32 to vector<16xi32>
      %gather3A_398 = tpu.vector_load_idx %arg11[%add3A_182, %broadcast_in_dim3A_397] : memref<80x64xf32, #tpu.memory_space<vmem>>[vector<16xi32>, vector<16xi32>], vector<16xf32>,
      %mul3A_399 = arith.mulf %gather3A_398, %gather3A_315 : vector<16xf32>
      tpu.vector_store_idx %arg15[%add3A_182, %broadcast_in_dim3A_397], %mul3A_399 : memref<80x64xf32, #tpu.memory_space<vmem>>[vector<16xi32>, vector<16xi32>], vector<16xf32>,
      %broadcast_in_dim3A_400 = arith.constant 53 : i32
      %broadcast_in_dim3A_401 = vector.broadcast %broadcast_in_dim3A_400 : i32 to vector<16xi32>
      %gather3A_402 = tpu.vector_load_idx %arg11[%add3A_182, %broadcast_in_dim3A_401] : memref<80x64xf32, #tpu.memory_space<vmem>>[vector<16xi32>, vector<16xi32>], vector<16xf32>,
      %mul3A_403 = arith.mulf %gather3A_402, %gather3A_315 : vector<16xf32>
      tpu.vector_store_idx %arg15[%add3A_182, %broadcast_in_dim3A_401], %mul3A_403 : memref<80x64xf32, #tpu.memory_space<vmem>>[vector<16xi32>, vector<16xi32>], vector<16xf32>,
      %broadcast_in_dim3A_404 = arith.constant 54 : i32
      %broadcast_in_dim3A_405 = vector.broadcast %broadcast_in_dim3A_404 : i32 to vector<16xi32>
      %gather3A_406 = tpu.vector_load_idx %arg11[%add3A_182, %broadcast_in_dim3A_405] : memref<80x64xf32, #tpu.memory_space<vmem>>[vector<16xi32>, vector<16xi32>], vector<16xf32>,
      %mul3A_407 = arith.mulf %gather3A_406, %gather3A_315 : vector<16xf32>
      tpu.vector_store_idx %arg15[%add3A_182, %broadcast_in_dim3A_405], %mul3A_407 : memref<80x64xf32, #tpu.memory_space<vmem>>[vector<16xi32>, vector<16xi32>], vector<16xf32>,
      %broadcast_in_dim3A_408 = arith.constant 55 : i32
      %broadcast_in_dim3A_409 = vector.broadcast %broadcast_in_dim3A_408 : i32 to vector<16xi32>
      %gather3A_410 = tpu.vector_load_idx %arg11[%add3A_182, %broadcast_in_dim3A_409] : memref<80x64xf32, #tpu.memory_space<vmem>>[vector<16xi32>, vector<16xi32>], vector<16xf32>,
      %mul3A_411 = arith.mulf %gather3A_410, %gather3A_315 : vector<16xf32>
      tpu.vector_store_idx %arg15[%add3A_182, %broadcast_in_dim3A_409], %mul3A_411 : memref<80x64xf32, #tpu.memory_space<vmem>>[vector<16xi32>, vector<16xi32>], vector<16xf32>,
      %broadcast_in_dim3A_412 = arith.constant 56 : i32
      %broadcast_in_dim3A_413 = vector.broadcast %broadcast_in_dim3A_412 : i32 to vector<16xi32>
      %gather3A_414 = tpu.vector_load_idx %arg11[%add3A_182, %broadcast_in_dim3A_413] : memref<80x64xf32, #tpu.memory_space<vmem>>[vector<16xi32>, vector<16xi32>], vector<16xf32>,
      %mul3A_415 = arith.mulf %gather3A_414, %gather3A_315 : vector<16xf32>
      tpu.vector_store_idx %arg15[%add3A_182, %broadcast_in_dim3A_413], %mul3A_415 : memref<80x64xf32, #tpu.memory_space<vmem>>[vector<16xi32>, vector<16xi32>], vector<16xf32>,
      %broadcast_in_dim3A_416 = arith.constant 57 : i32
      %broadcast_in_dim3A_417 = vector.broadcast %broadcast_in_dim3A_416 : i32 to vector<16xi32>
      %gather3A_418 = tpu.vector_load_idx %arg11[%add3A_182, %broadcast_in_dim3A_417] : memref<80x64xf32, #tpu.memory_space<vmem>>[vector<16xi32>, vector<16xi32>], vector<16xf32>,
      %mul3A_419 = arith.mulf %gather3A_418, %gather3A_315 : vector<16xf32>
      tpu.vector_store_idx %arg15[%add3A_182, %broadcast_in_dim3A_417], %mul3A_419 : memref<80x64xf32, #tpu.memory_space<vmem>>[vector<16xi32>, vector<16xi32>], vector<16xf32>,
      %broadcast_in_dim3A_420 = arith.constant 58 : i32
      %broadcast_in_dim3A_421 = vector.broadcast %broadcast_in_dim3A_420 : i32 to vector<16xi32>
      %gather3A_422 = tpu.vector_load_idx %arg11[%add3A_182, %broadcast_in_dim3A_421] : memref<80x64xf32, #tpu.memory_space<vmem>>[vector<16xi32>, vector<16xi32>], vector<16xf32>,
      %mul3A_423 = arith.mulf %gather3A_422, %gather3A_315 : vector<16xf32>
      tpu.vector_store_idx %arg15[%add3A_182, %broadcast_in_dim3A_421], %mul3A_423 : memref<80x64xf32, #tpu.memory_space<vmem>>[vector<16xi32>, vector<16xi32>], vector<16xf32>,
      %broadcast_in_dim3A_424 = arith.constant 59 : i32
      %broadcast_in_dim3A_425 = vector.broadcast %broadcast_in_dim3A_424 : i32 to vector<16xi32>
      %gather3A_426 = tpu.vector_load_idx %arg11[%add3A_182, %broadcast_in_dim3A_425] : memref<80x64xf32, #tpu.memory_space<vmem>>[vector<16xi32>, vector<16xi32>], vector<16xf32>,
      %mul3A_427 = arith.mulf %gather3A_426, %gather3A_315 : vector<16xf32>
      tpu.vector_store_idx %arg15[%add3A_182, %broadcast_in_dim3A_425], %mul3A_427 : memref<80x64xf32, #tpu.memory_space<vmem>>[vector<16xi32>, vector<16xi32>], vector<16xf32>,
      %broadcast_in_dim3A_428 = arith.constant 60 : i32
      %broadcast_in_dim3A_429 = vector.broadcast %broadcast_in_dim3A_428 : i32 to vector<16xi32>
      %gather3A_430 = tpu.vector_load_idx %arg11[%add3A_182, %broadcast_in_dim3A_429] : memref<80x64xf32, #tpu.memory_space<vmem>>[vector<16xi32>, vector<16xi32>], vector<16xf32>,
      %mul3A_431 = arith.mulf %gather3A_430, %gather3A_315 : vector<16xf32>
      tpu.vector_store_idx %arg15[%add3A_182, %broadcast_in_dim3A_429], %mul3A_431 : memref<80x64xf32, #tpu.memory_space<vmem>>[vector<16xi32>, vector<16xi32>], vector<16xf32>,
      %broadcast_in_dim3A_432 = arith.constant 61 : i32
      %broadcast_in_dim3A_433 = vector.broadcast %broadcast_in_dim3A_432 : i32 to vector<16xi32>
      %gather3A_434 = tpu.vector_load_idx %arg11[%add3A_182, %broadcast_in_dim3A_433] : memref<80x64xf32, #tpu.memory_space<vmem>>[vector<16xi32>, vector<16xi32>], vector<16xf32>,
      %mul3A_435 = arith.mulf %gather3A_434, %gather3A_315 : vector<16xf32>
      tpu.vector_store_idx %arg15[%add3A_182, %broadcast_in_dim3A_433], %mul3A_435 : memref<80x64xf32, #tpu.memory_space<vmem>>[vector<16xi32>, vector<16xi32>], vector<16xf32>,
      %broadcast_in_dim3A_436 = arith.constant 62 : i32
      %broadcast_in_dim3A_437 = vector.broadcast %broadcast_in_dim3A_436 : i32 to vector<16xi32>
      %gather3A_438 = tpu.vector_load_idx %arg11[%add3A_182, %broadcast_in_dim3A_437] : memref<80x64xf32, #tpu.memory_space<vmem>>[vector<16xi32>, vector<16xi32>], vector<16xf32>,
      %mul3A_439 = arith.mulf %gather3A_438, %gather3A_315 : vector<16xf32>
      tpu.vector_store_idx %arg15[%add3A_182, %broadcast_in_dim3A_437], %mul3A_439 : memref<80x64xf32, #tpu.memory_space<vmem>>[vector<16xi32>, vector<16xi32>], vector<16xf32>,
      %broadcast_in_dim3A_440 = arith.constant 63 : i32
      %broadcast_in_dim3A_441 = vector.broadcast %broadcast_in_dim3A_440 : i32 to vector<16xi32>
      %gather3A_442 = tpu.vector_load_idx %arg11[%add3A_182, %broadcast_in_dim3A_441] : memref<80x64xf32, #tpu.memory_space<vmem>>[vector<16xi32>, vector<16xi32>], vector<16xf32>,
      %mul3A_443 = arith.mulf %gather3A_442, %gather3A_315 : vector<16xf32>
      tpu.vector_store_idx %arg15[%add3A_182, %broadcast_in_dim3A_441], %mul3A_443 : memref<80x64xf32, #tpu.memory_space<vmem>>[vector<16xi32>, vector<16xi32>], vector<16xf32>,
    }
    %scan3A_108 = arith.constant 5 : i32
    %dma_start3A_109 = arith.constant 0 : i32
    %dma_start3A_110 = arith.constant 0 : i32
    %dma_start3A_111 = tpu.memref_slice %arg25[%dma_start3A_109, %dma_start3A_110] : memref<10000x64xf32, #tpu.memory_space<vmem_shared>> -> memref<10000x64xf32, #tpu.memory_space<vmem_shared>>
    tpu.enqueue_indirect_dma source(%arg15 : memref<80x64xf32, #tpu.memory_space<vmem>>) target(%dma_start3A_111 : memref<10000x64xf32, #tpu.memory_space<vmem_shared>>) offsets(%arg9 : memref<80xi32, #tpu.memory_space<vmem>>) semaphore(%arg29 : memref<!tpu.dma_semaphore, #tpu.memory_space<semaphore_mem>>) {add = true}
    %dma_start3A_112 = arith.constant 0 : i32
    %dma_start3A_113 = arith.constant 0 : i32
    %dma_start3A_114 = tpu.memref_slice %arg26[%dma_start3A_112, %dma_start3A_113] : memref<10000x16xf32, #tpu.memory_space<vmem_shared>> -> memref<10000x16xf32, #tpu.memory_space<vmem_shared>>
    tpu.enqueue_indirect_dma source(%arg12 : memref<80x16xf32, #tpu.memory_space<vmem>>) target(%dma_start3A_114 : memref<10000x16xf32, #tpu.memory_space<vmem_shared>>) offsets(%arg9 : memref<80xi32, #tpu.memory_space<vmem>>) semaphore(%arg29 : memref<!tpu.dma_semaphore, #tpu.memory_space<semaphore_mem>>) {add = true}
    %add3A_115 = arith.constant 80 : i32
    %add3A_116 = arith.addi %mul3A_4, %add3A_115 : i32
    "tpu.region"() ({
      %run_scoped3A = tpu.sem_alloc : memref<!tpu.dma_semaphore, #tpu.memory_space<semaphore_mem>>
      %dma_start3A_178 = tpu.memref_slice %arg3[%add3A_116] : memref<320000xi32, #tpu.memory_space<hbm>> -> memref<80xi32, #tpu.memory_space<hbm>>
      %dma_start3A_179 = tpu.memref_slice %arg3[%add3A_116] : memref<320000xi32, #tpu.memory_space<hbm>> -> memref<80xi32, #tpu.memory_space<hbm>>
      tpu.enqueue_dma source(%dma_start3A_179 : memref<80xi32, #tpu.memory_space<hbm>>) target(%arg16 : memref<80xi32, #tpu.memory_space<vmem>>) target_semaphore(%run_scoped3A : memref<!tpu.dma_semaphore, #tpu.memory_space<semaphore_mem>>)
      %dma_wait3A_180 = tpu.memref_slice %arg3[%add3A_116] : memref<320000xi32, #tpu.memory_space<hbm>> -> memref<80xi32, #tpu.memory_space<hbm>>
      %dma_wait3A_181 = tpu.memref_slice %arg3[%add3A_116] : memref<320000xi32, #tpu.memory_space<hbm>> -> memref<80xi32, #tpu.memory_space<hbm>>
      tpu.wait_dma2 semaphore(%run_scoped3A : memref<!tpu.dma_semaphore, #tpu.memory_space<semaphore_mem>>) src(%dma_wait3A_181 : memref<80xi32, #tpu.memory_space<hbm>>) dst(%arg16 : memref<80xi32, #tpu.memory_space<vmem>>)
      tpu.yield
    }) : () -> ()
    %scan3A_117 = arith.constant 0 : i32
    %scan3A_118 = arith.constant 0 : i32
    %scan3A_119 = arith.constant 5 : i32
    %scan3A_120 = arith.addi %scan3A_118, %scan3A_119 : i32
    %scan3A_121 = arith.constant 1 : i32
    scf.for %scan3A_178 = %scan3A_118 to %scan3A_120 step %scan3A_121  : i32 {
      %mul3A_179 = arith.constant 16 : i32
      %mul3A_180 = arith.muli %scan3A_178, %mul3A_179 : i32
      %broadcast_in_dim3A_181 = vector.broadcast %mul3A_180 : i32 to vector<16xi32>
      %add3A_182 = arith.addi %broadcast_in_dim3A_181, %iota3A : vector<16xi32>
      %gather3A = tpu.vector_load_idx %arg16[%add3A_182] : memref<80xi32, #tpu.memory_space<vmem>>[vector<16xi32>], vector<16xi32>,
      %and3A = arith.constant 16383 : i32
      %and3A_183 = vector.broadcast %and3A : i32 to vector<16xi32>
      %and3A_184 = arith.andi %gather3A, %and3A_183 : vector<16xi32>
      %shift_right_arithmetic3A = arith.constant 14 : i32
      %shift_right_arithmetic3A_185 = vector.broadcast %shift_right_arithmetic3A : i32 to vector<16xi32>
      %shift_right_arithmetic3A_186 = arith.shrsi %gather3A, %shift_right_arithmetic3A_185 : vector<16xi32>
      tpu.vector_store_idx %arg17[%add3A_182], %and3A_184 : memref<80xi32, #tpu.memory_space<vmem>>[vector<16xi32>], vector<16xi32>,
      tpu.vector_store_idx %arg18[%add3A_182], %shift_right_arithmetic3A_186 : memref<80xi32, #tpu.memory_space<vmem>>[vector<16xi32>], vector<16xi32>,
      %mul3A_187 = arith.constant 10000 : i32
      %mul3A_188 = arith.muli %arg0, %mul3A_187 : i32
      %add3A_189 = vector.broadcast %mul3A_188 : i32 to vector<16xi32>
      %add3A_190 = arith.addi %and3A_184, %add3A_189 : vector<16xi32>
      tpu.vector_store_idx %arg19[%add3A_182], %add3A_190 : memref<80xi32, #tpu.memory_space<vmem>>[vector<16xi32>], vector<16xi32>,
    }
    %scan3A_122 = arith.constant 5 : i32
    %dma_start3A_123 = arith.constant 0 : i32
    %dma_start3A_124 = arith.constant 0 : i32
    %dma_start3A_125 = tpu.memref_slice %arg4[%dma_start3A_123, %dma_start3A_124] : memref<20000x64xf32, #tpu.memory_space<hbm>> -> memref<20000x64xf32, #tpu.memory_space<hbm>>
    tpu.enqueue_indirect_dma source(%dma_start3A_125 : memref<20000x64xf32, #tpu.memory_space<hbm>>) target(%arg20 : memref<80x64xf32, #tpu.memory_space<vmem>>) offsets(%arg19 : memref<80xi32, #tpu.memory_space<vmem>>) semaphore(%arg30 : memref<!tpu.dma_semaphore, #tpu.memory_space<semaphore_mem>>)
    %dma_start3A_126 = arith.constant 0 : i32
    %dma_start3A_127 = arith.constant 0 : i32
    %dma_start3A_128 = tpu.memref_slice %arg2[%dma_start3A_126, %dma_start3A_127] : memref<10000x16xf32, #tpu.memory_space<hbm>> -> memref<10000x16xf32, #tpu.memory_space<hbm>>
    tpu.enqueue_indirect_dma source(%dma_start3A_128 : memref<10000x16xf32, #tpu.memory_space<hbm>>) target(%arg22 : memref<80x16xf32, #tpu.memory_space<vmem>>) offsets(%arg17 : memref<80xi32, #tpu.memory_space<vmem>>) semaphore(%arg31 : memref<!tpu.dma_semaphore, #tpu.memory_space<semaphore_mem>>)
    %dma_start3A_129 = arith.constant 0 : i32
    %dma_start3A_130 = arith.constant 0 : i32
    %dma_start3A_131 = tpu.memref_slice %arg2[%dma_start3A_129, %dma_start3A_130] : memref<10000x16xf32, #tpu.memory_space<hbm>> -> memref<10000x16xf32, #tpu.memory_space<hbm>>
    tpu.enqueue_indirect_dma source(%dma_start3A_131 : memref<10000x16xf32, #tpu.memory_space<hbm>>) target(%arg23 : memref<80x16xf32, #tpu.memory_space<vmem>>) offsets(%arg18 : memref<80xi32, #tpu.memory_space<vmem>>) semaphore(%arg31 : memref<!tpu.dma_semaphore, #tpu.memory_space<semaphore_mem>>)
    %dma_wait3A_132 = arith.constant 0 : i32
    %dma_wait3A_133 = arith.constant 0 : i32
    %dma_wait3A_134 = tpu.memref_slice %arg2[%dma_wait3A_132, %dma_wait3A_133] : memref<10000x16xf32, #tpu.memory_space<hbm>> -> memref<10000x16xf32, #tpu.memory_space<hbm>>
    tpu.wait_indirect_dma semaphore(%arg31 : memref<!tpu.dma_semaphore, #tpu.memory_space<semaphore_mem>>) src(%dma_wait3A_134 : memref<10000x16xf32, #tpu.memory_space<hbm>>) dst(%arg22 : memref<80x16xf32, #tpu.memory_space<vmem>>)
    %dma_wait3A_135 = arith.constant 0 : i32
    %dma_wait3A_136 = arith.constant 0 : i32
    %dma_wait3A_137 = tpu.memref_slice %arg2[%dma_wait3A_135, %dma_wait3A_136] : memref<10000x16xf32, #tpu.memory_space<hbm>> -> memref<10000x16xf32, #tpu.memory_space<hbm>>
    tpu.wait_indirect_dma semaphore(%arg31 : memref<!tpu.dma_semaphore, #tpu.memory_space<semaphore_mem>>) src(%dma_wait3A_137 : memref<10000x16xf32, #tpu.memory_space<hbm>>) dst(%arg23 : memref<80x16xf32, #tpu.memory_space<vmem>>)
    %scan3A_138 = arith.constant 0 : i32
    %scan3A_139 = arith.constant 0 : i32
    %scan3A_140 = arith.constant 5 : i32
    %scan3A_141 = arith.addi %scan3A_139, %scan3A_140 : i32
    %scan3A_142 = arith.constant 1 : i32
    scf.for %scan3A_178 = %scan3A_139 to %scan3A_141 step %scan3A_142  : i32 {
      %mul3A_179 = arith.constant 16 : i32
      %mul3A_180 = arith.muli %scan3A_178, %mul3A_179 : i32
      %broadcast_in_dim3A_181 = vector.broadcast %mul3A_180 : i32 to vector<16xi32>
      %add3A_182 = arith.addi %broadcast_in_dim3A_181, %iota3A : vector<16xi32>
      %add3A_183 = arith.constant 0 : i32
      %add3A_184 = arith.addi %mul3A_2, %add3A_183 : i32
      %broadcast_in_dim3A_185 = vector.broadcast %add3A_184 : i32 to vector<16xi32>
      %gather3A = tpu.vector_load_idx %arg22[%add3A_182, %broadcast_in_dim3A_185] : memref<80x16xf32, #tpu.memory_space<vmem>>[vector<16xi32>, vector<16xi32>], vector<16xf32>,
      %add3A_186 = arith.constant 4 : i32
      %add3A_187 = arith.addi %add3A_186, %add3A_184 : i32
      %broadcast_in_dim3A_188 = vector.broadcast %add3A_187 : i32 to vector<16xi32>
      %gather3A_189 = tpu.vector_load_idx %arg23[%add3A_182, %broadcast_in_dim3A_188] : memref<80x16xf32, #tpu.memory_space<vmem>>[vector<16xi32>, vector<16xi32>], vector<16xf32>,
      %add3A_190 = arith.addf %gather3A, %gather3A_189 : vector<16xf32>
      %ge3A = arith.constant 0.000000e+00 : f32
      %ge3A_191 = vector.broadcast %ge3A : f32 to vector<16xf32>
      %ge3A_192 = arith.cmpf oge, %add3A_190, %ge3A_191 : vector<16xf32>
      %mul3A_193 = arith.constant 2.000000e-01 : f32
      %mul3A_194 = vector.broadcast %mul3A_193 : f32 to vector<16xf32>
      %mul3A_195 = arith.mulf %add3A_190, %mul3A_194 : vector<16xf32>
      %select_n3A = arith.select %ge3A_192, %add3A_190, %mul3A_195 : vector<16xi1>, vector<16xf32>
      %exp3A = math.exp %select_n3A : vector<16xf32>
      %broadcast_in_dim3A_196 = arith.constant 0 : i32
      %broadcast_in_dim3A_197 = vector.broadcast %broadcast_in_dim3A_196 : i32 to vector<16xi32>
      tpu.vector_store_idx %arg21[%add3A_182, %broadcast_in_dim3A_197], %exp3A : memref<80x16xf32, #tpu.memory_space<vmem>>[vector<16xi32>, vector<16xi32>], vector<16xf32>,
      %add3A_198 = arith.constant 1 : i32
      %add3A_199 = arith.addi %mul3A_2, %add3A_198 : i32
      %broadcast_in_dim3A_200 = vector.broadcast %add3A_199 : i32 to vector<16xi32>
      %gather3A_201 = tpu.vector_load_idx %arg22[%add3A_182, %broadcast_in_dim3A_200] : memref<80x16xf32, #tpu.memory_space<vmem>>[vector<16xi32>, vector<16xi32>], vector<16xf32>,
      %add3A_202 = arith.constant 4 : i32
      %add3A_203 = arith.addi %add3A_202, %add3A_199 : i32
      %broadcast_in_dim3A_204 = vector.broadcast %add3A_203 : i32 to vector<16xi32>
      %gather3A_205 = tpu.vector_load_idx %arg23[%add3A_182, %broadcast_in_dim3A_204] : memref<80x16xf32, #tpu.memory_space<vmem>>[vector<16xi32>, vector<16xi32>], vector<16xf32>,
      %add3A_206 = arith.addf %gather3A_201, %gather3A_205 : vector<16xf32>
      %ge3A_207 = arith.constant 0.000000e+00 : f32
      %ge3A_208 = vector.broadcast %ge3A_207 : f32 to vector<16xf32>
      %ge3A_209 = arith.cmpf oge, %add3A_206, %ge3A_208 : vector<16xf32>
      %mul3A_210 = arith.constant 2.000000e-01 : f32
      %mul3A_211 = vector.broadcast %mul3A_210 : f32 to vector<16xf32>
      %mul3A_212 = arith.mulf %add3A_206, %mul3A_211 : vector<16xf32>
      %select_n3A_213 = arith.select %ge3A_209, %add3A_206, %mul3A_212 : vector<16xi1>, vector<16xf32>
      %exp3A_214 = math.exp %select_n3A_213 : vector<16xf32>
      %broadcast_in_dim3A_215 = arith.constant 1 : i32
      %broadcast_in_dim3A_216 = vector.broadcast %broadcast_in_dim3A_215 : i32 to vector<16xi32>
      tpu.vector_store_idx %arg21[%add3A_182, %broadcast_in_dim3A_216], %exp3A_214 : memref<80x16xf32, #tpu.memory_space<vmem>>[vector<16xi32>, vector<16xi32>], vector<16xf32>,
    }
    %scan3A_143 = arith.constant 5 : i32
    %dma_wait3A_144 = arith.constant 0 : i32
    %dma_wait3A_145 = arith.constant 0 : i32
    %dma_wait3A_146 = tpu.memref_slice %arg4[%dma_wait3A_144, %dma_wait3A_145] : memref<20000x64xf32, #tpu.memory_space<hbm>> -> memref<20000x64xf32, #tpu.memory_space<hbm>>
    tpu.wait_indirect_dma semaphore(%arg30 : memref<!tpu.dma_semaphore, #tpu.memory_space<semaphore_mem>>) src(%dma_wait3A_146 : memref<20000x64xf32, #tpu.memory_space<hbm>>) dst(%arg20 : memref<80x64xf32, #tpu.memory_space<vmem>>)
    %scan3A_147 = arith.constant 0 : i32
    %scan3A_148 = arith.constant 0 : i32
    %scan3A_149 = arith.constant 5 : i32
    %scan3A_150 = arith.addi %scan3A_148, %scan3A_149 : i32
    %scan3A_151 = arith.constant 1 : i32
    scf.for %scan3A_178 = %scan3A_148 to %scan3A_150 step %scan3A_151  : i32 {
      %mul3A_179 = arith.constant 16 : i32
      %mul3A_180 = arith.muli %scan3A_178, %mul3A_179 : i32
      %broadcast_in_dim3A_181 = vector.broadcast %mul3A_180 : i32 to vector<16xi32>
      %add3A_182 = arith.addi %broadcast_in_dim3A_181, %iota3A : vector<16xi32>
      %broadcast_in_dim3A_183 = arith.constant 0 : i32
      %broadcast_in_dim3A_184 = vector.broadcast %broadcast_in_dim3A_183 : i32 to vector<16xi32>
      %gather3A = tpu.vector_load_idx %arg21[%add3A_182, %broadcast_in_dim3A_184] : memref<80x16xf32, #tpu.memory_space<vmem>>[vector<16xi32>, vector<16xi32>], vector<16xf32>,
      %broadcast_in_dim3A_185 = arith.constant 0 : i32
      %broadcast_in_dim3A_186 = vector.broadcast %broadcast_in_dim3A_185 : i32 to vector<16xi32>
      %gather3A_187 = tpu.vector_load_idx %arg20[%add3A_182, %broadcast_in_dim3A_186] : memref<80x64xf32, #tpu.memory_space<vmem>>[vector<16xi32>, vector<16xi32>], vector<16xf32>,
      %mul3A_188 = arith.mulf %gather3A_187, %gather3A : vector<16xf32>
      tpu.vector_store_idx %arg24[%add3A_182, %broadcast_in_dim3A_186], %mul3A_188 : memref<80x64xf32, #tpu.memory_space<vmem>>[vector<16xi32>, vector<16xi32>], vector<16xf32>,
      %broadcast_in_dim3A_189 = arith.constant 1 : i32
      %broadcast_in_dim3A_190 = vector.broadcast %broadcast_in_dim3A_189 : i32 to vector<16xi32>
      %gather3A_191 = tpu.vector_load_idx %arg20[%add3A_182, %broadcast_in_dim3A_190] : memref<80x64xf32, #tpu.memory_space<vmem>>[vector<16xi32>, vector<16xi32>], vector<16xf32>,
      %mul3A_192 = arith.mulf %gather3A_191, %gather3A : vector<16xf32>
      tpu.vector_store_idx %arg24[%add3A_182, %broadcast_in_dim3A_190], %mul3A_192 : memref<80x64xf32, #tpu.memory_space<vmem>>[vector<16xi32>, vector<16xi32>], vector<16xf32>,
      %broadcast_in_dim3A_193 = arith.constant 2 : i32
      %broadcast_in_dim3A_194 = vector.broadcast %broadcast_in_dim3A_193 : i32 to vector<16xi32>
      %gather3A_195 = tpu.vector_load_idx %arg20[%add3A_182, %broadcast_in_dim3A_194] : memref<80x64xf32, #tpu.memory_space<vmem>>[vector<16xi32>, vector<16xi32>], vector<16xf32>,
      %mul3A_196 = arith.mulf %gather3A_195, %gather3A : vector<16xf32>
      tpu.vector_store_idx %arg24[%add3A_182, %broadcast_in_dim3A_194], %mul3A_196 : memref<80x64xf32, #tpu.memory_space<vmem>>[vector<16xi32>, vector<16xi32>], vector<16xf32>,
      %broadcast_in_dim3A_197 = arith.constant 3 : i32
      %broadcast_in_dim3A_198 = vector.broadcast %broadcast_in_dim3A_197 : i32 to vector<16xi32>
      %gather3A_199 = tpu.vector_load_idx %arg20[%add3A_182, %broadcast_in_dim3A_198] : memref<80x64xf32, #tpu.memory_space<vmem>>[vector<16xi32>, vector<16xi32>], vector<16xf32>,
      %mul3A_200 = arith.mulf %gather3A_199, %gather3A : vector<16xf32>
      tpu.vector_store_idx %arg24[%add3A_182, %broadcast_in_dim3A_198], %mul3A_200 : memref<80x64xf32, #tpu.memory_space<vmem>>[vector<16xi32>, vector<16xi32>], vector<16xf32>,
      %broadcast_in_dim3A_201 = arith.constant 4 : i32
      %broadcast_in_dim3A_202 = vector.broadcast %broadcast_in_dim3A_201 : i32 to vector<16xi32>
      %gather3A_203 = tpu.vector_load_idx %arg20[%add3A_182, %broadcast_in_dim3A_202] : memref<80x64xf32, #tpu.memory_space<vmem>>[vector<16xi32>, vector<16xi32>], vector<16xf32>,
      %mul3A_204 = arith.mulf %gather3A_203, %gather3A : vector<16xf32>
      tpu.vector_store_idx %arg24[%add3A_182, %broadcast_in_dim3A_202], %mul3A_204 : memref<80x64xf32, #tpu.memory_space<vmem>>[vector<16xi32>, vector<16xi32>], vector<16xf32>,
      %broadcast_in_dim3A_205 = arith.constant 5 : i32
      %broadcast_in_dim3A_206 = vector.broadcast %broadcast_in_dim3A_205 : i32 to vector<16xi32>
      %gather3A_207 = tpu.vector_load_idx %arg20[%add3A_182, %broadcast_in_dim3A_206] : memref<80x64xf32, #tpu.memory_space<vmem>>[vector<16xi32>, vector<16xi32>], vector<16xf32>,
      %mul3A_208 = arith.mulf %gather3A_207, %gather3A : vector<16xf32>
      tpu.vector_store_idx %arg24[%add3A_182, %broadcast_in_dim3A_206], %mul3A_208 : memref<80x64xf32, #tpu.memory_space<vmem>>[vector<16xi32>, vector<16xi32>], vector<16xf32>,
      %broadcast_in_dim3A_209 = arith.constant 6 : i32
      %broadcast_in_dim3A_210 = vector.broadcast %broadcast_in_dim3A_209 : i32 to vector<16xi32>
      %gather3A_211 = tpu.vector_load_idx %arg20[%add3A_182, %broadcast_in_dim3A_210] : memref<80x64xf32, #tpu.memory_space<vmem>>[vector<16xi32>, vector<16xi32>], vector<16xf32>,
      %mul3A_212 = arith.mulf %gather3A_211, %gather3A : vector<16xf32>
      tpu.vector_store_idx %arg24[%add3A_182, %broadcast_in_dim3A_210], %mul3A_212 : memref<80x64xf32, #tpu.memory_space<vmem>>[vector<16xi32>, vector<16xi32>], vector<16xf32>,
      %broadcast_in_dim3A_213 = arith.constant 7 : i32
      %broadcast_in_dim3A_214 = vector.broadcast %broadcast_in_dim3A_213 : i32 to vector<16xi32>
      %gather3A_215 = tpu.vector_load_idx %arg20[%add3A_182, %broadcast_in_dim3A_214] : memref<80x64xf32, #tpu.memory_space<vmem>>[vector<16xi32>, vector<16xi32>], vector<16xf32>,
      %mul3A_216 = arith.mulf %gather3A_215, %gather3A : vector<16xf32>
      tpu.vector_store_idx %arg24[%add3A_182, %broadcast_in_dim3A_214], %mul3A_216 : memref<80x64xf32, #tpu.memory_space<vmem>>[vector<16xi32>, vector<16xi32>], vector<16xf32>,
      %broadcast_in_dim3A_217 = arith.constant 8 : i32
      %broadcast_in_dim3A_218 = vector.broadcast %broadcast_in_dim3A_217 : i32 to vector<16xi32>
      %gather3A_219 = tpu.vector_load_idx %arg20[%add3A_182, %broadcast_in_dim3A_218] : memref<80x64xf32, #tpu.memory_space<vmem>>[vector<16xi32>, vector<16xi32>], vector<16xf32>,
      %mul3A_220 = arith.mulf %gather3A_219, %gather3A : vector<16xf32>
      tpu.vector_store_idx %arg24[%add3A_182, %broadcast_in_dim3A_218], %mul3A_220 : memref<80x64xf32, #tpu.memory_space<vmem>>[vector<16xi32>, vector<16xi32>], vector<16xf32>,
      %broadcast_in_dim3A_221 = arith.constant 9 : i32
      %broadcast_in_dim3A_222 = vector.broadcast %broadcast_in_dim3A_221 : i32 to vector<16xi32>
      %gather3A_223 = tpu.vector_load_idx %arg20[%add3A_182, %broadcast_in_dim3A_222] : memref<80x64xf32, #tpu.memory_space<vmem>>[vector<16xi32>, vector<16xi32>], vector<16xf32>,
      %mul3A_224 = arith.mulf %gather3A_223, %gather3A : vector<16xf32>
      tpu.vector_store_idx %arg24[%add3A_182, %broadcast_in_dim3A_222], %mul3A_224 : memref<80x64xf32, #tpu.memory_space<vmem>>[vector<16xi32>, vector<16xi32>], vector<16xf32>,
      %broadcast_in_dim3A_225 = arith.constant 10 : i32
      %broadcast_in_dim3A_226 = vector.broadcast %broadcast_in_dim3A_225 : i32 to vector<16xi32>
      %gather3A_227 = tpu.vector_load_idx %arg20[%add3A_182, %broadcast_in_dim3A_226] : memref<80x64xf32, #tpu.memory_space<vmem>>[vector<16xi32>, vector<16xi32>], vector<16xf32>,
      %mul3A_228 = arith.mulf %gather3A_227, %gather3A : vector<16xf32>
      tpu.vector_store_idx %arg24[%add3A_182, %broadcast_in_dim3A_226], %mul3A_228 : memref<80x64xf32, #tpu.memory_space<vmem>>[vector<16xi32>, vector<16xi32>], vector<16xf32>,
      %broadcast_in_dim3A_229 = arith.constant 11 : i32
      %broadcast_in_dim3A_230 = vector.broadcast %broadcast_in_dim3A_229 : i32 to vector<16xi32>
      %gather3A_231 = tpu.vector_load_idx %arg20[%add3A_182, %broadcast_in_dim3A_230] : memref<80x64xf32, #tpu.memory_space<vmem>>[vector<16xi32>, vector<16xi32>], vector<16xf32>,
      %mul3A_232 = arith.mulf %gather3A_231, %gather3A : vector<16xf32>
      tpu.vector_store_idx %arg24[%add3A_182, %broadcast_in_dim3A_230], %mul3A_232 : memref<80x64xf32, #tpu.memory_space<vmem>>[vector<16xi32>, vector<16xi32>], vector<16xf32>,
      %broadcast_in_dim3A_233 = arith.constant 12 : i32
      %broadcast_in_dim3A_234 = vector.broadcast %broadcast_in_dim3A_233 : i32 to vector<16xi32>
      %gather3A_235 = tpu.vector_load_idx %arg20[%add3A_182, %broadcast_in_dim3A_234] : memref<80x64xf32, #tpu.memory_space<vmem>>[vector<16xi32>, vector<16xi32>], vector<16xf32>,
      %mul3A_236 = arith.mulf %gather3A_235, %gather3A : vector<16xf32>
      tpu.vector_store_idx %arg24[%add3A_182, %broadcast_in_dim3A_234], %mul3A_236 : memref<80x64xf32, #tpu.memory_space<vmem>>[vector<16xi32>, vector<16xi32>], vector<16xf32>,
      %broadcast_in_dim3A_237 = arith.constant 13 : i32
      %broadcast_in_dim3A_238 = vector.broadcast %broadcast_in_dim3A_237 : i32 to vector<16xi32>
      %gather3A_239 = tpu.vector_load_idx %arg20[%add3A_182, %broadcast_in_dim3A_238] : memref<80x64xf32, #tpu.memory_space<vmem>>[vector<16xi32>, vector<16xi32>], vector<16xf32>,
      %mul3A_240 = arith.mulf %gather3A_239, %gather3A : vector<16xf32>
      tpu.vector_store_idx %arg24[%add3A_182, %broadcast_in_dim3A_238], %mul3A_240 : memref<80x64xf32, #tpu.memory_space<vmem>>[vector<16xi32>, vector<16xi32>], vector<16xf32>,
      %broadcast_in_dim3A_241 = arith.constant 14 : i32
      %broadcast_in_dim3A_242 = vector.broadcast %broadcast_in_dim3A_241 : i32 to vector<16xi32>
      %gather3A_243 = tpu.vector_load_idx %arg20[%add3A_182, %broadcast_in_dim3A_242] : memref<80x64xf32, #tpu.memory_space<vmem>>[vector<16xi32>, vector<16xi32>], vector<16xf32>,
      %mul3A_244 = arith.mulf %gather3A_243, %gather3A : vector<16xf32>
      tpu.vector_store_idx %arg24[%add3A_182, %broadcast_in_dim3A_242], %mul3A_244 : memref<80x64xf32, #tpu.memory_space<vmem>>[vector<16xi32>, vector<16xi32>], vector<16xf32>,
      %broadcast_in_dim3A_245 = arith.constant 15 : i32
      %broadcast_in_dim3A_246 = vector.broadcast %broadcast_in_dim3A_245 : i32 to vector<16xi32>
      %gather3A_247 = tpu.vector_load_idx %arg20[%add3A_182, %broadcast_in_dim3A_246] : memref<80x64xf32, #tpu.memory_space<vmem>>[vector<16xi32>, vector<16xi32>], vector<16xf32>,
      %mul3A_248 = arith.mulf %gather3A_247, %gather3A : vector<16xf32>
      tpu.vector_store_idx %arg24[%add3A_182, %broadcast_in_dim3A_246], %mul3A_248 : memref<80x64xf32, #tpu.memory_space<vmem>>[vector<16xi32>, vector<16xi32>], vector<16xf32>,
      %broadcast_in_dim3A_249 = arith.constant 16 : i32
      %broadcast_in_dim3A_250 = vector.broadcast %broadcast_in_dim3A_249 : i32 to vector<16xi32>
      %gather3A_251 = tpu.vector_load_idx %arg20[%add3A_182, %broadcast_in_dim3A_250] : memref<80x64xf32, #tpu.memory_space<vmem>>[vector<16xi32>, vector<16xi32>], vector<16xf32>,
      %mul3A_252 = arith.mulf %gather3A_251, %gather3A : vector<16xf32>
      tpu.vector_store_idx %arg24[%add3A_182, %broadcast_in_dim3A_250], %mul3A_252 : memref<80x64xf32, #tpu.memory_space<vmem>>[vector<16xi32>, vector<16xi32>], vector<16xf32>,
      %broadcast_in_dim3A_253 = arith.constant 17 : i32
      %broadcast_in_dim3A_254 = vector.broadcast %broadcast_in_dim3A_253 : i32 to vector<16xi32>
      %gather3A_255 = tpu.vector_load_idx %arg20[%add3A_182, %broadcast_in_dim3A_254] : memref<80x64xf32, #tpu.memory_space<vmem>>[vector<16xi32>, vector<16xi32>], vector<16xf32>,
      %mul3A_256 = arith.mulf %gather3A_255, %gather3A : vector<16xf32>
      tpu.vector_store_idx %arg24[%add3A_182, %broadcast_in_dim3A_254], %mul3A_256 : memref<80x64xf32, #tpu.memory_space<vmem>>[vector<16xi32>, vector<16xi32>], vector<16xf32>,
      %broadcast_in_dim3A_257 = arith.constant 18 : i32
      %broadcast_in_dim3A_258 = vector.broadcast %broadcast_in_dim3A_257 : i32 to vector<16xi32>
      %gather3A_259 = tpu.vector_load_idx %arg20[%add3A_182, %broadcast_in_dim3A_258] : memref<80x64xf32, #tpu.memory_space<vmem>>[vector<16xi32>, vector<16xi32>], vector<16xf32>,
      %mul3A_260 = arith.mulf %gather3A_259, %gather3A : vector<16xf32>
      tpu.vector_store_idx %arg24[%add3A_182, %broadcast_in_dim3A_258], %mul3A_260 : memref<80x64xf32, #tpu.memory_space<vmem>>[vector<16xi32>, vector<16xi32>], vector<16xf32>,
      %broadcast_in_dim3A_261 = arith.constant 19 : i32
      %broadcast_in_dim3A_262 = vector.broadcast %broadcast_in_dim3A_261 : i32 to vector<16xi32>
      %gather3A_263 = tpu.vector_load_idx %arg20[%add3A_182, %broadcast_in_dim3A_262] : memref<80x64xf32, #tpu.memory_space<vmem>>[vector<16xi32>, vector<16xi32>], vector<16xf32>,
      %mul3A_264 = arith.mulf %gather3A_263, %gather3A : vector<16xf32>
      tpu.vector_store_idx %arg24[%add3A_182, %broadcast_in_dim3A_262], %mul3A_264 : memref<80x64xf32, #tpu.memory_space<vmem>>[vector<16xi32>, vector<16xi32>], vector<16xf32>,
      %broadcast_in_dim3A_265 = arith.constant 20 : i32
      %broadcast_in_dim3A_266 = vector.broadcast %broadcast_in_dim3A_265 : i32 to vector<16xi32>
      %gather3A_267 = tpu.vector_load_idx %arg20[%add3A_182, %broadcast_in_dim3A_266] : memref<80x64xf32, #tpu.memory_space<vmem>>[vector<16xi32>, vector<16xi32>], vector<16xf32>,
      %mul3A_268 = arith.mulf %gather3A_267, %gather3A : vector<16xf32>
      tpu.vector_store_idx %arg24[%add3A_182, %broadcast_in_dim3A_266], %mul3A_268 : memref<80x64xf32, #tpu.memory_space<vmem>>[vector<16xi32>, vector<16xi32>], vector<16xf32>,
      %broadcast_in_dim3A_269 = arith.constant 21 : i32
      %broadcast_in_dim3A_270 = vector.broadcast %broadcast_in_dim3A_269 : i32 to vector<16xi32>
      %gather3A_271 = tpu.vector_load_idx %arg20[%add3A_182, %broadcast_in_dim3A_270] : memref<80x64xf32, #tpu.memory_space<vmem>>[vector<16xi32>, vector<16xi32>], vector<16xf32>,
      %mul3A_272 = arith.mulf %gather3A_271, %gather3A : vector<16xf32>
      tpu.vector_store_idx %arg24[%add3A_182, %broadcast_in_dim3A_270], %mul3A_272 : memref<80x64xf32, #tpu.memory_space<vmem>>[vector<16xi32>, vector<16xi32>], vector<16xf32>,
      %broadcast_in_dim3A_273 = arith.constant 22 : i32
      %broadcast_in_dim3A_274 = vector.broadcast %broadcast_in_dim3A_273 : i32 to vector<16xi32>
      %gather3A_275 = tpu.vector_load_idx %arg20[%add3A_182, %broadcast_in_dim3A_274] : memref<80x64xf32, #tpu.memory_space<vmem>>[vector<16xi32>, vector<16xi32>], vector<16xf32>,
      %mul3A_276 = arith.mulf %gather3A_275, %gather3A : vector<16xf32>
      tpu.vector_store_idx %arg24[%add3A_182, %broadcast_in_dim3A_274], %mul3A_276 : memref<80x64xf32, #tpu.memory_space<vmem>>[vector<16xi32>, vector<16xi32>], vector<16xf32>,
      %broadcast_in_dim3A_277 = arith.constant 23 : i32
      %broadcast_in_dim3A_278 = vector.broadcast %broadcast_in_dim3A_277 : i32 to vector<16xi32>
      %gather3A_279 = tpu.vector_load_idx %arg20[%add3A_182, %broadcast_in_dim3A_278] : memref<80x64xf32, #tpu.memory_space<vmem>>[vector<16xi32>, vector<16xi32>], vector<16xf32>,
      %mul3A_280 = arith.mulf %gather3A_279, %gather3A : vector<16xf32>
      tpu.vector_store_idx %arg24[%add3A_182, %broadcast_in_dim3A_278], %mul3A_280 : memref<80x64xf32, #tpu.memory_space<vmem>>[vector<16xi32>, vector<16xi32>], vector<16xf32>,
      %broadcast_in_dim3A_281 = arith.constant 24 : i32
      %broadcast_in_dim3A_282 = vector.broadcast %broadcast_in_dim3A_281 : i32 to vector<16xi32>
      %gather3A_283 = tpu.vector_load_idx %arg20[%add3A_182, %broadcast_in_dim3A_282] : memref<80x64xf32, #tpu.memory_space<vmem>>[vector<16xi32>, vector<16xi32>], vector<16xf32>,
      %mul3A_284 = arith.mulf %gather3A_283, %gather3A : vector<16xf32>
      tpu.vector_store_idx %arg24[%add3A_182, %broadcast_in_dim3A_282], %mul3A_284 : memref<80x64xf32, #tpu.memory_space<vmem>>[vector<16xi32>, vector<16xi32>], vector<16xf32>,
      %broadcast_in_dim3A_285 = arith.constant 25 : i32
      %broadcast_in_dim3A_286 = vector.broadcast %broadcast_in_dim3A_285 : i32 to vector<16xi32>
      %gather3A_287 = tpu.vector_load_idx %arg20[%add3A_182, %broadcast_in_dim3A_286] : memref<80x64xf32, #tpu.memory_space<vmem>>[vector<16xi32>, vector<16xi32>], vector<16xf32>,
      %mul3A_288 = arith.mulf %gather3A_287, %gather3A : vector<16xf32>
      tpu.vector_store_idx %arg24[%add3A_182, %broadcast_in_dim3A_286], %mul3A_288 : memref<80x64xf32, #tpu.memory_space<vmem>>[vector<16xi32>, vector<16xi32>], vector<16xf32>,
      %broadcast_in_dim3A_289 = arith.constant 26 : i32
      %broadcast_in_dim3A_290 = vector.broadcast %broadcast_in_dim3A_289 : i32 to vector<16xi32>
      %gather3A_291 = tpu.vector_load_idx %arg20[%add3A_182, %broadcast_in_dim3A_290] : memref<80x64xf32, #tpu.memory_space<vmem>>[vector<16xi32>, vector<16xi32>], vector<16xf32>,
      %mul3A_292 = arith.mulf %gather3A_291, %gather3A : vector<16xf32>
      tpu.vector_store_idx %arg24[%add3A_182, %broadcast_in_dim3A_290], %mul3A_292 : memref<80x64xf32, #tpu.memory_space<vmem>>[vector<16xi32>, vector<16xi32>], vector<16xf32>,
      %broadcast_in_dim3A_293 = arith.constant 27 : i32
      %broadcast_in_dim3A_294 = vector.broadcast %broadcast_in_dim3A_293 : i32 to vector<16xi32>
      %gather3A_295 = tpu.vector_load_idx %arg20[%add3A_182, %broadcast_in_dim3A_294] : memref<80x64xf32, #tpu.memory_space<vmem>>[vector<16xi32>, vector<16xi32>], vector<16xf32>,
      %mul3A_296 = arith.mulf %gather3A_295, %gather3A : vector<16xf32>
      tpu.vector_store_idx %arg24[%add3A_182, %broadcast_in_dim3A_294], %mul3A_296 : memref<80x64xf32, #tpu.memory_space<vmem>>[vector<16xi32>, vector<16xi32>], vector<16xf32>,
      %broadcast_in_dim3A_297 = arith.constant 28 : i32
      %broadcast_in_dim3A_298 = vector.broadcast %broadcast_in_dim3A_297 : i32 to vector<16xi32>
      %gather3A_299 = tpu.vector_load_idx %arg20[%add3A_182, %broadcast_in_dim3A_298] : memref<80x64xf32, #tpu.memory_space<vmem>>[vector<16xi32>, vector<16xi32>], vector<16xf32>,
      %mul3A_300 = arith.mulf %gather3A_299, %gather3A : vector<16xf32>
      tpu.vector_store_idx %arg24[%add3A_182, %broadcast_in_dim3A_298], %mul3A_300 : memref<80x64xf32, #tpu.memory_space<vmem>>[vector<16xi32>, vector<16xi32>], vector<16xf32>,
      %broadcast_in_dim3A_301 = arith.constant 29 : i32
      %broadcast_in_dim3A_302 = vector.broadcast %broadcast_in_dim3A_301 : i32 to vector<16xi32>
      %gather3A_303 = tpu.vector_load_idx %arg20[%add3A_182, %broadcast_in_dim3A_302] : memref<80x64xf32, #tpu.memory_space<vmem>>[vector<16xi32>, vector<16xi32>], vector<16xf32>,
      %mul3A_304 = arith.mulf %gather3A_303, %gather3A : vector<16xf32>
      tpu.vector_store_idx %arg24[%add3A_182, %broadcast_in_dim3A_302], %mul3A_304 : memref<80x64xf32, #tpu.memory_space<vmem>>[vector<16xi32>, vector<16xi32>], vector<16xf32>,
      %broadcast_in_dim3A_305 = arith.constant 30 : i32
      %broadcast_in_dim3A_306 = vector.broadcast %broadcast_in_dim3A_305 : i32 to vector<16xi32>
      %gather3A_307 = tpu.vector_load_idx %arg20[%add3A_182, %broadcast_in_dim3A_306] : memref<80x64xf32, #tpu.memory_space<vmem>>[vector<16xi32>, vector<16xi32>], vector<16xf32>,
      %mul3A_308 = arith.mulf %gather3A_307, %gather3A : vector<16xf32>
      tpu.vector_store_idx %arg24[%add3A_182, %broadcast_in_dim3A_306], %mul3A_308 : memref<80x64xf32, #tpu.memory_space<vmem>>[vector<16xi32>, vector<16xi32>], vector<16xf32>,
      %broadcast_in_dim3A_309 = arith.constant 31 : i32
      %broadcast_in_dim3A_310 = vector.broadcast %broadcast_in_dim3A_309 : i32 to vector<16xi32>
      %gather3A_311 = tpu.vector_load_idx %arg20[%add3A_182, %broadcast_in_dim3A_310] : memref<80x64xf32, #tpu.memory_space<vmem>>[vector<16xi32>, vector<16xi32>], vector<16xf32>,
      %mul3A_312 = arith.mulf %gather3A_311, %gather3A : vector<16xf32>
      tpu.vector_store_idx %arg24[%add3A_182, %broadcast_in_dim3A_310], %mul3A_312 : memref<80x64xf32, #tpu.memory_space<vmem>>[vector<16xi32>, vector<16xi32>], vector<16xf32>,
      %broadcast_in_dim3A_313 = arith.constant 1 : i32
      %broadcast_in_dim3A_314 = vector.broadcast %broadcast_in_dim3A_313 : i32 to vector<16xi32>
      %gather3A_315 = tpu.vector_load_idx %arg21[%add3A_182, %broadcast_in_dim3A_314] : memref<80x16xf32, #tpu.memory_space<vmem>>[vector<16xi32>, vector<16xi32>], vector<16xf32>,
      %broadcast_in_dim3A_316 = arith.constant 32 : i32
      %broadcast_in_dim3A_317 = vector.broadcast %broadcast_in_dim3A_316 : i32 to vector<16xi32>
      %gather3A_318 = tpu.vector_load_idx %arg20[%add3A_182, %broadcast_in_dim3A_317] : memref<80x64xf32, #tpu.memory_space<vmem>>[vector<16xi32>, vector<16xi32>], vector<16xf32>,
      %mul3A_319 = arith.mulf %gather3A_318, %gather3A_315 : vector<16xf32>
      tpu.vector_store_idx %arg24[%add3A_182, %broadcast_in_dim3A_317], %mul3A_319 : memref<80x64xf32, #tpu.memory_space<vmem>>[vector<16xi32>, vector<16xi32>], vector<16xf32>,
      %broadcast_in_dim3A_320 = arith.constant 33 : i32
      %broadcast_in_dim3A_321 = vector.broadcast %broadcast_in_dim3A_320 : i32 to vector<16xi32>
      %gather3A_322 = tpu.vector_load_idx %arg20[%add3A_182, %broadcast_in_dim3A_321] : memref<80x64xf32, #tpu.memory_space<vmem>>[vector<16xi32>, vector<16xi32>], vector<16xf32>,
      %mul3A_323 = arith.mulf %gather3A_322, %gather3A_315 : vector<16xf32>
      tpu.vector_store_idx %arg24[%add3A_182, %broadcast_in_dim3A_321], %mul3A_323 : memref<80x64xf32, #tpu.memory_space<vmem>>[vector<16xi32>, vector<16xi32>], vector<16xf32>,
      %broadcast_in_dim3A_324 = arith.constant 34 : i32
      %broadcast_in_dim3A_325 = vector.broadcast %broadcast_in_dim3A_324 : i32 to vector<16xi32>
      %gather3A_326 = tpu.vector_load_idx %arg20[%add3A_182, %broadcast_in_dim3A_325] : memref<80x64xf32, #tpu.memory_space<vmem>>[vector<16xi32>, vector<16xi32>], vector<16xf32>,
      %mul3A_327 = arith.mulf %gather3A_326, %gather3A_315 : vector<16xf32>
      tpu.vector_store_idx %arg24[%add3A_182, %broadcast_in_dim3A_325], %mul3A_327 : memref<80x64xf32, #tpu.memory_space<vmem>>[vector<16xi32>, vector<16xi32>], vector<16xf32>,
      %broadcast_in_dim3A_328 = arith.constant 35 : i32
      %broadcast_in_dim3A_329 = vector.broadcast %broadcast_in_dim3A_328 : i32 to vector<16xi32>
      %gather3A_330 = tpu.vector_load_idx %arg20[%add3A_182, %broadcast_in_dim3A_329] : memref<80x64xf32, #tpu.memory_space<vmem>>[vector<16xi32>, vector<16xi32>], vector<16xf32>,
      %mul3A_331 = arith.mulf %gather3A_330, %gather3A_315 : vector<16xf32>
      tpu.vector_store_idx %arg24[%add3A_182, %broadcast_in_dim3A_329], %mul3A_331 : memref<80x64xf32, #tpu.memory_space<vmem>>[vector<16xi32>, vector<16xi32>], vector<16xf32>,
      %broadcast_in_dim3A_332 = arith.constant 36 : i32
      %broadcast_in_dim3A_333 = vector.broadcast %broadcast_in_dim3A_332 : i32 to vector<16xi32>
      %gather3A_334 = tpu.vector_load_idx %arg20[%add3A_182, %broadcast_in_dim3A_333] : memref<80x64xf32, #tpu.memory_space<vmem>>[vector<16xi32>, vector<16xi32>], vector<16xf32>,
      %mul3A_335 = arith.mulf %gather3A_334, %gather3A_315 : vector<16xf32>
      tpu.vector_store_idx %arg24[%add3A_182, %broadcast_in_dim3A_333], %mul3A_335 : memref<80x64xf32, #tpu.memory_space<vmem>>[vector<16xi32>, vector<16xi32>], vector<16xf32>,
      %broadcast_in_dim3A_336 = arith.constant 37 : i32
      %broadcast_in_dim3A_337 = vector.broadcast %broadcast_in_dim3A_336 : i32 to vector<16xi32>
      %gather3A_338 = tpu.vector_load_idx %arg20[%add3A_182, %broadcast_in_dim3A_337] : memref<80x64xf32, #tpu.memory_space<vmem>>[vector<16xi32>, vector<16xi32>], vector<16xf32>,
      %mul3A_339 = arith.mulf %gather3A_338, %gather3A_315 : vector<16xf32>
      tpu.vector_store_idx %arg24[%add3A_182, %broadcast_in_dim3A_337], %mul3A_339 : memref<80x64xf32, #tpu.memory_space<vmem>>[vector<16xi32>, vector<16xi32>], vector<16xf32>,
      %broadcast_in_dim3A_340 = arith.constant 38 : i32
      %broadcast_in_dim3A_341 = vector.broadcast %broadcast_in_dim3A_340 : i32 to vector<16xi32>
      %gather3A_342 = tpu.vector_load_idx %arg20[%add3A_182, %broadcast_in_dim3A_341] : memref<80x64xf32, #tpu.memory_space<vmem>>[vector<16xi32>, vector<16xi32>], vector<16xf32>,
      %mul3A_343 = arith.mulf %gather3A_342, %gather3A_315 : vector<16xf32>
      tpu.vector_store_idx %arg24[%add3A_182, %broadcast_in_dim3A_341], %mul3A_343 : memref<80x64xf32, #tpu.memory_space<vmem>>[vector<16xi32>, vector<16xi32>], vector<16xf32>,
      %broadcast_in_dim3A_344 = arith.constant 39 : i32
      %broadcast_in_dim3A_345 = vector.broadcast %broadcast_in_dim3A_344 : i32 to vector<16xi32>
      %gather3A_346 = tpu.vector_load_idx %arg20[%add3A_182, %broadcast_in_dim3A_345] : memref<80x64xf32, #tpu.memory_space<vmem>>[vector<16xi32>, vector<16xi32>], vector<16xf32>,
      %mul3A_347 = arith.mulf %gather3A_346, %gather3A_315 : vector<16xf32>
      tpu.vector_store_idx %arg24[%add3A_182, %broadcast_in_dim3A_345], %mul3A_347 : memref<80x64xf32, #tpu.memory_space<vmem>>[vector<16xi32>, vector<16xi32>], vector<16xf32>,
      %broadcast_in_dim3A_348 = arith.constant 40 : i32
      %broadcast_in_dim3A_349 = vector.broadcast %broadcast_in_dim3A_348 : i32 to vector<16xi32>
      %gather3A_350 = tpu.vector_load_idx %arg20[%add3A_182, %broadcast_in_dim3A_349] : memref<80x64xf32, #tpu.memory_space<vmem>>[vector<16xi32>, vector<16xi32>], vector<16xf32>,
      %mul3A_351 = arith.mulf %gather3A_350, %gather3A_315 : vector<16xf32>
      tpu.vector_store_idx %arg24[%add3A_182, %broadcast_in_dim3A_349], %mul3A_351 : memref<80x64xf32, #tpu.memory_space<vmem>>[vector<16xi32>, vector<16xi32>], vector<16xf32>,
      %broadcast_in_dim3A_352 = arith.constant 41 : i32
      %broadcast_in_dim3A_353 = vector.broadcast %broadcast_in_dim3A_352 : i32 to vector<16xi32>
      %gather3A_354 = tpu.vector_load_idx %arg20[%add3A_182, %broadcast_in_dim3A_353] : memref<80x64xf32, #tpu.memory_space<vmem>>[vector<16xi32>, vector<16xi32>], vector<16xf32>,
      %mul3A_355 = arith.mulf %gather3A_354, %gather3A_315 : vector<16xf32>
      tpu.vector_store_idx %arg24[%add3A_182, %broadcast_in_dim3A_353], %mul3A_355 : memref<80x64xf32, #tpu.memory_space<vmem>>[vector<16xi32>, vector<16xi32>], vector<16xf32>,
      %broadcast_in_dim3A_356 = arith.constant 42 : i32
      %broadcast_in_dim3A_357 = vector.broadcast %broadcast_in_dim3A_356 : i32 to vector<16xi32>
      %gather3A_358 = tpu.vector_load_idx %arg20[%add3A_182, %broadcast_in_dim3A_357] : memref<80x64xf32, #tpu.memory_space<vmem>>[vector<16xi32>, vector<16xi32>], vector<16xf32>,
      %mul3A_359 = arith.mulf %gather3A_358, %gather3A_315 : vector<16xf32>
      tpu.vector_store_idx %arg24[%add3A_182, %broadcast_in_dim3A_357], %mul3A_359 : memref<80x64xf32, #tpu.memory_space<vmem>>[vector<16xi32>, vector<16xi32>], vector<16xf32>,
      %broadcast_in_dim3A_360 = arith.constant 43 : i32
      %broadcast_in_dim3A_361 = vector.broadcast %broadcast_in_dim3A_360 : i32 to vector<16xi32>
      %gather3A_362 = tpu.vector_load_idx %arg20[%add3A_182, %broadcast_in_dim3A_361] : memref<80x64xf32, #tpu.memory_space<vmem>>[vector<16xi32>, vector<16xi32>], vector<16xf32>,
      %mul3A_363 = arith.mulf %gather3A_362, %gather3A_315 : vector<16xf32>
      tpu.vector_store_idx %arg24[%add3A_182, %broadcast_in_dim3A_361], %mul3A_363 : memref<80x64xf32, #tpu.memory_space<vmem>>[vector<16xi32>, vector<16xi32>], vector<16xf32>,
      %broadcast_in_dim3A_364 = arith.constant 44 : i32
      %broadcast_in_dim3A_365 = vector.broadcast %broadcast_in_dim3A_364 : i32 to vector<16xi32>
      %gather3A_366 = tpu.vector_load_idx %arg20[%add3A_182, %broadcast_in_dim3A_365] : memref<80x64xf32, #tpu.memory_space<vmem>>[vector<16xi32>, vector<16xi32>], vector<16xf32>,
      %mul3A_367 = arith.mulf %gather3A_366, %gather3A_315 : vector<16xf32>
      tpu.vector_store_idx %arg24[%add3A_182, %broadcast_in_dim3A_365], %mul3A_367 : memref<80x64xf32, #tpu.memory_space<vmem>>[vector<16xi32>, vector<16xi32>], vector<16xf32>,
      %broadcast_in_dim3A_368 = arith.constant 45 : i32
      %broadcast_in_dim3A_369 = vector.broadcast %broadcast_in_dim3A_368 : i32 to vector<16xi32>
      %gather3A_370 = tpu.vector_load_idx %arg20[%add3A_182, %broadcast_in_dim3A_369] : memref<80x64xf32, #tpu.memory_space<vmem>>[vector<16xi32>, vector<16xi32>], vector<16xf32>,
      %mul3A_371 = arith.mulf %gather3A_370, %gather3A_315 : vector<16xf32>
      tpu.vector_store_idx %arg24[%add3A_182, %broadcast_in_dim3A_369], %mul3A_371 : memref<80x64xf32, #tpu.memory_space<vmem>>[vector<16xi32>, vector<16xi32>], vector<16xf32>,
      %broadcast_in_dim3A_372 = arith.constant 46 : i32
      %broadcast_in_dim3A_373 = vector.broadcast %broadcast_in_dim3A_372 : i32 to vector<16xi32>
      %gather3A_374 = tpu.vector_load_idx %arg20[%add3A_182, %broadcast_in_dim3A_373] : memref<80x64xf32, #tpu.memory_space<vmem>>[vector<16xi32>, vector<16xi32>], vector<16xf32>,
      %mul3A_375 = arith.mulf %gather3A_374, %gather3A_315 : vector<16xf32>
      tpu.vector_store_idx %arg24[%add3A_182, %broadcast_in_dim3A_373], %mul3A_375 : memref<80x64xf32, #tpu.memory_space<vmem>>[vector<16xi32>, vector<16xi32>], vector<16xf32>,
      %broadcast_in_dim3A_376 = arith.constant 47 : i32
      %broadcast_in_dim3A_377 = vector.broadcast %broadcast_in_dim3A_376 : i32 to vector<16xi32>
      %gather3A_378 = tpu.vector_load_idx %arg20[%add3A_182, %broadcast_in_dim3A_377] : memref<80x64xf32, #tpu.memory_space<vmem>>[vector<16xi32>, vector<16xi32>], vector<16xf32>,
      %mul3A_379 = arith.mulf %gather3A_378, %gather3A_315 : vector<16xf32>
      tpu.vector_store_idx %arg24[%add3A_182, %broadcast_in_dim3A_377], %mul3A_379 : memref<80x64xf32, #tpu.memory_space<vmem>>[vector<16xi32>, vector<16xi32>], vector<16xf32>,
      %broadcast_in_dim3A_380 = arith.constant 48 : i32
      %broadcast_in_dim3A_381 = vector.broadcast %broadcast_in_dim3A_380 : i32 to vector<16xi32>
      %gather3A_382 = tpu.vector_load_idx %arg20[%add3A_182, %broadcast_in_dim3A_381] : memref<80x64xf32, #tpu.memory_space<vmem>>[vector<16xi32>, vector<16xi32>], vector<16xf32>,
      %mul3A_383 = arith.mulf %gather3A_382, %gather3A_315 : vector<16xf32>
      tpu.vector_store_idx %arg24[%add3A_182, %broadcast_in_dim3A_381], %mul3A_383 : memref<80x64xf32, #tpu.memory_space<vmem>>[vector<16xi32>, vector<16xi32>], vector<16xf32>,
      %broadcast_in_dim3A_384 = arith.constant 49 : i32
      %broadcast_in_dim3A_385 = vector.broadcast %broadcast_in_dim3A_384 : i32 to vector<16xi32>
      %gather3A_386 = tpu.vector_load_idx %arg20[%add3A_182, %broadcast_in_dim3A_385] : memref<80x64xf32, #tpu.memory_space<vmem>>[vector<16xi32>, vector<16xi32>], vector<16xf32>,
      %mul3A_387 = arith.mulf %gather3A_386, %gather3A_315 : vector<16xf32>
      tpu.vector_store_idx %arg24[%add3A_182, %broadcast_in_dim3A_385], %mul3A_387 : memref<80x64xf32, #tpu.memory_space<vmem>>[vector<16xi32>, vector<16xi32>], vector<16xf32>,
      %broadcast_in_dim3A_388 = arith.constant 50 : i32
      %broadcast_in_dim3A_389 = vector.broadcast %broadcast_in_dim3A_388 : i32 to vector<16xi32>
      %gather3A_390 = tpu.vector_load_idx %arg20[%add3A_182, %broadcast_in_dim3A_389] : memref<80x64xf32, #tpu.memory_space<vmem>>[vector<16xi32>, vector<16xi32>], vector<16xf32>,
      %mul3A_391 = arith.mulf %gather3A_390, %gather3A_315 : vector<16xf32>
      tpu.vector_store_idx %arg24[%add3A_182, %broadcast_in_dim3A_389], %mul3A_391 : memref<80x64xf32, #tpu.memory_space<vmem>>[vector<16xi32>, vector<16xi32>], vector<16xf32>,
      %broadcast_in_dim3A_392 = arith.constant 51 : i32
      %broadcast_in_dim3A_393 = vector.broadcast %broadcast_in_dim3A_392 : i32 to vector<16xi32>
      %gather3A_394 = tpu.vector_load_idx %arg20[%add3A_182, %broadcast_in_dim3A_393] : memref<80x64xf32, #tpu.memory_space<vmem>>[vector<16xi32>, vector<16xi32>], vector<16xf32>,
      %mul3A_395 = arith.mulf %gather3A_394, %gather3A_315 : vector<16xf32>
      tpu.vector_store_idx %arg24[%add3A_182, %broadcast_in_dim3A_393], %mul3A_395 : memref<80x64xf32, #tpu.memory_space<vmem>>[vector<16xi32>, vector<16xi32>], vector<16xf32>,
      %broadcast_in_dim3A_396 = arith.constant 52 : i32
      %broadcast_in_dim3A_397 = vector.broadcast %broadcast_in_dim3A_396 : i32 to vector<16xi32>
      %gather3A_398 = tpu.vector_load_idx %arg20[%add3A_182, %broadcast_in_dim3A_397] : memref<80x64xf32, #tpu.memory_space<vmem>>[vector<16xi32>, vector<16xi32>], vector<16xf32>,
      %mul3A_399 = arith.mulf %gather3A_398, %gather3A_315 : vector<16xf32>
      tpu.vector_store_idx %arg24[%add3A_182, %broadcast_in_dim3A_397], %mul3A_399 : memref<80x64xf32, #tpu.memory_space<vmem>>[vector<16xi32>, vector<16xi32>], vector<16xf32>,
      %broadcast_in_dim3A_400 = arith.constant 53 : i32
      %broadcast_in_dim3A_401 = vector.broadcast %broadcast_in_dim3A_400 : i32 to vector<16xi32>
      %gather3A_402 = tpu.vector_load_idx %arg20[%add3A_182, %broadcast_in_dim3A_401] : memref<80x64xf32, #tpu.memory_space<vmem>>[vector<16xi32>, vector<16xi32>], vector<16xf32>,
      %mul3A_403 = arith.mulf %gather3A_402, %gather3A_315 : vector<16xf32>
      tpu.vector_store_idx %arg24[%add3A_182, %broadcast_in_dim3A_401], %mul3A_403 : memref<80x64xf32, #tpu.memory_space<vmem>>[vector<16xi32>, vector<16xi32>], vector<16xf32>,
      %broadcast_in_dim3A_404 = arith.constant 54 : i32
      %broadcast_in_dim3A_405 = vector.broadcast %broadcast_in_dim3A_404 : i32 to vector<16xi32>
      %gather3A_406 = tpu.vector_load_idx %arg20[%add3A_182, %broadcast_in_dim3A_405] : memref<80x64xf32, #tpu.memory_space<vmem>>[vector<16xi32>, vector<16xi32>], vector<16xf32>,
      %mul3A_407 = arith.mulf %gather3A_406, %gather3A_315 : vector<16xf32>
      tpu.vector_store_idx %arg24[%add3A_182, %broadcast_in_dim3A_405], %mul3A_407 : memref<80x64xf32, #tpu.memory_space<vmem>>[vector<16xi32>, vector<16xi32>], vector<16xf32>,
      %broadcast_in_dim3A_408 = arith.constant 55 : i32
      %broadcast_in_dim3A_409 = vector.broadcast %broadcast_in_dim3A_408 : i32 to vector<16xi32>
      %gather3A_410 = tpu.vector_load_idx %arg20[%add3A_182, %broadcast_in_dim3A_409] : memref<80x64xf32, #tpu.memory_space<vmem>>[vector<16xi32>, vector<16xi32>], vector<16xf32>,
      %mul3A_411 = arith.mulf %gather3A_410, %gather3A_315 : vector<16xf32>
      tpu.vector_store_idx %arg24[%add3A_182, %broadcast_in_dim3A_409], %mul3A_411 : memref<80x64xf32, #tpu.memory_space<vmem>>[vector<16xi32>, vector<16xi32>], vector<16xf32>,
      %broadcast_in_dim3A_412 = arith.constant 56 : i32
      %broadcast_in_dim3A_413 = vector.broadcast %broadcast_in_dim3A_412 : i32 to vector<16xi32>
      %gather3A_414 = tpu.vector_load_idx %arg20[%add3A_182, %broadcast_in_dim3A_413] : memref<80x64xf32, #tpu.memory_space<vmem>>[vector<16xi32>, vector<16xi32>], vector<16xf32>,
      %mul3A_415 = arith.mulf %gather3A_414, %gather3A_315 : vector<16xf32>
      tpu.vector_store_idx %arg24[%add3A_182, %broadcast_in_dim3A_413], %mul3A_415 : memref<80x64xf32, #tpu.memory_space<vmem>>[vector<16xi32>, vector<16xi32>], vector<16xf32>,
      %broadcast_in_dim3A_416 = arith.constant 57 : i32
      %broadcast_in_dim3A_417 = vector.broadcast %broadcast_in_dim3A_416 : i32 to vector<16xi32>
      %gather3A_418 = tpu.vector_load_idx %arg20[%add3A_182, %broadcast_in_dim3A_417] : memref<80x64xf32, #tpu.memory_space<vmem>>[vector<16xi32>, vector<16xi32>], vector<16xf32>,
      %mul3A_419 = arith.mulf %gather3A_418, %gather3A_315 : vector<16xf32>
      tpu.vector_store_idx %arg24[%add3A_182, %broadcast_in_dim3A_417], %mul3A_419 : memref<80x64xf32, #tpu.memory_space<vmem>>[vector<16xi32>, vector<16xi32>], vector<16xf32>,
      %broadcast_in_dim3A_420 = arith.constant 58 : i32
      %broadcast_in_dim3A_421 = vector.broadcast %broadcast_in_dim3A_420 : i32 to vector<16xi32>
      %gather3A_422 = tpu.vector_load_idx %arg20[%add3A_182, %broadcast_in_dim3A_421] : memref<80x64xf32, #tpu.memory_space<vmem>>[vector<16xi32>, vector<16xi32>], vector<16xf32>,
      %mul3A_423 = arith.mulf %gather3A_422, %gather3A_315 : vector<16xf32>
      tpu.vector_store_idx %arg24[%add3A_182, %broadcast_in_dim3A_421], %mul3A_423 : memref<80x64xf32, #tpu.memory_space<vmem>>[vector<16xi32>, vector<16xi32>], vector<16xf32>,
      %broadcast_in_dim3A_424 = arith.constant 59 : i32
      %broadcast_in_dim3A_425 = vector.broadcast %broadcast_in_dim3A_424 : i32 to vector<16xi32>
      %gather3A_426 = tpu.vector_load_idx %arg20[%add3A_182, %broadcast_in_dim3A_425] : memref<80x64xf32, #tpu.memory_space<vmem>>[vector<16xi32>, vector<16xi32>], vector<16xf32>,
      %mul3A_427 = arith.mulf %gather3A_426, %gather3A_315 : vector<16xf32>
      tpu.vector_store_idx %arg24[%add3A_182, %broadcast_in_dim3A_425], %mul3A_427 : memref<80x64xf32, #tpu.memory_space<vmem>>[vector<16xi32>, vector<16xi32>], vector<16xf32>,
      %broadcast_in_dim3A_428 = arith.constant 60 : i32
      %broadcast_in_dim3A_429 = vector.broadcast %broadcast_in_dim3A_428 : i32 to vector<16xi32>
      %gather3A_430 = tpu.vector_load_idx %arg20[%add3A_182, %broadcast_in_dim3A_429] : memref<80x64xf32, #tpu.memory_space<vmem>>[vector<16xi32>, vector<16xi32>], vector<16xf32>,
      %mul3A_431 = arith.mulf %gather3A_430, %gather3A_315 : vector<16xf32>
      tpu.vector_store_idx %arg24[%add3A_182, %broadcast_in_dim3A_429], %mul3A_431 : memref<80x64xf32, #tpu.memory_space<vmem>>[vector<16xi32>, vector<16xi32>], vector<16xf32>,
      %broadcast_in_dim3A_432 = arith.constant 61 : i32
      %broadcast_in_dim3A_433 = vector.broadcast %broadcast_in_dim3A_432 : i32 to vector<16xi32>
      %gather3A_434 = tpu.vector_load_idx %arg20[%add3A_182, %broadcast_in_dim3A_433] : memref<80x64xf32, #tpu.memory_space<vmem>>[vector<16xi32>, vector<16xi32>], vector<16xf32>,
      %mul3A_435 = arith.mulf %gather3A_434, %gather3A_315 : vector<16xf32>
      tpu.vector_store_idx %arg24[%add3A_182, %broadcast_in_dim3A_433], %mul3A_435 : memref<80x64xf32, #tpu.memory_space<vmem>>[vector<16xi32>, vector<16xi32>], vector<16xf32>,
      %broadcast_in_dim3A_436 = arith.constant 62 : i32
      %broadcast_in_dim3A_437 = vector.broadcast %broadcast_in_dim3A_436 : i32 to vector<16xi32>
      %gather3A_438 = tpu.vector_load_idx %arg20[%add3A_182, %broadcast_in_dim3A_437] : memref<80x64xf32, #tpu.memory_space<vmem>>[vector<16xi32>, vector<16xi32>], vector<16xf32>,
      %mul3A_439 = arith.mulf %gather3A_438, %gather3A_315 : vector<16xf32>
      tpu.vector_store_idx %arg24[%add3A_182, %broadcast_in_dim3A_437], %mul3A_439 : memref<80x64xf32, #tpu.memory_space<vmem>>[vector<16xi32>, vector<16xi32>], vector<16xf32>,
      %broadcast_in_dim3A_440 = arith.constant 63 : i32
      %broadcast_in_dim3A_441 = vector.broadcast %broadcast_in_dim3A_440 : i32 to vector<16xi32>
      %gather3A_442 = tpu.vector_load_idx %arg20[%add3A_182, %broadcast_in_dim3A_441] : memref<80x64xf32, #tpu.memory_space<vmem>>[vector<16xi32>, vector<16xi32>], vector<16xf32>,
      %mul3A_443 = arith.mulf %gather3A_442, %gather3A_315 : vector<16xf32>
      tpu.vector_store_idx %arg24[%add3A_182, %broadcast_in_dim3A_441], %mul3A_443 : memref<80x64xf32, #tpu.memory_space<vmem>>[vector<16xi32>, vector<16xi32>], vector<16xf32>,
    }
    %scan3A_152 = arith.constant 5 : i32
    %dma_start3A_153 = arith.constant 0 : i32
    %dma_start3A_154 = arith.constant 0 : i32
    %dma_start3A_155 = tpu.memref_slice %arg25[%dma_start3A_153, %dma_start3A_154] : memref<10000x64xf32, #tpu.memory_space<vmem_shared>> -> memref<10000x64xf32, #tpu.memory_space<vmem_shared>>
    tpu.enqueue_indirect_dma source(%arg24 : memref<80x64xf32, #tpu.memory_space<vmem>>) target(%dma_start3A_155 : memref<10000x64xf32, #tpu.memory_space<vmem_shared>>) offsets(%arg18 : memref<80xi32, #tpu.memory_space<vmem>>) semaphore(%arg32 : memref<!tpu.dma_semaphore, #tpu.memory_space<semaphore_mem>>) {add = true}
    %dma_start3A_156 = arith.constant 0 : i32
    %dma_start3A_157 = arith.constant 0 : i32
    %dma_start3A_158 = tpu.memref_slice %arg26[%dma_start3A_156, %dma_start3A_157] : memref<10000x16xf32, #tpu.memory_space<vmem_shared>> -> memref<10000x16xf32, #tpu.memory_space<vmem_shared>>
    tpu.enqueue_indirect_dma source(%arg21 : memref<80x16xf32, #tpu.memory_space<vmem>>) target(%dma_start3A_158 : memref<10000x16xf32, #tpu.memory_space<vmem_shared>>) offsets(%arg18 : memref<80xi32, #tpu.memory_space<vmem>>) semaphore(%arg32 : memref<!tpu.dma_semaphore, #tpu.memory_space<semaphore_mem>>) {add = true}
    %scan3A_159 = arith.constant 0 : i32
    %scan3A_160 = arith.constant 0 : i32
    %scan3A_161 = arith.constant 124 : i32
    %scan3A_162 = arith.addi %scan3A_160, %scan3A_161 : i32
    %scan3A_163 = arith.constant 1 : i32
    scf.for %scan3A_178 = %scan3A_160 to %scan3A_162 step %scan3A_163  : i32 {
      %mul3A_179 = arith.constant 2 : i32
      %mul3A_180 = arith.muli %mul3A_179, %scan3A_178 : i32
      %add3A_181 = arith.constant 2 : i32
      %add3A_182 = arith.addi %mul3A_180, %add3A_181 : i32
      %mul3A_183 = arith.constant 80 : i32
      %mul3A_184 = arith.muli %add3A_182, %mul3A_183 : i32
      %add3A_185 = arith.addi %mul3A_4, %mul3A_184 : i32
      %dma_wait3A_186 = arith.constant 0 : i32
      %dma_wait3A_187 = arith.constant 0 : i32
      %dma_wait3A_188 = tpu.memref_slice %arg25[%dma_wait3A_186, %dma_wait3A_187] : memref<10000x64xf32, #tpu.memory_space<vmem_shared>> -> memref<10000x64xf32, #tpu.memory_space<vmem_shared>>
      tpu.wait_indirect_dma semaphore(%arg29 : memref<!tpu.dma_semaphore, #tpu.memory_space<semaphore_mem>>) src(%arg15 : memref<80x64xf32, #tpu.memory_space<vmem>>) dst(%dma_wait3A_188 : memref<10000x64xf32, #tpu.memory_space<vmem_shared>>)
      %dma_wait3A_189 = arith.constant 0 : i32
      %dma_wait3A_190 = arith.constant 0 : i32
      %dma_wait3A_191 = tpu.memref_slice %arg26[%dma_wait3A_189, %dma_wait3A_190] : memref<10000x16xf32, #tpu.memory_space<vmem_shared>> -> memref<10000x16xf32, #tpu.memory_space<vmem_shared>>
      tpu.wait_indirect_dma semaphore(%arg29 : memref<!tpu.dma_semaphore, #tpu.memory_space<semaphore_mem>>) src(%arg12 : memref<80x16xf32, #tpu.memory_space<vmem>>) dst(%dma_wait3A_191 : memref<10000x16xf32, #tpu.memory_space<vmem_shared>>)
      "tpu.region"() ({
        %run_scoped3A = tpu.sem_alloc : memref<!tpu.dma_semaphore, #tpu.memory_space<semaphore_mem>>
        %dma_start3A_289 = tpu.memref_slice %arg3[%add3A_185] : memref<320000xi32, #tpu.memory_space<hbm>> -> memref<80xi32, #tpu.memory_space<hbm>>
        %dma_start3A_290 = tpu.memref_slice %arg3[%add3A_185] : memref<320000xi32, #tpu.memory_space<hbm>> -> memref<80xi32, #tpu.memory_space<hbm>>
        tpu.enqueue_dma source(%dma_start3A_290 : memref<80xi32, #tpu.memory_space<hbm>>) target(%arg7 : memref<80xi32, #tpu.memory_space<vmem>>) target_semaphore(%run_scoped3A : memref<!tpu.dma_semaphore, #tpu.memory_space<semaphore_mem>>)
        %dma_wait3A_291 = tpu.memref_slice %arg3[%add3A_185] : memref<320000xi32, #tpu.memory_space<hbm>> -> memref<80xi32, #tpu.memory_space<hbm>>
        %dma_wait3A_292 = tpu.memref_slice %arg3[%add3A_185] : memref<320000xi32, #tpu.memory_space<hbm>> -> memref<80xi32, #tpu.memory_space<hbm>>
        tpu.wait_dma2 semaphore(%run_scoped3A : memref<!tpu.dma_semaphore, #tpu.memory_space<semaphore_mem>>) src(%dma_wait3A_292 : memref<80xi32, #tpu.memory_space<hbm>>) dst(%arg7 : memref<80xi32, #tpu.memory_space<vmem>>)
        tpu.yield
      }) : () -> ()
      %scan3A_192 = arith.constant 0 : i32
      %scan3A_193 = arith.constant 0 : i32
      %scan3A_194 = arith.constant 5 : i32
      %scan3A_195 = arith.addi %scan3A_193, %scan3A_194 : i32
      %scan3A_196 = arith.constant 1 : i32
      scf.for %scan3A_289 = %scan3A_193 to %scan3A_195 step %scan3A_196  : i32 {
        %mul3A_290 = arith.constant 16 : i32
        %mul3A_291 = arith.muli %scan3A_289, %mul3A_290 : i32
        %broadcast_in_dim3A_292 = vector.broadcast %mul3A_291 : i32 to vector<16xi32>
        %add3A_293 = arith.addi %broadcast_in_dim3A_292, %iota3A : vector<16xi32>
        %gather3A = tpu.vector_load_idx %arg7[%add3A_293] : memref<80xi32, #tpu.memory_space<vmem>>[vector<16xi32>], vector<16xi32>,
        %and3A = arith.constant 16383 : i32
        %and3A_294 = vector.broadcast %and3A : i32 to vector<16xi32>
        %and3A_295 = arith.andi %gather3A, %and3A_294 : vector<16xi32>
        %shift_right_arithmetic3A = arith.constant 14 : i32
        %shift_right_arithmetic3A_296 = vector.broadcast %shift_right_arithmetic3A : i32 to vector<16xi32>
        %shift_right_arithmetic3A_297 = arith.shrsi %gather3A, %shift_right_arithmetic3A_296 : vector<16xi32>
        tpu.vector_store_idx %arg8[%add3A_293], %and3A_295 : memref<80xi32, #tpu.memory_space<vmem>>[vector<16xi32>], vector<16xi32>,
        tpu.vector_store_idx %arg9[%add3A_293], %shift_right_arithmetic3A_297 : memref<80xi32, #tpu.memory_space<vmem>>[vector<16xi32>], vector<16xi32>,
        %mul3A_298 = arith.constant 10000 : i32
        %mul3A_299 = arith.muli %arg0, %mul3A_298 : i32
        %add3A_300 = vector.broadcast %mul3A_299 : i32 to vector<16xi32>
        %add3A_301 = arith.addi %and3A_295, %add3A_300 : vector<16xi32>
        tpu.vector_store_idx %arg10[%add3A_293], %add3A_301 : memref<80xi32, #tpu.memory_space<vmem>>[vector<16xi32>], vector<16xi32>,
      }
      %scan3A_197 = arith.constant 5 : i32
      %dma_start3A_198 = arith.constant 0 : i32
      %dma_start3A_199 = arith.constant 0 : i32
      %dma_start3A_200 = tpu.memref_slice %arg4[%dma_start3A_198, %dma_start3A_199] : memref<20000x64xf32, #tpu.memory_space<hbm>> -> memref<20000x64xf32, #tpu.memory_space<hbm>>
      tpu.enqueue_indirect_dma source(%dma_start3A_200 : memref<20000x64xf32, #tpu.memory_space<hbm>>) target(%arg11 : memref<80x64xf32, #tpu.memory_space<vmem>>) offsets(%arg10 : memref<80xi32, #tpu.memory_space<vmem>>) semaphore(%arg27 : memref<!tpu.dma_semaphore, #tpu.memory_space<semaphore_mem>>)
      %dma_start3A_201 = arith.constant 0 : i32
      %dma_start3A_202 = arith.constant 0 : i32
      %dma_start3A_203 = tpu.memref_slice %arg2[%dma_start3A_201, %dma_start3A_202] : memref<10000x16xf32, #tpu.memory_space<hbm>> -> memref<10000x16xf32, #tpu.memory_space<hbm>>
      tpu.enqueue_indirect_dma source(%dma_start3A_203 : memref<10000x16xf32, #tpu.memory_space<hbm>>) target(%arg13 : memref<80x16xf32, #tpu.memory_space<vmem>>) offsets(%arg8 : memref<80xi32, #tpu.memory_space<vmem>>) semaphore(%arg28 : memref<!tpu.dma_semaphore, #tpu.memory_space<semaphore_mem>>)
      %dma_start3A_204 = arith.constant 0 : i32
      %dma_start3A_205 = arith.constant 0 : i32
      %dma_start3A_206 = tpu.memref_slice %arg2[%dma_start3A_204, %dma_start3A_205] : memref<10000x16xf32, #tpu.memory_space<hbm>> -> memref<10000x16xf32, #tpu.memory_space<hbm>>
      tpu.enqueue_indirect_dma source(%dma_start3A_206 : memref<10000x16xf32, #tpu.memory_space<hbm>>) target(%arg14 : memref<80x16xf32, #tpu.memory_space<vmem>>) offsets(%arg9 : memref<80xi32, #tpu.memory_space<vmem>>) semaphore(%arg28 : memref<!tpu.dma_semaphore, #tpu.memory_space<semaphore_mem>>)
      %dma_wait3A_207 = arith.constant 0 : i32
      %dma_wait3A_208 = arith.constant 0 : i32
      %dma_wait3A_209 = tpu.memref_slice %arg2[%dma_wait3A_207, %dma_wait3A_208] : memref<10000x16xf32, #tpu.memory_space<hbm>> -> memref<10000x16xf32, #tpu.memory_space<hbm>>
      tpu.wait_indirect_dma semaphore(%arg28 : memref<!tpu.dma_semaphore, #tpu.memory_space<semaphore_mem>>) src(%dma_wait3A_209 : memref<10000x16xf32, #tpu.memory_space<hbm>>) dst(%arg13 : memref<80x16xf32, #tpu.memory_space<vmem>>)
      %dma_wait3A_210 = arith.constant 0 : i32
      %dma_wait3A_211 = arith.constant 0 : i32
      %dma_wait3A_212 = tpu.memref_slice %arg2[%dma_wait3A_210, %dma_wait3A_211] : memref<10000x16xf32, #tpu.memory_space<hbm>> -> memref<10000x16xf32, #tpu.memory_space<hbm>>
      tpu.wait_indirect_dma semaphore(%arg28 : memref<!tpu.dma_semaphore, #tpu.memory_space<semaphore_mem>>) src(%dma_wait3A_212 : memref<10000x16xf32, #tpu.memory_space<hbm>>) dst(%arg14 : memref<80x16xf32, #tpu.memory_space<vmem>>)
      %scan3A_213 = arith.constant 0 : i32
      %scan3A_214 = arith.constant 0 : i32
      %scan3A_215 = arith.constant 5 : i32
      %scan3A_216 = arith.addi %scan3A_214, %scan3A_215 : i32
      %scan3A_217 = arith.constant 1 : i32
      scf.for %scan3A_289 = %scan3A_214 to %scan3A_216 step %scan3A_217  : i32 {
        %mul3A_290 = arith.constant 16 : i32
        %mul3A_291 = arith.muli %scan3A_289, %mul3A_290 : i32
        %broadcast_in_dim3A_292 = vector.broadcast %mul3A_291 : i32 to vector<16xi32>
        %add3A_293 = arith.addi %broadcast_in_dim3A_292, %iota3A : vector<16xi32>
        %add3A_294 = arith.constant 0 : i32
        %add3A_295 = arith.addi %mul3A_2, %add3A_294 : i32
        %broadcast_in_dim3A_296 = vector.broadcast %add3A_295 : i32 to vector<16xi32>
        %gather3A = tpu.vector_load_idx %arg13[%add3A_293, %broadcast_in_dim3A_296] : memref<80x16xf32, #tpu.memory_space<vmem>>[vector<16xi32>, vector<16xi32>], vector<16xf32>,
        %add3A_297 = arith.constant 4 : i32
        %add3A_298 = arith.addi %add3A_297, %add3A_295 : i32
        %broadcast_in_dim3A_299 = vector.broadcast %add3A_298 : i32 to vector<16xi32>
        %gather3A_300 = tpu.vector_load_idx %arg14[%add3A_293, %broadcast_in_dim3A_299] : memref<80x16xf32, #tpu.memory_space<vmem>>[vector<16xi32>, vector<16xi32>], vector<16xf32>,
        %add3A_301 = arith.addf %gather3A, %gather3A_300 : vector<16xf32>
        %ge3A = arith.constant 0.000000e+00 : f32
        %ge3A_302 = vector.broadcast %ge3A : f32 to vector<16xf32>
        %ge3A_303 = arith.cmpf oge, %add3A_301, %ge3A_302 : vector<16xf32>
        %mul3A_304 = arith.constant 2.000000e-01 : f32
        %mul3A_305 = vector.broadcast %mul3A_304 : f32 to vector<16xf32>
        %mul3A_306 = arith.mulf %add3A_301, %mul3A_305 : vector<16xf32>
        %select_n3A = arith.select %ge3A_303, %add3A_301, %mul3A_306 : vector<16xi1>, vector<16xf32>
        %exp3A = math.exp %select_n3A : vector<16xf32>
        %broadcast_in_dim3A_307 = arith.constant 0 : i32
        %broadcast_in_dim3A_308 = vector.broadcast %broadcast_in_dim3A_307 : i32 to vector<16xi32>
        tpu.vector_store_idx %arg12[%add3A_293, %broadcast_in_dim3A_308], %exp3A : memref<80x16xf32, #tpu.memory_space<vmem>>[vector<16xi32>, vector<16xi32>], vector<16xf32>,
        %add3A_309 = arith.constant 1 : i32
        %add3A_310 = arith.addi %mul3A_2, %add3A_309 : i32
        %broadcast_in_dim3A_311 = vector.broadcast %add3A_310 : i32 to vector<16xi32>
        %gather3A_312 = tpu.vector_load_idx %arg13[%add3A_293, %broadcast_in_dim3A_311] : memref<80x16xf32, #tpu.memory_space<vmem>>[vector<16xi32>, vector<16xi32>], vector<16xf32>,
        %add3A_313 = arith.constant 4 : i32
        %add3A_314 = arith.addi %add3A_313, %add3A_310 : i32
        %broadcast_in_dim3A_315 = vector.broadcast %add3A_314 : i32 to vector<16xi32>
        %gather3A_316 = tpu.vector_load_idx %arg14[%add3A_293, %broadcast_in_dim3A_315] : memref<80x16xf32, #tpu.memory_space<vmem>>[vector<16xi32>, vector<16xi32>], vector<16xf32>,
        %add3A_317 = arith.addf %gather3A_312, %gather3A_316 : vector<16xf32>
        %ge3A_318 = arith.constant 0.000000e+00 : f32
        %ge3A_319 = vector.broadcast %ge3A_318 : f32 to vector<16xf32>
        %ge3A_320 = arith.cmpf oge, %add3A_317, %ge3A_319 : vector<16xf32>
        %mul3A_321 = arith.constant 2.000000e-01 : f32
        %mul3A_322 = vector.broadcast %mul3A_321 : f32 to vector<16xf32>
        %mul3A_323 = arith.mulf %add3A_317, %mul3A_322 : vector<16xf32>
        %select_n3A_324 = arith.select %ge3A_320, %add3A_317, %mul3A_323 : vector<16xi1>, vector<16xf32>
        %exp3A_325 = math.exp %select_n3A_324 : vector<16xf32>
        %broadcast_in_dim3A_326 = arith.constant 1 : i32
        %broadcast_in_dim3A_327 = vector.broadcast %broadcast_in_dim3A_326 : i32 to vector<16xi32>
        tpu.vector_store_idx %arg12[%add3A_293, %broadcast_in_dim3A_327], %exp3A_325 : memref<80x16xf32, #tpu.memory_space<vmem>>[vector<16xi32>, vector<16xi32>], vector<16xf32>,
      }
      %scan3A_218 = arith.constant 5 : i32
      %dma_wait3A_219 = arith.constant 0 : i32
      %dma_wait3A_220 = arith.constant 0 : i32
      %dma_wait3A_221 = tpu.memref_slice %arg4[%dma_wait3A_219, %dma_wait3A_220] : memref<20000x64xf32, #tpu.memory_space<hbm>> -> memref<20000x64xf32, #tpu.memory_space<hbm>>
      tpu.wait_indirect_dma semaphore(%arg27 : memref<!tpu.dma_semaphore, #tpu.memory_space<semaphore_mem>>) src(%dma_wait3A_221 : memref<20000x64xf32, #tpu.memory_space<hbm>>) dst(%arg11 : memref<80x64xf32, #tpu.memory_space<vmem>>)
      %scan3A_222 = arith.constant 0 : i32
      %scan3A_223 = arith.constant 0 : i32
      %scan3A_224 = arith.constant 5 : i32
      %scan3A_225 = arith.addi %scan3A_223, %scan3A_224 : i32
      %scan3A_226 = arith.constant 1 : i32
      scf.for %scan3A_289 = %scan3A_223 to %scan3A_225 step %scan3A_226  : i32 {
        %mul3A_290 = arith.constant 16 : i32
        %mul3A_291 = arith.muli %scan3A_289, %mul3A_290 : i32
        %broadcast_in_dim3A_292 = vector.broadcast %mul3A_291 : i32 to vector<16xi32>
        %add3A_293 = arith.addi %broadcast_in_dim3A_292, %iota3A : vector<16xi32>
        %broadcast_in_dim3A_294 = arith.constant 0 : i32
        %broadcast_in_dim3A_295 = vector.broadcast %broadcast_in_dim3A_294 : i32 to vector<16xi32>
        %gather3A = tpu.vector_load_idx %arg12[%add3A_293, %broadcast_in_dim3A_295] : memref<80x16xf32, #tpu.memory_space<vmem>>[vector<16xi32>, vector<16xi32>], vector<16xf32>,
        %broadcast_in_dim3A_296 = arith.constant 0 : i32
        %broadcast_in_dim3A_297 = vector.broadcast %broadcast_in_dim3A_296 : i32 to vector<16xi32>
        %gather3A_298 = tpu.vector_load_idx %arg11[%add3A_293, %broadcast_in_dim3A_297] : memref<80x64xf32, #tpu.memory_space<vmem>>[vector<16xi32>, vector<16xi32>], vector<16xf32>,
        %mul3A_299 = arith.mulf %gather3A_298, %gather3A : vector<16xf32>
        tpu.vector_store_idx %arg15[%add3A_293, %broadcast_in_dim3A_297], %mul3A_299 : memref<80x64xf32, #tpu.memory_space<vmem>>[vector<16xi32>, vector<16xi32>], vector<16xf32>,
        %broadcast_in_dim3A_300 = arith.constant 1 : i32
        %broadcast_in_dim3A_301 = vector.broadcast %broadcast_in_dim3A_300 : i32 to vector<16xi32>
        %gather3A_302 = tpu.vector_load_idx %arg11[%add3A_293, %broadcast_in_dim3A_301] : memref<80x64xf32, #tpu.memory_space<vmem>>[vector<16xi32>, vector<16xi32>], vector<16xf32>,
        %mul3A_303 = arith.mulf %gather3A_302, %gather3A : vector<16xf32>
        tpu.vector_store_idx %arg15[%add3A_293, %broadcast_in_dim3A_301], %mul3A_303 : memref<80x64xf32, #tpu.memory_space<vmem>>[vector<16xi32>, vector<16xi32>], vector<16xf32>,
        %broadcast_in_dim3A_304 = arith.constant 2 : i32
        %broadcast_in_dim3A_305 = vector.broadcast %broadcast_in_dim3A_304 : i32 to vector<16xi32>
        %gather3A_306 = tpu.vector_load_idx %arg11[%add3A_293, %broadcast_in_dim3A_305] : memref<80x64xf32, #tpu.memory_space<vmem>>[vector<16xi32>, vector<16xi32>], vector<16xf32>,
        %mul3A_307 = arith.mulf %gather3A_306, %gather3A : vector<16xf32>
        tpu.vector_store_idx %arg15[%add3A_293, %broadcast_in_dim3A_305], %mul3A_307 : memref<80x64xf32, #tpu.memory_space<vmem>>[vector<16xi32>, vector<16xi32>], vector<16xf32>,
        %broadcast_in_dim3A_308 = arith.constant 3 : i32
        %broadcast_in_dim3A_309 = vector.broadcast %broadcast_in_dim3A_308 : i32 to vector<16xi32>
        %gather3A_310 = tpu.vector_load_idx %arg11[%add3A_293, %broadcast_in_dim3A_309] : memref<80x64xf32, #tpu.memory_space<vmem>>[vector<16xi32>, vector<16xi32>], vector<16xf32>,
        %mul3A_311 = arith.mulf %gather3A_310, %gather3A : vector<16xf32>
        tpu.vector_store_idx %arg15[%add3A_293, %broadcast_in_dim3A_309], %mul3A_311 : memref<80x64xf32, #tpu.memory_space<vmem>>[vector<16xi32>, vector<16xi32>], vector<16xf32>,
        %broadcast_in_dim3A_312 = arith.constant 4 : i32
        %broadcast_in_dim3A_313 = vector.broadcast %broadcast_in_dim3A_312 : i32 to vector<16xi32>
        %gather3A_314 = tpu.vector_load_idx %arg11[%add3A_293, %broadcast_in_dim3A_313] : memref<80x64xf32, #tpu.memory_space<vmem>>[vector<16xi32>, vector<16xi32>], vector<16xf32>,
        %mul3A_315 = arith.mulf %gather3A_314, %gather3A : vector<16xf32>
        tpu.vector_store_idx %arg15[%add3A_293, %broadcast_in_dim3A_313], %mul3A_315 : memref<80x64xf32, #tpu.memory_space<vmem>>[vector<16xi32>, vector<16xi32>], vector<16xf32>,
        %broadcast_in_dim3A_316 = arith.constant 5 : i32
        %broadcast_in_dim3A_317 = vector.broadcast %broadcast_in_dim3A_316 : i32 to vector<16xi32>
        %gather3A_318 = tpu.vector_load_idx %arg11[%add3A_293, %broadcast_in_dim3A_317] : memref<80x64xf32, #tpu.memory_space<vmem>>[vector<16xi32>, vector<16xi32>], vector<16xf32>,
        %mul3A_319 = arith.mulf %gather3A_318, %gather3A : vector<16xf32>
        tpu.vector_store_idx %arg15[%add3A_293, %broadcast_in_dim3A_317], %mul3A_319 : memref<80x64xf32, #tpu.memory_space<vmem>>[vector<16xi32>, vector<16xi32>], vector<16xf32>,
        %broadcast_in_dim3A_320 = arith.constant 6 : i32
        %broadcast_in_dim3A_321 = vector.broadcast %broadcast_in_dim3A_320 : i32 to vector<16xi32>
        %gather3A_322 = tpu.vector_load_idx %arg11[%add3A_293, %broadcast_in_dim3A_321] : memref<80x64xf32, #tpu.memory_space<vmem>>[vector<16xi32>, vector<16xi32>], vector<16xf32>,
        %mul3A_323 = arith.mulf %gather3A_322, %gather3A : vector<16xf32>
        tpu.vector_store_idx %arg15[%add3A_293, %broadcast_in_dim3A_321], %mul3A_323 : memref<80x64xf32, #tpu.memory_space<vmem>>[vector<16xi32>, vector<16xi32>], vector<16xf32>,
        %broadcast_in_dim3A_324 = arith.constant 7 : i32
        %broadcast_in_dim3A_325 = vector.broadcast %broadcast_in_dim3A_324 : i32 to vector<16xi32>
        %gather3A_326 = tpu.vector_load_idx %arg11[%add3A_293, %broadcast_in_dim3A_325] : memref<80x64xf32, #tpu.memory_space<vmem>>[vector<16xi32>, vector<16xi32>], vector<16xf32>,
        %mul3A_327 = arith.mulf %gather3A_326, %gather3A : vector<16xf32>
        tpu.vector_store_idx %arg15[%add3A_293, %broadcast_in_dim3A_325], %mul3A_327 : memref<80x64xf32, #tpu.memory_space<vmem>>[vector<16xi32>, vector<16xi32>], vector<16xf32>,
        %broadcast_in_dim3A_328 = arith.constant 8 : i32
        %broadcast_in_dim3A_329 = vector.broadcast %broadcast_in_dim3A_328 : i32 to vector<16xi32>
        %gather3A_330 = tpu.vector_load_idx %arg11[%add3A_293, %broadcast_in_dim3A_329] : memref<80x64xf32, #tpu.memory_space<vmem>>[vector<16xi32>, vector<16xi32>], vector<16xf32>,
        %mul3A_331 = arith.mulf %gather3A_330, %gather3A : vector<16xf32>
        tpu.vector_store_idx %arg15[%add3A_293, %broadcast_in_dim3A_329], %mul3A_331 : memref<80x64xf32, #tpu.memory_space<vmem>>[vector<16xi32>, vector<16xi32>], vector<16xf32>,
        %broadcast_in_dim3A_332 = arith.constant 9 : i32
        %broadcast_in_dim3A_333 = vector.broadcast %broadcast_in_dim3A_332 : i32 to vector<16xi32>
        %gather3A_334 = tpu.vector_load_idx %arg11[%add3A_293, %broadcast_in_dim3A_333] : memref<80x64xf32, #tpu.memory_space<vmem>>[vector<16xi32>, vector<16xi32>], vector<16xf32>,
        %mul3A_335 = arith.mulf %gather3A_334, %gather3A : vector<16xf32>
        tpu.vector_store_idx %arg15[%add3A_293, %broadcast_in_dim3A_333], %mul3A_335 : memref<80x64xf32, #tpu.memory_space<vmem>>[vector<16xi32>, vector<16xi32>], vector<16xf32>,
        %broadcast_in_dim3A_336 = arith.constant 10 : i32
        %broadcast_in_dim3A_337 = vector.broadcast %broadcast_in_dim3A_336 : i32 to vector<16xi32>
        %gather3A_338 = tpu.vector_load_idx %arg11[%add3A_293, %broadcast_in_dim3A_337] : memref<80x64xf32, #tpu.memory_space<vmem>>[vector<16xi32>, vector<16xi32>], vector<16xf32>,
        %mul3A_339 = arith.mulf %gather3A_338, %gather3A : vector<16xf32>
        tpu.vector_store_idx %arg15[%add3A_293, %broadcast_in_dim3A_337], %mul3A_339 : memref<80x64xf32, #tpu.memory_space<vmem>>[vector<16xi32>, vector<16xi32>], vector<16xf32>,
        %broadcast_in_dim3A_340 = arith.constant 11 : i32
        %broadcast_in_dim3A_341 = vector.broadcast %broadcast_in_dim3A_340 : i32 to vector<16xi32>
        %gather3A_342 = tpu.vector_load_idx %arg11[%add3A_293, %broadcast_in_dim3A_341] : memref<80x64xf32, #tpu.memory_space<vmem>>[vector<16xi32>, vector<16xi32>], vector<16xf32>,
        %mul3A_343 = arith.mulf %gather3A_342, %gather3A : vector<16xf32>
        tpu.vector_store_idx %arg15[%add3A_293, %broadcast_in_dim3A_341], %mul3A_343 : memref<80x64xf32, #tpu.memory_space<vmem>>[vector<16xi32>, vector<16xi32>], vector<16xf32>,
        %broadcast_in_dim3A_344 = arith.constant 12 : i32
        %broadcast_in_dim3A_345 = vector.broadcast %broadcast_in_dim3A_344 : i32 to vector<16xi32>
        %gather3A_346 = tpu.vector_load_idx %arg11[%add3A_293, %broadcast_in_dim3A_345] : memref<80x64xf32, #tpu.memory_space<vmem>>[vector<16xi32>, vector<16xi32>], vector<16xf32>,
        %mul3A_347 = arith.mulf %gather3A_346, %gather3A : vector<16xf32>
        tpu.vector_store_idx %arg15[%add3A_293, %broadcast_in_dim3A_345], %mul3A_347 : memref<80x64xf32, #tpu.memory_space<vmem>>[vector<16xi32>, vector<16xi32>], vector<16xf32>,
        %broadcast_in_dim3A_348 = arith.constant 13 : i32
        %broadcast_in_dim3A_349 = vector.broadcast %broadcast_in_dim3A_348 : i32 to vector<16xi32>
        %gather3A_350 = tpu.vector_load_idx %arg11[%add3A_293, %broadcast_in_dim3A_349] : memref<80x64xf32, #tpu.memory_space<vmem>>[vector<16xi32>, vector<16xi32>], vector<16xf32>,
        %mul3A_351 = arith.mulf %gather3A_350, %gather3A : vector<16xf32>
        tpu.vector_store_idx %arg15[%add3A_293, %broadcast_in_dim3A_349], %mul3A_351 : memref<80x64xf32, #tpu.memory_space<vmem>>[vector<16xi32>, vector<16xi32>], vector<16xf32>,
        %broadcast_in_dim3A_352 = arith.constant 14 : i32
        %broadcast_in_dim3A_353 = vector.broadcast %broadcast_in_dim3A_352 : i32 to vector<16xi32>
        %gather3A_354 = tpu.vector_load_idx %arg11[%add3A_293, %broadcast_in_dim3A_353] : memref<80x64xf32, #tpu.memory_space<vmem>>[vector<16xi32>, vector<16xi32>], vector<16xf32>,
        %mul3A_355 = arith.mulf %gather3A_354, %gather3A : vector<16xf32>
        tpu.vector_store_idx %arg15[%add3A_293, %broadcast_in_dim3A_353], %mul3A_355 : memref<80x64xf32, #tpu.memory_space<vmem>>[vector<16xi32>, vector<16xi32>], vector<16xf32>,
        %broadcast_in_dim3A_356 = arith.constant 15 : i32
        %broadcast_in_dim3A_357 = vector.broadcast %broadcast_in_dim3A_356 : i32 to vector<16xi32>
        %gather3A_358 = tpu.vector_load_idx %arg11[%add3A_293, %broadcast_in_dim3A_357] : memref<80x64xf32, #tpu.memory_space<vmem>>[vector<16xi32>, vector<16xi32>], vector<16xf32>,
        %mul3A_359 = arith.mulf %gather3A_358, %gather3A : vector<16xf32>
        tpu.vector_store_idx %arg15[%add3A_293, %broadcast_in_dim3A_357], %mul3A_359 : memref<80x64xf32, #tpu.memory_space<vmem>>[vector<16xi32>, vector<16xi32>], vector<16xf32>,
        %broadcast_in_dim3A_360 = arith.constant 16 : i32
        %broadcast_in_dim3A_361 = vector.broadcast %broadcast_in_dim3A_360 : i32 to vector<16xi32>
        %gather3A_362 = tpu.vector_load_idx %arg11[%add3A_293, %broadcast_in_dim3A_361] : memref<80x64xf32, #tpu.memory_space<vmem>>[vector<16xi32>, vector<16xi32>], vector<16xf32>,
        %mul3A_363 = arith.mulf %gather3A_362, %gather3A : vector<16xf32>
        tpu.vector_store_idx %arg15[%add3A_293, %broadcast_in_dim3A_361], %mul3A_363 : memref<80x64xf32, #tpu.memory_space<vmem>>[vector<16xi32>, vector<16xi32>], vector<16xf32>,
        %broadcast_in_dim3A_364 = arith.constant 17 : i32
        %broadcast_in_dim3A_365 = vector.broadcast %broadcast_in_dim3A_364 : i32 to vector<16xi32>
        %gather3A_366 = tpu.vector_load_idx %arg11[%add3A_293, %broadcast_in_dim3A_365] : memref<80x64xf32, #tpu.memory_space<vmem>>[vector<16xi32>, vector<16xi32>], vector<16xf32>,
        %mul3A_367 = arith.mulf %gather3A_366, %gather3A : vector<16xf32>
        tpu.vector_store_idx %arg15[%add3A_293, %broadcast_in_dim3A_365], %mul3A_367 : memref<80x64xf32, #tpu.memory_space<vmem>>[vector<16xi32>, vector<16xi32>], vector<16xf32>,
        %broadcast_in_dim3A_368 = arith.constant 18 : i32
        %broadcast_in_dim3A_369 = vector.broadcast %broadcast_in_dim3A_368 : i32 to vector<16xi32>
        %gather3A_370 = tpu.vector_load_idx %arg11[%add3A_293, %broadcast_in_dim3A_369] : memref<80x64xf32, #tpu.memory_space<vmem>>[vector<16xi32>, vector<16xi32>], vector<16xf32>,
        %mul3A_371 = arith.mulf %gather3A_370, %gather3A : vector<16xf32>
        tpu.vector_store_idx %arg15[%add3A_293, %broadcast_in_dim3A_369], %mul3A_371 : memref<80x64xf32, #tpu.memory_space<vmem>>[vector<16xi32>, vector<16xi32>], vector<16xf32>,
        %broadcast_in_dim3A_372 = arith.constant 19 : i32
        %broadcast_in_dim3A_373 = vector.broadcast %broadcast_in_dim3A_372 : i32 to vector<16xi32>
        %gather3A_374 = tpu.vector_load_idx %arg11[%add3A_293, %broadcast_in_dim3A_373] : memref<80x64xf32, #tpu.memory_space<vmem>>[vector<16xi32>, vector<16xi32>], vector<16xf32>,
        %mul3A_375 = arith.mulf %gather3A_374, %gather3A : vector<16xf32>
        tpu.vector_store_idx %arg15[%add3A_293, %broadcast_in_dim3A_373], %mul3A_375 : memref<80x64xf32, #tpu.memory_space<vmem>>[vector<16xi32>, vector<16xi32>], vector<16xf32>,
        %broadcast_in_dim3A_376 = arith.constant 20 : i32
        %broadcast_in_dim3A_377 = vector.broadcast %broadcast_in_dim3A_376 : i32 to vector<16xi32>
        %gather3A_378 = tpu.vector_load_idx %arg11[%add3A_293, %broadcast_in_dim3A_377] : memref<80x64xf32, #tpu.memory_space<vmem>>[vector<16xi32>, vector<16xi32>], vector<16xf32>,
        %mul3A_379 = arith.mulf %gather3A_378, %gather3A : vector<16xf32>
        tpu.vector_store_idx %arg15[%add3A_293, %broadcast_in_dim3A_377], %mul3A_379 : memref<80x64xf32, #tpu.memory_space<vmem>>[vector<16xi32>, vector<16xi32>], vector<16xf32>,
        %broadcast_in_dim3A_380 = arith.constant 21 : i32
        %broadcast_in_dim3A_381 = vector.broadcast %broadcast_in_dim3A_380 : i32 to vector<16xi32>
        %gather3A_382 = tpu.vector_load_idx %arg11[%add3A_293, %broadcast_in_dim3A_381] : memref<80x64xf32, #tpu.memory_space<vmem>>[vector<16xi32>, vector<16xi32>], vector<16xf32>,
        %mul3A_383 = arith.mulf %gather3A_382, %gather3A : vector<16xf32>
        tpu.vector_store_idx %arg15[%add3A_293, %broadcast_in_dim3A_381], %mul3A_383 : memref<80x64xf32, #tpu.memory_space<vmem>>[vector<16xi32>, vector<16xi32>], vector<16xf32>,
        %broadcast_in_dim3A_384 = arith.constant 22 : i32
        %broadcast_in_dim3A_385 = vector.broadcast %broadcast_in_dim3A_384 : i32 to vector<16xi32>
        %gather3A_386 = tpu.vector_load_idx %arg11[%add3A_293, %broadcast_in_dim3A_385] : memref<80x64xf32, #tpu.memory_space<vmem>>[vector<16xi32>, vector<16xi32>], vector<16xf32>,
        %mul3A_387 = arith.mulf %gather3A_386, %gather3A : vector<16xf32>
        tpu.vector_store_idx %arg15[%add3A_293, %broadcast_in_dim3A_385], %mul3A_387 : memref<80x64xf32, #tpu.memory_space<vmem>>[vector<16xi32>, vector<16xi32>], vector<16xf32>,
        %broadcast_in_dim3A_388 = arith.constant 23 : i32
        %broadcast_in_dim3A_389 = vector.broadcast %broadcast_in_dim3A_388 : i32 to vector<16xi32>
        %gather3A_390 = tpu.vector_load_idx %arg11[%add3A_293, %broadcast_in_dim3A_389] : memref<80x64xf32, #tpu.memory_space<vmem>>[vector<16xi32>, vector<16xi32>], vector<16xf32>,
        %mul3A_391 = arith.mulf %gather3A_390, %gather3A : vector<16xf32>
        tpu.vector_store_idx %arg15[%add3A_293, %broadcast_in_dim3A_389], %mul3A_391 : memref<80x64xf32, #tpu.memory_space<vmem>>[vector<16xi32>, vector<16xi32>], vector<16xf32>,
        %broadcast_in_dim3A_392 = arith.constant 24 : i32
        %broadcast_in_dim3A_393 = vector.broadcast %broadcast_in_dim3A_392 : i32 to vector<16xi32>
        %gather3A_394 = tpu.vector_load_idx %arg11[%add3A_293, %broadcast_in_dim3A_393] : memref<80x64xf32, #tpu.memory_space<vmem>>[vector<16xi32>, vector<16xi32>], vector<16xf32>,
        %mul3A_395 = arith.mulf %gather3A_394, %gather3A : vector<16xf32>
        tpu.vector_store_idx %arg15[%add3A_293, %broadcast_in_dim3A_393], %mul3A_395 : memref<80x64xf32, #tpu.memory_space<vmem>>[vector<16xi32>, vector<16xi32>], vector<16xf32>,
        %broadcast_in_dim3A_396 = arith.constant 25 : i32
        %broadcast_in_dim3A_397 = vector.broadcast %broadcast_in_dim3A_396 : i32 to vector<16xi32>
        %gather3A_398 = tpu.vector_load_idx %arg11[%add3A_293, %broadcast_in_dim3A_397] : memref<80x64xf32, #tpu.memory_space<vmem>>[vector<16xi32>, vector<16xi32>], vector<16xf32>,
        %mul3A_399 = arith.mulf %gather3A_398, %gather3A : vector<16xf32>
        tpu.vector_store_idx %arg15[%add3A_293, %broadcast_in_dim3A_397], %mul3A_399 : memref<80x64xf32, #tpu.memory_space<vmem>>[vector<16xi32>, vector<16xi32>], vector<16xf32>,
        %broadcast_in_dim3A_400 = arith.constant 26 : i32
        %broadcast_in_dim3A_401 = vector.broadcast %broadcast_in_dim3A_400 : i32 to vector<16xi32>
        %gather3A_402 = tpu.vector_load_idx %arg11[%add3A_293, %broadcast_in_dim3A_401] : memref<80x64xf32, #tpu.memory_space<vmem>>[vector<16xi32>, vector<16xi32>], vector<16xf32>,
        %mul3A_403 = arith.mulf %gather3A_402, %gather3A : vector<16xf32>
        tpu.vector_store_idx %arg15[%add3A_293, %broadcast_in_dim3A_401], %mul3A_403 : memref<80x64xf32, #tpu.memory_space<vmem>>[vector<16xi32>, vector<16xi32>], vector<16xf32>,
        %broadcast_in_dim3A_404 = arith.constant 27 : i32
        %broadcast_in_dim3A_405 = vector.broadcast %broadcast_in_dim3A_404 : i32 to vector<16xi32>
        %gather3A_406 = tpu.vector_load_idx %arg11[%add3A_293, %broadcast_in_dim3A_405] : memref<80x64xf32, #tpu.memory_space<vmem>>[vector<16xi32>, vector<16xi32>], vector<16xf32>,
        %mul3A_407 = arith.mulf %gather3A_406, %gather3A : vector<16xf32>
        tpu.vector_store_idx %arg15[%add3A_293, %broadcast_in_dim3A_405], %mul3A_407 : memref<80x64xf32, #tpu.memory_space<vmem>>[vector<16xi32>, vector<16xi32>], vector<16xf32>,
        %broadcast_in_dim3A_408 = arith.constant 28 : i32
        %broadcast_in_dim3A_409 = vector.broadcast %broadcast_in_dim3A_408 : i32 to vector<16xi32>
        %gather3A_410 = tpu.vector_load_idx %arg11[%add3A_293, %broadcast_in_dim3A_409] : memref<80x64xf32, #tpu.memory_space<vmem>>[vector<16xi32>, vector<16xi32>], vector<16xf32>,
        %mul3A_411 = arith.mulf %gather3A_410, %gather3A : vector<16xf32>
        tpu.vector_store_idx %arg15[%add3A_293, %broadcast_in_dim3A_409], %mul3A_411 : memref<80x64xf32, #tpu.memory_space<vmem>>[vector<16xi32>, vector<16xi32>], vector<16xf32>,
        %broadcast_in_dim3A_412 = arith.constant 29 : i32
        %broadcast_in_dim3A_413 = vector.broadcast %broadcast_in_dim3A_412 : i32 to vector<16xi32>
        %gather3A_414 = tpu.vector_load_idx %arg11[%add3A_293, %broadcast_in_dim3A_413] : memref<80x64xf32, #tpu.memory_space<vmem>>[vector<16xi32>, vector<16xi32>], vector<16xf32>,
        %mul3A_415 = arith.mulf %gather3A_414, %gather3A : vector<16xf32>
        tpu.vector_store_idx %arg15[%add3A_293, %broadcast_in_dim3A_413], %mul3A_415 : memref<80x64xf32, #tpu.memory_space<vmem>>[vector<16xi32>, vector<16xi32>], vector<16xf32>,
        %broadcast_in_dim3A_416 = arith.constant 30 : i32
        %broadcast_in_dim3A_417 = vector.broadcast %broadcast_in_dim3A_416 : i32 to vector<16xi32>
        %gather3A_418 = tpu.vector_load_idx %arg11[%add3A_293, %broadcast_in_dim3A_417] : memref<80x64xf32, #tpu.memory_space<vmem>>[vector<16xi32>, vector<16xi32>], vector<16xf32>,
        %mul3A_419 = arith.mulf %gather3A_418, %gather3A : vector<16xf32>
        tpu.vector_store_idx %arg15[%add3A_293, %broadcast_in_dim3A_417], %mul3A_419 : memref<80x64xf32, #tpu.memory_space<vmem>>[vector<16xi32>, vector<16xi32>], vector<16xf32>,
        %broadcast_in_dim3A_420 = arith.constant 31 : i32
        %broadcast_in_dim3A_421 = vector.broadcast %broadcast_in_dim3A_420 : i32 to vector<16xi32>
        %gather3A_422 = tpu.vector_load_idx %arg11[%add3A_293, %broadcast_in_dim3A_421] : memref<80x64xf32, #tpu.memory_space<vmem>>[vector<16xi32>, vector<16xi32>], vector<16xf32>,
        %mul3A_423 = arith.mulf %gather3A_422, %gather3A : vector<16xf32>
        tpu.vector_store_idx %arg15[%add3A_293, %broadcast_in_dim3A_421], %mul3A_423 : memref<80x64xf32, #tpu.memory_space<vmem>>[vector<16xi32>, vector<16xi32>], vector<16xf32>,
        %broadcast_in_dim3A_424 = arith.constant 1 : i32
        %broadcast_in_dim3A_425 = vector.broadcast %broadcast_in_dim3A_424 : i32 to vector<16xi32>
        %gather3A_426 = tpu.vector_load_idx %arg12[%add3A_293, %broadcast_in_dim3A_425] : memref<80x16xf32, #tpu.memory_space<vmem>>[vector<16xi32>, vector<16xi32>], vector<16xf32>,
        %broadcast_in_dim3A_427 = arith.constant 32 : i32
        %broadcast_in_dim3A_428 = vector.broadcast %broadcast_in_dim3A_427 : i32 to vector<16xi32>
        %gather3A_429 = tpu.vector_load_idx %arg11[%add3A_293, %broadcast_in_dim3A_428] : memref<80x64xf32, #tpu.memory_space<vmem>>[vector<16xi32>, vector<16xi32>], vector<16xf32>,
        %mul3A_430 = arith.mulf %gather3A_429, %gather3A_426 : vector<16xf32>
        tpu.vector_store_idx %arg15[%add3A_293, %broadcast_in_dim3A_428], %mul3A_430 : memref<80x64xf32, #tpu.memory_space<vmem>>[vector<16xi32>, vector<16xi32>], vector<16xf32>,
        %broadcast_in_dim3A_431 = arith.constant 33 : i32
        %broadcast_in_dim3A_432 = vector.broadcast %broadcast_in_dim3A_431 : i32 to vector<16xi32>
        %gather3A_433 = tpu.vector_load_idx %arg11[%add3A_293, %broadcast_in_dim3A_432] : memref<80x64xf32, #tpu.memory_space<vmem>>[vector<16xi32>, vector<16xi32>], vector<16xf32>,
        %mul3A_434 = arith.mulf %gather3A_433, %gather3A_426 : vector<16xf32>
        tpu.vector_store_idx %arg15[%add3A_293, %broadcast_in_dim3A_432], %mul3A_434 : memref<80x64xf32, #tpu.memory_space<vmem>>[vector<16xi32>, vector<16xi32>], vector<16xf32>,
        %broadcast_in_dim3A_435 = arith.constant 34 : i32
        %broadcast_in_dim3A_436 = vector.broadcast %broadcast_in_dim3A_435 : i32 to vector<16xi32>
        %gather3A_437 = tpu.vector_load_idx %arg11[%add3A_293, %broadcast_in_dim3A_436] : memref<80x64xf32, #tpu.memory_space<vmem>>[vector<16xi32>, vector<16xi32>], vector<16xf32>,
        %mul3A_438 = arith.mulf %gather3A_437, %gather3A_426 : vector<16xf32>
        tpu.vector_store_idx %arg15[%add3A_293, %broadcast_in_dim3A_436], %mul3A_438 : memref<80x64xf32, #tpu.memory_space<vmem>>[vector<16xi32>, vector<16xi32>], vector<16xf32>,
        %broadcast_in_dim3A_439 = arith.constant 35 : i32
        %broadcast_in_dim3A_440 = vector.broadcast %broadcast_in_dim3A_439 : i32 to vector<16xi32>
        %gather3A_441 = tpu.vector_load_idx %arg11[%add3A_293, %broadcast_in_dim3A_440] : memref<80x64xf32, #tpu.memory_space<vmem>>[vector<16xi32>, vector<16xi32>], vector<16xf32>,
        %mul3A_442 = arith.mulf %gather3A_441, %gather3A_426 : vector<16xf32>
        tpu.vector_store_idx %arg15[%add3A_293, %broadcast_in_dim3A_440], %mul3A_442 : memref<80x64xf32, #tpu.memory_space<vmem>>[vector<16xi32>, vector<16xi32>], vector<16xf32>,
        %broadcast_in_dim3A_443 = arith.constant 36 : i32
        %broadcast_in_dim3A_444 = vector.broadcast %broadcast_in_dim3A_443 : i32 to vector<16xi32>
        %gather3A_445 = tpu.vector_load_idx %arg11[%add3A_293, %broadcast_in_dim3A_444] : memref<80x64xf32, #tpu.memory_space<vmem>>[vector<16xi32>, vector<16xi32>], vector<16xf32>,
        %mul3A_446 = arith.mulf %gather3A_445, %gather3A_426 : vector<16xf32>
        tpu.vector_store_idx %arg15[%add3A_293, %broadcast_in_dim3A_444], %mul3A_446 : memref<80x64xf32, #tpu.memory_space<vmem>>[vector<16xi32>, vector<16xi32>], vector<16xf32>,
        %broadcast_in_dim3A_447 = arith.constant 37 : i32
        %broadcast_in_dim3A_448 = vector.broadcast %broadcast_in_dim3A_447 : i32 to vector<16xi32>
        %gather3A_449 = tpu.vector_load_idx %arg11[%add3A_293, %broadcast_in_dim3A_448] : memref<80x64xf32, #tpu.memory_space<vmem>>[vector<16xi32>, vector<16xi32>], vector<16xf32>,
        %mul3A_450 = arith.mulf %gather3A_449, %gather3A_426 : vector<16xf32>
        tpu.vector_store_idx %arg15[%add3A_293, %broadcast_in_dim3A_448], %mul3A_450 : memref<80x64xf32, #tpu.memory_space<vmem>>[vector<16xi32>, vector<16xi32>], vector<16xf32>,
        %broadcast_in_dim3A_451 = arith.constant 38 : i32
        %broadcast_in_dim3A_452 = vector.broadcast %broadcast_in_dim3A_451 : i32 to vector<16xi32>
        %gather3A_453 = tpu.vector_load_idx %arg11[%add3A_293, %broadcast_in_dim3A_452] : memref<80x64xf32, #tpu.memory_space<vmem>>[vector<16xi32>, vector<16xi32>], vector<16xf32>,
        %mul3A_454 = arith.mulf %gather3A_453, %gather3A_426 : vector<16xf32>
        tpu.vector_store_idx %arg15[%add3A_293, %broadcast_in_dim3A_452], %mul3A_454 : memref<80x64xf32, #tpu.memory_space<vmem>>[vector<16xi32>, vector<16xi32>], vector<16xf32>,
        %broadcast_in_dim3A_455 = arith.constant 39 : i32
        %broadcast_in_dim3A_456 = vector.broadcast %broadcast_in_dim3A_455 : i32 to vector<16xi32>
        %gather3A_457 = tpu.vector_load_idx %arg11[%add3A_293, %broadcast_in_dim3A_456] : memref<80x64xf32, #tpu.memory_space<vmem>>[vector<16xi32>, vector<16xi32>], vector<16xf32>,
        %mul3A_458 = arith.mulf %gather3A_457, %gather3A_426 : vector<16xf32>
        tpu.vector_store_idx %arg15[%add3A_293, %broadcast_in_dim3A_456], %mul3A_458 : memref<80x64xf32, #tpu.memory_space<vmem>>[vector<16xi32>, vector<16xi32>], vector<16xf32>,
        %broadcast_in_dim3A_459 = arith.constant 40 : i32
        %broadcast_in_dim3A_460 = vector.broadcast %broadcast_in_dim3A_459 : i32 to vector<16xi32>
        %gather3A_461 = tpu.vector_load_idx %arg11[%add3A_293, %broadcast_in_dim3A_460] : memref<80x64xf32, #tpu.memory_space<vmem>>[vector<16xi32>, vector<16xi32>], vector<16xf32>,
        %mul3A_462 = arith.mulf %gather3A_461, %gather3A_426 : vector<16xf32>
        tpu.vector_store_idx %arg15[%add3A_293, %broadcast_in_dim3A_460], %mul3A_462 : memref<80x64xf32, #tpu.memory_space<vmem>>[vector<16xi32>, vector<16xi32>], vector<16xf32>,
        %broadcast_in_dim3A_463 = arith.constant 41 : i32
        %broadcast_in_dim3A_464 = vector.broadcast %broadcast_in_dim3A_463 : i32 to vector<16xi32>
        %gather3A_465 = tpu.vector_load_idx %arg11[%add3A_293, %broadcast_in_dim3A_464] : memref<80x64xf32, #tpu.memory_space<vmem>>[vector<16xi32>, vector<16xi32>], vector<16xf32>,
        %mul3A_466 = arith.mulf %gather3A_465, %gather3A_426 : vector<16xf32>
        tpu.vector_store_idx %arg15[%add3A_293, %broadcast_in_dim3A_464], %mul3A_466 : memref<80x64xf32, #tpu.memory_space<vmem>>[vector<16xi32>, vector<16xi32>], vector<16xf32>,
        %broadcast_in_dim3A_467 = arith.constant 42 : i32
        %broadcast_in_dim3A_468 = vector.broadcast %broadcast_in_dim3A_467 : i32 to vector<16xi32>
        %gather3A_469 = tpu.vector_load_idx %arg11[%add3A_293, %broadcast_in_dim3A_468] : memref<80x64xf32, #tpu.memory_space<vmem>>[vector<16xi32>, vector<16xi32>], vector<16xf32>,
        %mul3A_470 = arith.mulf %gather3A_469, %gather3A_426 : vector<16xf32>
        tpu.vector_store_idx %arg15[%add3A_293, %broadcast_in_dim3A_468], %mul3A_470 : memref<80x64xf32, #tpu.memory_space<vmem>>[vector<16xi32>, vector<16xi32>], vector<16xf32>,
        %broadcast_in_dim3A_471 = arith.constant 43 : i32
        %broadcast_in_dim3A_472 = vector.broadcast %broadcast_in_dim3A_471 : i32 to vector<16xi32>
        %gather3A_473 = tpu.vector_load_idx %arg11[%add3A_293, %broadcast_in_dim3A_472] : memref<80x64xf32, #tpu.memory_space<vmem>>[vector<16xi32>, vector<16xi32>], vector<16xf32>,
        %mul3A_474 = arith.mulf %gather3A_473, %gather3A_426 : vector<16xf32>
        tpu.vector_store_idx %arg15[%add3A_293, %broadcast_in_dim3A_472], %mul3A_474 : memref<80x64xf32, #tpu.memory_space<vmem>>[vector<16xi32>, vector<16xi32>], vector<16xf32>,
        %broadcast_in_dim3A_475 = arith.constant 44 : i32
        %broadcast_in_dim3A_476 = vector.broadcast %broadcast_in_dim3A_475 : i32 to vector<16xi32>
        %gather3A_477 = tpu.vector_load_idx %arg11[%add3A_293, %broadcast_in_dim3A_476] : memref<80x64xf32, #tpu.memory_space<vmem>>[vector<16xi32>, vector<16xi32>], vector<16xf32>,
        %mul3A_478 = arith.mulf %gather3A_477, %gather3A_426 : vector<16xf32>
        tpu.vector_store_idx %arg15[%add3A_293, %broadcast_in_dim3A_476], %mul3A_478 : memref<80x64xf32, #tpu.memory_space<vmem>>[vector<16xi32>, vector<16xi32>], vector<16xf32>,
        %broadcast_in_dim3A_479 = arith.constant 45 : i32
        %broadcast_in_dim3A_480 = vector.broadcast %broadcast_in_dim3A_479 : i32 to vector<16xi32>
        %gather3A_481 = tpu.vector_load_idx %arg11[%add3A_293, %broadcast_in_dim3A_480] : memref<80x64xf32, #tpu.memory_space<vmem>>[vector<16xi32>, vector<16xi32>], vector<16xf32>,
        %mul3A_482 = arith.mulf %gather3A_481, %gather3A_426 : vector<16xf32>
        tpu.vector_store_idx %arg15[%add3A_293, %broadcast_in_dim3A_480], %mul3A_482 : memref<80x64xf32, #tpu.memory_space<vmem>>[vector<16xi32>, vector<16xi32>], vector<16xf32>,
        %broadcast_in_dim3A_483 = arith.constant 46 : i32
        %broadcast_in_dim3A_484 = vector.broadcast %broadcast_in_dim3A_483 : i32 to vector<16xi32>
        %gather3A_485 = tpu.vector_load_idx %arg11[%add3A_293, %broadcast_in_dim3A_484] : memref<80x64xf32, #tpu.memory_space<vmem>>[vector<16xi32>, vector<16xi32>], vector<16xf32>,
        %mul3A_486 = arith.mulf %gather3A_485, %gather3A_426 : vector<16xf32>
        tpu.vector_store_idx %arg15[%add3A_293, %broadcast_in_dim3A_484], %mul3A_486 : memref<80x64xf32, #tpu.memory_space<vmem>>[vector<16xi32>, vector<16xi32>], vector<16xf32>,
        %broadcast_in_dim3A_487 = arith.constant 47 : i32
        %broadcast_in_dim3A_488 = vector.broadcast %broadcast_in_dim3A_487 : i32 to vector<16xi32>
        %gather3A_489 = tpu.vector_load_idx %arg11[%add3A_293, %broadcast_in_dim3A_488] : memref<80x64xf32, #tpu.memory_space<vmem>>[vector<16xi32>, vector<16xi32>], vector<16xf32>,
        %mul3A_490 = arith.mulf %gather3A_489, %gather3A_426 : vector<16xf32>
        tpu.vector_store_idx %arg15[%add3A_293, %broadcast_in_dim3A_488], %mul3A_490 : memref<80x64xf32, #tpu.memory_space<vmem>>[vector<16xi32>, vector<16xi32>], vector<16xf32>,
        %broadcast_in_dim3A_491 = arith.constant 48 : i32
        %broadcast_in_dim3A_492 = vector.broadcast %broadcast_in_dim3A_491 : i32 to vector<16xi32>
        %gather3A_493 = tpu.vector_load_idx %arg11[%add3A_293, %broadcast_in_dim3A_492] : memref<80x64xf32, #tpu.memory_space<vmem>>[vector<16xi32>, vector<16xi32>], vector<16xf32>,
        %mul3A_494 = arith.mulf %gather3A_493, %gather3A_426 : vector<16xf32>
        tpu.vector_store_idx %arg15[%add3A_293, %broadcast_in_dim3A_492], %mul3A_494 : memref<80x64xf32, #tpu.memory_space<vmem>>[vector<16xi32>, vector<16xi32>], vector<16xf32>,
        %broadcast_in_dim3A_495 = arith.constant 49 : i32
        %broadcast_in_dim3A_496 = vector.broadcast %broadcast_in_dim3A_495 : i32 to vector<16xi32>
        %gather3A_497 = tpu.vector_load_idx %arg11[%add3A_293, %broadcast_in_dim3A_496] : memref<80x64xf32, #tpu.memory_space<vmem>>[vector<16xi32>, vector<16xi32>], vector<16xf32>,
        %mul3A_498 = arith.mulf %gather3A_497, %gather3A_426 : vector<16xf32>
        tpu.vector_store_idx %arg15[%add3A_293, %broadcast_in_dim3A_496], %mul3A_498 : memref<80x64xf32, #tpu.memory_space<vmem>>[vector<16xi32>, vector<16xi32>], vector<16xf32>,
        %broadcast_in_dim3A_499 = arith.constant 50 : i32
        %broadcast_in_dim3A_500 = vector.broadcast %broadcast_in_dim3A_499 : i32 to vector<16xi32>
        %gather3A_501 = tpu.vector_load_idx %arg11[%add3A_293, %broadcast_in_dim3A_500] : memref<80x64xf32, #tpu.memory_space<vmem>>[vector<16xi32>, vector<16xi32>], vector<16xf32>,
        %mul3A_502 = arith.mulf %gather3A_501, %gather3A_426 : vector<16xf32>
        tpu.vector_store_idx %arg15[%add3A_293, %broadcast_in_dim3A_500], %mul3A_502 : memref<80x64xf32, #tpu.memory_space<vmem>>[vector<16xi32>, vector<16xi32>], vector<16xf32>,
        %broadcast_in_dim3A_503 = arith.constant 51 : i32
        %broadcast_in_dim3A_504 = vector.broadcast %broadcast_in_dim3A_503 : i32 to vector<16xi32>
        %gather3A_505 = tpu.vector_load_idx %arg11[%add3A_293, %broadcast_in_dim3A_504] : memref<80x64xf32, #tpu.memory_space<vmem>>[vector<16xi32>, vector<16xi32>], vector<16xf32>,
        %mul3A_506 = arith.mulf %gather3A_505, %gather3A_426 : vector<16xf32>
        tpu.vector_store_idx %arg15[%add3A_293, %broadcast_in_dim3A_504], %mul3A_506 : memref<80x64xf32, #tpu.memory_space<vmem>>[vector<16xi32>, vector<16xi32>], vector<16xf32>,
        %broadcast_in_dim3A_507 = arith.constant 52 : i32
        %broadcast_in_dim3A_508 = vector.broadcast %broadcast_in_dim3A_507 : i32 to vector<16xi32>
        %gather3A_509 = tpu.vector_load_idx %arg11[%add3A_293, %broadcast_in_dim3A_508] : memref<80x64xf32, #tpu.memory_space<vmem>>[vector<16xi32>, vector<16xi32>], vector<16xf32>,
        %mul3A_510 = arith.mulf %gather3A_509, %gather3A_426 : vector<16xf32>
        tpu.vector_store_idx %arg15[%add3A_293, %broadcast_in_dim3A_508], %mul3A_510 : memref<80x64xf32, #tpu.memory_space<vmem>>[vector<16xi32>, vector<16xi32>], vector<16xf32>,
        %broadcast_in_dim3A_511 = arith.constant 53 : i32
        %broadcast_in_dim3A_512 = vector.broadcast %broadcast_in_dim3A_511 : i32 to vector<16xi32>
        %gather3A_513 = tpu.vector_load_idx %arg11[%add3A_293, %broadcast_in_dim3A_512] : memref<80x64xf32, #tpu.memory_space<vmem>>[vector<16xi32>, vector<16xi32>], vector<16xf32>,
        %mul3A_514 = arith.mulf %gather3A_513, %gather3A_426 : vector<16xf32>
        tpu.vector_store_idx %arg15[%add3A_293, %broadcast_in_dim3A_512], %mul3A_514 : memref<80x64xf32, #tpu.memory_space<vmem>>[vector<16xi32>, vector<16xi32>], vector<16xf32>,
        %broadcast_in_dim3A_515 = arith.constant 54 : i32
        %broadcast_in_dim3A_516 = vector.broadcast %broadcast_in_dim3A_515 : i32 to vector<16xi32>
        %gather3A_517 = tpu.vector_load_idx %arg11[%add3A_293, %broadcast_in_dim3A_516] : memref<80x64xf32, #tpu.memory_space<vmem>>[vector<16xi32>, vector<16xi32>], vector<16xf32>,
        %mul3A_518 = arith.mulf %gather3A_517, %gather3A_426 : vector<16xf32>
        tpu.vector_store_idx %arg15[%add3A_293, %broadcast_in_dim3A_516], %mul3A_518 : memref<80x64xf32, #tpu.memory_space<vmem>>[vector<16xi32>, vector<16xi32>], vector<16xf32>,
        %broadcast_in_dim3A_519 = arith.constant 55 : i32
        %broadcast_in_dim3A_520 = vector.broadcast %broadcast_in_dim3A_519 : i32 to vector<16xi32>
        %gather3A_521 = tpu.vector_load_idx %arg11[%add3A_293, %broadcast_in_dim3A_520] : memref<80x64xf32, #tpu.memory_space<vmem>>[vector<16xi32>, vector<16xi32>], vector<16xf32>,
        %mul3A_522 = arith.mulf %gather3A_521, %gather3A_426 : vector<16xf32>
        tpu.vector_store_idx %arg15[%add3A_293, %broadcast_in_dim3A_520], %mul3A_522 : memref<80x64xf32, #tpu.memory_space<vmem>>[vector<16xi32>, vector<16xi32>], vector<16xf32>,
        %broadcast_in_dim3A_523 = arith.constant 56 : i32
        %broadcast_in_dim3A_524 = vector.broadcast %broadcast_in_dim3A_523 : i32 to vector<16xi32>
        %gather3A_525 = tpu.vector_load_idx %arg11[%add3A_293, %broadcast_in_dim3A_524] : memref<80x64xf32, #tpu.memory_space<vmem>>[vector<16xi32>, vector<16xi32>], vector<16xf32>,
        %mul3A_526 = arith.mulf %gather3A_525, %gather3A_426 : vector<16xf32>
        tpu.vector_store_idx %arg15[%add3A_293, %broadcast_in_dim3A_524], %mul3A_526 : memref<80x64xf32, #tpu.memory_space<vmem>>[vector<16xi32>, vector<16xi32>], vector<16xf32>,
        %broadcast_in_dim3A_527 = arith.constant 57 : i32
        %broadcast_in_dim3A_528 = vector.broadcast %broadcast_in_dim3A_527 : i32 to vector<16xi32>
        %gather3A_529 = tpu.vector_load_idx %arg11[%add3A_293, %broadcast_in_dim3A_528] : memref<80x64xf32, #tpu.memory_space<vmem>>[vector<16xi32>, vector<16xi32>], vector<16xf32>,
        %mul3A_530 = arith.mulf %gather3A_529, %gather3A_426 : vector<16xf32>
        tpu.vector_store_idx %arg15[%add3A_293, %broadcast_in_dim3A_528], %mul3A_530 : memref<80x64xf32, #tpu.memory_space<vmem>>[vector<16xi32>, vector<16xi32>], vector<16xf32>,
        %broadcast_in_dim3A_531 = arith.constant 58 : i32
        %broadcast_in_dim3A_532 = vector.broadcast %broadcast_in_dim3A_531 : i32 to vector<16xi32>
        %gather3A_533 = tpu.vector_load_idx %arg11[%add3A_293, %broadcast_in_dim3A_532] : memref<80x64xf32, #tpu.memory_space<vmem>>[vector<16xi32>, vector<16xi32>], vector<16xf32>,
        %mul3A_534 = arith.mulf %gather3A_533, %gather3A_426 : vector<16xf32>
        tpu.vector_store_idx %arg15[%add3A_293, %broadcast_in_dim3A_532], %mul3A_534 : memref<80x64xf32, #tpu.memory_space<vmem>>[vector<16xi32>, vector<16xi32>], vector<16xf32>,
        %broadcast_in_dim3A_535 = arith.constant 59 : i32
        %broadcast_in_dim3A_536 = vector.broadcast %broadcast_in_dim3A_535 : i32 to vector<16xi32>
        %gather3A_537 = tpu.vector_load_idx %arg11[%add3A_293, %broadcast_in_dim3A_536] : memref<80x64xf32, #tpu.memory_space<vmem>>[vector<16xi32>, vector<16xi32>], vector<16xf32>,
        %mul3A_538 = arith.mulf %gather3A_537, %gather3A_426 : vector<16xf32>
        tpu.vector_store_idx %arg15[%add3A_293, %broadcast_in_dim3A_536], %mul3A_538 : memref<80x64xf32, #tpu.memory_space<vmem>>[vector<16xi32>, vector<16xi32>], vector<16xf32>,
        %broadcast_in_dim3A_539 = arith.constant 60 : i32
        %broadcast_in_dim3A_540 = vector.broadcast %broadcast_in_dim3A_539 : i32 to vector<16xi32>
        %gather3A_541 = tpu.vector_load_idx %arg11[%add3A_293, %broadcast_in_dim3A_540] : memref<80x64xf32, #tpu.memory_space<vmem>>[vector<16xi32>, vector<16xi32>], vector<16xf32>,
        %mul3A_542 = arith.mulf %gather3A_541, %gather3A_426 : vector<16xf32>
        tpu.vector_store_idx %arg15[%add3A_293, %broadcast_in_dim3A_540], %mul3A_542 : memref<80x64xf32, #tpu.memory_space<vmem>>[vector<16xi32>, vector<16xi32>], vector<16xf32>,
        %broadcast_in_dim3A_543 = arith.constant 61 : i32
        %broadcast_in_dim3A_544 = vector.broadcast %broadcast_in_dim3A_543 : i32 to vector<16xi32>
        %gather3A_545 = tpu.vector_load_idx %arg11[%add3A_293, %broadcast_in_dim3A_544] : memref<80x64xf32, #tpu.memory_space<vmem>>[vector<16xi32>, vector<16xi32>], vector<16xf32>,
        %mul3A_546 = arith.mulf %gather3A_545, %gather3A_426 : vector<16xf32>
        tpu.vector_store_idx %arg15[%add3A_293, %broadcast_in_dim3A_544], %mul3A_546 : memref<80x64xf32, #tpu.memory_space<vmem>>[vector<16xi32>, vector<16xi32>], vector<16xf32>,
        %broadcast_in_dim3A_547 = arith.constant 62 : i32
        %broadcast_in_dim3A_548 = vector.broadcast %broadcast_in_dim3A_547 : i32 to vector<16xi32>
        %gather3A_549 = tpu.vector_load_idx %arg11[%add3A_293, %broadcast_in_dim3A_548] : memref<80x64xf32, #tpu.memory_space<vmem>>[vector<16xi32>, vector<16xi32>], vector<16xf32>,
        %mul3A_550 = arith.mulf %gather3A_549, %gather3A_426 : vector<16xf32>
        tpu.vector_store_idx %arg15[%add3A_293, %broadcast_in_dim3A_548], %mul3A_550 : memref<80x64xf32, #tpu.memory_space<vmem>>[vector<16xi32>, vector<16xi32>], vector<16xf32>,
        %broadcast_in_dim3A_551 = arith.constant 63 : i32
        %broadcast_in_dim3A_552 = vector.broadcast %broadcast_in_dim3A_551 : i32 to vector<16xi32>
        %gather3A_553 = tpu.vector_load_idx %arg11[%add3A_293, %broadcast_in_dim3A_552] : memref<80x64xf32, #tpu.memory_space<vmem>>[vector<16xi32>, vector<16xi32>], vector<16xf32>,
        %mul3A_554 = arith.mulf %gather3A_553, %gather3A_426 : vector<16xf32>
        tpu.vector_store_idx %arg15[%add3A_293, %broadcast_in_dim3A_552], %mul3A_554 : memref<80x64xf32, #tpu.memory_space<vmem>>[vector<16xi32>, vector<16xi32>], vector<16xf32>,
      }
      %scan3A_227 = arith.constant 5 : i32
      %dma_start3A_228 = arith.constant 0 : i32
      %dma_start3A_229 = arith.constant 0 : i32
      %dma_start3A_230 = tpu.memref_slice %arg25[%dma_start3A_228, %dma_start3A_229] : memref<10000x64xf32, #tpu.memory_space<vmem_shared>> -> memref<10000x64xf32, #tpu.memory_space<vmem_shared>>
      tpu.enqueue_indirect_dma source(%arg15 : memref<80x64xf32, #tpu.memory_space<vmem>>) target(%dma_start3A_230 : memref<10000x64xf32, #tpu.memory_space<vmem_shared>>) offsets(%arg9 : memref<80xi32, #tpu.memory_space<vmem>>) semaphore(%arg29 : memref<!tpu.dma_semaphore, #tpu.memory_space<semaphore_mem>>) {add = true}
      %dma_start3A_231 = arith.constant 0 : i32
      %dma_start3A_232 = arith.constant 0 : i32
      %dma_start3A_233 = tpu.memref_slice %arg26[%dma_start3A_231, %dma_start3A_232] : memref<10000x16xf32, #tpu.memory_space<vmem_shared>> -> memref<10000x16xf32, #tpu.memory_space<vmem_shared>>
      tpu.enqueue_indirect_dma source(%arg12 : memref<80x16xf32, #tpu.memory_space<vmem>>) target(%dma_start3A_233 : memref<10000x16xf32, #tpu.memory_space<vmem_shared>>) offsets(%arg9 : memref<80xi32, #tpu.memory_space<vmem>>) semaphore(%arg29 : memref<!tpu.dma_semaphore, #tpu.memory_space<semaphore_mem>>) {add = true}
      %mul3A_234 = arith.constant 2 : i32
      %mul3A_235 = arith.muli %mul3A_234, %scan3A_178 : i32
      %add3A_236 = arith.constant 3 : i32
      %add3A_237 = arith.addi %mul3A_235, %add3A_236 : i32
      %mul3A_238 = arith.constant 80 : i32
      %mul3A_239 = arith.muli %add3A_237, %mul3A_238 : i32
      %add3A_240 = arith.addi %mul3A_4, %mul3A_239 : i32
      %dma_wait3A_241 = arith.constant 0 : i32
      %dma_wait3A_242 = arith.constant 0 : i32
      %dma_wait3A_243 = tpu.memref_slice %arg25[%dma_wait3A_241, %dma_wait3A_242] : memref<10000x64xf32, #tpu.memory_space<vmem_shared>> -> memref<10000x64xf32, #tpu.memory_space<vmem_shared>>
      tpu.wait_indirect_dma semaphore(%arg32 : memref<!tpu.dma_semaphore, #tpu.memory_space<semaphore_mem>>) src(%arg24 : memref<80x64xf32, #tpu.memory_space<vmem>>) dst(%dma_wait3A_243 : memref<10000x64xf32, #tpu.memory_space<vmem_shared>>)
      %dma_wait3A_244 = arith.constant 0 : i32
      %dma_wait3A_245 = arith.constant 0 : i32
      %dma_wait3A_246 = tpu.memref_slice %arg26[%dma_wait3A_244, %dma_wait3A_245] : memref<10000x16xf32, #tpu.memory_space<vmem_shared>> -> memref<10000x16xf32, #tpu.memory_space<vmem_shared>>
      tpu.wait_indirect_dma semaphore(%arg32 : memref<!tpu.dma_semaphore, #tpu.memory_space<semaphore_mem>>) src(%arg21 : memref<80x16xf32, #tpu.memory_space<vmem>>) dst(%dma_wait3A_246 : memref<10000x16xf32, #tpu.memory_space<vmem_shared>>)
      "tpu.region"() ({
        %run_scoped3A = tpu.sem_alloc : memref<!tpu.dma_semaphore, #tpu.memory_space<semaphore_mem>>
        %dma_start3A_289 = tpu.memref_slice %arg3[%add3A_240] : memref<320000xi32, #tpu.memory_space<hbm>> -> memref<80xi32, #tpu.memory_space<hbm>>
        %dma_start3A_290 = tpu.memref_slice %arg3[%add3A_240] : memref<320000xi32, #tpu.memory_space<hbm>> -> memref<80xi32, #tpu.memory_space<hbm>>
        tpu.enqueue_dma source(%dma_start3A_290 : memref<80xi32, #tpu.memory_space<hbm>>) target(%arg16 : memref<80xi32, #tpu.memory_space<vmem>>) target_semaphore(%run_scoped3A : memref<!tpu.dma_semaphore, #tpu.memory_space<semaphore_mem>>)
        %dma_wait3A_291 = tpu.memref_slice %arg3[%add3A_240] : memref<320000xi32, #tpu.memory_space<hbm>> -> memref<80xi32, #tpu.memory_space<hbm>>
        %dma_wait3A_292 = tpu.memref_slice %arg3[%add3A_240] : memref<320000xi32, #tpu.memory_space<hbm>> -> memref<80xi32, #tpu.memory_space<hbm>>
        tpu.wait_dma2 semaphore(%run_scoped3A : memref<!tpu.dma_semaphore, #tpu.memory_space<semaphore_mem>>) src(%dma_wait3A_292 : memref<80xi32, #tpu.memory_space<hbm>>) dst(%arg16 : memref<80xi32, #tpu.memory_space<vmem>>)
        tpu.yield
      }) : () -> ()
      %scan3A_247 = arith.constant 0 : i32
      %scan3A_248 = arith.constant 0 : i32
      %scan3A_249 = arith.constant 5 : i32
      %scan3A_250 = arith.addi %scan3A_248, %scan3A_249 : i32
      %scan3A_251 = arith.constant 1 : i32
      scf.for %scan3A_289 = %scan3A_248 to %scan3A_250 step %scan3A_251  : i32 {
        %mul3A_290 = arith.constant 16 : i32
        %mul3A_291 = arith.muli %scan3A_289, %mul3A_290 : i32
        %broadcast_in_dim3A_292 = vector.broadcast %mul3A_291 : i32 to vector<16xi32>
        %add3A_293 = arith.addi %broadcast_in_dim3A_292, %iota3A : vector<16xi32>
        %gather3A = tpu.vector_load_idx %arg16[%add3A_293] : memref<80xi32, #tpu.memory_space<vmem>>[vector<16xi32>], vector<16xi32>,
        %and3A = arith.constant 16383 : i32
        %and3A_294 = vector.broadcast %and3A : i32 to vector<16xi32>
        %and3A_295 = arith.andi %gather3A, %and3A_294 : vector<16xi32>
        %shift_right_arithmetic3A = arith.constant 14 : i32
        %shift_right_arithmetic3A_296 = vector.broadcast %shift_right_arithmetic3A : i32 to vector<16xi32>
        %shift_right_arithmetic3A_297 = arith.shrsi %gather3A, %shift_right_arithmetic3A_296 : vector<16xi32>
        tpu.vector_store_idx %arg17[%add3A_293], %and3A_295 : memref<80xi32, #tpu.memory_space<vmem>>[vector<16xi32>], vector<16xi32>,
        tpu.vector_store_idx %arg18[%add3A_293], %shift_right_arithmetic3A_297 : memref<80xi32, #tpu.memory_space<vmem>>[vector<16xi32>], vector<16xi32>,
        %mul3A_298 = arith.constant 10000 : i32
        %mul3A_299 = arith.muli %arg0, %mul3A_298 : i32
        %add3A_300 = vector.broadcast %mul3A_299 : i32 to vector<16xi32>
        %add3A_301 = arith.addi %and3A_295, %add3A_300 : vector<16xi32>
        tpu.vector_store_idx %arg19[%add3A_293], %add3A_301 : memref<80xi32, #tpu.memory_space<vmem>>[vector<16xi32>], vector<16xi32>,
      }
      %scan3A_252 = arith.constant 5 : i32
      %dma_start3A_253 = arith.constant 0 : i32
      %dma_start3A_254 = arith.constant 0 : i32
      %dma_start3A_255 = tpu.memref_slice %arg4[%dma_start3A_253, %dma_start3A_254] : memref<20000x64xf32, #tpu.memory_space<hbm>> -> memref<20000x64xf32, #tpu.memory_space<hbm>>
      tpu.enqueue_indirect_dma source(%dma_start3A_255 : memref<20000x64xf32, #tpu.memory_space<hbm>>) target(%arg20 : memref<80x64xf32, #tpu.memory_space<vmem>>) offsets(%arg19 : memref<80xi32, #tpu.memory_space<vmem>>) semaphore(%arg30 : memref<!tpu.dma_semaphore, #tpu.memory_space<semaphore_mem>>)
      %dma_start3A_256 = arith.constant 0 : i32
      %dma_start3A_257 = arith.constant 0 : i32
      %dma_start3A_258 = tpu.memref_slice %arg2[%dma_start3A_256, %dma_start3A_257] : memref<10000x16xf32, #tpu.memory_space<hbm>> -> memref<10000x16xf32, #tpu.memory_space<hbm>>
      tpu.enqueue_indirect_dma source(%dma_start3A_258 : memref<10000x16xf32, #tpu.memory_space<hbm>>) target(%arg22 : memref<80x16xf32, #tpu.memory_space<vmem>>) offsets(%arg17 : memref<80xi32, #tpu.memory_space<vmem>>) semaphore(%arg31 : memref<!tpu.dma_semaphore, #tpu.memory_space<semaphore_mem>>)
      %dma_start3A_259 = arith.constant 0 : i32
      %dma_start3A_260 = arith.constant 0 : i32
      %dma_start3A_261 = tpu.memref_slice %arg2[%dma_start3A_259, %dma_start3A_260] : memref<10000x16xf32, #tpu.memory_space<hbm>> -> memref<10000x16xf32, #tpu.memory_space<hbm>>
      tpu.enqueue_indirect_dma source(%dma_start3A_261 : memref<10000x16xf32, #tpu.memory_space<hbm>>) target(%arg23 : memref<80x16xf32, #tpu.memory_space<vmem>>) offsets(%arg18 : memref<80xi32, #tpu.memory_space<vmem>>) semaphore(%arg31 : memref<!tpu.dma_semaphore, #tpu.memory_space<semaphore_mem>>)
      %dma_wait3A_262 = arith.constant 0 : i32
      %dma_wait3A_263 = arith.constant 0 : i32
      %dma_wait3A_264 = tpu.memref_slice %arg2[%dma_wait3A_262, %dma_wait3A_263] : memref<10000x16xf32, #tpu.memory_space<hbm>> -> memref<10000x16xf32, #tpu.memory_space<hbm>>
      tpu.wait_indirect_dma semaphore(%arg31 : memref<!tpu.dma_semaphore, #tpu.memory_space<semaphore_mem>>) src(%dma_wait3A_264 : memref<10000x16xf32, #tpu.memory_space<hbm>>) dst(%arg22 : memref<80x16xf32, #tpu.memory_space<vmem>>)
      %dma_wait3A_265 = arith.constant 0 : i32
      %dma_wait3A_266 = arith.constant 0 : i32
      %dma_wait3A_267 = tpu.memref_slice %arg2[%dma_wait3A_265, %dma_wait3A_266] : memref<10000x16xf32, #tpu.memory_space<hbm>> -> memref<10000x16xf32, #tpu.memory_space<hbm>>
      tpu.wait_indirect_dma semaphore(%arg31 : memref<!tpu.dma_semaphore, #tpu.memory_space<semaphore_mem>>) src(%dma_wait3A_267 : memref<10000x16xf32, #tpu.memory_space<hbm>>) dst(%arg23 : memref<80x16xf32, #tpu.memory_space<vmem>>)
      %scan3A_268 = arith.constant 0 : i32
      %scan3A_269 = arith.constant 0 : i32
      %scan3A_270 = arith.constant 5 : i32
      %scan3A_271 = arith.addi %scan3A_269, %scan3A_270 : i32
      %scan3A_272 = arith.constant 1 : i32
      scf.for %scan3A_289 = %scan3A_269 to %scan3A_271 step %scan3A_272  : i32 {
        %mul3A_290 = arith.constant 16 : i32
        %mul3A_291 = arith.muli %scan3A_289, %mul3A_290 : i32
        %broadcast_in_dim3A_292 = vector.broadcast %mul3A_291 : i32 to vector<16xi32>
        %add3A_293 = arith.addi %broadcast_in_dim3A_292, %iota3A : vector<16xi32>
        %add3A_294 = arith.constant 0 : i32
        %add3A_295 = arith.addi %mul3A_2, %add3A_294 : i32
        %broadcast_in_dim3A_296 = vector.broadcast %add3A_295 : i32 to vector<16xi32>
        %gather3A = tpu.vector_load_idx %arg22[%add3A_293, %broadcast_in_dim3A_296] : memref<80x16xf32, #tpu.memory_space<vmem>>[vector<16xi32>, vector<16xi32>], vector<16xf32>,
        %add3A_297 = arith.constant 4 : i32
        %add3A_298 = arith.addi %add3A_297, %add3A_295 : i32
        %broadcast_in_dim3A_299 = vector.broadcast %add3A_298 : i32 to vector<16xi32>
        %gather3A_300 = tpu.vector_load_idx %arg23[%add3A_293, %broadcast_in_dim3A_299] : memref<80x16xf32, #tpu.memory_space<vmem>>[vector<16xi32>, vector<16xi32>], vector<16xf32>,
        %add3A_301 = arith.addf %gather3A, %gather3A_300 : vector<16xf32>
        %ge3A = arith.constant 0.000000e+00 : f32
        %ge3A_302 = vector.broadcast %ge3A : f32 to vector<16xf32>
        %ge3A_303 = arith.cmpf oge, %add3A_301, %ge3A_302 : vector<16xf32>
        %mul3A_304 = arith.constant 2.000000e-01 : f32
        %mul3A_305 = vector.broadcast %mul3A_304 : f32 to vector<16xf32>
        %mul3A_306 = arith.mulf %add3A_301, %mul3A_305 : vector<16xf32>
        %select_n3A = arith.select %ge3A_303, %add3A_301, %mul3A_306 : vector<16xi1>, vector<16xf32>
        %exp3A = math.exp %select_n3A : vector<16xf32>
        %broadcast_in_dim3A_307 = arith.constant 0 : i32
        %broadcast_in_dim3A_308 = vector.broadcast %broadcast_in_dim3A_307 : i32 to vector<16xi32>
        tpu.vector_store_idx %arg21[%add3A_293, %broadcast_in_dim3A_308], %exp3A : memref<80x16xf32, #tpu.memory_space<vmem>>[vector<16xi32>, vector<16xi32>], vector<16xf32>,
        %add3A_309 = arith.constant 1 : i32
        %add3A_310 = arith.addi %mul3A_2, %add3A_309 : i32
        %broadcast_in_dim3A_311 = vector.broadcast %add3A_310 : i32 to vector<16xi32>
        %gather3A_312 = tpu.vector_load_idx %arg22[%add3A_293, %broadcast_in_dim3A_311] : memref<80x16xf32, #tpu.memory_space<vmem>>[vector<16xi32>, vector<16xi32>], vector<16xf32>,
        %add3A_313 = arith.constant 4 : i32
        %add3A_314 = arith.addi %add3A_313, %add3A_310 : i32
        %broadcast_in_dim3A_315 = vector.broadcast %add3A_314 : i32 to vector<16xi32>
        %gather3A_316 = tpu.vector_load_idx %arg23[%add3A_293, %broadcast_in_dim3A_315] : memref<80x16xf32, #tpu.memory_space<vmem>>[vector<16xi32>, vector<16xi32>], vector<16xf32>,
        %add3A_317 = arith.addf %gather3A_312, %gather3A_316 : vector<16xf32>
        %ge3A_318 = arith.constant 0.000000e+00 : f32
        %ge3A_319 = vector.broadcast %ge3A_318 : f32 to vector<16xf32>
        %ge3A_320 = arith.cmpf oge, %add3A_317, %ge3A_319 : vector<16xf32>
        %mul3A_321 = arith.constant 2.000000e-01 : f32
        %mul3A_322 = vector.broadcast %mul3A_321 : f32 to vector<16xf32>
        %mul3A_323 = arith.mulf %add3A_317, %mul3A_322 : vector<16xf32>
        %select_n3A_324 = arith.select %ge3A_320, %add3A_317, %mul3A_323 : vector<16xi1>, vector<16xf32>
        %exp3A_325 = math.exp %select_n3A_324 : vector<16xf32>
        %broadcast_in_dim3A_326 = arith.constant 1 : i32
        %broadcast_in_dim3A_327 = vector.broadcast %broadcast_in_dim3A_326 : i32 to vector<16xi32>
        tpu.vector_store_idx %arg21[%add3A_293, %broadcast_in_dim3A_327], %exp3A_325 : memref<80x16xf32, #tpu.memory_space<vmem>>[vector<16xi32>, vector<16xi32>], vector<16xf32>,
      }
      %scan3A_273 = arith.constant 5 : i32
      %dma_wait3A_274 = arith.constant 0 : i32
      %dma_wait3A_275 = arith.constant 0 : i32
      %dma_wait3A_276 = tpu.memref_slice %arg4[%dma_wait3A_274, %dma_wait3A_275] : memref<20000x64xf32, #tpu.memory_space<hbm>> -> memref<20000x64xf32, #tpu.memory_space<hbm>>
      tpu.wait_indirect_dma semaphore(%arg30 : memref<!tpu.dma_semaphore, #tpu.memory_space<semaphore_mem>>) src(%dma_wait3A_276 : memref<20000x64xf32, #tpu.memory_space<hbm>>) dst(%arg20 : memref<80x64xf32, #tpu.memory_space<vmem>>)
      %scan3A_277 = arith.constant 0 : i32
      %scan3A_278 = arith.constant 0 : i32
      %scan3A_279 = arith.constant 5 : i32
      %scan3A_280 = arith.addi %scan3A_278, %scan3A_279 : i32
      %scan3A_281 = arith.constant 1 : i32
      scf.for %scan3A_289 = %scan3A_278 to %scan3A_280 step %scan3A_281  : i32 {
        %mul3A_290 = arith.constant 16 : i32
        %mul3A_291 = arith.muli %scan3A_289, %mul3A_290 : i32
        %broadcast_in_dim3A_292 = vector.broadcast %mul3A_291 : i32 to vector<16xi32>
        %add3A_293 = arith.addi %broadcast_in_dim3A_292, %iota3A : vector<16xi32>
        %broadcast_in_dim3A_294 = arith.constant 0 : i32
        %broadcast_in_dim3A_295 = vector.broadcast %broadcast_in_dim3A_294 : i32 to vector<16xi32>
        %gather3A = tpu.vector_load_idx %arg21[%add3A_293, %broadcast_in_dim3A_295] : memref<80x16xf32, #tpu.memory_space<vmem>>[vector<16xi32>, vector<16xi32>], vector<16xf32>,
        %broadcast_in_dim3A_296 = arith.constant 0 : i32
        %broadcast_in_dim3A_297 = vector.broadcast %broadcast_in_dim3A_296 : i32 to vector<16xi32>
        %gather3A_298 = tpu.vector_load_idx %arg20[%add3A_293, %broadcast_in_dim3A_297] : memref<80x64xf32, #tpu.memory_space<vmem>>[vector<16xi32>, vector<16xi32>], vector<16xf32>,
        %mul3A_299 = arith.mulf %gather3A_298, %gather3A : vector<16xf32>
        tpu.vector_store_idx %arg24[%add3A_293, %broadcast_in_dim3A_297], %mul3A_299 : memref<80x64xf32, #tpu.memory_space<vmem>>[vector<16xi32>, vector<16xi32>], vector<16xf32>,
        %broadcast_in_dim3A_300 = arith.constant 1 : i32
        %broadcast_in_dim3A_301 = vector.broadcast %broadcast_in_dim3A_300 : i32 to vector<16xi32>
        %gather3A_302 = tpu.vector_load_idx %arg20[%add3A_293, %broadcast_in_dim3A_301] : memref<80x64xf32, #tpu.memory_space<vmem>>[vector<16xi32>, vector<16xi32>], vector<16xf32>,
        %mul3A_303 = arith.mulf %gather3A_302, %gather3A : vector<16xf32>
        tpu.vector_store_idx %arg24[%add3A_293, %broadcast_in_dim3A_301], %mul3A_303 : memref<80x64xf32, #tpu.memory_space<vmem>>[vector<16xi32>, vector<16xi32>], vector<16xf32>,
        %broadcast_in_dim3A_304 = arith.constant 2 : i32
        %broadcast_in_dim3A_305 = vector.broadcast %broadcast_in_dim3A_304 : i32 to vector<16xi32>
        %gather3A_306 = tpu.vector_load_idx %arg20[%add3A_293, %broadcast_in_dim3A_305] : memref<80x64xf32, #tpu.memory_space<vmem>>[vector<16xi32>, vector<16xi32>], vector<16xf32>,
        %mul3A_307 = arith.mulf %gather3A_306, %gather3A : vector<16xf32>
        tpu.vector_store_idx %arg24[%add3A_293, %broadcast_in_dim3A_305], %mul3A_307 : memref<80x64xf32, #tpu.memory_space<vmem>>[vector<16xi32>, vector<16xi32>], vector<16xf32>,
        %broadcast_in_dim3A_308 = arith.constant 3 : i32
        %broadcast_in_dim3A_309 = vector.broadcast %broadcast_in_dim3A_308 : i32 to vector<16xi32>
        %gather3A_310 = tpu.vector_load_idx %arg20[%add3A_293, %broadcast_in_dim3A_309] : memref<80x64xf32, #tpu.memory_space<vmem>>[vector<16xi32>, vector<16xi32>], vector<16xf32>,
        %mul3A_311 = arith.mulf %gather3A_310, %gather3A : vector<16xf32>
        tpu.vector_store_idx %arg24[%add3A_293, %broadcast_in_dim3A_309], %mul3A_311 : memref<80x64xf32, #tpu.memory_space<vmem>>[vector<16xi32>, vector<16xi32>], vector<16xf32>,
        %broadcast_in_dim3A_312 = arith.constant 4 : i32
        %broadcast_in_dim3A_313 = vector.broadcast %broadcast_in_dim3A_312 : i32 to vector<16xi32>
        %gather3A_314 = tpu.vector_load_idx %arg20[%add3A_293, %broadcast_in_dim3A_313] : memref<80x64xf32, #tpu.memory_space<vmem>>[vector<16xi32>, vector<16xi32>], vector<16xf32>,
        %mul3A_315 = arith.mulf %gather3A_314, %gather3A : vector<16xf32>
        tpu.vector_store_idx %arg24[%add3A_293, %broadcast_in_dim3A_313], %mul3A_315 : memref<80x64xf32, #tpu.memory_space<vmem>>[vector<16xi32>, vector<16xi32>], vector<16xf32>,
        %broadcast_in_dim3A_316 = arith.constant 5 : i32
        %broadcast_in_dim3A_317 = vector.broadcast %broadcast_in_dim3A_316 : i32 to vector<16xi32>
        %gather3A_318 = tpu.vector_load_idx %arg20[%add3A_293, %broadcast_in_dim3A_317] : memref<80x64xf32, #tpu.memory_space<vmem>>[vector<16xi32>, vector<16xi32>], vector<16xf32>,
        %mul3A_319 = arith.mulf %gather3A_318, %gather3A : vector<16xf32>
        tpu.vector_store_idx %arg24[%add3A_293, %broadcast_in_dim3A_317], %mul3A_319 : memref<80x64xf32, #tpu.memory_space<vmem>>[vector<16xi32>, vector<16xi32>], vector<16xf32>,
        %broadcast_in_dim3A_320 = arith.constant 6 : i32
        %broadcast_in_dim3A_321 = vector.broadcast %broadcast_in_dim3A_320 : i32 to vector<16xi32>
        %gather3A_322 = tpu.vector_load_idx %arg20[%add3A_293, %broadcast_in_dim3A_321] : memref<80x64xf32, #tpu.memory_space<vmem>>[vector<16xi32>, vector<16xi32>], vector<16xf32>,
        %mul3A_323 = arith.mulf %gather3A_322, %gather3A : vector<16xf32>
        tpu.vector_store_idx %arg24[%add3A_293, %broadcast_in_dim3A_321], %mul3A_323 : memref<80x64xf32, #tpu.memory_space<vmem>>[vector<16xi32>, vector<16xi32>], vector<16xf32>,
        %broadcast_in_dim3A_324 = arith.constant 7 : i32
        %broadcast_in_dim3A_325 = vector.broadcast %broadcast_in_dim3A_324 : i32 to vector<16xi32>
        %gather3A_326 = tpu.vector_load_idx %arg20[%add3A_293, %broadcast_in_dim3A_325] : memref<80x64xf32, #tpu.memory_space<vmem>>[vector<16xi32>, vector<16xi32>], vector<16xf32>,
        %mul3A_327 = arith.mulf %gather3A_326, %gather3A : vector<16xf32>
        tpu.vector_store_idx %arg24[%add3A_293, %broadcast_in_dim3A_325], %mul3A_327 : memref<80x64xf32, #tpu.memory_space<vmem>>[vector<16xi32>, vector<16xi32>], vector<16xf32>,
        %broadcast_in_dim3A_328 = arith.constant 8 : i32
        %broadcast_in_dim3A_329 = vector.broadcast %broadcast_in_dim3A_328 : i32 to vector<16xi32>
        %gather3A_330 = tpu.vector_load_idx %arg20[%add3A_293, %broadcast_in_dim3A_329] : memref<80x64xf32, #tpu.memory_space<vmem>>[vector<16xi32>, vector<16xi32>], vector<16xf32>,
        %mul3A_331 = arith.mulf %gather3A_330, %gather3A : vector<16xf32>
        tpu.vector_store_idx %arg24[%add3A_293, %broadcast_in_dim3A_329], %mul3A_331 : memref<80x64xf32, #tpu.memory_space<vmem>>[vector<16xi32>, vector<16xi32>], vector<16xf32>,
        %broadcast_in_dim3A_332 = arith.constant 9 : i32
        %broadcast_in_dim3A_333 = vector.broadcast %broadcast_in_dim3A_332 : i32 to vector<16xi32>
        %gather3A_334 = tpu.vector_load_idx %arg20[%add3A_293, %broadcast_in_dim3A_333] : memref<80x64xf32, #tpu.memory_space<vmem>>[vector<16xi32>, vector<16xi32>], vector<16xf32>,
        %mul3A_335 = arith.mulf %gather3A_334, %gather3A : vector<16xf32>
        tpu.vector_store_idx %arg24[%add3A_293, %broadcast_in_dim3A_333], %mul3A_335 : memref<80x64xf32, #tpu.memory_space<vmem>>[vector<16xi32>, vector<16xi32>], vector<16xf32>,
        %broadcast_in_dim3A_336 = arith.constant 10 : i32
        %broadcast_in_dim3A_337 = vector.broadcast %broadcast_in_dim3A_336 : i32 to vector<16xi32>
        %gather3A_338 = tpu.vector_load_idx %arg20[%add3A_293, %broadcast_in_dim3A_337] : memref<80x64xf32, #tpu.memory_space<vmem>>[vector<16xi32>, vector<16xi32>], vector<16xf32>,
        %mul3A_339 = arith.mulf %gather3A_338, %gather3A : vector<16xf32>
        tpu.vector_store_idx %arg24[%add3A_293, %broadcast_in_dim3A_337], %mul3A_339 : memref<80x64xf32, #tpu.memory_space<vmem>>[vector<16xi32>, vector<16xi32>], vector<16xf32>,
        %broadcast_in_dim3A_340 = arith.constant 11 : i32
        %broadcast_in_dim3A_341 = vector.broadcast %broadcast_in_dim3A_340 : i32 to vector<16xi32>
        %gather3A_342 = tpu.vector_load_idx %arg20[%add3A_293, %broadcast_in_dim3A_341] : memref<80x64xf32, #tpu.memory_space<vmem>>[vector<16xi32>, vector<16xi32>], vector<16xf32>,
        %mul3A_343 = arith.mulf %gather3A_342, %gather3A : vector<16xf32>
        tpu.vector_store_idx %arg24[%add3A_293, %broadcast_in_dim3A_341], %mul3A_343 : memref<80x64xf32, #tpu.memory_space<vmem>>[vector<16xi32>, vector<16xi32>], vector<16xf32>,
        %broadcast_in_dim3A_344 = arith.constant 12 : i32
        %broadcast_in_dim3A_345 = vector.broadcast %broadcast_in_dim3A_344 : i32 to vector<16xi32>
        %gather3A_346 = tpu.vector_load_idx %arg20[%add3A_293, %broadcast_in_dim3A_345] : memref<80x64xf32, #tpu.memory_space<vmem>>[vector<16xi32>, vector<16xi32>], vector<16xf32>,
        %mul3A_347 = arith.mulf %gather3A_346, %gather3A : vector<16xf32>
        tpu.vector_store_idx %arg24[%add3A_293, %broadcast_in_dim3A_345], %mul3A_347 : memref<80x64xf32, #tpu.memory_space<vmem>>[vector<16xi32>, vector<16xi32>], vector<16xf32>,
        %broadcast_in_dim3A_348 = arith.constant 13 : i32
        %broadcast_in_dim3A_349 = vector.broadcast %broadcast_in_dim3A_348 : i32 to vector<16xi32>
        %gather3A_350 = tpu.vector_load_idx %arg20[%add3A_293, %broadcast_in_dim3A_349] : memref<80x64xf32, #tpu.memory_space<vmem>>[vector<16xi32>, vector<16xi32>], vector<16xf32>,
        %mul3A_351 = arith.mulf %gather3A_350, %gather3A : vector<16xf32>
        tpu.vector_store_idx %arg24[%add3A_293, %broadcast_in_dim3A_349], %mul3A_351 : memref<80x64xf32, #tpu.memory_space<vmem>>[vector<16xi32>, vector<16xi32>], vector<16xf32>,
        %broadcast_in_dim3A_352 = arith.constant 14 : i32
        %broadcast_in_dim3A_353 = vector.broadcast %broadcast_in_dim3A_352 : i32 to vector<16xi32>
        %gather3A_354 = tpu.vector_load_idx %arg20[%add3A_293, %broadcast_in_dim3A_353] : memref<80x64xf32, #tpu.memory_space<vmem>>[vector<16xi32>, vector<16xi32>], vector<16xf32>,
        %mul3A_355 = arith.mulf %gather3A_354, %gather3A : vector<16xf32>
        tpu.vector_store_idx %arg24[%add3A_293, %broadcast_in_dim3A_353], %mul3A_355 : memref<80x64xf32, #tpu.memory_space<vmem>>[vector<16xi32>, vector<16xi32>], vector<16xf32>,
        %broadcast_in_dim3A_356 = arith.constant 15 : i32
        %broadcast_in_dim3A_357 = vector.broadcast %broadcast_in_dim3A_356 : i32 to vector<16xi32>
        %gather3A_358 = tpu.vector_load_idx %arg20[%add3A_293, %broadcast_in_dim3A_357] : memref<80x64xf32, #tpu.memory_space<vmem>>[vector<16xi32>, vector<16xi32>], vector<16xf32>,
        %mul3A_359 = arith.mulf %gather3A_358, %gather3A : vector<16xf32>
        tpu.vector_store_idx %arg24[%add3A_293, %broadcast_in_dim3A_357], %mul3A_359 : memref<80x64xf32, #tpu.memory_space<vmem>>[vector<16xi32>, vector<16xi32>], vector<16xf32>,
        %broadcast_in_dim3A_360 = arith.constant 16 : i32
        %broadcast_in_dim3A_361 = vector.broadcast %broadcast_in_dim3A_360 : i32 to vector<16xi32>
        %gather3A_362 = tpu.vector_load_idx %arg20[%add3A_293, %broadcast_in_dim3A_361] : memref<80x64xf32, #tpu.memory_space<vmem>>[vector<16xi32>, vector<16xi32>], vector<16xf32>,
        %mul3A_363 = arith.mulf %gather3A_362, %gather3A : vector<16xf32>
        tpu.vector_store_idx %arg24[%add3A_293, %broadcast_in_dim3A_361], %mul3A_363 : memref<80x64xf32, #tpu.memory_space<vmem>>[vector<16xi32>, vector<16xi32>], vector<16xf32>,
        %broadcast_in_dim3A_364 = arith.constant 17 : i32
        %broadcast_in_dim3A_365 = vector.broadcast %broadcast_in_dim3A_364 : i32 to vector<16xi32>
        %gather3A_366 = tpu.vector_load_idx %arg20[%add3A_293, %broadcast_in_dim3A_365] : memref<80x64xf32, #tpu.memory_space<vmem>>[vector<16xi32>, vector<16xi32>], vector<16xf32>,
        %mul3A_367 = arith.mulf %gather3A_366, %gather3A : vector<16xf32>
        tpu.vector_store_idx %arg24[%add3A_293, %broadcast_in_dim3A_365], %mul3A_367 : memref<80x64xf32, #tpu.memory_space<vmem>>[vector<16xi32>, vector<16xi32>], vector<16xf32>,
        %broadcast_in_dim3A_368 = arith.constant 18 : i32
        %broadcast_in_dim3A_369 = vector.broadcast %broadcast_in_dim3A_368 : i32 to vector<16xi32>
        %gather3A_370 = tpu.vector_load_idx %arg20[%add3A_293, %broadcast_in_dim3A_369] : memref<80x64xf32, #tpu.memory_space<vmem>>[vector<16xi32>, vector<16xi32>], vector<16xf32>,
        %mul3A_371 = arith.mulf %gather3A_370, %gather3A : vector<16xf32>
        tpu.vector_store_idx %arg24[%add3A_293, %broadcast_in_dim3A_369], %mul3A_371 : memref<80x64xf32, #tpu.memory_space<vmem>>[vector<16xi32>, vector<16xi32>], vector<16xf32>,
        %broadcast_in_dim3A_372 = arith.constant 19 : i32
        %broadcast_in_dim3A_373 = vector.broadcast %broadcast_in_dim3A_372 : i32 to vector<16xi32>
        %gather3A_374 = tpu.vector_load_idx %arg20[%add3A_293, %broadcast_in_dim3A_373] : memref<80x64xf32, #tpu.memory_space<vmem>>[vector<16xi32>, vector<16xi32>], vector<16xf32>,
        %mul3A_375 = arith.mulf %gather3A_374, %gather3A : vector<16xf32>
        tpu.vector_store_idx %arg24[%add3A_293, %broadcast_in_dim3A_373], %mul3A_375 : memref<80x64xf32, #tpu.memory_space<vmem>>[vector<16xi32>, vector<16xi32>], vector<16xf32>,
        %broadcast_in_dim3A_376 = arith.constant 20 : i32
        %broadcast_in_dim3A_377 = vector.broadcast %broadcast_in_dim3A_376 : i32 to vector<16xi32>
        %gather3A_378 = tpu.vector_load_idx %arg20[%add3A_293, %broadcast_in_dim3A_377] : memref<80x64xf32, #tpu.memory_space<vmem>>[vector<16xi32>, vector<16xi32>], vector<16xf32>,
        %mul3A_379 = arith.mulf %gather3A_378, %gather3A : vector<16xf32>
        tpu.vector_store_idx %arg24[%add3A_293, %broadcast_in_dim3A_377], %mul3A_379 : memref<80x64xf32, #tpu.memory_space<vmem>>[vector<16xi32>, vector<16xi32>], vector<16xf32>,
        %broadcast_in_dim3A_380 = arith.constant 21 : i32
        %broadcast_in_dim3A_381 = vector.broadcast %broadcast_in_dim3A_380 : i32 to vector<16xi32>
        %gather3A_382 = tpu.vector_load_idx %arg20[%add3A_293, %broadcast_in_dim3A_381] : memref<80x64xf32, #tpu.memory_space<vmem>>[vector<16xi32>, vector<16xi32>], vector<16xf32>,
        %mul3A_383 = arith.mulf %gather3A_382, %gather3A : vector<16xf32>
        tpu.vector_store_idx %arg24[%add3A_293, %broadcast_in_dim3A_381], %mul3A_383 : memref<80x64xf32, #tpu.memory_space<vmem>>[vector<16xi32>, vector<16xi32>], vector<16xf32>,
        %broadcast_in_dim3A_384 = arith.constant 22 : i32
        %broadcast_in_dim3A_385 = vector.broadcast %broadcast_in_dim3A_384 : i32 to vector<16xi32>
        %gather3A_386 = tpu.vector_load_idx %arg20[%add3A_293, %broadcast_in_dim3A_385] : memref<80x64xf32, #tpu.memory_space<vmem>>[vector<16xi32>, vector<16xi32>], vector<16xf32>,
        %mul3A_387 = arith.mulf %gather3A_386, %gather3A : vector<16xf32>
        tpu.vector_store_idx %arg24[%add3A_293, %broadcast_in_dim3A_385], %mul3A_387 : memref<80x64xf32, #tpu.memory_space<vmem>>[vector<16xi32>, vector<16xi32>], vector<16xf32>,
        %broadcast_in_dim3A_388 = arith.constant 23 : i32
        %broadcast_in_dim3A_389 = vector.broadcast %broadcast_in_dim3A_388 : i32 to vector<16xi32>
        %gather3A_390 = tpu.vector_load_idx %arg20[%add3A_293, %broadcast_in_dim3A_389] : memref<80x64xf32, #tpu.memory_space<vmem>>[vector<16xi32>, vector<16xi32>], vector<16xf32>,
        %mul3A_391 = arith.mulf %gather3A_390, %gather3A : vector<16xf32>
        tpu.vector_store_idx %arg24[%add3A_293, %broadcast_in_dim3A_389], %mul3A_391 : memref<80x64xf32, #tpu.memory_space<vmem>>[vector<16xi32>, vector<16xi32>], vector<16xf32>,
        %broadcast_in_dim3A_392 = arith.constant 24 : i32
        %broadcast_in_dim3A_393 = vector.broadcast %broadcast_in_dim3A_392 : i32 to vector<16xi32>
        %gather3A_394 = tpu.vector_load_idx %arg20[%add3A_293, %broadcast_in_dim3A_393] : memref<80x64xf32, #tpu.memory_space<vmem>>[vector<16xi32>, vector<16xi32>], vector<16xf32>,
        %mul3A_395 = arith.mulf %gather3A_394, %gather3A : vector<16xf32>
        tpu.vector_store_idx %arg24[%add3A_293, %broadcast_in_dim3A_393], %mul3A_395 : memref<80x64xf32, #tpu.memory_space<vmem>>[vector<16xi32>, vector<16xi32>], vector<16xf32>,
        %broadcast_in_dim3A_396 = arith.constant 25 : i32
        %broadcast_in_dim3A_397 = vector.broadcast %broadcast_in_dim3A_396 : i32 to vector<16xi32>
        %gather3A_398 = tpu.vector_load_idx %arg20[%add3A_293, %broadcast_in_dim3A_397] : memref<80x64xf32, #tpu.memory_space<vmem>>[vector<16xi32>, vector<16xi32>], vector<16xf32>,
        %mul3A_399 = arith.mulf %gather3A_398, %gather3A : vector<16xf32>
        tpu.vector_store_idx %arg24[%add3A_293, %broadcast_in_dim3A_397], %mul3A_399 : memref<80x64xf32, #tpu.memory_space<vmem>>[vector<16xi32>, vector<16xi32>], vector<16xf32>,
        %broadcast_in_dim3A_400 = arith.constant 26 : i32
        %broadcast_in_dim3A_401 = vector.broadcast %broadcast_in_dim3A_400 : i32 to vector<16xi32>
        %gather3A_402 = tpu.vector_load_idx %arg20[%add3A_293, %broadcast_in_dim3A_401] : memref<80x64xf32, #tpu.memory_space<vmem>>[vector<16xi32>, vector<16xi32>], vector<16xf32>,
        %mul3A_403 = arith.mulf %gather3A_402, %gather3A : vector<16xf32>
        tpu.vector_store_idx %arg24[%add3A_293, %broadcast_in_dim3A_401], %mul3A_403 : memref<80x64xf32, #tpu.memory_space<vmem>>[vector<16xi32>, vector<16xi32>], vector<16xf32>,
        %broadcast_in_dim3A_404 = arith.constant 27 : i32
        %broadcast_in_dim3A_405 = vector.broadcast %broadcast_in_dim3A_404 : i32 to vector<16xi32>
        %gather3A_406 = tpu.vector_load_idx %arg20[%add3A_293, %broadcast_in_dim3A_405] : memref<80x64xf32, #tpu.memory_space<vmem>>[vector<16xi32>, vector<16xi32>], vector<16xf32>,
        %mul3A_407 = arith.mulf %gather3A_406, %gather3A : vector<16xf32>
        tpu.vector_store_idx %arg24[%add3A_293, %broadcast_in_dim3A_405], %mul3A_407 : memref<80x64xf32, #tpu.memory_space<vmem>>[vector<16xi32>, vector<16xi32>], vector<16xf32>,
        %broadcast_in_dim3A_408 = arith.constant 28 : i32
        %broadcast_in_dim3A_409 = vector.broadcast %broadcast_in_dim3A_408 : i32 to vector<16xi32>
        %gather3A_410 = tpu.vector_load_idx %arg20[%add3A_293, %broadcast_in_dim3A_409] : memref<80x64xf32, #tpu.memory_space<vmem>>[vector<16xi32>, vector<16xi32>], vector<16xf32>,
        %mul3A_411 = arith.mulf %gather3A_410, %gather3A : vector<16xf32>
        tpu.vector_store_idx %arg24[%add3A_293, %broadcast_in_dim3A_409], %mul3A_411 : memref<80x64xf32, #tpu.memory_space<vmem>>[vector<16xi32>, vector<16xi32>], vector<16xf32>,
        %broadcast_in_dim3A_412 = arith.constant 29 : i32
        %broadcast_in_dim3A_413 = vector.broadcast %broadcast_in_dim3A_412 : i32 to vector<16xi32>
        %gather3A_414 = tpu.vector_load_idx %arg20[%add3A_293, %broadcast_in_dim3A_413] : memref<80x64xf32, #tpu.memory_space<vmem>>[vector<16xi32>, vector<16xi32>], vector<16xf32>,
        %mul3A_415 = arith.mulf %gather3A_414, %gather3A : vector<16xf32>
        tpu.vector_store_idx %arg24[%add3A_293, %broadcast_in_dim3A_413], %mul3A_415 : memref<80x64xf32, #tpu.memory_space<vmem>>[vector<16xi32>, vector<16xi32>], vector<16xf32>,
        %broadcast_in_dim3A_416 = arith.constant 30 : i32
        %broadcast_in_dim3A_417 = vector.broadcast %broadcast_in_dim3A_416 : i32 to vector<16xi32>
        %gather3A_418 = tpu.vector_load_idx %arg20[%add3A_293, %broadcast_in_dim3A_417] : memref<80x64xf32, #tpu.memory_space<vmem>>[vector<16xi32>, vector<16xi32>], vector<16xf32>,
        %mul3A_419 = arith.mulf %gather3A_418, %gather3A : vector<16xf32>
        tpu.vector_store_idx %arg24[%add3A_293, %broadcast_in_dim3A_417], %mul3A_419 : memref<80x64xf32, #tpu.memory_space<vmem>>[vector<16xi32>, vector<16xi32>], vector<16xf32>,
        %broadcast_in_dim3A_420 = arith.constant 31 : i32
        %broadcast_in_dim3A_421 = vector.broadcast %broadcast_in_dim3A_420 : i32 to vector<16xi32>
        %gather3A_422 = tpu.vector_load_idx %arg20[%add3A_293, %broadcast_in_dim3A_421] : memref<80x64xf32, #tpu.memory_space<vmem>>[vector<16xi32>, vector<16xi32>], vector<16xf32>,
        %mul3A_423 = arith.mulf %gather3A_422, %gather3A : vector<16xf32>
        tpu.vector_store_idx %arg24[%add3A_293, %broadcast_in_dim3A_421], %mul3A_423 : memref<80x64xf32, #tpu.memory_space<vmem>>[vector<16xi32>, vector<16xi32>], vector<16xf32>,
        %broadcast_in_dim3A_424 = arith.constant 1 : i32
        %broadcast_in_dim3A_425 = vector.broadcast %broadcast_in_dim3A_424 : i32 to vector<16xi32>
        %gather3A_426 = tpu.vector_load_idx %arg21[%add3A_293, %broadcast_in_dim3A_425] : memref<80x16xf32, #tpu.memory_space<vmem>>[vector<16xi32>, vector<16xi32>], vector<16xf32>,
        %broadcast_in_dim3A_427 = arith.constant 32 : i32
        %broadcast_in_dim3A_428 = vector.broadcast %broadcast_in_dim3A_427 : i32 to vector<16xi32>
        %gather3A_429 = tpu.vector_load_idx %arg20[%add3A_293, %broadcast_in_dim3A_428] : memref<80x64xf32, #tpu.memory_space<vmem>>[vector<16xi32>, vector<16xi32>], vector<16xf32>,
        %mul3A_430 = arith.mulf %gather3A_429, %gather3A_426 : vector<16xf32>
        tpu.vector_store_idx %arg24[%add3A_293, %broadcast_in_dim3A_428], %mul3A_430 : memref<80x64xf32, #tpu.memory_space<vmem>>[vector<16xi32>, vector<16xi32>], vector<16xf32>,
        %broadcast_in_dim3A_431 = arith.constant 33 : i32
        %broadcast_in_dim3A_432 = vector.broadcast %broadcast_in_dim3A_431 : i32 to vector<16xi32>
        %gather3A_433 = tpu.vector_load_idx %arg20[%add3A_293, %broadcast_in_dim3A_432] : memref<80x64xf32, #tpu.memory_space<vmem>>[vector<16xi32>, vector<16xi32>], vector<16xf32>,
        %mul3A_434 = arith.mulf %gather3A_433, %gather3A_426 : vector<16xf32>
        tpu.vector_store_idx %arg24[%add3A_293, %broadcast_in_dim3A_432], %mul3A_434 : memref<80x64xf32, #tpu.memory_space<vmem>>[vector<16xi32>, vector<16xi32>], vector<16xf32>,
        %broadcast_in_dim3A_435 = arith.constant 34 : i32
        %broadcast_in_dim3A_436 = vector.broadcast %broadcast_in_dim3A_435 : i32 to vector<16xi32>
        %gather3A_437 = tpu.vector_load_idx %arg20[%add3A_293, %broadcast_in_dim3A_436] : memref<80x64xf32, #tpu.memory_space<vmem>>[vector<16xi32>, vector<16xi32>], vector<16xf32>,
        %mul3A_438 = arith.mulf %gather3A_437, %gather3A_426 : vector<16xf32>
        tpu.vector_store_idx %arg24[%add3A_293, %broadcast_in_dim3A_436], %mul3A_438 : memref<80x64xf32, #tpu.memory_space<vmem>>[vector<16xi32>, vector<16xi32>], vector<16xf32>,
        %broadcast_in_dim3A_439 = arith.constant 35 : i32
        %broadcast_in_dim3A_440 = vector.broadcast %broadcast_in_dim3A_439 : i32 to vector<16xi32>
        %gather3A_441 = tpu.vector_load_idx %arg20[%add3A_293, %broadcast_in_dim3A_440] : memref<80x64xf32, #tpu.memory_space<vmem>>[vector<16xi32>, vector<16xi32>], vector<16xf32>,
        %mul3A_442 = arith.mulf %gather3A_441, %gather3A_426 : vector<16xf32>
        tpu.vector_store_idx %arg24[%add3A_293, %broadcast_in_dim3A_440], %mul3A_442 : memref<80x64xf32, #tpu.memory_space<vmem>>[vector<16xi32>, vector<16xi32>], vector<16xf32>,
        %broadcast_in_dim3A_443 = arith.constant 36 : i32
        %broadcast_in_dim3A_444 = vector.broadcast %broadcast_in_dim3A_443 : i32 to vector<16xi32>
        %gather3A_445 = tpu.vector_load_idx %arg20[%add3A_293, %broadcast_in_dim3A_444] : memref<80x64xf32, #tpu.memory_space<vmem>>[vector<16xi32>, vector<16xi32>], vector<16xf32>,
        %mul3A_446 = arith.mulf %gather3A_445, %gather3A_426 : vector<16xf32>
        tpu.vector_store_idx %arg24[%add3A_293, %broadcast_in_dim3A_444], %mul3A_446 : memref<80x64xf32, #tpu.memory_space<vmem>>[vector<16xi32>, vector<16xi32>], vector<16xf32>,
        %broadcast_in_dim3A_447 = arith.constant 37 : i32
        %broadcast_in_dim3A_448 = vector.broadcast %broadcast_in_dim3A_447 : i32 to vector<16xi32>
        %gather3A_449 = tpu.vector_load_idx %arg20[%add3A_293, %broadcast_in_dim3A_448] : memref<80x64xf32, #tpu.memory_space<vmem>>[vector<16xi32>, vector<16xi32>], vector<16xf32>,
        %mul3A_450 = arith.mulf %gather3A_449, %gather3A_426 : vector<16xf32>
        tpu.vector_store_idx %arg24[%add3A_293, %broadcast_in_dim3A_448], %mul3A_450 : memref<80x64xf32, #tpu.memory_space<vmem>>[vector<16xi32>, vector<16xi32>], vector<16xf32>,
        %broadcast_in_dim3A_451 = arith.constant 38 : i32
        %broadcast_in_dim3A_452 = vector.broadcast %broadcast_in_dim3A_451 : i32 to vector<16xi32>
        %gather3A_453 = tpu.vector_load_idx %arg20[%add3A_293, %broadcast_in_dim3A_452] : memref<80x64xf32, #tpu.memory_space<vmem>>[vector<16xi32>, vector<16xi32>], vector<16xf32>,
        %mul3A_454 = arith.mulf %gather3A_453, %gather3A_426 : vector<16xf32>
        tpu.vector_store_idx %arg24[%add3A_293, %broadcast_in_dim3A_452], %mul3A_454 : memref<80x64xf32, #tpu.memory_space<vmem>>[vector<16xi32>, vector<16xi32>], vector<16xf32>,
        %broadcast_in_dim3A_455 = arith.constant 39 : i32
        %broadcast_in_dim3A_456 = vector.broadcast %broadcast_in_dim3A_455 : i32 to vector<16xi32>
        %gather3A_457 = tpu.vector_load_idx %arg20[%add3A_293, %broadcast_in_dim3A_456] : memref<80x64xf32, #tpu.memory_space<vmem>>[vector<16xi32>, vector<16xi32>], vector<16xf32>,
        %mul3A_458 = arith.mulf %gather3A_457, %gather3A_426 : vector<16xf32>
        tpu.vector_store_idx %arg24[%add3A_293, %broadcast_in_dim3A_456], %mul3A_458 : memref<80x64xf32, #tpu.memory_space<vmem>>[vector<16xi32>, vector<16xi32>], vector<16xf32>,
        %broadcast_in_dim3A_459 = arith.constant 40 : i32
        %broadcast_in_dim3A_460 = vector.broadcast %broadcast_in_dim3A_459 : i32 to vector<16xi32>
        %gather3A_461 = tpu.vector_load_idx %arg20[%add3A_293, %broadcast_in_dim3A_460] : memref<80x64xf32, #tpu.memory_space<vmem>>[vector<16xi32>, vector<16xi32>], vector<16xf32>,
        %mul3A_462 = arith.mulf %gather3A_461, %gather3A_426 : vector<16xf32>
        tpu.vector_store_idx %arg24[%add3A_293, %broadcast_in_dim3A_460], %mul3A_462 : memref<80x64xf32, #tpu.memory_space<vmem>>[vector<16xi32>, vector<16xi32>], vector<16xf32>,
        %broadcast_in_dim3A_463 = arith.constant 41 : i32
        %broadcast_in_dim3A_464 = vector.broadcast %broadcast_in_dim3A_463 : i32 to vector<16xi32>
        %gather3A_465 = tpu.vector_load_idx %arg20[%add3A_293, %broadcast_in_dim3A_464] : memref<80x64xf32, #tpu.memory_space<vmem>>[vector<16xi32>, vector<16xi32>], vector<16xf32>,
        %mul3A_466 = arith.mulf %gather3A_465, %gather3A_426 : vector<16xf32>
        tpu.vector_store_idx %arg24[%add3A_293, %broadcast_in_dim3A_464], %mul3A_466 : memref<80x64xf32, #tpu.memory_space<vmem>>[vector<16xi32>, vector<16xi32>], vector<16xf32>,
        %broadcast_in_dim3A_467 = arith.constant 42 : i32
        %broadcast_in_dim3A_468 = vector.broadcast %broadcast_in_dim3A_467 : i32 to vector<16xi32>
        %gather3A_469 = tpu.vector_load_idx %arg20[%add3A_293, %broadcast_in_dim3A_468] : memref<80x64xf32, #tpu.memory_space<vmem>>[vector<16xi32>, vector<16xi32>], vector<16xf32>,
        %mul3A_470 = arith.mulf %gather3A_469, %gather3A_426 : vector<16xf32>
        tpu.vector_store_idx %arg24[%add3A_293, %broadcast_in_dim3A_468], %mul3A_470 : memref<80x64xf32, #tpu.memory_space<vmem>>[vector<16xi32>, vector<16xi32>], vector<16xf32>,
        %broadcast_in_dim3A_471 = arith.constant 43 : i32
        %broadcast_in_dim3A_472 = vector.broadcast %broadcast_in_dim3A_471 : i32 to vector<16xi32>
        %gather3A_473 = tpu.vector_load_idx %arg20[%add3A_293, %broadcast_in_dim3A_472] : memref<80x64xf32, #tpu.memory_space<vmem>>[vector<16xi32>, vector<16xi32>], vector<16xf32>,
        %mul3A_474 = arith.mulf %gather3A_473, %gather3A_426 : vector<16xf32>
        tpu.vector_store_idx %arg24[%add3A_293, %broadcast_in_dim3A_472], %mul3A_474 : memref<80x64xf32, #tpu.memory_space<vmem>>[vector<16xi32>, vector<16xi32>], vector<16xf32>,
        %broadcast_in_dim3A_475 = arith.constant 44 : i32
        %broadcast_in_dim3A_476 = vector.broadcast %broadcast_in_dim3A_475 : i32 to vector<16xi32>
        %gather3A_477 = tpu.vector_load_idx %arg20[%add3A_293, %broadcast_in_dim3A_476] : memref<80x64xf32, #tpu.memory_space<vmem>>[vector<16xi32>, vector<16xi32>], vector<16xf32>,
        %mul3A_478 = arith.mulf %gather3A_477, %gather3A_426 : vector<16xf32>
        tpu.vector_store_idx %arg24[%add3A_293, %broadcast_in_dim3A_476], %mul3A_478 : memref<80x64xf32, #tpu.memory_space<vmem>>[vector<16xi32>, vector<16xi32>], vector<16xf32>,
        %broadcast_in_dim3A_479 = arith.constant 45 : i32
        %broadcast_in_dim3A_480 = vector.broadcast %broadcast_in_dim3A_479 : i32 to vector<16xi32>
        %gather3A_481 = tpu.vector_load_idx %arg20[%add3A_293, %broadcast_in_dim3A_480] : memref<80x64xf32, #tpu.memory_space<vmem>>[vector<16xi32>, vector<16xi32>], vector<16xf32>,
        %mul3A_482 = arith.mulf %gather3A_481, %gather3A_426 : vector<16xf32>
        tpu.vector_store_idx %arg24[%add3A_293, %broadcast_in_dim3A_480], %mul3A_482 : memref<80x64xf32, #tpu.memory_space<vmem>>[vector<16xi32>, vector<16xi32>], vector<16xf32>,
        %broadcast_in_dim3A_483 = arith.constant 46 : i32
        %broadcast_in_dim3A_484 = vector.broadcast %broadcast_in_dim3A_483 : i32 to vector<16xi32>
        %gather3A_485 = tpu.vector_load_idx %arg20[%add3A_293, %broadcast_in_dim3A_484] : memref<80x64xf32, #tpu.memory_space<vmem>>[vector<16xi32>, vector<16xi32>], vector<16xf32>,
        %mul3A_486 = arith.mulf %gather3A_485, %gather3A_426 : vector<16xf32>
        tpu.vector_store_idx %arg24[%add3A_293, %broadcast_in_dim3A_484], %mul3A_486 : memref<80x64xf32, #tpu.memory_space<vmem>>[vector<16xi32>, vector<16xi32>], vector<16xf32>,
        %broadcast_in_dim3A_487 = arith.constant 47 : i32
        %broadcast_in_dim3A_488 = vector.broadcast %broadcast_in_dim3A_487 : i32 to vector<16xi32>
        %gather3A_489 = tpu.vector_load_idx %arg20[%add3A_293, %broadcast_in_dim3A_488] : memref<80x64xf32, #tpu.memory_space<vmem>>[vector<16xi32>, vector<16xi32>], vector<16xf32>,
        %mul3A_490 = arith.mulf %gather3A_489, %gather3A_426 : vector<16xf32>
        tpu.vector_store_idx %arg24[%add3A_293, %broadcast_in_dim3A_488], %mul3A_490 : memref<80x64xf32, #tpu.memory_space<vmem>>[vector<16xi32>, vector<16xi32>], vector<16xf32>,
        %broadcast_in_dim3A_491 = arith.constant 48 : i32
        %broadcast_in_dim3A_492 = vector.broadcast %broadcast_in_dim3A_491 : i32 to vector<16xi32>
        %gather3A_493 = tpu.vector_load_idx %arg20[%add3A_293, %broadcast_in_dim3A_492] : memref<80x64xf32, #tpu.memory_space<vmem>>[vector<16xi32>, vector<16xi32>], vector<16xf32>,
        %mul3A_494 = arith.mulf %gather3A_493, %gather3A_426 : vector<16xf32>
        tpu.vector_store_idx %arg24[%add3A_293, %broadcast_in_dim3A_492], %mul3A_494 : memref<80x64xf32, #tpu.memory_space<vmem>>[vector<16xi32>, vector<16xi32>], vector<16xf32>,
        %broadcast_in_dim3A_495 = arith.constant 49 : i32
        %broadcast_in_dim3A_496 = vector.broadcast %broadcast_in_dim3A_495 : i32 to vector<16xi32>
        %gather3A_497 = tpu.vector_load_idx %arg20[%add3A_293, %broadcast_in_dim3A_496] : memref<80x64xf32, #tpu.memory_space<vmem>>[vector<16xi32>, vector<16xi32>], vector<16xf32>,
        %mul3A_498 = arith.mulf %gather3A_497, %gather3A_426 : vector<16xf32>
        tpu.vector_store_idx %arg24[%add3A_293, %broadcast_in_dim3A_496], %mul3A_498 : memref<80x64xf32, #tpu.memory_space<vmem>>[vector<16xi32>, vector<16xi32>], vector<16xf32>,
        %broadcast_in_dim3A_499 = arith.constant 50 : i32
        %broadcast_in_dim3A_500 = vector.broadcast %broadcast_in_dim3A_499 : i32 to vector<16xi32>
        %gather3A_501 = tpu.vector_load_idx %arg20[%add3A_293, %broadcast_in_dim3A_500] : memref<80x64xf32, #tpu.memory_space<vmem>>[vector<16xi32>, vector<16xi32>], vector<16xf32>,
        %mul3A_502 = arith.mulf %gather3A_501, %gather3A_426 : vector<16xf32>
        tpu.vector_store_idx %arg24[%add3A_293, %broadcast_in_dim3A_500], %mul3A_502 : memref<80x64xf32, #tpu.memory_space<vmem>>[vector<16xi32>, vector<16xi32>], vector<16xf32>,
        %broadcast_in_dim3A_503 = arith.constant 51 : i32
        %broadcast_in_dim3A_504 = vector.broadcast %broadcast_in_dim3A_503 : i32 to vector<16xi32>
        %gather3A_505 = tpu.vector_load_idx %arg20[%add3A_293, %broadcast_in_dim3A_504] : memref<80x64xf32, #tpu.memory_space<vmem>>[vector<16xi32>, vector<16xi32>], vector<16xf32>,
        %mul3A_506 = arith.mulf %gather3A_505, %gather3A_426 : vector<16xf32>
        tpu.vector_store_idx %arg24[%add3A_293, %broadcast_in_dim3A_504], %mul3A_506 : memref<80x64xf32, #tpu.memory_space<vmem>>[vector<16xi32>, vector<16xi32>], vector<16xf32>,
        %broadcast_in_dim3A_507 = arith.constant 52 : i32
        %broadcast_in_dim3A_508 = vector.broadcast %broadcast_in_dim3A_507 : i32 to vector<16xi32>
        %gather3A_509 = tpu.vector_load_idx %arg20[%add3A_293, %broadcast_in_dim3A_508] : memref<80x64xf32, #tpu.memory_space<vmem>>[vector<16xi32>, vector<16xi32>], vector<16xf32>,
        %mul3A_510 = arith.mulf %gather3A_509, %gather3A_426 : vector<16xf32>
        tpu.vector_store_idx %arg24[%add3A_293, %broadcast_in_dim3A_508], %mul3A_510 : memref<80x64xf32, #tpu.memory_space<vmem>>[vector<16xi32>, vector<16xi32>], vector<16xf32>,
        %broadcast_in_dim3A_511 = arith.constant 53 : i32
        %broadcast_in_dim3A_512 = vector.broadcast %broadcast_in_dim3A_511 : i32 to vector<16xi32>
        %gather3A_513 = tpu.vector_load_idx %arg20[%add3A_293, %broadcast_in_dim3A_512] : memref<80x64xf32, #tpu.memory_space<vmem>>[vector<16xi32>, vector<16xi32>], vector<16xf32>,
        %mul3A_514 = arith.mulf %gather3A_513, %gather3A_426 : vector<16xf32>
        tpu.vector_store_idx %arg24[%add3A_293, %broadcast_in_dim3A_512], %mul3A_514 : memref<80x64xf32, #tpu.memory_space<vmem>>[vector<16xi32>, vector<16xi32>], vector<16xf32>,
        %broadcast_in_dim3A_515 = arith.constant 54 : i32
        %broadcast_in_dim3A_516 = vector.broadcast %broadcast_in_dim3A_515 : i32 to vector<16xi32>
        %gather3A_517 = tpu.vector_load_idx %arg20[%add3A_293, %broadcast_in_dim3A_516] : memref<80x64xf32, #tpu.memory_space<vmem>>[vector<16xi32>, vector<16xi32>], vector<16xf32>,
        %mul3A_518 = arith.mulf %gather3A_517, %gather3A_426 : vector<16xf32>
        tpu.vector_store_idx %arg24[%add3A_293, %broadcast_in_dim3A_516], %mul3A_518 : memref<80x64xf32, #tpu.memory_space<vmem>>[vector<16xi32>, vector<16xi32>], vector<16xf32>,
        %broadcast_in_dim3A_519 = arith.constant 55 : i32
        %broadcast_in_dim3A_520 = vector.broadcast %broadcast_in_dim3A_519 : i32 to vector<16xi32>
        %gather3A_521 = tpu.vector_load_idx %arg20[%add3A_293, %broadcast_in_dim3A_520] : memref<80x64xf32, #tpu.memory_space<vmem>>[vector<16xi32>, vector<16xi32>], vector<16xf32>,
        %mul3A_522 = arith.mulf %gather3A_521, %gather3A_426 : vector<16xf32>
        tpu.vector_store_idx %arg24[%add3A_293, %broadcast_in_dim3A_520], %mul3A_522 : memref<80x64xf32, #tpu.memory_space<vmem>>[vector<16xi32>, vector<16xi32>], vector<16xf32>,
        %broadcast_in_dim3A_523 = arith.constant 56 : i32
        %broadcast_in_dim3A_524 = vector.broadcast %broadcast_in_dim3A_523 : i32 to vector<16xi32>
        %gather3A_525 = tpu.vector_load_idx %arg20[%add3A_293, %broadcast_in_dim3A_524] : memref<80x64xf32, #tpu.memory_space<vmem>>[vector<16xi32>, vector<16xi32>], vector<16xf32>,
        %mul3A_526 = arith.mulf %gather3A_525, %gather3A_426 : vector<16xf32>
        tpu.vector_store_idx %arg24[%add3A_293, %broadcast_in_dim3A_524], %mul3A_526 : memref<80x64xf32, #tpu.memory_space<vmem>>[vector<16xi32>, vector<16xi32>], vector<16xf32>,
        %broadcast_in_dim3A_527 = arith.constant 57 : i32
        %broadcast_in_dim3A_528 = vector.broadcast %broadcast_in_dim3A_527 : i32 to vector<16xi32>
        %gather3A_529 = tpu.vector_load_idx %arg20[%add3A_293, %broadcast_in_dim3A_528] : memref<80x64xf32, #tpu.memory_space<vmem>>[vector<16xi32>, vector<16xi32>], vector<16xf32>,
        %mul3A_530 = arith.mulf %gather3A_529, %gather3A_426 : vector<16xf32>
        tpu.vector_store_idx %arg24[%add3A_293, %broadcast_in_dim3A_528], %mul3A_530 : memref<80x64xf32, #tpu.memory_space<vmem>>[vector<16xi32>, vector<16xi32>], vector<16xf32>,
        %broadcast_in_dim3A_531 = arith.constant 58 : i32
        %broadcast_in_dim3A_532 = vector.broadcast %broadcast_in_dim3A_531 : i32 to vector<16xi32>
        %gather3A_533 = tpu.vector_load_idx %arg20[%add3A_293, %broadcast_in_dim3A_532] : memref<80x64xf32, #tpu.memory_space<vmem>>[vector<16xi32>, vector<16xi32>], vector<16xf32>,
        %mul3A_534 = arith.mulf %gather3A_533, %gather3A_426 : vector<16xf32>
        tpu.vector_store_idx %arg24[%add3A_293, %broadcast_in_dim3A_532], %mul3A_534 : memref<80x64xf32, #tpu.memory_space<vmem>>[vector<16xi32>, vector<16xi32>], vector<16xf32>,
        %broadcast_in_dim3A_535 = arith.constant 59 : i32
        %broadcast_in_dim3A_536 = vector.broadcast %broadcast_in_dim3A_535 : i32 to vector<16xi32>
        %gather3A_537 = tpu.vector_load_idx %arg20[%add3A_293, %broadcast_in_dim3A_536] : memref<80x64xf32, #tpu.memory_space<vmem>>[vector<16xi32>, vector<16xi32>], vector<16xf32>,
        %mul3A_538 = arith.mulf %gather3A_537, %gather3A_426 : vector<16xf32>
        tpu.vector_store_idx %arg24[%add3A_293, %broadcast_in_dim3A_536], %mul3A_538 : memref<80x64xf32, #tpu.memory_space<vmem>>[vector<16xi32>, vector<16xi32>], vector<16xf32>,
        %broadcast_in_dim3A_539 = arith.constant 60 : i32
        %broadcast_in_dim3A_540 = vector.broadcast %broadcast_in_dim3A_539 : i32 to vector<16xi32>
        %gather3A_541 = tpu.vector_load_idx %arg20[%add3A_293, %broadcast_in_dim3A_540] : memref<80x64xf32, #tpu.memory_space<vmem>>[vector<16xi32>, vector<16xi32>], vector<16xf32>,
        %mul3A_542 = arith.mulf %gather3A_541, %gather3A_426 : vector<16xf32>
        tpu.vector_store_idx %arg24[%add3A_293, %broadcast_in_dim3A_540], %mul3A_542 : memref<80x64xf32, #tpu.memory_space<vmem>>[vector<16xi32>, vector<16xi32>], vector<16xf32>,
        %broadcast_in_dim3A_543 = arith.constant 61 : i32
        %broadcast_in_dim3A_544 = vector.broadcast %broadcast_in_dim3A_543 : i32 to vector<16xi32>
        %gather3A_545 = tpu.vector_load_idx %arg20[%add3A_293, %broadcast_in_dim3A_544] : memref<80x64xf32, #tpu.memory_space<vmem>>[vector<16xi32>, vector<16xi32>], vector<16xf32>,
        %mul3A_546 = arith.mulf %gather3A_545, %gather3A_426 : vector<16xf32>
        tpu.vector_store_idx %arg24[%add3A_293, %broadcast_in_dim3A_544], %mul3A_546 : memref<80x64xf32, #tpu.memory_space<vmem>>[vector<16xi32>, vector<16xi32>], vector<16xf32>,
        %broadcast_in_dim3A_547 = arith.constant 62 : i32
        %broadcast_in_dim3A_548 = vector.broadcast %broadcast_in_dim3A_547 : i32 to vector<16xi32>
        %gather3A_549 = tpu.vector_load_idx %arg20[%add3A_293, %broadcast_in_dim3A_548] : memref<80x64xf32, #tpu.memory_space<vmem>>[vector<16xi32>, vector<16xi32>], vector<16xf32>,
        %mul3A_550 = arith.mulf %gather3A_549, %gather3A_426 : vector<16xf32>
        tpu.vector_store_idx %arg24[%add3A_293, %broadcast_in_dim3A_548], %mul3A_550 : memref<80x64xf32, #tpu.memory_space<vmem>>[vector<16xi32>, vector<16xi32>], vector<16xf32>,
        %broadcast_in_dim3A_551 = arith.constant 63 : i32
        %broadcast_in_dim3A_552 = vector.broadcast %broadcast_in_dim3A_551 : i32 to vector<16xi32>
        %gather3A_553 = tpu.vector_load_idx %arg20[%add3A_293, %broadcast_in_dim3A_552] : memref<80x64xf32, #tpu.memory_space<vmem>>[vector<16xi32>, vector<16xi32>], vector<16xf32>,
        %mul3A_554 = arith.mulf %gather3A_553, %gather3A_426 : vector<16xf32>
        tpu.vector_store_idx %arg24[%add3A_293, %broadcast_in_dim3A_552], %mul3A_554 : memref<80x64xf32, #tpu.memory_space<vmem>>[vector<16xi32>, vector<16xi32>], vector<16xf32>,
      }
      %scan3A_282 = arith.constant 5 : i32
      %dma_start3A_283 = arith.constant 0 : i32
      %dma_start3A_284 = arith.constant 0 : i32
      %dma_start3A_285 = tpu.memref_slice %arg25[%dma_start3A_283, %dma_start3A_284] : memref<10000x64xf32, #tpu.memory_space<vmem_shared>> -> memref<10000x64xf32, #tpu.memory_space<vmem_shared>>
      tpu.enqueue_indirect_dma source(%arg24 : memref<80x64xf32, #tpu.memory_space<vmem>>) target(%dma_start3A_285 : memref<10000x64xf32, #tpu.memory_space<vmem_shared>>) offsets(%arg18 : memref<80xi32, #tpu.memory_space<vmem>>) semaphore(%arg32 : memref<!tpu.dma_semaphore, #tpu.memory_space<semaphore_mem>>) {add = true}
      %dma_start3A_286 = arith.constant 0 : i32
      %dma_start3A_287 = arith.constant 0 : i32
      %dma_start3A_288 = tpu.memref_slice %arg26[%dma_start3A_286, %dma_start3A_287] : memref<10000x16xf32, #tpu.memory_space<vmem_shared>> -> memref<10000x16xf32, #tpu.memory_space<vmem_shared>>
      tpu.enqueue_indirect_dma source(%arg21 : memref<80x16xf32, #tpu.memory_space<vmem>>) target(%dma_start3A_288 : memref<10000x16xf32, #tpu.memory_space<vmem_shared>>) offsets(%arg18 : memref<80xi32, #tpu.memory_space<vmem>>) semaphore(%arg32 : memref<!tpu.dma_semaphore, #tpu.memory_space<semaphore_mem>>) {add = true}
    }
    %scan3A_164 = arith.constant 124 : i32
    %dma_wait3A_165 = arith.constant 0 : i32
    %dma_wait3A_166 = arith.constant 0 : i32
    %dma_wait3A_167 = tpu.memref_slice %arg25[%dma_wait3A_165, %dma_wait3A_166] : memref<10000x64xf32, #tpu.memory_space<vmem_shared>> -> memref<10000x64xf32, #tpu.memory_space<vmem_shared>>
    tpu.wait_indirect_dma semaphore(%arg29 : memref<!tpu.dma_semaphore, #tpu.memory_space<semaphore_mem>>) src(%arg15 : memref<80x64xf32, #tpu.memory_space<vmem>>) dst(%dma_wait3A_167 : memref<10000x64xf32, #tpu.memory_space<vmem_shared>>)
    %dma_wait3A_168 = arith.constant 0 : i32
    %dma_wait3A_169 = arith.constant 0 : i32
    %dma_wait3A_170 = tpu.memref_slice %arg26[%dma_wait3A_168, %dma_wait3A_169] : memref<10000x16xf32, #tpu.memory_space<vmem_shared>> -> memref<10000x16xf32, #tpu.memory_space<vmem_shared>>
    tpu.wait_indirect_dma semaphore(%arg29 : memref<!tpu.dma_semaphore, #tpu.memory_space<semaphore_mem>>) src(%arg12 : memref<80x16xf32, #tpu.memory_space<vmem>>) dst(%dma_wait3A_170 : memref<10000x16xf32, #tpu.memory_space<vmem_shared>>)
    %dma_wait3A_171 = arith.constant 0 : i32
    %dma_wait3A_172 = arith.constant 0 : i32
    %dma_wait3A_173 = tpu.memref_slice %arg25[%dma_wait3A_171, %dma_wait3A_172] : memref<10000x64xf32, #tpu.memory_space<vmem_shared>> -> memref<10000x64xf32, #tpu.memory_space<vmem_shared>>
    tpu.wait_indirect_dma semaphore(%arg32 : memref<!tpu.dma_semaphore, #tpu.memory_space<semaphore_mem>>) src(%arg24 : memref<80x64xf32, #tpu.memory_space<vmem>>) dst(%dma_wait3A_173 : memref<10000x64xf32, #tpu.memory_space<vmem_shared>>)
    %dma_wait3A_174 = arith.constant 0 : i32
    %dma_wait3A_175 = arith.constant 0 : i32
    %dma_wait3A_176 = tpu.memref_slice %arg26[%dma_wait3A_174, %dma_wait3A_175] : memref<10000x16xf32, #tpu.memory_space<vmem_shared>> -> memref<10000x16xf32, #tpu.memory_space<vmem_shared>>
    tpu.wait_indirect_dma semaphore(%arg32 : memref<!tpu.dma_semaphore, #tpu.memory_space<semaphore_mem>>) src(%arg21 : memref<80x16xf32, #tpu.memory_space<vmem>>) dst(%dma_wait3A_176 : memref<10000x16xf32, #tpu.memory_space<vmem_shared>>)
    %barrier3A_177 = arith.constant 0 : index
    tpu.barrier barrier_id(%barrier3A_177)
    "tpu.region"() ({
      %run_scoped3A = tpu.sem_alloc : memref<!tpu.dma_semaphore, #tpu.memory_space<semaphore_mem>>
      %dma_start3A_178 = arith.constant 0 : i32
      %dma_start3A_179 = tpu.memref_slice %arg5[%arg0, %mul3A_0, %dma_start3A_178] : memref<2x10000x64xf32, #tpu.memory_space<hbm>> -> memref<1x640x64xf32, #tpu.memory_space<hbm>>
      %dma_start3A_180 = tpu.memref_squeeze %dma_start3A_179 : memref<1x640x64xf32, #tpu.memory_space<hbm>> -> memref<640x64xf32, #tpu.memory_space<hbm>>
      %dma_start3A_181 = arith.constant 0 : i32
      %dma_start3A_182 = tpu.memref_slice %arg25[%mul3A_0, %dma_start3A_181] : memref<10000x64xf32, #tpu.memory_space<vmem_shared>> -> memref<640x64xf32, #tpu.memory_space<vmem_shared>>
      tpu.enqueue_dma source(%dma_start3A_182 : memref<640x64xf32, #tpu.memory_space<vmem_shared>>) target(%dma_start3A_180 : memref<640x64xf32, #tpu.memory_space<hbm>>) target_semaphore(%run_scoped3A : memref<!tpu.dma_semaphore, #tpu.memory_space<semaphore_mem>>)
      %dma_wait3A_183 = arith.constant 0 : i32
      %dma_wait3A_184 = tpu.memref_slice %arg5[%arg0, %mul3A_0, %dma_wait3A_183] : memref<2x10000x64xf32, #tpu.memory_space<hbm>> -> memref<1x640x64xf32, #tpu.memory_space<hbm>>
      %dma_wait3A_185 = tpu.memref_squeeze %dma_wait3A_184 : memref<1x640x64xf32, #tpu.memory_space<hbm>> -> memref<640x64xf32, #tpu.memory_space<hbm>>
      %dma_wait3A_186 = arith.constant 0 : i32
      %dma_wait3A_187 = tpu.memref_slice %arg25[%mul3A_0, %dma_wait3A_186] : memref<10000x64xf32, #tpu.memory_space<vmem_shared>> -> memref<640x64xf32, #tpu.memory_space<vmem_shared>>
      tpu.wait_dma2 semaphore(%run_scoped3A : memref<!tpu.dma_semaphore, #tpu.memory_space<semaphore_mem>>) src(%dma_wait3A_187 : memref<640x64xf32, #tpu.memory_space<vmem_shared>>) dst(%dma_wait3A_185 : memref<640x64xf32, #tpu.memory_space<hbm>>)
      tpu.yield
    }) : () -> ()
    "tpu.region"() ({
      %run_scoped3A = tpu.sem_alloc : memref<!tpu.dma_semaphore, #tpu.memory_space<semaphore_mem>>
      %dma_start3A_178 = arith.constant 0 : i32
      %dma_start3A_179 = tpu.memref_slice %arg6[%arg0, %mul3A_0, %dma_start3A_178] : memref<2x10000x16xf32, #tpu.memory_space<hbm>> -> memref<1x640x16xf32, #tpu.memory_space<hbm>>
      %dma_start3A_180 = tpu.memref_squeeze %dma_start3A_179 : memref<1x640x16xf32, #tpu.memory_space<hbm>> -> memref<640x16xf32, #tpu.memory_space<hbm>>
      %dma_start3A_181 = arith.constant 0 : i32
      %dma_start3A_182 = tpu.memref_slice %arg26[%mul3A_0, %dma_start3A_181] : memref<10000x16xf32, #tpu.memory_space<vmem_shared>> -> memref<640x16xf32, #tpu.memory_space<vmem_shared>>
      tpu.enqueue_dma source(%dma_start3A_182 : memref<640x16xf32, #tpu.memory_space<vmem_shared>>) target(%dma_start3A_180 : memref<640x16xf32, #tpu.memory_space<hbm>>) target_semaphore(%run_scoped3A : memref<!tpu.dma_semaphore, #tpu.memory_space<semaphore_mem>>)
      %dma_wait3A_183 = arith.constant 0 : i32
      %dma_wait3A_184 = tpu.memref_slice %arg6[%arg0, %mul3A_0, %dma_wait3A_183] : memref<2x10000x16xf32, #tpu.memory_space<hbm>> -> memref<1x640x16xf32, #tpu.memory_space<hbm>>
      %dma_wait3A_185 = tpu.memref_squeeze %dma_wait3A_184 : memref<1x640x16xf32, #tpu.memory_space<hbm>> -> memref<640x16xf32, #tpu.memory_space<hbm>>
      %dma_wait3A_186 = arith.constant 0 : i32
      %dma_wait3A_187 = tpu.memref_slice %arg26[%mul3A_0, %dma_wait3A_186] : memref<10000x16xf32, #tpu.memory_space<vmem_shared>> -> memref<640x16xf32, #tpu.memory_space<vmem_shared>>
      tpu.wait_dma2 semaphore(%run_scoped3A : memref<!tpu.dma_semaphore, #tpu.memory_space<semaphore_mem>>) src(%dma_wait3A_187 : memref<640x16xf32, #tpu.memory_space<vmem_shared>>) dst(%dma_wait3A_185 : memref<640x16xf32, #tpu.memory_space<hbm>>)
      tpu.yield
    }) : () -> ()
    return
  }
}

module attributes {stable_mosaic.version = 14 : i64} {
  func.func @_pro_body(%arg0: i32, %arg1: memref<1000x128xf32, #tpu.memory_space<vmem>>, %arg2: memref<128x128xf32, #tpu.memory_space<vmem>>, %arg3: memref<128x16xf32, #tpu.memory_space<vmem>>, %arg4: memref<2x1000x64xf32, #tpu.memory_space<vmem>>, %arg5: memref<1000x16xf32, #tpu.memory_space<vmem>>) attributes {dimension_semantics = [#tpu.dimension_semantics<arbitrary>], iteration_bounds = array<i64: 10>, scalar_prefetch = 0 : i64, scratch_operands = 0 : i64, tpu.core_type = #tpu.core_type<tc>, window_params = [{transform_indices = @transform_0, window_bounds = array<i64: 1000, 128>}, {pipeline_mode = #tpu.pipeline_mode<synchronous>, transform_indices = @transform_1, window_bounds = array<i64: 128, 128>}, {pipeline_mode = #tpu.pipeline_mode<synchronous>, transform_indices = @transform_2, window_bounds = array<i64: 128, 16>}, {transform_indices = @transform_3, window_bounds = array<i64: 2, 1000, 64>}, {transform_indices = @transform_4, window_bounds = array<i64: 1000, 16>}]} {
    %get3A = arith.constant 0 : index
    %get3A_0 = arith.constant 0 : index
    %get3A_1 = vector.load %arg1[%get3A, %get3A_0] : memref<1000x128xf32, #tpu.memory_space<vmem>>, vector<1000x128xf32>
    %get3A_2 = arith.constant 0 : index
    %get3A_3 = arith.constant 0 : index
    %get3A_4 = vector.load %arg2[%get3A_2, %get3A_3] : memref<128x128xf32, #tpu.memory_space<vmem>>, vector<128x128xf32>
    %dot_general3A = arith.constant dense<0.000000e+00> : vector<1000x128xf32>
    %dot_general3A_5 = tpu.matmul %get3A_1, %get3A_4, %dot_general3A {dimension_numbers = #tpu.dot_dimension_numbers<[1], [0], [0], [1], [0, 0, 1, 1], [], []>, transpose_lhs_hint = false} : vector<1000x128xf32>, vector<128x128xf32>, vector<1000x128xf32> -> vector<1000x128xf32>
    %slice3A = vector.extract_strided_slice %dot_general3A_5 {offsets = [0, 0], sizes = [1000, 64], strides = [1, 1]} : vector<1000x128xf32> to vector<1000x64xf32>
    %swap3A = arith.constant 0 : index
    %swap3A_6 = arith.constant 0 : index
    %swap3A_7 = arith.constant 0 : index
    %swap3A_8 = vector.load %arg4[%swap3A, %swap3A_6, %swap3A_7] : memref<2x1000x64xf32, #tpu.memory_space<vmem>>, vector<1x1000x64xf32>
    %swap3A_9 = vector.shape_cast %swap3A_8 : vector<1x1000x64xf32> to vector<1000x64xf32>
    %swap3A_10 = vector.shape_cast %slice3A : vector<1000x64xf32> to vector<1x1000x64xf32>
    tpu.vector_store %arg4[%swap3A, %swap3A_6, %swap3A_7], %swap3A_10 {strides = array<i32>} : memref<2x1000x64xf32, #tpu.memory_space<vmem>>, vector<1x1000x64xf32>,
    %slice3A_11 = vector.extract_strided_slice %dot_general3A_5 {offsets = [0, 64], sizes = [1000, 64], strides = [1, 1]} : vector<1000x128xf32> to vector<1000x64xf32>
    %swap3A_12 = arith.constant 1 : index
    %swap3A_13 = arith.constant 0 : index
    %swap3A_14 = arith.constant 0 : index
    %swap3A_15 = vector.load %arg4[%swap3A_12, %swap3A_13, %swap3A_14] : memref<2x1000x64xf32, #tpu.memory_space<vmem>>, vector<1x1000x64xf32>
    %swap3A_16 = vector.shape_cast %swap3A_15 : vector<1x1000x64xf32> to vector<1000x64xf32>
    %swap3A_17 = vector.shape_cast %slice3A_11 : vector<1000x64xf32> to vector<1x1000x64xf32>
    tpu.vector_store %arg4[%swap3A_12, %swap3A_13, %swap3A_14], %swap3A_17 {strides = array<i32>} : memref<2x1000x64xf32, #tpu.memory_space<vmem>>, vector<1x1000x64xf32>,
    %get3A_18 = arith.constant 0 : index
    %get3A_19 = arith.constant 0 : index
    %get3A_20 = vector.load %arg3[%get3A_18, %get3A_19] : memref<128x16xf32, #tpu.memory_space<vmem>>, vector<128x16xf32>
    %dot_general3A_21 = arith.constant dense<0.000000e+00> : vector<1000x16xf32>
    %dot_general3A_22 = tpu.matmul %dot_general3A_5, %get3A_20, %dot_general3A_21 {dimension_numbers = #tpu.dot_dimension_numbers<[1], [0], [0], [1], [0, 0, 1, 1], [], []>, transpose_lhs_hint = false} : vector<1000x128xf32>, vector<128x16xf32>, vector<1000x16xf32> -> vector<1000x16xf32>
    %swap3A_23 = arith.constant 0 : index
    %swap3A_24 = arith.constant 0 : index
    %swap3A_25 = vector.load %arg5[%swap3A_23, %swap3A_24] : memref<1000x16xf32, #tpu.memory_space<vmem>>, vector<1000x16xf32>
    tpu.vector_store %arg5[%swap3A_23, %swap3A_24], %dot_general3A_22 {strides = array<i32>} : memref<1000x16xf32, #tpu.memory_space<vmem>>, vector<1000x16xf32>,
    return
  }
  func.func @transform_0(%arg0: i32) -> (i32, i32) {
    %c0_i32 = arith.constant 0 : i32
    %c0_i32_0 = arith.constant 0 : i32
    return %arg0, %c0_i32 : i32, i32
  }
  func.func @transform_1(%arg0: i32) -> (i32, i32) {
    %c0_i32 = arith.constant 0 : i32
    %c0_i32_0 = arith.constant 0 : i32
    %c0_i32_1 = arith.constant 0 : i32
    return %c0_i32, %c0_i32_0 : i32, i32
  }
  func.func @transform_2(%arg0: i32) -> (i32, i32) {
    %c0_i32 = arith.constant 0 : i32
    %c0_i32_0 = arith.constant 0 : i32
    %c0_i32_1 = arith.constant 0 : i32
    return %c0_i32, %c0_i32_0 : i32, i32
  }
  func.func @transform_3(%arg0: i32) -> (i32, i32, i32) {
    %c0_i32 = arith.constant 0 : i32
    %c0_i32_0 = arith.constant 0 : i32
    %c0_i32_1 = arith.constant 0 : i32
    return %c0_i32, %arg0, %c0_i32_0 : i32, i32, i32
  }
  func.func @transform_4(%arg0: i32) -> (i32, i32) {
    %c0_i32 = arith.constant 0 : i32
    %c0_i32_0 = arith.constant 0 : i32
    return %arg0, %c0_i32 : i32, i32
  }
}

module attributes {stable_mosaic.version = 14 : i64} {
  func.func @_epi_body(%arg0: i32, %arg1: memref<1000x64xf32, #tpu.memory_space<vmem>>, %arg2: memref<1000x64xf32, #tpu.memory_space<vmem>>, %arg3: memref<1000x16xf32, #tpu.memory_space<vmem>>, %arg4: memref<1000x16xf32, #tpu.memory_space<vmem>>, %arg5: memref<1x128xf32, #tpu.memory_space<vmem>>, %arg6: memref<1000x128xf32, #tpu.memory_space<vmem>>) attributes {dimension_semantics = [#tpu.dimension_semantics<arbitrary>], iteration_bounds = array<i64: 10>, scalar_prefetch = 0 : i64, scratch_operands = 0 : i64, tpu.core_type = #tpu.core_type<tc>, window_params = [{transform_indices = @transform_0, window_bounds = array<i64: 1000, 64>}, {transform_indices = @transform_1, window_bounds = array<i64: 1000, 64>}, {transform_indices = @transform_2, window_bounds = array<i64: 1000, 16>}, {transform_indices = @transform_3, window_bounds = array<i64: 1000, 16>}, {pipeline_mode = #tpu.pipeline_mode<synchronous>, transform_indices = @transform_4, window_bounds = array<i64: 1, 128>}, {transform_indices = @transform_5, window_bounds = array<i64: 1000, 128>}]} {
    %get3A = arith.constant 0 : index
    %get3A_0 = arith.constant 0 : index
    %get3A_1 = vector.load %arg3[%get3A, %get3A_0] : memref<1000x16xf32, #tpu.memory_space<vmem>>, vector<1000x16xf32>
    %slice3A = vector.extract_strided_slice %get3A_1 {offsets = [0, 0], sizes = [1000, 2], strides = [1, 1]} : vector<1000x16xf32> to vector<1000x2xf32>
    %get3A_2 = arith.constant 0 : index
    %get3A_3 = arith.constant 0 : index
    %get3A_4 = vector.load %arg4[%get3A_2, %get3A_3] : memref<1000x16xf32, #tpu.memory_space<vmem>>, vector<1000x16xf32>
    %slice3A_5 = vector.extract_strided_slice %get3A_4 {offsets = [0, 0], sizes = [1000, 2], strides = [1, 1]} : vector<1000x16xf32> to vector<1000x2xf32>
    %concatenate3A = tpu.concatenate %slice3A, %slice3A_5 in 1 : vector<1000x2xf32>, vector<1000x2xf32> -> vector<1000x4xf32>
    %gt3A = arith.constant 0.000000e+00 : f32
    %gt3A_6 = vector.broadcast %gt3A : f32 to vector<1000x4xf32>
    %gt3A_7 = arith.cmpf ogt, %concatenate3A, %gt3A_6 : vector<1000x4xf32>
    %div3A = arith.constant 1.000000e+00 : f32
    %div3A_8 = vector.broadcast %div3A : f32 to vector<1000x4xf32>
    %div3A_9 = arith.divf %div3A_8, %concatenate3A : vector<1000x4xf32>
    %jit3A = arith.constant 0.000000e+00 : f32
    %broadcast_in_dim3A = vector.broadcast %jit3A : f32 to vector<1000x4xf32>
    %select_n3A = arith.select %gt3A_7, %div3A_9, %broadcast_in_dim3A : vector<1000x4xi1>, vector<1000x4xf32>
    %iota3A = tpu.iota {dimensions = array<i32: 1>} : vector<4x128xi32>
    %iota3A_10 = tpu.iota {dimensions = array<i32: 0>} : vector<4x128xi32>
    %jit3A_11 = arith.constant 32 : i32
    %div3A_12 = vector.broadcast %jit3A_11 : i32 to vector<4x128xi32>
    %div3A_13 = arith.divsi %iota3A, %div3A_12 : vector<4x128xi32>
    %sign3A = arith.constant 0 : i32
    %sign3A_14 = vector.broadcast %sign3A : i32 to vector<4x128xi32>
    %sign3A_15 = arith.cmpi sgt, %iota3A, %sign3A_14 : vector<4x128xi32>
    %sign3A_16 = arith.extui %sign3A_15 : vector<4x128xi1> to vector<4x128xi32>
    %sign3A_17 = arith.constant 0 : i32
    %sign3A_18 = vector.broadcast %sign3A_17 : i32 to vector<4x128xi32>
    %sign3A_19 = arith.cmpi slt, %iota3A, %sign3A_18 : vector<4x128xi32>
    %sign3A_20 = arith.extui %sign3A_19 : vector<4x128xi1> to vector<4x128xi32>
    %sign3A_21 = arith.subi %sign3A_16, %sign3A_20 : vector<4x128xi32>
    %sign3A_22 = arith.constant 0 : i32
    %sign3A_23 = arith.cmpi sgt, %jit3A_11, %sign3A_22 : i32
    %sign3A_24 = arith.extui %sign3A_23 : i1 to i32
    %sign3A_25 = arith.constant 0 : i32
    %sign3A_26 = arith.cmpi slt, %jit3A_11, %sign3A_25 : i32
    %sign3A_27 = arith.extui %sign3A_26 : i1 to i32
    %sign3A_28 = arith.subi %sign3A_24, %sign3A_27 : i32
    %ne3A = vector.broadcast %sign3A_28 : i32 to vector<4x128xi32>
    %ne3A_29 = arith.cmpi ne, %sign3A_21, %ne3A : vector<4x128xi32>
    %rem3A = vector.broadcast %jit3A_11 : i32 to vector<4x128xi32>
    %rem3A_30 = arith.remsi %iota3A, %rem3A : vector<4x128xi32>
    %ne3A_31 = arith.constant 0 : i32
    %ne3A_32 = vector.broadcast %ne3A_31 : i32 to vector<4x128xi32>
    %ne3A_33 = arith.cmpi ne, %rem3A_30, %ne3A_32 : vector<4x128xi32>
    %and3A = arith.andi %ne3A_29, %ne3A_33 : vector<4x128xi1>
    %sub3A = arith.constant 1 : i32
    %sub3A_34 = vector.broadcast %sub3A : i32 to vector<4x128xi32>
    %sub3A_35 = arith.subi %div3A_13, %sub3A_34 : vector<4x128xi32>
    %select_n3A_36 = arith.select %and3A, %sub3A_35, %div3A_13 : vector<4x128xi1>, vector<4x128xi32>
    %eq3A = arith.cmpi eq, %select_n3A_36, %iota3A_10 : vector<4x128xi32>
    %convert_element_type3A = arith.extui %eq3A : vector<4x128xi1> to vector<4x128xi32>
    %convert_element_type3A_37 = arith.sitofp %convert_element_type3A : vector<4x128xi32> to vector<4x128xf32>
    %dot_general3A = arith.constant dense<0.000000e+00> : vector<1000x128xf32>
    %dot_general3A_38 = tpu.matmul %select_n3A, %convert_element_type3A_37, %dot_general3A {dimension_numbers = #tpu.dot_dimension_numbers<[1], [0], [0], [1], [0, 0, 1, 1], [], []>, transpose_lhs_hint = false} : vector<1000x4xf32>, vector<4x128xf32>, vector<1000x128xf32> -> vector<1000x128xf32>
    %get3A_39 = arith.constant 0 : index
    %get3A_40 = arith.constant 0 : index
    %get3A_41 = vector.load %arg1[%get3A_39, %get3A_40] : memref<1000x64xf32, #tpu.memory_space<vmem>>, vector<1000x64xf32>
    %get3A_42 = arith.constant 0 : index
    %get3A_43 = arith.constant 0 : index
    %get3A_44 = vector.load %arg2[%get3A_42, %get3A_43] : memref<1000x64xf32, #tpu.memory_space<vmem>>, vector<1000x64xf32>
    %concatenate3A_45 = tpu.concatenate %get3A_41, %get3A_44 in 1 : vector<1000x64xf32>, vector<1000x64xf32> -> vector<1000x128xf32>
    %mul3A = arith.mulf %concatenate3A_45, %dot_general3A_38 : vector<1000x128xf32>
    %get3A_46 = arith.constant 0 : index
    %get3A_47 = arith.constant 0 : index
    %get3A_48 = vector.load %arg5[%get3A_46, %get3A_47] : memref<1x128xf32, #tpu.memory_space<vmem>>, vector<1x128xf32>
    %add3A = vector.broadcast %get3A_48 : vector<1x128xf32> to vector<1000x128xf32>
    %add3A_49 = arith.addf %mul3A, %add3A : vector<1000x128xf32>
    %swap3A = arith.constant 0 : index
    %swap3A_50 = arith.constant 0 : index
    %swap3A_51 = vector.load %arg6[%swap3A, %swap3A_50] : memref<1000x128xf32, #tpu.memory_space<vmem>>, vector<1000x128xf32>
    tpu.vector_store %arg6[%swap3A, %swap3A_50], %add3A_49 {strides = array<i32>} : memref<1000x128xf32, #tpu.memory_space<vmem>>, vector<1000x128xf32>,
    return
  }
  func.func @transform_0(%arg0: i32) -> (i32, i32) {
    %c0_i32 = arith.constant 0 : i32
    %c0_i32_0 = arith.constant 0 : i32
    return %arg0, %c0_i32 : i32, i32
  }
  func.func @transform_1(%arg0: i32) -> (i32, i32) {
    %c0_i32 = arith.constant 0 : i32
    %c0_i32_0 = arith.constant 0 : i32
    return %arg0, %c0_i32 : i32, i32
  }
  func.func @transform_2(%arg0: i32) -> (i32, i32) {
    %c0_i32 = arith.constant 0 : i32
    %c0_i32_0 = arith.constant 0 : i32
    return %arg0, %c0_i32 : i32, i32
  }
  func.func @transform_3(%arg0: i32) -> (i32, i32) {
    %c0_i32 = arith.constant 0 : i32
    %c0_i32_0 = arith.constant 0 : i32
    return %arg0, %c0_i32 : i32, i32
  }
  func.func @transform_4(%arg0: i32) -> (i32, i32) {
    %c0_i32 = arith.constant 0 : i32
    %c0_i32_0 = arith.constant 0 : i32
    %c0_i32_1 = arith.constant 0 : i32
    return %c0_i32, %c0_i32_0 : i32, i32
  }
  func.func @transform_5(%arg0: i32) -> (i32, i32) {
    %c0_i32 = arith.constant 0 : i32
    %c0_i32_0 = arith.constant 0 : i32
    return %arg0, %c0_i32 : i32, i32
  }
}

</mosaic_0001>

<sc_bundles>
// kernel: kernel.5.cloned.1.call-start
scs
__scs_entry_jumppad:
0x0: {  	(pc) =	sbr.rel $0x88, $3  }
0x1: {  	(tag) =	ssettag $0x0;
	lr =	simm.s32 $0x1  }
0x2: {  	[smem:$0x3F9B] =	sst lr;
	_ =	strace $0xD0000000  }
0x3: {  	_ = 	snop  }
0x4: {  	_ = 	snop  }
0x5: {  	_ = 	snop  }
0x6: {  	_ = 	snop  }
0x7: {  	_ = 	snop  }
__scs_overlays_trampoline_lowered:
0x8: {  	[smem:$0x3FAA] =	sst s0  }
0x9: {  	[smem:$0x3FAB] =	sst s1  }
0xa: {  	[smem:$0x3FAC] =	sst s2  }
0xb: {  	[smem:$0x3FAD] =	sst s3  }
0xc: {  	[smem:$0x3FAE] =	sst s4  }
0xd: {  	[smem:$0x3FAF] =	sst s5  }
0xe: {  	[smem:$0x3FB0] =	sst s6  }
0xf: {  	[smem:$0x3FB1] =	sst s7  }
0x10: {  	[smem:$0x3FB2] =	sst s8  }
0x11: {  	[smem:$0x3FB3] =	sst s9;
	s0 =	simm.s32 @!p0 $0x0  }
0x12: {  	s1 =	sld [smem:$0x3F99];
	s0 =	simm.s32 @p0 $0x1  }
0x13: {  	[smem:$0x3FB4] =	sst s0;
	s0 =	simm.s32 @!p1 $0x0  }
0x14: {  	s2 =	sld [smem:$0x3F98];
	s0 =	simm.s32 @p1 $0x1  }
0x15: {  	[smem:$0x3FB5] =	sst s0;
	s0 =	simm.s32 @!p2 $0x0  }
0x16: {  	s3 =	sld [smem:$0x3FDB];
	s0 =	simm.s32 @p2 $0x1  }
0x17: {  	s4 =	simm.s32 $0x1BF5;
	[smem:$0x3FB7] =	sst s0  }
0x18: {  	s0 =	sld [smem:$0x3F9A];
	_ =	swait.ge [sflag:s4], $0x0  }
0x19: {  	s7 =	sld [smem:$0x3F9B]  }
0x1a: {  	s8 =	sadd.s32 $0xFFFFE003, lr  }
0x1b: {  	s9 =	sadd.s32 $0xFFFFFEF7, lr;
	s5 =	simm.s32 $0xFFFFFFFF;
	p2 =	slt.u32 s8, $0xFFFFF086  }
0x1c: {  	p1 =	slt.u32 s9, $0xF7A;
	s5 =	simm.s32 @!p2 $0x0  }
0x1d: {  	s5 =	simm.s32 @p1 $0x1;
	p0 =	seq.s32 s7, s2  }
0x1e: {  	s7 =	smul.u32 @!p0 $0xF7A, s2;
	p2 =	seq.s32 @!p0 s5, $0x0  }
0x1f: {  	s9 =	smul.u32 $0xF7A, s1;
	s8 =	simm.s32 @!p0 $0x1BF5;
	p2 =	por !p2, p0  }
0x20: {  	[sflag:s8] =	ssyncset.s32 @!p0 $0xFFFFF086;
	s6 =	sadd.s32 @!p0 s3, s7;
	s7 =	simm.s32 @!p0 $0x108  }
0x21: {  	s3 =	sadd.s32 s3, s9;
	s6 =	sadd.s32 @!p0 $0x88, s6;
	s7 =	simm.s32 @p2 $0x1082  }
0x22: {  	[simem:s7], [sflag:s8] =	dma.local @!p0 [hbm:s6], $0xF7A  }
0x23: {  	s9 =	sor.u32 $0xD0000000, s2;
	s6 =	simm.s32 $0x108;
	_ =	swait.ge @!p0 [sflag:s8], $0x0  }
0x24: {  	s3 =	sadd.s32 $0x88, s3;
	s6 =	simm.s32 @!p1 $0x1082;
	[sflag:s4] =	ssyncset.s32 $0xFFFFF086  }
0x25: {  	[simem:s6], [sflag:s4] =	dma.local [hbm:s3], $0xF7A  }
0x26: {  	[smem:$0x3F9B] =	sst s1;
	(tag) =	ssettag s2;
	_ =	strace s9  }
0x27: {  	s1 =	sld [smem:$0x3FAB]  }
0x28: {  	s2 =	sld [smem:$0x3FAC]  }
0x29: {  	s4 =	sld [smem:$0x3FAE]  }
0x2a: {  	p0 =	seq.s32 s5, $0x0;
	s5 =	sld [smem:$0x3FAF]  }
0x2b: {  	s6 =	sld [smem:$0x3FB0]  }
0x2c: {  	s7 =	sld [smem:$0x3FB1]  }
0x2d: {  	s3 =	simm.s32 $0x108;
	s8 =	sld [smem:$0x3FB2]  }
0x2e: {  	s3 =	simm.s32 @!p0 $0x1082;
	s9 =	sld [smem:$0x3FB3]  }
0x2f: {  	lr =	sadd.s32 s0, s3;
	s0 =	sld [smem:$0x3FAA]  }
0x30: {  	s3 =	sld [smem:$0x3FAD]  }
0x31: {  	[smem:$0x3FB6] =	sst s10  }
0x32: {  	s10 =	sld [smem:$0x3FB4];
	_ =	sdelay $0x3  }
0x33: {  	p0 =	seq.s32 s10, $0x1;
	s10 =	sld [smem:$0x3FB6];
	_ =	sdelay $0x3  }
0x34: {  	[smem:$0x3FB6] =	sst s10  }
0x35: {  	s10 =	sld [smem:$0x3FB5];
	_ =	sdelay $0x3  }
0x36: {  	p1 =	seq.s32 s10, $0x1;
	s10 =	sld [smem:$0x3FB6];
	_ =	sdelay $0x3  }
0x37: {  	[smem:$0x3FB6] =	sst s10  }
0x38: {  	s10 =	sld [smem:$0x3FB7]  }
0x39: {  	_ = 	snop;
	(pc) =	sbr.ind lr, $3  }
0x3a: {  	_ = 	snop  }
0x3b: {  	_ = 	snop  }
0x3c: {  	p2 =	seq.s32 s10, $0x1;
	s10 =	sld [smem:$0x3FB6]  }
0x3d: {  	_ =	shalt  }
0x3e: {  	_ =	shalt  }
0x3f: {  	_ =	shalt  }
0x40: {  	_ =	shalt  }
0x41: {  	_ =	shalt  }
0x42: {  	_ =	shalt  }
0x43: {  	_ =	shalt  }
0x44: {  	_ =	shalt  }
0x45: {  	_ =	shalt  }
0x46: {  	_ =	shalt  }
0x47: {  	_ =	shalt  }
0x48: {  	_ =	shalt  }
0x49: {  	_ =	shalt  }
0x4a: {  	_ =	shalt  }
0x4b: {  	_ =	shalt  }
0x4c: {  	_ =	shalt  }
0x4d: {  	_ =	shalt  }
0x4e: {  	_ =	shalt  }
0x4f: {  	_ =	shalt  }
0x50: {  	_ =	shalt  }
0x51: {  	_ =	shalt  }
0x52: {  	_ =	shalt  }
0x53: {  	_ =	shalt  }
0x54: {  	_ =	shalt  }
0x55: {  	_ =	shalt  }
0x56: {  	_ =	shalt  }
0x57: {  	_ =	shalt  }
0x58: {  	_ =	shalt  }
0x59: {  	_ =	shalt  }
0x5a: {  	_ =	shalt  }
0x5b: {  	_ =	shalt  }
0x5c: {  	_ =	shalt  }
0x5d: {  	_ =	shalt  }
0x5e: {  	_ =	shalt  }
0x5f: {  	_ =	shalt  }
0x60: {  	_ =	shalt  }
0x61: {  	_ =	shalt  }
0x62: {  	_ =	shalt  }
0x63: {  	_ =	shalt  }
0x64: {  	_ =	shalt  }
0x65: {  	_ =	shalt  }
0x66: {  	_ =	shalt  }
0x67: {  	_ =	shalt  }
0x68: {  	_ =	shalt  }
0x69: {  	_ =	shalt  }
0x6a: {  	_ =	shalt  }
0x6b: {  	_ =	shalt  }
0x6c: {  	_ =	shalt  }
0x6d: {  	_ =	shalt  }
0x6e: {  	_ =	shalt  }
0x6f: {  	_ =	shalt  }
0x70: {  	_ =	shalt  }
0x71: {  	_ =	shalt  }
0x72: {  	_ =	shalt  }
0x73: {  	_ =	shalt  }
0x74: {  	_ =	shalt  }
0x75: {  	_ =	shalt  }
0x76: {  	_ =	shalt  }
0x77: {  	_ =	shalt  }
0x78: {  	_ =	shalt  }
0x79: {  	_ =	shalt  }
0x7a: {  	_ =	shalt  }
0x7b: {  	_ =	shalt  }
0x7c: {  	_ =	shalt  }
0x7d: {  	_ =	shalt  }
0x7e: {  	_ =	shalt  }
0x7f: {  	_ =	shalt  }
0x80: {  	_ =	shalt  }
0x81: {  	_ =	shalt  }
0x82: {  	_ =	shalt  }
0x83: {  	_ =	shalt  }
0x84: {  	_ =	shalt  }
0x85: {  	_ =	shalt  }
0x86: {  	_ =	shalt  }
0x87: {  	_ =	shalt  }
.Lfunc_end0:
.L_simem_size_0:
called_computation_lowered:
.L_overlay_start_0:
0x88: {  	s2 =	sld [smem:$0x3FD9]  }
0x89: {  	s3 =	sld [smem:$0x3FFE];
	_ =	sdelay $0x1  }
0x8a: {  	s1 =	srdreg.scid  }
0x8b: {  	s0 =	sand.u32 $0x1, s1  }
0x8c: {  	s17 =	sshll.u32 s0, $0xA;
	s2 =	sadd.s32 s3, s2  }
0x8d: {  	s2 =	sadd.s32 s2, s17  }
0x8e: {  	[smem:$0x3FC2] =	sst s2  }
0x8f: {  	_ = 	snop  }
0x90: {  	s2 =	sld [smem:$0x3FD0];
	(tm) =	ssettm $0x1  }
0x91: {  	s18 =	sld [smem:$0x3FFB];
	_ =	sdelay $0x3  }
0x92: {  	_ =	strace s18  }
0x93: {  	s3 =	sld [smem:$0x3FFC];
	_ =	sdelay $0x3  }
0x94: {  	_ =	strace s3  }
0x95: {  	s3 =	sld [smem:$0x3FFD];
	_ =	sdelay $0x3  }
0x96: {  	_ =	strace s3  }
0x97: {  	_ =	strace $0x8FFFFFFF  }
0x98: {  	s19 =	sld [smem:$0x3FDB];
	_ =	sdelay $0x1  }
0x99: {  	s4 =	simm.s32 $_scs_section_size  }
0x9a: {  	s5 =	simm.s32 $_size__tile_overlayer_lowered;
	s6 =	simm.s32 $_tile_overlayer_lowered  }
0x9b: {  	s22 =	simm.s32 $0x1BFF;
	s21 =	sshll.u32 s6, $0x1;
	s3 =	sadd.s32 s4, s19  }
0x9c: {  	s7 =	simm.s32 $0x0;
	s20 =	sshll.u32 s5, $0x1;
	s5 =	sadd.s32 s21, s3  }
0x9d: {  	[timem:s7], [sflag:s22] =	dma.local [hbm:s5], s20  }
0x9e: {  	_ =	swait.ge [sflag:s22], s20  }
0x9f: {  	s4 =	ssub.s32 $0x0, s20;
	[sflag:s22] =	ssyncset.done $0x0  }
0xa0: {  	[sflag:s22] =	ssyncadd.s32 s4;
	_ =	sdelay $0x1  }
0xa1: {  	s23 =	simm.s32 $0x1B8B  }
0xa2: {  	_ =	swait.ge [sflag:s23], $0x1  }
0xa3: {  	[sflag:s23] =	ssyncset.done $0x0  }
0xa4: {  	s25 =	simm.s32 $0x1B8E;
	s24 =	sld [smem:$0x3FFE];
	[sflag:s23] =	ssyncadd.s32 $0xFFFFFFFF  }
0xa5: {  	s26 =	simm.s32 $execute0_lowered;
	[smem:$0x3FD2] =	sst s25  }
0xa6: {  	s5 =	sshll.u32 s26, $0x1;
	_ =	strace $0x80000046;
	[dreg:$0x1] =	wrdreg $0xFFFFFFFF  }
0xa7: {  	s28 =	simm.s32 $_size_execute0_lowered;
	s3 =	sadd.s32 s3, s5;
	[dreg:$0x0] =	wrdreg $0x0  }
0xa8: {  	s5 =	sshll.u32 s28, $0x1;
	[dreg:$0x2] =	wrdreg s3  }
0xa9: {  	[dreg:$0x3] =	wrdreg s5  }
0xaa: {  	[dreg:$0x4] =	wrdreg $0xC0  }
0xab: {  	_ =	task [dreg:s7], $0x5FFFF  }
0xac: {  	[dreg:$0x1] =	wrdreg $0xFFFFFFFF  }
0xad: {  	[dreg:$0x0] =	wrdreg $0x60  }
0xae: {  	[dreg:$0x2] =	wrdreg s24  }
0xaf: {  	[dreg:$0x3] =	wrdreg s2  }
0xb0: {  	[dreg:$0x4] =	wrdreg $0x70800  }
0xb1: {  	[dreg:$0x5] =	wrdreg $0x10CC00  }
0xb2: {  	[dreg:$0x6] =	wrdreg $0x9  }
0xb3: {  	_ =	task.clear_ibuf [dreg:s7], $0x7FFFF;
	_ =	strace $0x90000046  }
0xb4: {  	s29 =	simm.s32 $0x9;
	_ =	strace $0x80000048  }
0xb5: {  	_ =	swait.ge [sflag:s29], $0x1  }
0xb6: {  	[sflag:s29] =	ssyncadd.s32 $0xFFFFFFFF  }
0xb7: {  	_ =	strace $0x90000048  }
0xb8: {  	_ =	sfence  }
0xb9: {  	s30 =	sld [smem:$0x0];
	_ =	sdelay $0x2  }
0xba: {  	s31 =	sshll.u32 s1, $0xD;
	s1 =	sshrl.u32 s1, $0x2  }
0xbb: {  	s3 =	sand.u32 $0x4000, s31;
	s1 =	sadd.s32 s1, s30  }
0xbc: {  	s0 =	sor.u32 s3, s0;
	s1 =	sshll.u32 s1, $0x11  }
0xbd: {  	s0 =	sor.u32 s1, s0  }
0xbe: {  	s0 =	sadd.s32 $0x8F2B, s0  }
0xbf: {  	[sflag:s0] =	ssyncadd.remote.s32 $0x1  }
0xc0: {  	_ =	sfence.sel $0xFFFF  }
0xc1: {  	[dreg:$0x0] =	wrdreg $0xFFFFFFFF;
	(pc) =	sbr.abs _section_cstart, $3  }
0xc2: {  	[dreg:$0x1] =	wrdreg $0xFFFFFFFF  }
0xc3: {  	_ =	task.clear_ibuf [dreg:s7], $0x2FFFF;
	_ =	strace $0x9FFFFFFF  }
0xc4: {  	(tm) =	ssettm $0x7FFFFFFF  }
0xc5: {  	_ =	shalt  }
tec
execute0_lowered:
.L_overlay_start_1:
0x0: {  	(tag) =	ssettag $0x1  }
0x1: {  	s3 =	rddreg [dreg:$0x0]  }
0x2: {  	s13 =	rddreg [dreg:$0x1]  }
0x3: {  	s15 =	rddreg [dreg:$0x2];
	s0 =	srdreg.scid  }
0x4: {  	s16 =	rddreg [dreg:$0x3];
	s14 =	stileid.u32;
	s4 =	simm.s32 $0x0  }
0x5: {  	s28 =	simm.s32 $0x5780;
	s29 =	simm.s32 $0x5;
	s1 =	smul.u32 $0x9C00, s14  }
0x6: {  	s30 =	simm.s32 $0x4D80;
	s31 =	simm.s32 $0x4;
	s8 =	smul.u32 $0x280, s14  }
0x7: {  	s0 =	sand.u32 $0x1, s0;
	[smem:$0x7FF] =	sst s4;
	s10 =	smul.u32 $0x28000, s14  }
0x8: {  	s6 =	sadd.s32 $0xB000, s3;
	s7 =	sadd.s32 $0x1200, s3;
	s12 =	smul.u32 $0xA000, s14  }
0x9: {  	s2 =	smul.u32 $0x9C400, s0;
	_ =	strace $0x80000047;
	s9 =	ssub.s32 $0x2, s0  }
0xa: {  	s18 =	smul.u32 $0x27100, s0;
	s11 =	sshrl.u32 s9, $0x1;
	s19 =	sshrl.u32 s10, $0x2  }
0xb: {  	s20 =	sshrl.u32 s12, $0x2;
	s21 =	sor.u32 $0x50, s8;
	s24 =	sadd.s32 $0xA0, s8  }
0xc: {  	s26 =	sadd.s32 $0xF0, s8;
	s12 =	sadd.s32 $0x140, s8;
	s2 =	sadd.s32 s1, s2  }
0xd: {  	s22 =	sshll.u32 s21, $0x6;
	s10 =	sshll.u32 s21, $0x4;
	s25 =	sshll.u32 s24, $0x6  }
0xe: {  	s17 =	sshll.u32 s12, $0x6;
	s1 =	sadd.s32 s1, s15;
	s23 =	sadd.s32 s10, s16  }
0xf: {  	s5 =	sshrl.u32 s2, $0x3;
	s10 =	sadd.s32 s25, s15;
	[dreg:$0x8] =	wrdreg s23  }
0x10: {  	s2 =	smul.u32 $0x2700, s14;
	s1 =	sshrl.u32 s1, $0x3;
	[dreg:$0x9] =	wrdreg s10  }
0x11: {  	s5 =	sadd.s32 s5, s3;
	s10 =	sshll.u32 s26, $0x6;
	[dreg:$0x1b] =	wrdreg s1  }
0x12: {  	s1 =	simm.s32 $0x5C80;
	s4 =	sadd.s32 s2, s18;
	s18 =	smin.u32 s8, $0x2530  }
0x13: {  	s5 =	sadd.s32 $0x10000, s5;
	s2 =	sadd.s32 s2, s16;
	s4 =	sshrl.u32 s4, $0x3  }
0x14: {  	[dreg:$0x18] =	wrdreg s5;
	s5 =	simm.s32 $0x3;
	s3 =	sadd.s32 s4, s3  }
0x15: {  	s4 =	ssub.s32 s9, s11;
	s9 =	sadd.s32 s19, s15;
	s11 =	sshll.u32 s26, $0x4  }
0x16: {  	s19 =	sshll.u32 s12, $0x4;
	s26 =	smul.u32 $0x4E20, s14;
	[dreg:$0x5] =	wrdreg s9  }
0x17: {  	s9 =	sadd.s32 s20, s16;
	s20 =	sadd.s32 $0x190, s18;
	s3 =	sadd.s32 $0x37200, s3  }
0x18: {  	[dreg:$0x6] =	wrdreg s9;
	s9 =	sadd.s32 s22, s15;
	s21 =	sshll.u32 s20, $0x6  }
0x19: {  	s22 =	smin.u32 s8, $0x24E0;
	s23 =	sshll.u32 s20, $0x4;
	s8 =	smin.u32 s8, $0x2490  }
0x1a: {  	s20 =	sadd.s32 $0xA0, s26;
	[dreg:$0x19] =	wrdreg s3;
	s3 =	simm.s32 $0x0  }
0x1b: {  	[dreg:$0x7] =	wrdreg s9;
	s9 =	sshll.u32 s24, $0x4;
	s24 =	sadd.s32 $0x1E0, s22  }
0x1c: {  	s8 =	sadd.s32 $0x230, s8;
	[dreg:$0x16] =	wrdreg s20;
	s22 =	smax.u32 s4, $0x1  }
0x1d: {  	s4 =	smov.u32 s13;
	s13 =	simm.s32 $0x1A40;
	s20 =	simm.s32 $0x38E0  }
0x1e: {  	s9 =	sadd.s32 s9, s16;
	s25 =	sshll.u32 s24, $0x6;
	s14 =	sshll.u32 s8, $0x6  }
0x1f: {  	s8 =	sshll.u32 s8, $0x4;
	[dreg:$0x1a] =	wrdreg s22;
	s22 =	simm.s32 $0x3980  }
0x20: {  	[dreg:$0xa] =	wrdreg s9;
	s9 =	sadd.s32 s10, s15;
	s10 =	sshll.u32 s24, $0x4  }
0x21: {  	s8 =	sadd.s32 s8, s16;
	[dreg:$0xb] =	wrdreg s9;
	s9 =	sadd.s32 s11, s16  }
0x22: {  	s12 =	sadd.s32 s10, s16;
	[dreg:$0x14] =	wrdreg s8;
	s8 =	simm.s32 $0x1540  }
0x23: {  	s10 =	simm.s32 $0x50;
	s11 =	simm.s32 $0xA0;
	[dreg:$0xc] =	wrdreg s9  }
0x24: {  	s9 =	sadd.s32 s17, s15;
	[dreg:$0x12] =	wrdreg s12;
	s17 =	sshrl.u32 s26, $0x3  }
0x25: {  	s12 =	simm.s32 $0xF0;
	[dreg:$0xd] =	wrdreg s9;
	s9 =	sadd.s32 s19, s16  }
0x26: {  	s18 =	sadd.s32 s7, s17;
	s17 =	sshll.u32 s0, $0x1;
	s19 =	smul.u32 $0x2710, s0  }
0x27: {  	s0 =	sshllo.u32 s0, $0x1;
	[dreg:$0xe] =	wrdreg s9;
	s9 =	sadd.s32 s21, s15  }
0x28: {  	s21 =	sadd.s32 $0xF0, s26;
	s24 =	sor.u32 $0x4, s17;
	[dreg:$0x15] =	wrdreg s18  }
0x29: {  	s26 =	sadd.s32 $0xA, s18;
	s18 =	simm.s32 $0x3840;
	[dreg:$0xf] =	wrdreg s9  }
0x2a: {  	s9 =	sadd.s32 s23, s16;
	[dreg:$0x17] =	wrdreg s21;
	s23 =	sshrl.u32 s2, $0x3  }
0x2b: {  	[dreg:$0x1d] =	wrdreg s26;
	s2 =	simm.s32 $0x140;
	v0 =	vmov s19;
	s19 =	simm.s32 $0x3890  }
0x2c: {  	v5 =	vlaneseq.u32;
	v6 =	vimm.f32 $0.0e+00;
	v2 =	vmov s24;
	s21 =	simm.s32 $0x3930;
	s24 =	simm.s32 $0x6;
	[dreg:$0x10] =	wrdreg s9  }
0x2d: {  	v7 =	vor.u32 $0x10, v5;
	v8 =	vor.u32 $0x20, v5;
	v9 =	vor.u32 $0x30, v5;
	s9 =	sadd.s32 s25, s15;
	[dreg:$0x1c] =	wrdreg s23;
	s25 =	sor.u32 $0x5, s17  }
0x2e: {  	v10 =	vor.u32 $0x40, v5;
	v1 =	vmov s17;
	v3 =	vmov s0;
	s17 =	simm.s32 $0x2440;
	s23 =	simm.s32 $0x5280;
	[dreg:$0x11] =	wrdreg s9  }
0x2f: {  	v1 =	vbroadcast v1, $0x0;
	v3 =	vbroadcast v3, $0x0;
	s9 =	sadd.s32 s14, s15;
	s14 =	simm.s32 $0x1F40;
	s15 =	simm.s32 $0x2;
	v4 =	vmov s25  }
0x30: {  	v11 =	vmul.u32 $0x10, v5;
	v2 =	vbroadcast v2, $0x0;
	s25 =	simm.s32 $0x0;
	[dreg:$0x13] =	wrdreg s9;
	s9 =	simm.s32 $0x7;
	v4 =	vbroadcast v4, $0x0  }
.LBB2_1:
0x31: {  	s0 =	simm.s32 $0x0  }
0x32: {  	v12 =	vor.u32 s0, v5  }
0x33: {  	v13 =	vshll.u32 v12, $0x6  }
0x34: {  	v14 =	vor.u32 $0x1, v13  }
0x35: {  	v15 =	vor.u32 $0x2, v13  }
0x36: {  	v16 =	vor.u32 $0x3, v13  }
0x37: {  	v17 =	vor.u32 $0x4, v13  }
0x38: {  	v18 =	vor.u32 $0x5, v13;
	[tilespmem:v13+s2+$0x0] =	vst.idx.msk $0xffff, v6  }
0x39: {  	[tilespmem:v14+s2+$0x0] =	vst.idx.msk $0xffff, v6;
	v14 =	vor.u32 $0x6, v13  }
0x3a: {  	[tilespmem:v15+s2+$0x0] =	vst.idx.msk $0xffff, v6;
	v15 =	vor.u32 $0x7, v13  }
0x3b: {  	[tilespmem:v16+s2+$0x0] =	vst.idx.msk $0xffff, v6;
	v16 =	vor.u32 $0x8, v13  }
0x3c: {  	[tilespmem:v17+s2+$0x0] =	vst.idx.msk $0xffff, v6;
	v17 =	vor.u32 $0x9, v13  }
0x3d: {  	[tilespmem:v18+s2+$0x0] =	vst.idx.msk $0xffff, v6;
	v18 =	vor.u32 $0xA, v13  }
0x3e: {  	[tilespmem:v14+s2+$0x0] =	vst.idx.msk $0xffff, v6;
	v14 =	vor.u32 $0xB, v13  }
0x3f: {  	[tilespmem:v15+s2+$0x0] =	vst.idx.msk $0xffff, v6;
	v15 =	vor.u32 $0xC, v13  }
0x40: {  	[tilespmem:v16+s2+$0x0] =	vst.idx.msk $0xffff, v6;
	v16 =	vor.u32 $0xD, v13  }
0x41: {  	[tilespmem:v17+s2+$0x0] =	vst.idx.msk $0xffff, v6;
	v17 =	vor.u32 $0xE, v13  }
0x42: {  	[tilespmem:v18+s2+$0x0] =	vst.idx.msk $0xffff, v6;
	v18 =	vor.u32 $0xF, v13  }
0x43: {  	[tilespmem:v14+s2+$0x0] =	vst.idx.msk $0xffff, v6;
	v14 =	vor.u32 $0x10, v13  }
0x44: {  	[tilespmem:v15+s2+$0x0] =	vst.idx.msk $0xffff, v6;
	v15 =	vor.u32 $0x11, v13  }
0x45: {  	[tilespmem:v16+s2+$0x0] =	vst.idx.msk $0xffff, v6;
	v16 =	vor.u32 $0x12, v13  }
0x46: {  	[tilespmem:v17+s2+$0x0] =	vst.idx.msk $0xffff, v6;
	v17 =	vor.u32 $0x13, v13  }
0x47: {  	[tilespmem:v18+s2+$0x0] =	vst.idx.msk $0xffff, v6;
	v18 =	vor.u32 $0x14, v13  }
0x48: {  	[tilespmem:v14+s2+$0x0] =	vst.idx.msk $0xffff, v6;
	v14 =	vor.u32 $0x15, v13  }
0x49: {  	[tilespmem:v15+s2+$0x0] =	vst.idx.msk $0xffff, v6;
	v15 =	vor.u32 $0x16, v13  }
0x4a: {  	[tilespmem:v16+s2+$0x0] =	vst.idx.msk $0xffff, v6;
	v16 =	vor.u32 $0x17, v13  }
0x4b: {  	[tilespmem:v17+s2+$0x0] =	vst.idx.msk $0xffff, v6;
	v17 =	vor.u32 $0x18, v13  }
0x4c: {  	[tilespmem:v18+s2+$0x0] =	vst.idx.msk $0xffff, v6;
	v18 =	vor.u32 $0x19, v13  }
0x4d: {  	[tilespmem:v14+s2+$0x0] =	vst.idx.msk $0xffff, v6;
	v14 =	vor.u32 $0x1A, v13  }
0x4e: {  	[tilespmem:v15+s2+$0x0] =	vst.idx.msk $0xffff, v6;
	v15 =	vor.u32 $0x1B, v13  }
0x4f: {  	[tilespmem:v16+s2+$0x0] =	vst.idx.msk $0xffff, v6;
	v16 =	vor.u32 $0x1C, v13  }
0x50: {  	[tilespmem:v17+s2+$0x0] =	vst.idx.msk $0xffff, v6;
	v17 =	vor.u32 $0x1D, v13  }
0x51: {  	[tilespmem:v18+s2+$0x0] =	vst.idx.msk $0xffff, v6;
	v18 =	vor.u32 $0x1E, v13  }
0x52: {  	[tilespmem:v14+s2+$0x0] =	vst.idx.msk $0xffff, v6;
	v14 =	vor.u32 $0x1F, v13  }
0x53: {  	[tilespmem:v15+s2+$0x0] =	vst.idx.msk $0xffff, v6;
	v15 =	vor.u32 $0x20, v13  }
0x54: {  	[tilespmem:v16+s2+$0x0] =	vst.idx.msk $0xffff, v6;
	v16 =	vor.u32 $0x21, v13  }
0x55: {  	[tilespmem:v17+s2+$0x0] =	vst.idx.msk $0xffff, v6;
	v17 =	vor.u32 $0x22, v13  }
0x56: {  	[tilespmem:v18+s2+$0x0] =	vst.idx.msk $0xffff, v6;
	v18 =	vor.u32 $0x23, v13  }
0x57: {  	[tilespmem:v14+s2+$0x0] =	vst.idx.msk $0xffff, v6;
	v14 =	vor.u32 $0x24, v13  }
0x58: {  	[tilespmem:v15+s2+$0x0] =	vst.idx.msk $0xffff, v6;
	v15 =	vor.u32 $0x25, v13  }
0x59: {  	[tilespmem:v16+s2+$0x0] =	vst.idx.msk $0xffff, v6;
	v16 =	vor.u32 $0x26, v13  }
0x5a: {  	[tilespmem:v17+s2+$0x0] =	vst.idx.msk $0xffff, v6;
	v17 =	vor.u32 $0x27, v13  }
0x5b: {  	[tilespmem:v18+s2+$0x0] =	vst.idx.msk $0xffff, v6;
	v18 =	vor.u32 $0x28, v13  }
0x5c: {  	[tilespmem:v14+s2+$0x0] =	vst.idx.msk $0xffff, v6;
	v14 =	vor.u32 $0x29, v13  }
0x5d: {  	[tilespmem:v15+s2+$0x0] =	vst.idx.msk $0xffff, v6;
	v15 =	vor.u32 $0x2A, v13  }
0x5e: {  	[tilespmem:v16+s2+$0x0] =	vst.idx.msk $0xffff, v6;
	v16 =	vor.u32 $0x2B, v13  }
0x5f: {  	[tilespmem:v17+s2+$0x0] =	vst.idx.msk $0xffff, v6;
	v17 =	vor.u32 $0x2C, v13  }
0x60: {  	[tilespmem:v18+s2+$0x0] =	vst.idx.msk $0xffff, v6;
	v18 =	vor.u32 $0x2D, v13  }
0x61: {  	[tilespmem:v14+s2+$0x0] =	vst.idx.msk $0xffff, v6;
	v14 =	vor.u32 $0x2E, v13  }
0x62: {  	[tilespmem:v15+s2+$0x0] =	vst.idx.msk $0xffff, v6;
	v15 =	vor.u32 $0x2F, v13  }
0x63: {  	[tilespmem:v16+s2+$0x0] =	vst.idx.msk $0xffff, v6;
	v16 =	vor.u32 $0x30, v13  }
0x64: {  	[tilespmem:v17+s2+$0x0] =	vst.idx.msk $0xffff, v6;
	v17 =	vor.u32 $0x31, v13  }
0x65: {  	[tilespmem:v18+s2+$0x0] =	vst.idx.msk $0xffff, v6;
	v18 =	vor.u32 $0x32, v13  }
0x66: {  	[tilespmem:v14+s2+$0x0] =	vst.idx.msk $0xffff, v6;
	v14 =	vor.u32 $0x33, v13  }
0x67: {  	[tilespmem:v15+s2+$0x0] =	vst.idx.msk $0xffff, v6;
	v15 =	vor.u32 $0x34, v13  }
0x68: {  	[tilespmem:v16+s2+$0x0] =	vst.idx.msk $0xffff, v6;
	v16 =	vor.u32 $0x35, v13  }
0x69: {  	[tilespmem:v17+s2+$0x0] =	vst.idx.msk $0xffff, v6;
	v17 =	vor.u32 $0x36, v13  }
0x6a: {  	[tilespmem:v18+s2+$0x0] =	vst.idx.msk $0xffff, v6;
	v18 =	vor.u32 $0x37, v13  }
0x6b: {  	[tilespmem:v14+s2+$0x0] =	vst.idx.msk $0xffff, v6;
	v14 =	vor.u32 $0x38, v13  }
0x6c: {  	[tilespmem:v15+s2+$0x0] =	vst.idx.msk $0xffff, v6;
	v15 =	vor.u32 $0x39, v13  }
0x6d: {  	[tilespmem:v16+s2+$0x0] =	vst.idx.msk $0xffff, v6;
	v16 =	vor.u32 $0x3A, v13  }
0x6e: {  	[tilespmem:v17+s2+$0x0] =	vst.idx.msk $0xffff, v6;
	v17 =	vor.u32 $0x3B, v13  }
0x6f: {  	[tilespmem:v18+s2+$0x0] =	vst.idx.msk $0xffff, v6;
	v18 =	vor.u32 $0x3C, v13  }
0x70: {  	[tilespmem:v14+s2+$0x0] =	vst.idx.msk $0xffff, v6;
	v14 =	vor.u32 $0x3D, v13  }
0x71: {  	[tilespmem:v15+s2+$0x0] =	vst.idx.msk $0xffff, v6;
	v15 =	vor.u32 $0x3E, v13  }
0x72: {  	[tilespmem:v16+s2+$0x0] =	vst.idx.msk $0xffff, v6;
	v16 =	vor.u32 $0x3F, v13  }
0x73: {  	[tilespmem:v17+s2+$0x0] =	vst.idx.msk $0xffff, v6;
	v17 =	vadd.s32 $0x40, v13  }
0x74: {  	[tilespmem:v18+s2+$0x0] =	vst.idx.msk $0xffff, v6;
	v18 =	vadd.s32 $0x41, v13  }
0x75: {  	[tilespmem:v14+s2+$0x0] =	vst.idx.msk $0xffff, v6;
	v14 =	vadd.s32 $0x42, v13  }
0x76: {  	[tilespmem:v15+s2+$0x0] =	vst.idx.msk $0xffff, v6;
	v15 =	vadd.s32 $0x43, v13  }
0x77: {  	[tilespmem:v16+s2+$0x0] =	vst.idx.msk $0xffff, v6;
	v16 =	vadd.s32 $0x44, v13  }
0x78: {  	[tilespmem:v17+s2+$0x0] =	vst.idx.msk $0xffff, v6;
	v17 =	vadd.s32 $0x45, v13  }
0x79: {  	[tilespmem:v18+s2+$0x0] =	vst.idx.msk $0xffff, v6;
	v18 =	vadd.s32 $0x46, v13  }
0x7a: {  	[tilespmem:v14+s2+$0x0] =	vst.idx.msk $0xffff, v6;
	v14 =	vadd.s32 $0x47, v13  }
0x7b: {  	[tilespmem:v15+s2+$0x0] =	vst.idx.msk $0xffff, v6;
	v15 =	vadd.s32 $0x48, v13  }
0x7c: {  	[tilespmem:v16+s2+$0x0] =	vst.idx.msk $0xffff, v6;
	v16 =	vadd.s32 $0x49, v13  }
0x7d: {  	[tilespmem:v17+s2+$0x0] =	vst.idx.msk $0xffff, v6;
	v17 =	vadd.s32 $0x4A, v13  }
0x7e: {  	[tilespmem:v18+s2+$0x0] =	vst.idx.msk $0xffff, v6;
	v18 =	vadd.s32 $0x4B, v13  }
0x7f: {  	[tilespmem:v14+s2+$0x0] =	vst.idx.msk $0xffff, v6;
	v14 =	vadd.s32 $0x4C, v13  }
0x80: {  	[tilespmem:v15+s2+$0x0] =	vst.idx.msk $0xffff, v6;
	v15 =	vadd.s32 $0x4D, v13  }
0x81: {  	[tilespmem:v16+s2+$0x0] =	vst.idx.msk $0xffff, v6;
	v16 =	vadd.s32 $0x4E, v13  }
0x82: {  	[tilespmem:v17+s2+$0x0] =	vst.idx.msk $0xffff, v6;
	v17 =	vadd.s32 $0x4F, v13  }
0x83: {  	[tilespmem:v18+s2+$0x0] =	vst.idx.msk $0xffff, v6;
	v18 =	vadd.s32 $0x50, v13  }
0x84: {  	[tilespmem:v14+s2+$0x0] =	vst.idx.msk $0xffff, v6;
	v14 =	vadd.s32 $0x51, v13  }
0x85: {  	[tilespmem:v15+s2+$0x0] =	vst.idx.msk $0xffff, v6;
	v15 =	vadd.s32 $0x52, v13  }
0x86: {  	[tilespmem:v16+s2+$0x0] =	vst.idx.msk $0xffff, v6;
	v16 =	vadd.s32 $0x53, v13  }
0x87: {  	[tilespmem:v17+s2+$0x0] =	vst.idx.msk $0xffff, v6;
	v17 =	vadd.s32 $0x54, v13  }
0x88: {  	[tilespmem:v18+s2+$0x0] =	vst.idx.msk $0xffff, v6;
	v18 =	vadd.s32 $0x55, v13  }
0x89: {  	[tilespmem:v14+s2+$0x0] =	vst.idx.msk $0xffff, v6;
	v14 =	vadd.s32 $0x56, v13  }
0x8a: {  	[tilespmem:v15+s2+$0x0] =	vst.idx.msk $0xffff, v6;
	v15 =	vadd.s32 $0x57, v13  }
0x8b: {  	[tilespmem:v16+s2+$0x0] =	vst.idx.msk $0xffff, v6;
	v16 =	vadd.s32 $0x58, v13  }
0x8c: {  	[tilespmem:v17+s2+$0x0] =	vst.idx.msk $0xffff, v6;
	v17 =	vadd.s32 $0x59, v13  }
0x8d: {  	[tilespmem:v18+s2+$0x0] =	vst.idx.msk $0xffff, v6;
	v18 =	vadd.s32 $0x5A, v13  }
0x8e: {  	[tilespmem:v14+s2+$0x0] =	vst.idx.msk $0xffff, v6;
	v14 =	vadd.s32 $0x5B, v13  }
0x8f: {  	[tilespmem:v15+s2+$0x0] =	vst.idx.msk $0xffff, v6;
	v15 =	vadd.s32 $0x5C, v13  }
0x90: {  	[tilespmem:v16+s2+$0x0] =	vst.idx.msk $0xffff, v6;
	v16 =	vadd.s32 $0x5D, v13  }
0x91: {  	[tilespmem:v17+s2+$0x0] =	vst.idx.msk $0xffff, v6;
	v17 =	vadd.s32 $0x5E, v13  }
0x92: {  	[tilespmem:v18+s2+$0x0] =	vst.idx.msk $0xffff, v6;
	v18 =	vadd.s32 $0x5F, v13  }
0x93: {  	[tilespmem:v14+s2+$0x0] =	vst.idx.msk $0xffff, v6;
	v14 =	vadd.s32 $0x60, v13  }
0x94: {  	[tilespmem:v15+s2+$0x0] =	vst.idx.msk $0xffff, v6;
	v15 =	vadd.s32 $0x61, v13  }
0x95: {  	[tilespmem:v16+s2+$0x0] =	vst.idx.msk $0xffff, v6;
	v16 =	vadd.s32 $0x62, v13  }
0x96: {  	[tilespmem:v17+s2+$0x0] =	vst.idx.msk $0xffff, v6;
	v17 =	vadd.s32 $0x63, v13  }
0x97: {  	[tilespmem:v18+s2+$0x0] =	vst.idx.msk $0xffff, v6;
	v18 =	vadd.s32 $0x64, v13  }
0x98: {  	[tilespmem:v14+s2+$0x0] =	vst.idx.msk $0xffff, v6;
	v14 =	vadd.s32 $0x65, v13  }
0x99: {  	[tilespmem:v15+s2+$0x0] =	vst.idx.msk $0xffff, v6;
	v15 =	vadd.s32 $0x66, v13  }
0x9a: {  	[tilespmem:v16+s2+$0x0] =	vst.idx.msk $0xffff, v6;
	v16 =	vadd.s32 $0x67, v13  }
0x9b: {  	[tilespmem:v17+s2+$0x0] =	vst.idx.msk $0xffff, v6;
	v17 =	vadd.s32 $0x68, v13  }
0x9c: {  	[tilespmem:v18+s2+$0x0] =	vst.idx.msk $0xffff, v6;
	v18 =	vadd.s32 $0x69, v13  }
0x9d: {  	[tilespmem:v14+s2+$0x0] =	vst.idx.msk $0xffff, v6;
	v14 =	vadd.s32 $0x6A, v13  }
0x9e: {  	[tilespmem:v15+s2+$0x0] =	vst.idx.msk $0xffff, v6;
	v15 =	vadd.s32 $0x6B, v13  }
0x9f: {  	[tilespmem:v16+s2+$0x0] =	vst.idx.msk $0xffff, v6;
	v16 =	vadd.s32 $0x6C, v13  }
0xa0: {  	[tilespmem:v17+s2+$0x0] =	vst.idx.msk $0xffff, v6;
	v17 =	vadd.s32 $0x6D, v13  }
0xa1: {  	[tilespmem:v18+s2+$0x0] =	vst.idx.msk $0xffff, v6;
	v18 =	vadd.s32 $0x6E, v13  }
0xa2: {  	[tilespmem:v14+s2+$0x0] =	vst.idx.msk $0xffff, v6;
	v14 =	vadd.s32 $0x6F, v13  }
0xa3: {  	[tilespmem:v15+s2+$0x0] =	vst.idx.msk $0xffff, v6;
	v15 =	vadd.s32 $0x70, v13  }
0xa4: {  	[tilespmem:v16+s2+$0x0] =	vst.idx.msk $0xffff, v6;
	v16 =	vadd.s32 $0x71, v13  }
0xa5: {  	[tilespmem:v17+s2+$0x0] =	vst.idx.msk $0xffff, v6;
	v17 =	vadd.s32 $0x72, v13  }
0xa6: {  	[tilespmem:v18+s2+$0x0] =	vst.idx.msk $0xffff, v6;
	v18 =	vadd.s32 $0x73, v13  }
0xa7: {  	[tilespmem:v14+s2+$0x0] =	vst.idx.msk $0xffff, v6;
	v14 =	vadd.s32 $0x74, v13  }
0xa8: {  	[tilespmem:v15+s2+$0x0] =	vst.idx.msk $0xffff, v6;
	v15 =	vadd.s32 $0x75, v13  }
0xa9: {  	[tilespmem:v16+s2+$0x0] =	vst.idx.msk $0xffff, v6;
	v16 =	vadd.s32 $0x76, v13  }
0xaa: {  	[tilespmem:v17+s2+$0x0] =	vst.idx.msk $0xffff, v6;
	v17 =	vadd.s32 $0x77, v13  }
0xab: {  	[tilespmem:v18+s2+$0x0] =	vst.idx.msk $0xffff, v6;
	v18 =	vadd.s32 $0x78, v13  }
0xac: {  	[tilespmem:v14+s2+$0x0] =	vst.idx.msk $0xffff, v6;
	v14 =	vadd.s32 $0x79, v13  }
0xad: {  	[tilespmem:v15+s2+$0x0] =	vst.idx.msk $0xffff, v6;
	v15 =	vadd.s32 $0x7A, v13  }
0xae: {  	[tilespmem:v16+s2+$0x0] =	vst.idx.msk $0xffff, v6;
	v16 =	vadd.s32 $0x7B, v13  }
0xaf: {  	[tilespmem:v17+s2+$0x0] =	vst.idx.msk $0xffff, v6;
	v17 =	vadd.s32 $0x7C, v13  }
0xb0: {  	[tilespmem:v18+s2+$0x0] =	vst.idx.msk $0xffff, v6;
	v18 =	vadd.s32 $0x7D, v13  }
0xb1: {  	[tilespmem:v14+s2+$0x0] =	vst.idx.msk $0xffff, v6;
	v14 =	vadd.s32 $0x7E, v13  }
0xb2: {  	v13 =	vadd.s32 $0x7F, v13;
	[tilespmem:v15+s2+$0x0] =	vst.idx.msk $0xffff, v6  }
0xb3: {  	v12 =	vshll.u32 v12, $0x4;
	[tilespmem:v16+s2+$0x0] =	vst.idx.msk $0xffff, v6  }
0xb4: {  	v15 =	vor.u32 $0x1, v12;
	[tilespmem:v17+s2+$0x0] =	vst.idx.msk $0xffff, v6  }
0xb5: {  	v16 =	vor.u32 $0x2, v12;
	[tilespmem:v18+s2+$0x0] =	vst.idx.msk $0xffff, v6  }
0xb6: {  	[tilespmem:v14+s2+$0x0] =	vst.idx.msk $0xffff, v6;
	v14 =	vor.u32 $0x3, v12  }
0xb7: {  	[tilespmem:v13+s2+$0x0] =	vst.idx.msk $0xffff, v6;
	v13 =	vor.u32 $0x4, v12  }
0xb8: {  	v17 =	vor.u32 $0x5, v12;
	[tilespmem:v12+s8+$0x0] =	vst.idx.msk $0xffff, v6  }
0xb9: {  	[tilespmem:v15+s8+$0x0] =	vst.idx.msk $0xffff, v6;
	v15 =	vor.u32 $0x6, v12  }
0xba: {  	[tilespmem:v16+s8+$0x0] =	vst.idx.msk $0xffff, v6;
	v16 =	vor.u32 $0x7, v12  }
0xbb: {  	v18 =	vor.u32 $0x8, v12;
	[tilespmem:v14+s8+$0x0] =	vst.idx.msk $0xffff, v6  }
0xbc: {  	v19 =	vor.u32 $0x9, v12;
	[tilespmem:v13+s8+$0x0] =	vst.idx.msk $0xffff, v6  }
0xbd: {  	v13 =	vor.u32 $0xA, v12;
	[tilespmem:v17+s8+$0x0] =	vst.idx.msk $0xffff, v6  }
0xbe: {  	[tilespmem:v15+s8+$0x0] =	vst.idx.msk $0xffff, v6;
	v15 =	vor.u32 $0xB, v12  }
0xbf: {  	[tilespmem:v16+s8+$0x0] =	vst.idx.msk $0xffff, v6;
	v16 =	vor.u32 $0xC, v12  }
0xc0: {  	v17 =	vor.u32 $0xD, v12;
	[tilespmem:v18+s8+$0x0] =	vst.idx.msk $0xffff, v6  }
0xc1: {  	[dreg:$0x1e] =	wrdreg s3;
	s0 =	simm.s32 $0x10;
	v14 =	vor.u32 $0xF, v12;
	v18 =	vor.u32 $0xE, v12;
	[tilespmem:v19+s8+$0x0] =	vst.idx.msk $0xffff, v6  }
.LBB2_2:
0xc2: {  	v12 =	vor.u32 s0, v5;
	p0 =	sne.s32 s0, $0x40;
	s0 =	sadd.s32 $0x10, s0;
	[tilespmem:v13+s8+$0x0] =	vst.idx.msk $0xffff, v6  }
0xc3: {  	v13 =	vshll.u32 v12, $0x6;
	[tilespmem:v15+s8+$0x0] =	vst.idx.msk $0xffff, v6  }
0xc4: {  	v15 =	vor.u32 $0x1, v13;
	[tilespmem:v16+s8+$0x0] =	vst.idx.msk $0xffff, v6  }
0xc5: {  	v16 =	vor.u32 $0x2, v13;
	[tilespmem:v17+s8+$0x0] =	vst.idx.msk $0xffff, v6  }
0xc6: {  	v17 =	vor.u32 $0x3, v13;
	[tilespmem:v18+s8+$0x0] =	vst.idx.msk $0xffff, v6  }
0xc7: {  	v18 =	vor.u32 $0x4, v13;
	[tilespmem:v14+s8+$0x0] =	vst.idx.msk $0xffff, v6  }
0xc8: {  	v14 =	vor.u32 $0x5, v13;
	[tilespmem:v13+s2+$0x0] =	vst.idx.msk $0xffff, v6  }
0xc9: {  	[tilespmem:v15+s2+$0x0] =	vst.idx.msk $0xffff, v6;
	v15 =	vor.u32 $0x6, v13  }
0xca: {  	[tilespmem:v16+s2+$0x0] =	vst.idx.msk $0xffff, v6;
	v16 =	vor.u32 $0x7, v13  }
0xcb: {  	[tilespmem:v17+s2+$0x0] =	vst.idx.msk $0xffff, v6;
	v17 =	vor.u32 $0x8, v13  }
0xcc: {  	[tilespmem:v18+s2+$0x0] =	vst.idx.msk $0xffff, v6;
	v18 =	vor.u32 $0x9, v13  }
0xcd: {  	[tilespmem:v14+s2+$0x0] =	vst.idx.msk $0xffff, v6;
	v14 =	vor.u32 $0xA, v13  }
0xce: {  	[tilespmem:v15+s2+$0x0] =	vst.idx.msk $0xffff, v6;
	v15 =	vor.u32 $0xB, v13  }
0xcf: {  	[tilespmem:v16+s2+$0x0] =	vst.idx.msk $0xffff, v6;
	v16 =	vor.u32 $0xC, v13  }
0xd0: {  	[tilespmem:v17+s2+$0x0] =	vst.idx.msk $0xffff, v6;
	v17 =	vor.u32 $0xD, v13  }
0xd1: {  	[tilespmem:v18+s2+$0x0] =	vst.idx.msk $0xffff, v6;
	v18 =	vor.u32 $0xE, v13  }
0xd2: {  	[tilespmem:v14+s2+$0x0] =	vst.idx.msk $0xffff, v6;
	v14 =	vor.u32 $0xF, v13  }
0xd3: {  	[tilespmem:v15+s2+$0x0] =	vst.idx.msk $0xffff, v6;
	v15 =	vor.u32 $0x10, v13  }
0xd4: {  	[tilespmem:v16+s2+$0x0] =	vst.idx.msk $0xffff, v6;
	v16 =	vor.u32 $0x11, v13  }
0xd5: {  	[tilespmem:v17+s2+$0x0] =	vst.idx.msk $0xffff, v6;
	v17 =	vor.u32 $0x12, v13  }
0xd6: {  	[tilespmem:v18+s2+$0x0] =	vst.idx.msk $0xffff, v6;
	v18 =	vor.u32 $0x13, v13  }
0xd7: {  	[tilespmem:v14+s2+$0x0] =	vst.idx.msk $0xffff, v6;
	v14 =	vor.u32 $0x14, v13  }
0xd8: {  	[tilespmem:v15+s2+$0x0] =	vst.idx.msk $0xffff, v6;
	v15 =	vor.u32 $0x15, v13  }
0xd9: {  	[tilespmem:v16+s2+$0x0] =	vst.idx.msk $0xffff, v6;
	v16 =	vor.u32 $0x16, v13  }
0xda: {  	[tilespmem:v17+s2+$0x0] =	vst.idx.msk $0xffff, v6;
	v17 =	vor.u32 $0x17, v13  }
0xdb: {  	[tilespmem:v18+s2+$0x0] =	vst.idx.msk $0xffff, v6;
	v18 =	vor.u32 $0x18, v13  }
0xdc: {  	[tilespmem:v14+s2+$0x0] =	vst.idx.msk $0xffff, v6;
	v14 =	vor.u32 $0x19, v13  }
0xdd: {  	[tilespmem:v15+s2+$0x0] =	vst.idx.msk $0xffff, v6;
	v15 =	vor.u32 $0x1A, v13  }
0xde: {  	[tilespmem:v16+s2+$0x0] =	vst.idx.msk $0xffff, v6;
	v16 =	vor.u32 $0x1B, v13  }
0xdf: {  	[tilespmem:v17+s2+$0x0] =	vst.idx.msk $0xffff, v6;
	v17 =	vor.u32 $0x1C, v13  }
0xe0: {  	[tilespmem:v18+s2+$0x0] =	vst.idx.msk $0xffff, v6;
	v18 =	vor.u32 $0x1D, v13  }
0xe1: {  	[tilespmem:v14+s2+$0x0] =	vst.idx.msk $0xffff, v6;
	v14 =	vor.u32 $0x1E, v13  }
0xe2: {  	[tilespmem:v15+s2+$0x0] =	vst.idx.msk $0xffff, v6;
	v15 =	vor.u32 $0x1F, v13  }
0xe3: {  	[tilespmem:v16+s2+$0x0] =	vst.idx.msk $0xffff, v6;
	v16 =	vor.u32 $0x20, v13  }
0xe4: {  	[tilespmem:v17+s2+$0x0] =	vst.idx.msk $0xffff, v6;
	v17 =	vor.u32 $0x21, v13  }
0xe5: {  	[tilespmem:v18+s2+$0x0] =	vst.idx.msk $0xffff, v6;
	v18 =	vor.u32 $0x22, v13  }
0xe6: {  	[tilespmem:v14+s2+$0x0] =	vst.idx.msk $0xffff, v6;
	v14 =	vor.u32 $0x23, v13  }
0xe7: {  	[tilespmem:v15+s2+$0x0] =	vst.idx.msk $0xffff, v6;
	v15 =	vor.u32 $0x24, v13  }
0xe8: {  	[tilespmem:v16+s2+$0x0] =	vst.idx.msk $0xffff, v6;
	v16 =	vor.u32 $0x25, v13  }
0xe9: {  	[tilespmem:v17+s2+$0x0] =	vst.idx.msk $0xffff, v6;
	v17 =	vor.u32 $0x26, v13  }
0xea: {  	[tilespmem:v18+s2+$0x0] =	vst.idx.msk $0xffff, v6;
	v18 =	vor.u32 $0x27, v13  }
0xeb: {  	[tilespmem:v14+s2+$0x0] =	vst.idx.msk $0xffff, v6;
	v14 =	vor.u32 $0x28, v13  }
0xec: {  	[tilespmem:v15+s2+$0x0] =	vst.idx.msk $0xffff, v6;
	v15 =	vor.u32 $0x29, v13  }
0xed: {  	[tilespmem:v16+s2+$0x0] =	vst.idx.msk $0xffff, v6;
	v16 =	vor.u32 $0x2A, v13  }
0xee: {  	[tilespmem:v17+s2+$0x0] =	vst.idx.msk $0xffff, v6;
	v17 =	vor.u32 $0x2B, v13  }
0xef: {  	[tilespmem:v18+s2+$0x0] =	vst.idx.msk $0xffff, v6;
	v18 =	vor.u32 $0x2C, v13  }
0xf0: {  	[tilespmem:v14+s2+$0x0] =	vst.idx.msk $0xffff, v6;
	v14 =	vor.u32 $0x2D, v13  }
0xf1: {  	[tilespmem:v15+s2+$0x0] =	vst.idx.msk $0xffff, v6;
	v15 =	vor.u32 $0x2E, v13  }
0xf2: {  	[tilespmem:v16+s2+$0x0] =	vst.idx.msk $0xffff, v6;
	v16 =	vor.u32 $0x2F, v13  }
0xf3: {  	[tilespmem:v17+s2+$0x0] =	vst.idx.msk $0xffff, v6;
	v17 =	vor.u32 $0x30, v13  }
0xf4: {  	[tilespmem:v18+s2+$0x0] =	vst.idx.msk $0xffff, v6;
	v18 =	vor.u32 $0x31, v13  }
0xf5: {  	[tilespmem:v14+s2+$0x0] =	vst.idx.msk $0xffff, v6;
	v14 =	vor.u32 $0x32, v13  }
0xf6: {  	[tilespmem:v15+s2+$0x0] =	vst.idx.msk $0xffff, v6;
	v15 =	vor.u32 $0x33, v13  }
0xf7: {  	[tilespmem:v16+s2+$0x0] =	vst.idx.msk $0xffff, v6;
	v16 =	vor.u32 $0x34, v13  }
0xf8: {  	[tilespmem:v17+s2+$0x0] =	vst.idx.msk $0xffff, v6;
	v17 =	vor.u32 $0x35, v13  }
0xf9: {  	[tilespmem:v18+s2+$0x0] =	vst.idx.msk $0xffff, v6;
	v18 =	vor.u32 $0x36, v13  }
0xfa: {  	[tilespmem:v14+s2+$0x0] =	vst.idx.msk $0xffff, v6;
	v14 =	vor.u32 $0x37, v13  }
0xfb: {  	[tilespmem:v15+s2+$0x0] =	vst.idx.msk $0xffff, v6;
	v15 =	vor.u32 $0x38, v13  }
0xfc: {  	[tilespmem:v16+s2+$0x0] =	vst.idx.msk $0xffff, v6;
	v16 =	vor.u32 $0x39, v13  }
0xfd: {  	[tilespmem:v17+s2+$0x0] =	vst.idx.msk $0xffff, v6;
	v17 =	vor.u32 $0x3A, v13  }
0xfe: {  	[tilespmem:v18+s2+$0x0] =	vst.idx.msk $0xffff, v6;
	v18 =	vor.u32 $0x3B, v13  }
0xff: {  	[tilespmem:v14+s2+$0x0] =	vst.idx.msk $0xffff, v6;
	v14 =	vor.u32 $0x3C, v13  }
0x100: {  	[tilespmem:v15+s2+$0x0] =	vst.idx.msk $0xffff, v6;
	v15 =	vor.u32 $0x3D, v13  }
0x101: {  	[tilespmem:v16+s2+$0x0] =	vst.idx.msk $0xffff, v6;
	v16 =	vor.u32 $0x3E, v13  }
0x102: {  	[tilespmem:v17+s2+$0x0] =	vst.idx.msk $0xffff, v6;
	v17 =	vor.u32 $0x3F, v13  }
0x103: {  	[tilespmem:v18+s2+$0x0] =	vst.idx.msk $0xffff, v6;
	v18 =	vadd.s32 $0x40, v13  }
0x104: {  	[tilespmem:v14+s2+$0x0] =	vst.idx.msk $0xffff, v6;
	v14 =	vadd.s32 $0x41, v13  }
0x105: {  	[tilespmem:v15+s2+$0x0] =	vst.idx.msk $0xffff, v6;
	v15 =	vadd.s32 $0x42, v13  }
0x106: {  	[tilespmem:v16+s2+$0x0] =	vst.idx.msk $0xffff, v6;
	v16 =	vadd.s32 $0x43, v13  }
0x107: {  	[tilespmem:v17+s2+$0x0] =	vst.idx.msk $0xffff, v6;
	v17 =	vadd.s32 $0x44, v13  }
0x108: {  	[tilespmem:v18+s2+$0x0] =	vst.idx.msk $0xffff, v6;
	v18 =	vadd.s32 $0x45, v13  }
0x109: {  	[tilespmem:v14+s2+$0x0] =	vst.idx.msk $0xffff, v6;
	v14 =	vadd.s32 $0x46, v13  }
0x10a: {  	[tilespmem:v15+s2+$0x0] =	vst.idx.msk $0xffff, v6;
	v15 =	vadd.s32 $0x47, v13  }
0x10b: {  	[tilespmem:v16+s2+$0x0] =	vst.idx.msk $0xffff, v6;
	v16 =	vadd.s32 $0x48, v13  }
0x10c: {  	[tilespmem:v17+s2+$0x0] =	vst.idx.msk $0xffff, v6;
	v17 =	vadd.s32 $0x49, v13  }
0x10d: {  	[tilespmem:v18+s2+$0x0] =	vst.idx.msk $0xffff, v6;
	v18 =	vadd.s32 $0x4A, v13  }
0x10e: {  	[tilespmem:v14+s2+$0x0] =	vst.idx.msk $0xffff, v6;
	v14 =	vadd.s32 $0x4B, v13  }
0x10f: {  	[tilespmem:v15+s2+$0x0] =	vst.idx.msk $0xffff, v6;
	v15 =	vadd.s32 $0x4C, v13  }
0x110: {  	[tilespmem:v16+s2+$0x0] =	vst.idx.msk $0xffff, v6;
	v16 =	vadd.s32 $0x4D, v13  }
0x111: {  	[tilespmem:v17+s2+$0x0] =	vst.idx.msk $0xffff, v6;
	v17 =	vadd.s32 $0x4E, v13  }
0x112: {  	[tilespmem:v18+s2+$0x0] =	vst.idx.msk $0xffff, v6;
	v18 =	vadd.s32 $0x4F, v13  }
0x113: {  	[tilespmem:v14+s2+$0x0] =	vst.idx.msk $0xffff, v6;
	v14 =	vadd.s32 $0x50, v13  }
0x114: {  	[tilespmem:v15+s2+$0x0] =	vst.idx.msk $0xffff, v6;
	v15 =	vadd.s32 $0x51, v13  }
0x115: {  	[tilespmem:v16+s2+$0x0] =	vst.idx.msk $0xffff, v6;
	v16 =	vadd.s32 $0x52, v13  }
0x116: {  	[tilespmem:v17+s2+$0x0] =	vst.idx.msk $0xffff, v6;
	v17 =	vadd.s32 $0x53, v13  }
0x117: {  	[tilespmem:v18+s2+$0x0] =	vst.idx.msk $0xffff, v6;
	v18 =	vadd.s32 $0x54, v13  }
0x118: {  	[tilespmem:v14+s2+$0x0] =	vst.idx.msk $0xffff, v6;
	v14 =	vadd.s32 $0x55, v13  }
0x119: {  	[tilespmem:v15+s2+$0x0] =	vst.idx.msk $0xffff, v6;
	v15 =	vadd.s32 $0x56, v13  }
0x11a: {  	[tilespmem:v16+s2+$0x0] =	vst.idx.msk $0xffff, v6;
	v16 =	vadd.s32 $0x57, v13  }
0x11b: {  	[tilespmem:v17+s2+$0x0] =	vst.idx.msk $0xffff, v6;
	v17 =	vadd.s32 $0x58, v13  }
0x11c: {  	[tilespmem:v18+s2+$0x0] =	vst.idx.msk $0xffff, v6;
	v18 =	vadd.s32 $0x59, v13  }
0x11d: {  	[tilespmem:v14+s2+$0x0] =	vst.idx.msk $0xffff, v6;
	v14 =	vadd.s32 $0x5A, v13  }
0x11e: {  	[tilespmem:v15+s2+$0x0] =	vst.idx.msk $0xffff, v6;
	v15 =	vadd.s32 $0x5B, v13  }
0x11f: {  	[tilespmem:v16+s2+$0x0] =	vst.idx.msk $0xffff, v6;
	v16 =	vadd.s32 $0x5C, v13  }
0x120: {  	[tilespmem:v17+s2+$0x0] =	vst.idx.msk $0xffff, v6;
	v17 =	vadd.s32 $0x5D, v13  }
0x121: {  	[tilespmem:v18+s2+$0x0] =	vst.idx.msk $0xffff, v6;
	v18 =	vadd.s32 $0x5E, v13  }
0x122: {  	[tilespmem:v14+s2+$0x0] =	vst.idx.msk $0xffff, v6;
	v14 =	vadd.s32 $0x5F, v13  }
0x123: {  	[tilespmem:v15+s2+$0x0] =	vst.idx.msk $0xffff, v6;
	v15 =	vadd.s32 $0x60, v13  }
0x124: {  	[tilespmem:v16+s2+$0x0] =	vst.idx.msk $0xffff, v6;
	v16 =	vadd.s32 $0x61, v13  }
0x125: {  	[tilespmem:v17+s2+$0x0] =	vst.idx.msk $0xffff, v6;
	v17 =	vadd.s32 $0x62, v13  }
0x126: {  	[tilespmem:v18+s2+$0x0] =	vst.idx.msk $0xffff, v6;
	v18 =	vadd.s32 $0x63, v13  }
0x127: {  	[tilespmem:v14+s2+$0x0] =	vst.idx.msk $0xffff, v6;
	v14 =	vadd.s32 $0x64, v13  }
0x128: {  	[tilespmem:v15+s2+$0x0] =	vst.idx.msk $0xffff, v6;
	v15 =	vadd.s32 $0x65, v13  }
0x129: {  	[tilespmem:v16+s2+$0x0] =	vst.idx.msk $0xffff, v6;
	v16 =	vadd.s32 $0x66, v13  }
0x12a: {  	[tilespmem:v17+s2+$0x0] =	vst.idx.msk $0xffff, v6;
	v17 =	vadd.s32 $0x67, v13  }
0x12b: {  	[tilespmem:v18+s2+$0x0] =	vst.idx.msk $0xffff, v6;
	v18 =	vadd.s32 $0x68, v13  }
0x12c: {  	[tilespmem:v14+s2+$0x0] =	vst.idx.msk $0xffff, v6;
	v14 =	vadd.s32 $0x69, v13  }
0x12d: {  	[tilespmem:v15+s2+$0x0] =	vst.idx.msk $0xffff, v6;
	v15 =	vadd.s32 $0x6A, v13  }
0x12e: {  	[tilespmem:v16+s2+$0x0] =	vst.idx.msk $0xffff, v6;
	v16 =	vadd.s32 $0x6B, v13  }
0x12f: {  	[tilespmem:v17+s2+$0x0] =	vst.idx.msk $0xffff, v6;
	v17 =	vadd.s32 $0x6C, v13  }
0x130: {  	[tilespmem:v18+s2+$0x0] =	vst.idx.msk $0xffff, v6;
	v18 =	vadd.s32 $0x6D, v13  }
0x131: {  	[tilespmem:v14+s2+$0x0] =	vst.idx.msk $0xffff, v6;
	v14 =	vadd.s32 $0x6E, v13  }
0x132: {  	[tilespmem:v15+s2+$0x0] =	vst.idx.msk $0xffff, v6;
	v15 =	vadd.s32 $0x6F, v13  }
0x133: {  	[tilespmem:v16+s2+$0x0] =	vst.idx.msk $0xffff, v6;
	v16 =	vadd.s32 $0x70, v13  }
0x134: {  	[tilespmem:v17+s2+$0x0] =	vst.idx.msk $0xffff, v6;
	v17 =	vadd.s32 $0x71, v13  }
0x135: {  	[tilespmem:v18+s2+$0x0] =	vst.idx.msk $0xffff, v6;
	v18 =	vadd.s32 $0x72, v13  }
0x136: {  	[tilespmem:v14+s2+$0x0] =	vst.idx.msk $0xffff, v6;
	v14 =	vadd.s32 $0x73, v13  }
0x137: {  	[tilespmem:v15+s2+$0x0] =	vst.idx.msk $0xffff, v6;
	v15 =	vadd.s32 $0x74, v13  }
0x138: {  	[tilespmem:v16+s2+$0x0] =	vst.idx.msk $0xffff, v6;
	v16 =	vadd.s32 $0x75, v13  }
0x139: {  	[tilespmem:v17+s2+$0x0] =	vst.idx.msk $0xffff, v6;
	v17 =	vadd.s32 $0x76, v13  }
0x13a: {  	[tilespmem:v18+s2+$0x0] =	vst.idx.msk $0xffff, v6;
	v18 =	vadd.s32 $0x77, v13  }
0x13b: {  	[tilespmem:v14+s2+$0x0] =	vst.idx.msk $0xffff, v6;
	v14 =	vadd.s32 $0x78, v13  }
0x13c: {  	[tilespmem:v15+s2+$0x0] =	vst.idx.msk $0xffff, v6;
	v15 =	vadd.s32 $0x79, v13  }
0x13d: {  	[tilespmem:v16+s2+$0x0] =	vst.idx.msk $0xffff, v6;
	v16 =	vadd.s32 $0x7A, v13  }
0x13e: {  	[tilespmem:v17+s2+$0x0] =	vst.idx.msk $0xffff, v6;
	v17 =	vadd.s32 $0x7B, v13  }
0x13f: {  	[tilespmem:v18+s2+$0x0] =	vst.idx.msk $0xffff, v6;
	v18 =	vadd.s32 $0x7C, v13  }
0x140: {  	v19 =	vadd.s32 $0x7D, v13;
	[tilespmem:v14+s2+$0x0] =	vst.idx.msk $0xffff, v6  }
0x141: {  	[tilespmem:v15+s2+$0x0] =	vst.idx.msk $0xffff, v6;
	v15 =	vadd.s32 $0x7E, v13  }
0x142: {  	v13 =	vadd.s32 $0x7F, v13;
	[tilespmem:v16+s2+$0x0] =	vst.idx.msk $0xffff, v6  }
0x143: {  	v12 =	vshll.u32 v12, $0x4;
	[tilespmem:v17+s2+$0x0] =	vst.idx.msk $0xffff, v6  }
0x144: {  	v14 =	vor.u32 $0xF, v12;
	v16 =	vor.u32 $0x1, v12;
	[tilespmem:v18+s2+$0x0] =	vst.idx.msk $0xffff, v6  }
0x145: {  	v17 =	vor.u32 $0x2, v12;
	[tilespmem:v19+s2+$0x0] =	vst.idx.msk $0xffff, v6  }
0x146: {  	[tilespmem:v15+s2+$0x0] =	vst.idx.msk $0xffff, v6;
	v15 =	vor.u32 $0x3, v12  }
0x147: {  	[tilespmem:v13+s2+$0x0] =	vst.idx.msk $0xffff, v6;
	v13 =	vor.u32 $0x4, v12  }
0x148: {  	v18 =	vor.u32 $0x5, v12;
	[tilespmem:v12+s8+$0x0] =	vst.idx.msk $0xffff, v6  }
0x149: {  	[tilespmem:v16+s8+$0x0] =	vst.idx.msk $0xffff, v6;
	v16 =	vor.u32 $0x6, v12  }
0x14a: {  	[tilespmem:v17+s8+$0x0] =	vst.idx.msk $0xffff, v6;
	v17 =	vor.u32 $0x7, v12  }
0x14b: {  	v19 =	vor.u32 $0x8, v12;
	[tilespmem:v15+s8+$0x0] =	vst.idx.msk $0xffff, v6  }
0x14c: {  	v20 =	vor.u32 $0x9, v12;
	[tilespmem:v13+s8+$0x0] =	vst.idx.msk $0xffff, v6  }
.Ltmp0:
0x14d: {  	v13 =	vor.u32 $0xA, v12;
	[tilespmem:v18+s8+$0x0] =	vst.idx.msk $0xffff, v6;
	(pc) =	sbr.rel @p0 .LBB2_2-.Ltmp0, $4  }
0x14e: {  	v15 =	vor.u32 $0xB, v12;
	[tilespmem:v16+s8+$0x0] =	vst.idx.msk $0xffff, v6  }
0x14f: {  	v16 =	vor.u32 $0xC, v12;
	[tilespmem:v17+s8+$0x0] =	vst.idx.msk $0xffff, v6  }
0x150: {  	v17 =	vor.u32 $0xD, v12;
	[tilespmem:v19+s8+$0x0] =	vst.idx.msk $0xffff, v6  }
0x151: {  	v18 =	vor.u32 $0xE, v12;
	[tilespmem:v20+s8+$0x0] =	vst.idx.msk $0xffff, v6  }
0x152: {  	_ =	sdelay $0x3  }
0x153: {  	[tilespmem:v13+s8+$0x0] =	vst.idx.msk $0xffff, v6  }
0x154: {  	[tilespmem:v15+s8+$0x0] =	vst.idx.msk $0xffff, v6  }
0x155: {  	[tilespmem:v16+s8+$0x0] =	vst.idx.msk $0xffff, v6  }
0x156: {  	[tilespmem:v17+s8+$0x0] =	vst.idx.msk $0xffff, v6  }
0x157: {  	[tilespmem:v18+s8+$0x0] =	vst.idx.msk $0xffff, v6  }
0x158: {  	s0 =	rddreg [dreg:$0x5];
	[tilespmem:v14+s8+$0x0] =	vst.idx.msk $0xffff, v6  }
0x159: {  	[spmem:s0] =	stream.linear.scatter [tilespmem:s2], [sflag:$0x7], $0x1400, $0x38;
	[tilespmem:$0x133D0] =	vst v63  }
0x15a: {  	_ =	swait.ge [sflag:s9], $0x1400  }
0x15b: {  	[sflag:s9] =	ssyncset.done $0x0  }
0x15c: {  	s16 =	rddreg [dreg:$0x6];
	[sflag:s9] =	ssyncadd.s32 $0xFFFFEC00  }
0x15d: {  	[spmem:s16] =	stream.linear.scatter [tilespmem:s8], [sflag:$0x7], $0x500, $0x38;
	[tilespmem:$0x133D0] =	vst v63  }
0x15e: {  	_ =	swait.ge [sflag:s9], $0x500  }
0x15f: {  	[sflag:s9] =	ssyncset.done $0x0  }
0x160: {  	s26 =	rddreg [dreg:$0x7];
	[sflag:s9] =	ssyncadd.s32 $0xFFFFFB00  }
0x161: {  	[spmem:s26] =	stream.linear.scatter [tilespmem:s2], [sflag:$0x7], $0x1400, $0x38;
	[tilespmem:$0x133D0] =	vst v63  }
0x162: {  	_ =	swait.ge [sflag:s9], $0x1400  }
0x163: {  	[sflag:s9] =	ssyncset.done $0x0  }
0x164: {  	s3 =	rddreg [dreg:$0x8];
	[sflag:s9] =	ssyncadd.s32 $0xFFFFEC00  }
0x165: {  	[spmem:s3] =	stream.linear.scatter [tilespmem:s8], [sflag:$0x7], $0x500, $0x38;
	[tilespmem:$0x133D0] =	vst v63  }
0x166: {  	_ =	swait.ge [sflag:s9], $0x500  }
0x167: {  	[sflag:s9] =	ssyncset.done $0x0  }
0x168: {  	s16 =	rddreg [dreg:$0x9];
	[sflag:s9] =	ssyncadd.s32 $0xFFFFFB00  }
0x169: {  	[spmem:s16] =	stream.linear.scatter [tilespmem:s2], [sflag:$0x7], $0x1400, $0x38;
	[tilespmem:$0x133D0] =	vst v63  }
0x16a: {  	_ =	swait.ge [sflag:s9], $0x1400  }
0x16b: {  	[sflag:s9] =	ssyncset.done $0x0  }
0x16c: {  	s26 =	rddreg [dreg:$0xa];
	[sflag:s9] =	ssyncadd.s32 $0xFFFFEC00  }
0x16d: {  	[spmem:s26] =	stream.linear.scatter [tilespmem:s8], [sflag:$0x7], $0x500, $0x38;
	[tilespmem:$0x133D0] =	vst v63  }
0x16e: {  	_ =	swait.ge [sflag:s9], $0x500  }
0x16f: {  	[sflag:s9] =	ssyncset.done $0x0  }
0x170: {  	s3 =	rddreg [dreg:$0xb];
	[sflag:s9] =	ssyncadd.s32 $0xFFFFFB00  }
0x171: {  	[spmem:s3] =	stream.linear.scatter [tilespmem:s2], [sflag:$0x7], $0x1400, $0x38;
	[tilespmem:$0x133D0] =	vst v63  }
0x172: {  	_ =	swait.ge [sflag:s9], $0x1400  }
0x173: {  	[sflag:s9] =	ssyncset.done $0x0  }
0x174: {  	s16 =	rddreg [dreg:$0xc];
	[sflag:s9] =	ssyncadd.s32 $0xFFFFEC00  }
0x175: {  	[spmem:s16] =	stream.linear.scatter [tilespmem:s8], [sflag:$0x7], $0x500, $0x38;
	[tilespmem:$0x133D0] =	vst v63  }
0x176: {  	_ =	swait.ge [sflag:s9], $0x500  }
0x177: {  	[sflag:s9] =	ssyncset.done $0x0  }
0x178: {  	s26 =	rddreg [dreg:$0xd];
	[sflag:s9] =	ssyncadd.s32 $0xFFFFFB00  }
0x179: {  	[spmem:s26] =	stream.linear.scatter [tilespmem:s2], [sflag:$0x7], $0x1400, $0x38;
	[tilespmem:$0x133D0] =	vst v63  }
0x17a: {  	_ =	swait.ge [sflag:s9], $0x1400  }
0x17b: {  	[sflag:s9] =	ssyncset.done $0x0  }
0x17c: {  	s3 =	rddreg [dreg:$0xe];
	[sflag:s9] =	ssyncadd.s32 $0xFFFFEC00  }
0x17d: {  	[spmem:s3] =	stream.linear.scatter [tilespmem:s8], [sflag:$0x7], $0x500, $0x38;
	[tilespmem:$0x133D0] =	vst v63  }
0x17e: {  	_ =	swait.ge [sflag:s9], $0x500  }
0x17f: {  	[sflag:s9] =	ssyncset.done $0x0  }
0x180: {  	s16 =	rddreg [dreg:$0xf];
	[sflag:s9] =	ssyncadd.s32 $0xFFFFFB00  }
0x181: {  	[spmem:s16] =	stream.linear.scatter [tilespmem:s2], [sflag:$0x7], $0x1400, $0x38;
	[tilespmem:$0x133D0] =	vst v63  }
0x182: {  	_ =	swait.ge [sflag:s9], $0x1400  }
0x183: {  	[sflag:s9] =	ssyncset.done $0x0  }
0x184: {  	s26 =	rddreg [dreg:$0x10];
	[sflag:s9] =	ssyncadd.s32 $0xFFFFEC00  }
0x185: {  	[spmem:s26] =	stream.linear.scatter [tilespmem:s8], [sflag:$0x7], $0x500, $0x38;
	[tilespmem:$0x133D0] =	vst v63  }
0x186: {  	_ =	swait.ge [sflag:s9], $0x500  }
0x187: {  	[sflag:s9] =	ssyncset.done $0x0  }
0x188: {  	s3 =	rddreg [dreg:$0x11];
	[sflag:s9] =	ssyncadd.s32 $0xFFFFFB00  }
0x189: {  	[spmem:s3] =	stream.linear.scatter [tilespmem:s2], [sflag:$0x7], $0x1400, $0x38;
	[tilespmem:$0x133D0] =	vst v63  }
0x18a: {  	_ =	swait.ge [sflag:s9], $0x1400  }
0x18b: {  	[sflag:s9] =	ssyncset.done $0x0  }
0x18c: {  	s16 =	rddreg [dreg:$0x12];
	[sflag:s9] =	ssyncadd.s32 $0xFFFFEC00  }
0x18d: {  	[spmem:s16] =	stream.linear.scatter [tilespmem:s8], [sflag:$0x7], $0x500, $0x38;
	[tilespmem:$0x133D0] =	vst v63  }
0x18e: {  	_ =	swait.ge [sflag:s9], $0x500  }
0x18f: {  	[sflag:s9] =	ssyncset.done $0x0  }
0x190: {  	s26 =	rddreg [dreg:$0x13];
	[sflag:s9] =	ssyncadd.s32 $0xFFFFFB00  }
0x191: {  	[spmem:s26] =	stream.linear.scatter [tilespmem:s2], [sflag:$0x7], $0x1400, $0x38;
	[tilespmem:$0x133D0] =	vst v63  }
0x192: {  	_ =	swait.ge [sflag:s9], $0x1400  }
0x193: {  	[sflag:s9] =	ssyncset.done $0x0  }
0x194: {  	s3 =	rddreg [dreg:$0x14];
	[sflag:s9] =	ssyncadd.s32 $0xFFFFEC00  }
0x195: {  	[spmem:s3] =	stream.linear.scatter [tilespmem:s8], [sflag:$0x7], $0x500, $0x38;
	[tilespmem:$0x133D0] =	vst v63  }
0x196: {  	_ =	swait.ge [sflag:s9], $0x500  }
0x197: {  	[sflag:s9] =	ssyncset.done $0x0  }
0x198: {  	[sflag:s9] =	ssyncadd.s32 $0xFFFFFB00  }
0x199: {  	[bflag:$0x0] =	sbarrier.arrive $0xFFFF  }
0x19a: {  	s16 =	simm.s32 $0x0;
	s3 =	rddreg [dreg:$0x15]  }
0x19b: {  	[tilespmem:s16], [sflag:$0x7] =	stream.linear.gather [hbm4b:s3+s16], $0x50, $0x38;
	[tilespmem:$0x133D0] =	vst v63  }
0x19c: {  	_ =	swait.ge [sflag:s9], $0x50  }
0x19d: {  	[sflag:s9] =	ssyncset.done $0x0  }
0x19e: {  	[sflag:s9] =	ssyncadd.s32 $0xFFFFFFB0  }
0x19f: {  	v12 =	vld.idx.msk [tilespmem:v5+s16+$0x0], $0xffff;
	_ =	sdelay $0x4  }
0x1a0: {  	v13 =	vand.u32 $0x3FFF, v12  }
0x1a1: {  	v12 =	vshra.s32 v12, $0xE;
	[tilespmem:v5+s10+$0x0] =	vst.idx.msk $0xffff, v13  }
0x1a2: {  	[tilespmem:v5+s11+$0x0] =	vst.idx.msk $0xffff, v12;
	v12 =	vadd.s32 v0, v13  }
0x1a3: {  	[tilespmem:v5+s12+$0x0] =	vst.idx.msk $0xffff, v12  }
0x1a4: {  	v12 =	vld.idx.msk [tilespmem:v7+s16+$0x0], $0xffff;
	_ =	sdelay $0x4  }
0x1a5: {  	v13 =	vand.u32 $0x3FFF, v12  }
0x1a6: {  	v12 =	vshra.s32 v12, $0xE;
	[tilespmem:v7+s10+$0x0] =	vst.idx.msk $0xffff, v13  }
0x1a7: {  	[tilespmem:v7+s11+$0x0] =	vst.idx.msk $0xffff, v12;
	v12 =	vadd.s32 v0, v13  }
0x1a8: {  	[tilespmem:v7+s12+$0x0] =	vst.idx.msk $0xffff, v12  }
0x1a9: {  	v12 =	vld.idx.msk [tilespmem:v8+s16+$0x0], $0xffff;
	_ =	sdelay $0x4  }
0x1aa: {  	v13 =	vand.u32 $0x3FFF, v12  }
0x1ab: {  	v12 =	vshra.s32 v12, $0xE;
	[tilespmem:v8+s10+$0x0] =	vst.idx.msk $0xffff, v13  }
0x1ac: {  	[tilespmem:v8+s11+$0x0] =	vst.idx.msk $0xffff, v12;
	v12 =	vadd.s32 v0, v13  }
0x1ad: {  	[tilespmem:v8+s12+$0x0] =	vst.idx.msk $0xffff, v12  }
0x1ae: {  	v12 =	vld.idx.msk [tilespmem:v9+s16+$0x0], $0xffff;
	_ =	sdelay $0x4  }
0x1af: {  	v13 =	vand.u32 $0x3FFF, v12  }
0x1b0: {  	v12 =	vshra.s32 v12, $0xE;
	[tilespmem:v9+s10+$0x0] =	vst.idx.msk $0xffff, v13  }
0x1b1: {  	[tilespmem:v9+s11+$0x0] =	vst.idx.msk $0xffff, v12;
	v12 =	vadd.s32 v0, v13  }
0x1b2: {  	[tilespmem:v9+s12+$0x0] =	vst.idx.msk $0xffff, v12  }
0x1b3: {  	v12 =	vld.idx.msk [tilespmem:v10+s16+$0x0], $0xffff;
	_ =	sdelay $0x4  }
0x1b4: {  	v13 =	vand.u32 $0x3FFF, v12  }
0x1b5: {  	v12 =	vshra.s32 v12, $0xE;
	[tilespmem:v10+s10+$0x0] =	vst.idx.msk $0xffff, v13  }
0x1b6: {  	[tilespmem:v10+s11+$0x0] =	vst.idx.msk $0xffff, v12;
	v12 =	vadd.s32 v0, v13  }
0x1b7: {  	[tilespmem:v10+s12+$0x0] =	vst.idx.msk $0xffff, v12  }
0x1b8: {  	[tilespmem:s2], [sflag:$0x1] =	stream.indirect.gather [hbm4b:s4+s10], $0x40, s12, s10, $0xb8;
	[tilespmem:$0x133D0] =	vst v63  }
0x1b9: {  	_ = 	snop  }
0x1ba: {  	[tilespmem:s13], [sflag:$0x2] =	stream.indirect.gather [hbm4b:s6+s10], $0x10, s10, s10, $0xb8;
	[tilespmem:$0x133D0] =	vst v63  }
0x1bb: {  	v12 =	vmov s16  }
0x1bc: {  	v12 =	vshll.u32 v12, $0x4;
	[tilespmem:s14], [sflag:$0x2] =	stream.indirect.gather [hbm4b:s6+s10], $0x10, s11, s10, $0xb8;
	[tilespmem:$0x133D0] =	vst v63  }
0x1bd: {  	v13 =	vor.u32 v11, v12;
	_ =	swait.ge [sflag:s15], $0x500  }
0x1be: {  	v12 =	vor.u32 v1, v13;
	[sflag:s15] =	ssyncset.done $0x0  }
0x1bf: {  	v14 =	vor.u32 v2, v13;
	[sflag:s15] =	ssyncadd.s32 $0xFFFFFB00  }
0x1c0: {  	_ =	swait.ge [sflag:s15], $0x500  }
0x1c1: {  	[sflag:s15] =	ssyncset.done $0x0  }
0x1c2: {  	[sflag:s15] =	ssyncadd.s32 $0xFFFFFB00  }
0x1c3: {  	v12 =	vld.idx.msk [tilespmem:v12+s13+$0x0], $0xffff  }
0x1c4: {  	v14 =	vld.idx.msk [tilespmem:v14+s14+$0x0], $0xffff;
	_ =	sdelay $0x4  }
0x1c5: {  	v12 =	vadd.f32 v14, v12;
	_ =	sdelay $0x1  }
0x1c6: {  	v14 =	vmul.f32 $2.000000030e-01, v12  }
0x1c7: {  	vm0 =	vge.f32 v12, $0.0e+00  }
0x1c8: {  	v12 =	vsel vm0, v12, v14  }
0x1c9: {  	v12 =	vmul.f32 $1.442695020e+00, v12;
	_ =	sdelay $0x1  }
0x1ca: {  	(erf) = vpow2.f32 v12;
	_ =	sdelay $0x5  }
0x1cb: {  	v12 =	vor.u32 v3, v13  }
0x1cc: {  	v14 =	vor.u32 v4, v13;
	_ =	sdelay $0x1  }
0x1cd: {  	v15 =	vpop (erf)  }
0x1ce: {  	[tilespmem:v13+s8+$0x0] =	vst.idx.msk $0xffff, v15  }
0x1cf: {  	v12 =	vld.idx.msk [tilespmem:v12+s13+$0x0], $0xffff  }
0x1d0: {  	v14 =	vld.idx.msk [tilespmem:v14+s14+$0x0], $0xffff;
	_ =	sdelay $0x4  }
0x1d1: {  	v12 =	vadd.f32 v14, v12;
	_ =	sdelay $0x1  }
0x1d2: {  	v14 =	vmul.f32 $2.000000030e-01, v12  }
0x1d3: {  	vm15 =	vge.f32 v12, $0.0e+00  }
0x1d4: {  	v12 =	vsel vm15, v12, v14  }
0x1d5: {  	v12 =	vmul.f32 $1.442695020e+00, v12;
	_ =	sdelay $0x1  }
0x1d6: {  	(erf) = vpow2.f32 v12;
	_ =	sdelay $0x1  }
0x1d7: {  	s26 =	simm.s32 $0x10  }
0x1d8: {  	v14 =	vmov s26  }
0x1d9: {  	v14 =	vshll.u32 v14, $0x4  }
0x1da: {  	v13 =	vor.u32 $0x1, v13;
	v12 =	vor.u32 v11, v14  }
0x1db: {  	s0 =	simm.s32 $0x20;
	v15 =	vor.u32 v1, v12;
	v14 =	vor.u32 v2, v12  }
.LBB2_4:
0x1dc: {  	_ = 	snop  }
0x1dd: {  	p0 =	sne.s32 s0, $0x40;
	s3 =	smov.u32 s0;
	s0 =	sadd.s32 $0x10, s0  }
0x1de: {  	v16 =	vpop (erf)  }
0x1df: {  	[tilespmem:v13+s8+$0x0] =	vst.idx.msk $0xffff, v16  }
0x1e0: {  	v13 =	vld.idx.msk [tilespmem:v15+s13+$0x0], $0xffff  }
0x1e1: {  	v14 =	vld.idx.msk [tilespmem:v14+s14+$0x0], $0xffff;
	_ =	sdelay $0x5  }
0x1e2: {  	v13 =	vadd.f32 v14, v13;
	_ =	sdelay $0x1  }
0x1e3: {  	vm0 =	vge.f32 v13, $0.0e+00;
	v14 =	vmul.f32 $2.000000030e-01, v13;
	_ =	sdelay $0x1  }
0x1e4: {  	v13 =	vsel vm0, v13, v14  }
0x1e5: {  	v13 =	vmul.f32 $1.442695020e+00, v13;
	_ =	sdelay $0x1  }
0x1e6: {  	(erf) = vpow2.f32 v13;
	_ =	sdelay $0x5  }
0x1e7: {  	v14 =	vor.u32 v4, v12;
	v13 =	vor.u32 v3, v12;
	_ =	sdelay $0x2  }
0x1e8: {  	v15 =	vpop (erf)  }
0x1e9: {  	[tilespmem:v12+s8+$0x0] =	vst.idx.msk $0xffff, v15  }
0x1ea: {  	v13 =	vld.idx.msk [tilespmem:v13+s13+$0x0], $0xffff  }
0x1eb: {  	v14 =	vld.idx.msk [tilespmem:v14+s14+$0x0], $0xffff;
	_ =	sdelay $0x5  }
0x1ec: {  	v13 =	vadd.f32 v14, v13;
	_ =	sdelay $0x1  }
0x1ed: {  	vm0 =	vge.f32 v13, $0.0e+00;
	v14 =	vmul.f32 $2.000000030e-01, v13;
	_ =	sdelay $0x1  }
0x1ee: {  	v13 =	vsel vm0, v13, v14  }
0x1ef: {  	v13 =	vmul.f32 $1.442695020e+00, v13;
	_ =	sdelay $0x1  }
0x1f0: {  	(erf) = vpow2.f32 v13;
	_ =	sdelay $0x1  }
.Ltmp1:
0x1f1: {  	(pc) =	sbr.rel @p0 .LBB2_4-.Ltmp1, $4  }
0x1f2: {  	v14 =	vmov s3;
	v13 =	vor.u32 $0x1, v12  }
0x1f3: {  	v12 =	vshll.u32 v14, $0x4  }
0x1f4: {  	v12 =	vor.u32 v11, v12  }
0x1f5: {  	v15 =	vor.u32 v1, v12;
	v14 =	vor.u32 v2, v12  }
0x1f6: {  	_ =	sdelay $0x2  }
0x1f7: {  	v16 =	vpop (erf)  }
0x1f8: {  	[tilespmem:v13+s8+$0x0] =	vst.idx.msk $0xffff, v16  }
0x1f9: {  	v13 =	vld.idx.msk [tilespmem:v15+s13+$0x0], $0xffff  }
0x1fa: {  	v14 =	vld.idx.msk [tilespmem:v14+s14+$0x0], $0xffff;
	_ =	sdelay $0x4  }
0x1fb: {  	v13 =	vadd.f32 v14, v13;
	_ =	sdelay $0x1  }
0x1fc: {  	v14 =	vmul.f32 $2.000000030e-01, v13  }
0x1fd: {  	vm0 =	vge.f32 v13, $0.0e+00  }
0x1fe: {  	v13 =	vsel vm0, v13, v14  }
0x1ff: {  	v13 =	vmul.f32 $1.442695020e+00, v13;
	_ =	sdelay $0x1  }
0x200: {  	(erf) = vpow2.f32 v13;
	_ =	sdelay $0x5  }
0x201: {  	v60 =	vor.u32 v3, v12  }
0x202: {  	v61 =	vor.u32 v4, v12;
	_ =	sdelay $0x1  }
0x203: {  	v62 =	vpop (erf)  }
0x204: {  	[tilespmem:v12+s8+$0x0] =	vst.idx.msk $0xffff, v62  }
0x205: {  	v13 =	vld.idx.msk [tilespmem:v60+s13+$0x0], $0xffff  }
0x206: {  	v14 =	vld.idx.msk [tilespmem:v61+s14+$0x0], $0xffff;
	_ =	sdelay $0x4  }
0x207: {  	v13 =	vadd.f32 v14, v13;
	_ =	sdelay $0x1  }
0x208: {  	v14 =	vmul.f32 $2.000000030e-01, v13  }
0x209: {  	vm15 =	vge.f32 v13, $0.0e+00  }
0x20a: {  	v13 =	vsel vm15, v13, v14  }
0x20b: {  	v13 =	vmul.f32 $1.442695020e+00, v13;
	_ =	sdelay $0x1  }
0x20c: {  	(erf) = vpow2.f32 v13;
	_ =	sdelay $0x4  }
0x20d: {  	v63 =	vor.u32 $0x1, v12;
	_ =	sdelay $0x3  }
0x20e: {  	v13 =	vpop (erf)  }
0x20f: {  	s0 =	simm.s32 $0x1;
	[tilespmem:v63+s8+$0x0] =	vst.idx.msk $0xffff, v13  }
0x210: {  	_ =	swait.ge [sflag:s0], $0x1400  }
0x211: {  	[sflag:s0] =	ssyncset.done $0x0  }
0x212: {  	[sflag:s0] =	ssyncadd.s32 $0xFFFFEC00;
	s0 =	simm.s32 $0x0  }
.LBB2_6:
0x213: {  	v12 =	vor.u32 s0, v5  }
0x214: {  	v13 =	vshll.u32 v12, $0x4  }
0x215: {  	v12 =	vshll.u32 v12, $0x6;
	_ =	sdelay $0x3  }
0x216: {  	v14 =	vld.idx.msk [tilespmem:v13+s8+$0x0], $0xffff  }
0x217: {  	v15 =	vld.idx.msk [tilespmem:v12+s2+$0x0], $0xffff;
	_ =	sdelay $0x2  }
0x218: {  	v16 =	vor.u32 $0x1, v12;
	_ =	sdelay $0x1  }
0x219: {  	v15 =	vmul.f32 v15, v14;
	_ =	sdelay $0x1  }
0x21a: {  	[tilespmem:v12+s17+$0x0] =	vst.idx.msk $0xffff, v15  }
0x21b: {  	v15 =	vld.idx.msk [tilespmem:v16+s2+$0x0], $0xffff;
	_ =	sdelay $0x2  }
0x21c: {  	v17 =	vor.u32 $0x2, v12;
	_ =	sdelay $0x1  }
0x21d: {  	v15 =	vmul.f32 v15, v14;
	_ =	sdelay $0x1  }
0x21e: {  	[tilespmem:v16+s17+$0x0] =	vst.idx.msk $0xffff, v15  }
0x21f: {  	v15 =	vld.idx.msk [tilespmem:v17+s2+$0x0], $0xffff;
	_ =	sdelay $0x2  }
0x220: {  	v48 =	vor.u32 $0x3, v12;
	_ =	sdelay $0x1  }
0x221: {  	v15 =	vmul.f32 v15, v14;
	_ =	sdelay $0x1  }
0x222: {  	[tilespmem:v17+s17+$0x0] =	vst.idx.msk $0xffff, v15  }
0x223: {  	v15 =	vld.idx.msk [tilespmem:v48+s2+$0x0], $0xffff;
	_ =	sdelay $0x2  }
0x224: {  	v49 =	vor.u32 $0x4, v12;
	_ =	sdelay $0x1  }
0x225: {  	v15 =	vmul.f32 v15, v14;
	_ =	sdelay $0x1  }
0x226: {  	[tilespmem:v48+s17+$0x0] =	vst.idx.msk $0xffff, v15  }
0x227: {  	v15 =	vld.idx.msk [tilespmem:v49+s2+$0x0], $0xffff;
	_ =	sdelay $0x2  }
0x228: {  	v50 =	vor.u32 $0x5, v12;
	_ =	sdelay $0x1  }
0x229: {  	v15 =	vmul.f32 v15, v14;
	_ =	sdelay $0x1  }
0x22a: {  	[tilespmem:v49+s17+$0x0] =	vst.idx.msk $0xffff, v15  }
0x22b: {  	v15 =	vld.idx.msk [tilespmem:v50+s2+$0x0], $0xffff;
	_ =	sdelay $0x2  }
0x22c: {  	v51 =	vor.u32 $0x6, v12;
	_ =	sdelay $0x1  }
0x22d: {  	v15 =	vmul.f32 v15, v14;
	_ =	sdelay $0x1  }
0x22e: {  	[tilespmem:v50+s17+$0x0] =	vst.idx.msk $0xffff, v15  }
0x22f: {  	v15 =	vld.idx.msk [tilespmem:v51+s2+$0x0], $0xffff;
	_ =	sdelay $0x2  }
0x230: {  	v52 =	vor.u32 $0x7, v12;
	_ =	sdelay $0x1  }
0x231: {  	v15 =	vmul.f32 v15, v14;
	_ =	sdelay $0x1  }
0x232: {  	[tilespmem:v51+s17+$0x0] =	vst.idx.msk $0xffff, v15  }
0x233: {  	v15 =	vld.idx.msk [tilespmem:v52+s2+$0x0], $0xffff;
	_ =	sdelay $0x2  }
0x234: {  	v53 =	vor.u32 $0x8, v12;
	_ =	sdelay $0x1  }
0x235: {  	v15 =	vmul.f32 v15, v14;
	_ =	sdelay $0x1  }
0x236: {  	[tilespmem:v52+s17+$0x0] =	vst.idx.msk $0xffff, v15  }
0x237: {  	v15 =	vld.idx.msk [tilespmem:v53+s2+$0x0], $0xffff;
	_ =	sdelay $0x2  }
0x238: {  	v54 =	vor.u32 $0x9, v12;
	_ =	sdelay $0x1  }
0x239: {  	v15 =	vmul.f32 v15, v14;
	_ =	sdelay $0x1  }
0x23a: {  	[tilespmem:v53+s17+$0x0] =	vst.idx.msk $0xffff, v15  }
0x23b: {  	v15 =	vld.idx.msk [tilespmem:v54+s2+$0x0], $0xffff;
	_ =	sdelay $0x2  }
0x23c: {  	v55 =	vor.u32 $0xA, v12;
	_ =	sdelay $0x1  }
0x23d: {  	v15 =	vmul.f32 v15, v14;
	_ =	sdelay $0x1  }
0x23e: {  	[tilespmem:v54+s17+$0x0] =	vst.idx.msk $0xffff, v15  }
0x23f: {  	v15 =	vld.idx.msk [tilespmem:v55+s2+$0x0], $0xffff;
	_ =	sdelay $0x2  }
0x240: {  	v56 =	vor.u32 $0xB, v12;
	_ =	sdelay $0x1  }
0x241: {  	v15 =	vmul.f32 v15, v14;
	_ =	sdelay $0x1  }
0x242: {  	[tilespmem:v55+s17+$0x0] =	vst.idx.msk $0xffff, v15  }
0x243: {  	v15 =	vld.idx.msk [tilespmem:v56+s2+$0x0], $0xffff;
	_ =	sdelay $0x2  }
0x244: {  	v57 =	vor.u32 $0xC, v12;
	_ =	sdelay $0x1  }
0x245: {  	v15 =	vmul.f32 v15, v14;
	_ =	sdelay $0x1  }
0x246: {  	[tilespmem:v56+s17+$0x0] =	vst.idx.msk $0xffff, v15  }
0x247: {  	v15 =	vld.idx.msk [tilespmem:v57+s2+$0x0], $0xffff;
	_ =	sdelay $0x2  }
0x248: {  	v58 =	vor.u32 $0xD, v12;
	_ =	sdelay $0x1  }
0x249: {  	v15 =	vmul.f32 v15, v14;
	_ =	sdelay $0x1  }
0x24a: {  	[tilespmem:v57+s17+$0x0] =	vst.idx.msk $0xffff, v15  }
0x24b: {  	v15 =	vld.idx.msk [tilespmem:v58+s2+$0x0], $0xffff;
	_ =	sdelay $0x2  }
0x24c: {  	v59 =	vor.u32 $0xE, v12;
	_ =	sdelay $0x1  }
0x24d: {  	v15 =	vmul.f32 v15, v14;
	_ =	sdelay $0x1  }
0x24e: {  	[tilespmem:v58+s17+$0x0] =	vst.idx.msk $0xffff, v15  }
0x24f: {  	v15 =	vld.idx.msk [tilespmem:v59+s2+$0x0], $0xffff;
	_ =	sdelay $0x2  }
0x250: {  	v60 =	vor.u32 $0xF, v12;
	_ =	sdelay $0x1  }
0x251: {  	v15 =	vmul.f32 v15, v14;
	_ =	sdelay $0x1  }
0x252: {  	[tilespmem:v59+s17+$0x0] =	vst.idx.msk $0xffff, v15  }
0x253: {  	v15 =	vld.idx.msk [tilespmem:v60+s2+$0x0], $0xffff;
	_ =	sdelay $0x2  }
0x254: {  	v61 =	vor.u32 $0x10, v12;
	_ =	sdelay $0x1  }
0x255: {  	v15 =	vmul.f32 v15, v14;
	_ =	sdelay $0x1  }
0x256: {  	[tilespmem:v60+s17+$0x0] =	vst.idx.msk $0xffff, v15  }
0x257: {  	v15 =	vld.idx.msk [tilespmem:v61+s2+$0x0], $0xffff;
	_ =	sdelay $0x2  }
0x258: {  	v62 =	vor.u32 $0x11, v12;
	_ =	sdelay $0x1  }
0x259: {  	v15 =	vmul.f32 v15, v14;
	_ =	sdelay $0x1  }
0x25a: {  	[tilespmem:v61+s17+$0x0] =	vst.idx.msk $0xffff, v15  }
0x25b: {  	v15 =	vld.idx.msk [tilespmem:v62+s2+$0x0], $0xffff;
	_ =	sdelay $0x2  }
0x25c: {  	v63 =	vor.u32 $0x12, v12;
	_ =	sdelay $0x1  }
0x25d: {  	v15 =	vmul.f32 v15, v14;
	_ =	sdelay $0x1  }
0x25e: {  	[tilespmem:v62+s17+$0x0] =	vst.idx.msk $0xffff, v15  }
0x25f: {  	v15 =	vld.idx.msk [tilespmem:v63+s2+$0x0], $0xffff;
	_ =	sdelay $0x2  }
0x260: {  	v20 =	vor.u32 $0x13, v12;
	_ =	sdelay $0x1  }
0x261: {  	v15 =	vmul.f32 v15, v14;
	_ =	sdelay $0x1  }
0x262: {  	[tilespmem:v63+s17+$0x0] =	vst.idx.msk $0xffff, v15  }
0x263: {  	v15 =	vld.idx.msk [tilespmem:v20+s2+$0x0], $0xffff;
	_ =	sdelay $0x2  }
0x264: {  	v21 =	vor.u32 $0x14, v12;
	_ =	sdelay $0x1  }
0x265: {  	v15 =	vmul.f32 v15, v14;
	_ =	sdelay $0x1  }
0x266: {  	[tilespmem:v20+s17+$0x0] =	vst.idx.msk $0xffff, v15  }
0x267: {  	v15 =	vld.idx.msk [tilespmem:v21+s2+$0x0], $0xffff;
	_ =	sdelay $0x2  }
0x268: {  	v22 =	vor.u32 $0x15, v12;
	_ =	sdelay $0x1  }
0x269: {  	v15 =	vmul.f32 v15, v14;
	_ =	sdelay $0x1  }
0x26a: {  	[tilespmem:v21+s17+$0x0] =	vst.idx.msk $0xffff, v15  }
0x26b: {  	v15 =	vld.idx.msk [tilespmem:v22+s2+$0x0], $0xffff;
	_ =	sdelay $0x2  }
0x26c: {  	v23 =	vor.u32 $0x16, v12;
	_ =	sdelay $0x1  }
0x26d: {  	v15 =	vmul.f32 v15, v14;
	_ =	sdelay $0x1  }
0x26e: {  	[tilespmem:v22+s17+$0x0] =	vst.idx.msk $0xffff, v15  }
0x26f: {  	v15 =	vld.idx.msk [tilespmem:v23+s2+$0x0], $0xffff;
	_ =	sdelay $0x2  }
0x270: {  	v24 =	vor.u32 $0x17, v12;
	_ =	sdelay $0x1  }
0x271: {  	v15 =	vmul.f32 v15, v14;
	_ =	sdelay $0x1  }
0x272: {  	[tilespmem:v23+s17+$0x0] =	vst.idx.msk $0xffff, v15  }
0x273: {  	v15 =	vld.idx.msk [tilespmem:v24+s2+$0x0], $0xffff;
	_ =	sdelay $0x2  }
0x274: {  	v25 =	vor.u32 $0x18, v12;
	_ =	sdelay $0x1  }
0x275: {  	v15 =	vmul.f32 v15, v14;
	_ =	sdelay $0x1  }
0x276: {  	[tilespmem:v24+s17+$0x0] =	vst.idx.msk $0xffff, v15  }
0x277: {  	v15 =	vld.idx.msk [tilespmem:v25+s2+$0x0], $0xffff;
	_ =	sdelay $0x2  }
0x278: {  	v26 =	vor.u32 $0x19, v12;
	_ =	sdelay $0x1  }
0x279: {  	v15 =	vmul.f32 v15, v14;
	_ =	sdelay $0x1  }
0x27a: {  	[tilespmem:v25+s17+$0x0] =	vst.idx.msk $0xffff, v15  }
0x27b: {  	v15 =	vld.idx.msk [tilespmem:v26+s2+$0x0], $0xffff;
	_ =	sdelay $0x2  }
0x27c: {  	v27 =	vor.u32 $0x1A, v12;
	_ =	sdelay $0x1  }
0x27d: {  	v15 =	vmul.f32 v15, v14;
	_ =	sdelay $0x1  }
0x27e: {  	[tilespmem:v26+s17+$0x0] =	vst.idx.msk $0xffff, v15  }
0x27f: {  	v15 =	vld.idx.msk [tilespmem:v27+s2+$0x0], $0xffff;
	_ =	sdelay $0x2  }
0x280: {  	v28 =	vor.u32 $0x1B, v12;
	_ =	sdelay $0x1  }
0x281: {  	v15 =	vmul.f32 v15, v14;
	_ =	sdelay $0x1  }
0x282: {  	[tilespmem:v27+s17+$0x0] =	vst.idx.msk $0xffff, v15  }
0x283: {  	v15 =	vld.idx.msk [tilespmem:v28+s2+$0x0], $0xffff;
	_ =	sdelay $0x2  }
0x284: {  	v29 =	vor.u32 $0x1C, v12;
	_ =	sdelay $0x1  }
0x285: {  	v15 =	vmul.f32 v15, v14;
	_ =	sdelay $0x1  }
0x286: {  	[tilespmem:v28+s17+$0x0] =	vst.idx.msk $0xffff, v15  }
0x287: {  	v15 =	vld.idx.msk [tilespmem:v29+s2+$0x0], $0xffff;
	_ =	sdelay $0x2  }
0x288: {  	v30 =	vor.u32 $0x1D, v12;
	_ =	sdelay $0x1  }
0x289: {  	v15 =	vmul.f32 v15, v14;
	_ =	sdelay $0x1  }
0x28a: {  	[tilespmem:v29+s17+$0x0] =	vst.idx.msk $0xffff, v15  }
0x28b: {  	v15 =	vld.idx.msk [tilespmem:v30+s2+$0x0], $0xffff;
	_ =	sdelay $0x2  }
0x28c: {  	v31 =	vor.u32 $0x1E, v12;
	_ =	sdelay $0x1  }
0x28d: {  	v15 =	vmul.f32 v15, v14;
	_ =	sdelay $0x1  }
0x28e: {  	[tilespmem:v30+s17+$0x0] =	vst.idx.msk $0xffff, v15  }
0x28f: {  	v15 =	vld.idx.msk [tilespmem:v31+s2+$0x0], $0xffff;
	_ =	sdelay $0x2  }
0x290: {  	v32 =	vor.u32 $0x1F, v12;
	_ =	sdelay $0x1  }
0x291: {  	v15 =	vmul.f32 v15, v14;
	_ =	sdelay $0x1  }
0x292: {  	[tilespmem:v31+s17+$0x0] =	vst.idx.msk $0xffff, v15  }
0x293: {  	v15 =	vld.idx.msk [tilespmem:v32+s2+$0x0], $0xffff;
	_ =	sdelay $0x2  }
0x294: {  	v13 =	vor.u32 $0x1, v13  }
0x295: {  	v33 =	vor.u32 $0x20, v12  }
0x296: {  	v14 =	vmul.f32 v15, v14;
	_ =	sdelay $0x1  }
0x297: {  	[tilespmem:v32+s17+$0x0] =	vst.idx.msk $0xffff, v14  }
0x298: {  	v13 =	vld.idx.msk [tilespmem:v13+s8+$0x0], $0xffff  }
0x299: {  	v14 =	vld.idx.msk [tilespmem:v33+s2+$0x0], $0xffff;
	_ =	sdelay $0x2  }
0x29a: {  	v34 =	vor.u32 $0x21, v12;
	_ =	sdelay $0x1  }
0x29b: {  	v14 =	vmul.f32 v14, v13;
	_ =	sdelay $0x1  }
0x29c: {  	[tilespmem:v33+s17+$0x0] =	vst.idx.msk $0xffff, v14  }
0x29d: {  	v14 =	vld.idx.msk [tilespmem:v34+s2+$0x0], $0xffff;
	_ =	sdelay $0x2  }
0x29e: {  	v35 =	vor.u32 $0x22, v12;
	_ =	sdelay $0x1  }
0x29f: {  	v14 =	vmul.f32 v14, v13;
	_ =	sdelay $0x1  }
0x2a0: {  	[tilespmem:v34+s17+$0x0] =	vst.idx.msk $0xffff, v14  }
0x2a1: {  	v14 =	vld.idx.msk [tilespmem:v35+s2+$0x0], $0xffff;
	_ =	sdelay $0x2  }
0x2a2: {  	v36 =	vor.u32 $0x23, v12;
	_ =	sdelay $0x1  }
0x2a3: {  	v14 =	vmul.f32 v14, v13;
	_ =	sdelay $0x1  }
0x2a4: {  	[tilespmem:v35+s17+$0x0] =	vst.idx.msk $0xffff, v14  }
0x2a5: {  	v14 =	vld.idx.msk [tilespmem:v36+s2+$0x0], $0xffff;
	_ =	sdelay $0x2  }
0x2a6: {  	v37 =	vor.u32 $0x24, v12;
	_ =	sdelay $0x1  }
0x2a7: {  	v14 =	vmul.f32 v14, v13;
	_ =	sdelay $0x1  }
0x2a8: {  	[tilespmem:v36+s17+$0x0] =	vst.idx.msk $0xffff, v14  }
0x2a9: {  	v14 =	vld.idx.msk [tilespmem:v37+s2+$0x0], $0xffff;
	_ =	sdelay $0x2  }
0x2aa: {  	v38 =	vor.u32 $0x25, v12;
	_ =	sdelay $0x1  }
0x2ab: {  	v14 =	vmul.f32 v14, v13;
	_ =	sdelay $0x1  }
0x2ac: {  	[tilespmem:v37+s17+$0x0] =	vst.idx.msk $0xffff, v14  }
0x2ad: {  	v14 =	vld.idx.msk [tilespmem:v38+s2+$0x0], $0xffff;
	_ =	sdelay $0x2  }
0x2ae: {  	v39 =	vor.u32 $0x26, v12;
	_ =	sdelay $0x1  }
0x2af: {  	v14 =	vmul.f32 v14, v13;
	_ =	sdelay $0x1  }
0x2b0: {  	[tilespmem:v38+s17+$0x0] =	vst.idx.msk $0xffff, v14  }
0x2b1: {  	v14 =	vld.idx.msk [tilespmem:v39+s2+$0x0], $0xffff;
	_ =	sdelay $0x2  }
0x2b2: {  	v40 =	vor.u32 $0x27, v12;
	_ =	sdelay $0x1  }
0x2b3: {  	v14 =	vmul.f32 v14, v13;
	_ =	sdelay $0x1  }
0x2b4: {  	[tilespmem:v39+s17+$0x0] =	vst.idx.msk $0xffff, v14  }
0x2b5: {  	v14 =	vld.idx.msk [tilespmem:v40+s2+$0x0], $0xffff;
	_ =	sdelay $0x2  }
0x2b6: {  	v41 =	vor.u32 $0x28, v12;
	_ =	sdelay $0x1  }
0x2b7: {  	v14 =	vmul.f32 v14, v13;
	_ =	sdelay $0x1  }
0x2b8: {  	[tilespmem:v40+s17+$0x0] =	vst.idx.msk $0xffff, v14  }
0x2b9: {  	v14 =	vld.idx.msk [tilespmem:v41+s2+$0x0], $0xffff;
	_ =	sdelay $0x2  }
0x2ba: {  	v42 =	vor.u32 $0x29, v12;
	_ =	sdelay $0x1  }
0x2bb: {  	v14 =	vmul.f32 v14, v13;
	_ =	sdelay $0x1  }
0x2bc: {  	[tilespmem:v41+s17+$0x0] =	vst.idx.msk $0xffff, v14  }
0x2bd: {  	v14 =	vld.idx.msk [tilespmem:v42+s2+$0x0], $0xffff;
	_ =	sdelay $0x2  }
0x2be: {  	v43 =	vor.u32 $0x2A, v12;
	_ =	sdelay $0x1  }
0x2bf: {  	v14 =	vmul.f32 v14, v13;
	_ =	sdelay $0x1  }
0x2c0: {  	[tilespmem:v42+s17+$0x0] =	vst.idx.msk $0xffff, v14  }
0x2c1: {  	v14 =	vld.idx.msk [tilespmem:v43+s2+$0x0], $0xffff;
	_ =	sdelay $0x2  }
0x2c2: {  	v44 =	vor.u32 $0x2B, v12;
	_ =	sdelay $0x1  }
0x2c3: {  	v14 =	vmul.f32 v14, v13;
	_ =	sdelay $0x1  }
0x2c4: {  	[tilespmem:v43+s17+$0x0] =	vst.idx.msk $0xffff, v14  }
0x2c5: {  	v14 =	vld.idx.msk [tilespmem:v44+s2+$0x0], $0xffff;
	_ =	sdelay $0x2  }
0x2c6: {  	v45 =	vor.u32 $0x2C, v12;
	_ =	sdelay $0x1  }
0x2c7: {  	v14 =	vmul.f32 v14, v13;
	_ =	sdelay $0x1  }
0x2c8: {  	[tilespmem:v44+s17+$0x0] =	vst.idx.msk $0xffff, v14  }
0x2c9: {  	v14 =	vld.idx.msk [tilespmem:v45+s2+$0x0], $0xffff;
	_ =	sdelay $0x2  }
0x2ca: {  	v46 =	vor.u32 $0x2D, v12;
	_ =	sdelay $0x1  }
0x2cb: {  	v14 =	vmul.f32 v14, v13;
	_ =	sdelay $0x1  }
0x2cc: {  	[tilespmem:v45+s17+$0x0] =	vst.idx.msk $0xffff, v14  }
0x2cd: {  	v14 =	vld.idx.msk [tilespmem:v46+s2+$0x0], $0xffff;
	_ =	sdelay $0x2  }
0x2ce: {  	v47 =	vor.u32 $0x2E, v12;
	_ =	sdelay $0x1  }
0x2cf: {  	v14 =	vmul.f32 v14, v13;
	_ =	sdelay $0x1  }
0x2d0: {  	[tilespmem:v46+s17+$0x0] =	vst.idx.msk $0xffff, v14  }
0x2d1: {  	v14 =	vld.idx.msk [tilespmem:v47+s2+$0x0], $0xffff;
	_ =	sdelay $0x2  }
0x2d2: {  	v48 =	vor.u32 $0x2F, v12;
	_ =	sdelay $0x1  }
0x2d3: {  	v14 =	vmul.f32 v14, v13;
	_ =	sdelay $0x1  }
0x2d4: {  	[tilespmem:v47+s17+$0x0] =	vst.idx.msk $0xffff, v14  }
0x2d5: {  	v14 =	vld.idx.msk [tilespmem:v48+s2+$0x0], $0xffff;
	_ =	sdelay $0x2  }
0x2d6: {  	v49 =	vor.u32 $0x30, v12;
	_ =	sdelay $0x1  }
0x2d7: {  	v14 =	vmul.f32 v14, v13;
	_ =	sdelay $0x1  }
0x2d8: {  	[tilespmem:v48+s17+$0x0] =	vst.idx.msk $0xffff, v14  }
0x2d9: {  	v14 =	vld.idx.msk [tilespmem:v49+s2+$0x0], $0xffff;
	_ =	sdelay $0x2  }
0x2da: {  	v50 =	vor.u32 $0x31, v12;
	_ =	sdelay $0x1  }
0x2db: {  	v14 =	vmul.f32 v14, v13;
	_ =	sdelay $0x1  }
0x2dc: {  	[tilespmem:v49+s17+$0x0] =	vst.idx.msk $0xffff, v14  }
0x2dd: {  	v14 =	vld.idx.msk [tilespmem:v50+s2+$0x0], $0xffff;
	_ =	sdelay $0x2  }
0x2de: {  	v51 =	vor.u32 $0x32, v12;
	_ =	sdelay $0x1  }
0x2df: {  	v14 =	vmul.f32 v14, v13;
	_ =	sdelay $0x1  }
0x2e0: {  	[tilespmem:v50+s17+$0x0] =	vst.idx.msk $0xffff, v14  }
0x2e1: {  	v14 =	vld.idx.msk [tilespmem:v51+s2+$0x0], $0xffff;
	_ =	sdelay $0x2  }
0x2e2: {  	v52 =	vor.u32 $0x33, v12;
	_ =	sdelay $0x1  }
0x2e3: {  	v14 =	vmul.f32 v14, v13;
	_ =	sdelay $0x1  }
0x2e4: {  	[tilespmem:v51+s17+$0x0] =	vst.idx.msk $0xffff, v14  }
0x2e5: {  	v14 =	vld.idx.msk [tilespmem:v52+s2+$0x0], $0xffff;
	_ =	sdelay $0x2  }
0x2e6: {  	v53 =	vor.u32 $0x34, v12;
	_ =	sdelay $0x1  }
0x2e7: {  	v14 =	vmul.f32 v14, v13;
	_ =	sdelay $0x1  }
0x2e8: {  	[tilespmem:v52+s17+$0x0] =	vst.idx.msk $0xffff, v14  }
0x2e9: {  	v14 =	vld.idx.msk [tilespmem:v53+s2+$0x0], $0xffff;
	_ =	sdelay $0x2  }
0x2ea: {  	v54 =	vor.u32 $0x35, v12;
	_ =	sdelay $0x1  }
0x2eb: {  	v14 =	vmul.f32 v14, v13;
	_ =	sdelay $0x1  }
0x2ec: {  	[tilespmem:v53+s17+$0x0] =	vst.idx.msk $0xffff, v14  }
0x2ed: {  	v14 =	vld.idx.msk [tilespmem:v54+s2+$0x0], $0xffff;
	_ =	sdelay $0x2  }
0x2ee: {  	v55 =	vor.u32 $0x36, v12;
	_ =	sdelay $0x1  }
0x2ef: {  	v14 =	vmul.f32 v14, v13;
	_ =	sdelay $0x1  }
0x2f0: {  	[tilespmem:v54+s17+$0x0] =	vst.idx.msk $0xffff, v14  }
0x2f1: {  	v14 =	vld.idx.msk [tilespmem:v55+s2+$0x0], $0xffff;
	_ =	sdelay $0x2  }
0x2f2: {  	v56 =	vor.u32 $0x37, v12;
	_ =	sdelay $0x1  }
0x2f3: {  	v14 =	vmul.f32 v14, v13;
	_ =	sdelay $0x1  }
0x2f4: {  	[tilespmem:v55+s17+$0x0] =	vst.idx.msk $0xffff, v14  }
0x2f5: {  	v14 =	vld.idx.msk [tilespmem:v56+s2+$0x0], $0xffff;
	_ =	sdelay $0x2  }
0x2f6: {  	v57 =	vor.u32 $0x38, v12;
	_ =	sdelay $0x1  }
0x2f7: {  	v14 =	vmul.f32 v14, v13;
	_ =	sdelay $0x1  }
0x2f8: {  	[tilespmem:v56+s17+$0x0] =	vst.idx.msk $0xffff, v14  }
0x2f9: {  	v14 =	vld.idx.msk [tilespmem:v57+s2+$0x0], $0xffff;
	_ =	sdelay $0x2  }
0x2fa: {  	v58 =	vor.u32 $0x39, v12;
	_ =	sdelay $0x1  }
0x2fb: {  	v14 =	vmul.f32 v14, v13;
	_ =	sdelay $0x1  }
0x2fc: {  	[tilespmem:v57+s17+$0x0] =	vst.idx.msk $0xffff, v14  }
0x2fd: {  	v14 =	vld.idx.msk [tilespmem:v58+s2+$0x0], $0xffff;
	_ =	sdelay $0x2  }
0x2fe: {  	v59 =	vor.u32 $0x3A, v12;
	_ =	sdelay $0x1  }
0x2ff: {  	v14 =	vmul.f32 v14, v13;
	_ =	sdelay $0x1  }
0x300: {  	[tilespmem:v58+s17+$0x0] =	vst.idx.msk $0xffff, v14  }
0x301: {  	v14 =	vld.idx.msk [tilespmem:v59+s2+$0x0], $0xffff;
	_ =	sdelay $0x2  }
0x302: {  	v60 =	vor.u32 $0x3B, v12;
	_ =	sdelay $0x1  }
0x303: {  	v14 =	vmul.f32 v14, v13;
	_ =	sdelay $0x1  }
0x304: {  	[tilespmem:v59+s17+$0x0] =	vst.idx.msk $0xffff, v14  }
0x305: {  	v14 =	vld.idx.msk [tilespmem:v60+s2+$0x0], $0xffff;
	_ =	sdelay $0x2  }
0x306: {  	v61 =	vor.u32 $0x3C, v12;
	_ =	sdelay $0x1  }
0x307: {  	v14 =	vmul.f32 v14, v13;
	_ =	sdelay $0x1  }
0x308: {  	[tilespmem:v60+s17+$0x0] =	vst.idx.msk $0xffff, v14  }
0x309: {  	v14 =	vld.idx.msk [tilespmem:v61+s2+$0x0], $0xffff;
	_ =	sdelay $0x2  }
0x30a: {  	v62 =	vor.u32 $0x3D, v12;
	_ =	sdelay $0x1  }
0x30b: {  	v14 =	vmul.f32 v14, v13;
	_ =	sdelay $0x1  }
0x30c: {  	[tilespmem:v61+s17+$0x0] =	vst.idx.msk $0xffff, v14  }
0x30d: {  	v14 =	vld.idx.msk [tilespmem:v62+s2+$0x0], $0xffff;
	_ =	sdelay $0x2  }
0x30e: {  	v63 =	vor.u32 $0x3E, v12;
	_ =	sdelay $0x1  }
0x30f: {  	v14 =	vmul.f32 v14, v13;
	_ =	sdelay $0x1  }
0x310: {  	[tilespmem:v62+s17+$0x0] =	vst.idx.msk $0xffff, v14  }
0x311: {  	v14 =	vld.idx.msk [tilespmem:v63+s2+$0x0], $0xffff;
	_ =	sdelay $0x2  }
0x312: {  	v12 =	vor.u32 $0x3F, v12;
	_ =	sdelay $0x1  }
0x313: {  	v14 =	vmul.f32 v14, v13;
	_ =	sdelay $0x1  }
0x314: {  	[tilespmem:v63+s17+$0x0] =	vst.idx.msk $0xffff, v14  }
0x315: {  	v14 =	vld.idx.msk [tilespmem:v12+s2+$0x0], $0xffff;
	_ =	sdelay $0x1  }
0x316: {  	p0 =	sne.s32 s0, $0x40  }
.Ltmp2:
0x317: {  	_ = 	snop;
	(pc) =	sbr.rel @p0 .LBB2_6-.Ltmp2, $3  }
0x318: {  	_ = 	snop  }
0x319: {  	v13 =	vmul.f32 v14, v13;
	_ =	sdelay $0x1  }
0x31a: {  	s0 =	sadd.s32 $0x10, s0;
	[tilespmem:v12+s17+$0x0] =	vst.idx.msk $0xffff, v13  }
0x31b: {  	s0 =	rddreg [dreg:$0x2]  }
0x31c: {  	[spmem:s0] =	stream.indirect.scatter.add.f32 [tilespmem:s17], [sflag:$0x3], $0x40, s11, s10, $0xb8;
	[tilespmem:$0x133D0] =	vst v63  }
0x31d: {  	s3 =	rddreg [dreg:$0x3]  }
0x31e: {  	[spmem:s3] =	stream.indirect.scatter.add.f32 [tilespmem:s8], [sflag:$0x3], $0x10, s11, s10, $0xb8;
	[tilespmem:$0x133D0] =	vst v63  }
0x31f: {  	s16 =	simm.s32 $0x0;
	s3 =	rddreg [dreg:$0x1d]  }
0x320: {  	[tilespmem:s18], [sflag:$0x7] =	stream.linear.gather [hbm4b:s3+s16], $0x50, $0x38;
	[tilespmem:$0x133D0] =	vst v63  }
0x321: {  	_ =	swait.ge [sflag:s9], $0x50  }
0x322: {  	[sflag:s9] =	ssyncset.done $0x0  }
0x323: {  	[sflag:s9] =	ssyncadd.s32 $0xFFFFFFB0  }
0x324: {  	v12 =	vld.idx.msk [tilespmem:v5+s18+$0x0], $0xffff;
	_ =	sdelay $0x4  }
0x325: {  	v13 =	vand.u32 $0x3FFF, v12  }
0x326: {  	v12 =	vshra.s32 v12, $0xE;
	[tilespmem:v5+s19+$0x0] =	vst.idx.msk $0xffff, v13  }
0x327: {  	[tilespmem:v5+s20+$0x0] =	vst.idx.msk $0xffff, v12;
	v12 =	vadd.s32 v0, v13  }
0x328: {  	[tilespmem:v5+s21+$0x0] =	vst.idx.msk $0xffff, v12  }
0x329: {  	v12 =	vld.idx.msk [tilespmem:v7+s18+$0x0], $0xffff;
	_ =	sdelay $0x4  }
0x32a: {  	v13 =	vand.u32 $0x3FFF, v12  }
0x32b: {  	v12 =	vshra.s32 v12, $0xE;
	[tilespmem:v7+s19+$0x0] =	vst.idx.msk $0xffff, v13  }
0x32c: {  	[tilespmem:v7+s20+$0x0] =	vst.idx.msk $0xffff, v12;
	v12 =	vadd.s32 v0, v13  }
0x32d: {  	[tilespmem:v7+s21+$0x0] =	vst.idx.msk $0xffff, v12  }
0x32e: {  	v12 =	vld.idx.msk [tilespmem:v8+s18+$0x0], $0xffff;
	_ =	sdelay $0x4  }
0x32f: {  	v13 =	vand.u32 $0x3FFF, v12  }
0x330: {  	v12 =	vshra.s32 v12, $0xE;
	[tilespmem:v8+s19+$0x0] =	vst.idx.msk $0xffff, v13  }
0x331: {  	[tilespmem:v8+s20+$0x0] =	vst.idx.msk $0xffff, v12;
	v12 =	vadd.s32 v0, v13  }
0x332: {  	[tilespmem:v8+s21+$0x0] =	vst.idx.msk $0xffff, v12  }
0x333: {  	v12 =	vld.idx.msk [tilespmem:v9+s18+$0x0], $0xffff;
	_ =	sdelay $0x4  }
0x334: {  	v13 =	vand.u32 $0x3FFF, v12  }
0x335: {  	v12 =	vshra.s32 v12, $0xE;
	[tilespmem:v9+s19+$0x0] =	vst.idx.msk $0xffff, v13  }
0x336: {  	[tilespmem:v9+s20+$0x0] =	vst.idx.msk $0xffff, v12;
	v12 =	vadd.s32 v0, v13  }
0x337: {  	[tilespmem:v9+s21+$0x0] =	vst.idx.msk $0xffff, v12  }
0x338: {  	v12 =	vld.idx.msk [tilespmem:v10+s18+$0x0], $0xffff;
	_ =	sdelay $0x4  }
0x339: {  	v13 =	vand.u32 $0x3FFF, v12  }
0x33a: {  	v12 =	vshra.s32 v12, $0xE;
	[tilespmem:v10+s19+$0x0] =	vst.idx.msk $0xffff, v13  }
0x33b: {  	[tilespmem:v10+s20+$0x0] =	vst.idx.msk $0xffff, v12;
	v12 =	vadd.s32 v0, v13  }
0x33c: {  	[tilespmem:v10+s21+$0x0] =	vst.idx.msk $0xffff, v12  }
0x33d: {  	[tilespmem:s22], [sflag:$0x4] =	stream.indirect.gather [hbm4b:s4+s10], $0x40, s21, s10, $0xb8;
	[tilespmem:$0x133D0] =	vst v63  }
0x33e: {  	_ = 	snop  }
0x33f: {  	[tilespmem:s23], [sflag:$0x5] =	stream.indirect.gather [hbm4b:s6+s10], $0x10, s19, s10, $0xb8;
	[tilespmem:$0x133D0] =	vst v63  }
0x340: {  	v12 =	vmov s16  }
0x341: {  	v12 =	vshll.u32 v12, $0x4;
	[tilespmem:s28], [sflag:$0x5] =	stream.indirect.gather [hbm4b:s6+s10], $0x10, s20, s10, $0xb8;
	[tilespmem:$0x133D0] =	vst v63  }
0x342: {  	v13 =	vor.u32 v11, v12;
	_ =	swait.ge [sflag:s29], $0x500  }
0x343: {  	v12 =	vor.u32 v1, v13;
	[sflag:s29] =	ssyncset.done $0x0  }
0x344: {  	v14 =	vor.u32 v2, v13;
	[sflag:s29] =	ssyncadd.s32 $0xFFFFFB00  }
0x345: {  	_ =	swait.ge [sflag:s29], $0x500  }
0x346: {  	[sflag:s29] =	ssyncset.done $0x0  }
0x347: {  	[sflag:s29] =	ssyncadd.s32 $0xFFFFFB00  }
0x348: {  	v12 =	vld.idx.msk [tilespmem:v12+s23+$0x0], $0xffff  }
0x349: {  	v14 =	vld.idx.msk [tilespmem:v14+s28+$0x0], $0xffff;
	_ =	sdelay $0x4  }
0x34a: {  	v12 =	vadd.f32 v14, v12;
	_ =	sdelay $0x1  }
0x34b: {  	v14 =	vmul.f32 $2.000000030e-01, v12  }
0x34c: {  	vm0 =	vge.f32 v12, $0.0e+00  }
0x34d: {  	v12 =	vsel vm0, v12, v14  }
0x34e: {  	v12 =	vmul.f32 $1.442695020e+00, v12;
	_ =	sdelay $0x1  }
0x34f: {  	(erf) = vpow2.f32 v12;
	_ =	sdelay $0x5  }
0x350: {  	v12 =	vor.u32 v3, v13  }
0x351: {  	v14 =	vor.u32 v4, v13;
	_ =	sdelay $0x1  }
0x352: {  	v15 =	vpop (erf)  }
0x353: {  	[tilespmem:v13+s30+$0x0] =	vst.idx.msk $0xffff, v15  }
0x354: {  	v12 =	vld.idx.msk [tilespmem:v12+s23+$0x0], $0xffff  }
0x355: {  	v14 =	vld.idx.msk [tilespmem:v14+s28+$0x0], $0xffff;
	_ =	sdelay $0x4  }
0x356: {  	v12 =	vadd.f32 v14, v12;
	_ =	sdelay $0x1  }
0x357: {  	v14 =	vmul.f32 $2.000000030e-01, v12  }
0x358: {  	vm15 =	vge.f32 v12, $0.0e+00  }
0x359: {  	v12 =	vsel vm15, v12, v14  }
0x35a: {  	v12 =	vmul.f32 $1.442695020e+00, v12;
	_ =	sdelay $0x1  }
0x35b: {  	(erf) = vpow2.f32 v12;
	_ =	sdelay $0x1  }
0x35c: {  	s26 =	simm.s32 $0x10  }
0x35d: {  	v14 =	vmov s26  }
0x35e: {  	v14 =	vshll.u32 v14, $0x4  }
0x35f: {  	v13 =	vor.u32 $0x1, v13;
	v12 =	vor.u32 v11, v14  }
0x360: {  	s0 =	simm.s32 $0x20;
	v15 =	vor.u32 v1, v12;
	v14 =	vor.u32 v2, v12  }
.LBB2_8:
0x361: {  	_ = 	snop  }
0x362: {  	p0 =	sne.s32 s0, $0x40;
	s3 =	smov.u32 s0;
	s0 =	sadd.s32 $0x10, s0  }
0x363: {  	v16 =	vpop (erf)  }
0x364: {  	[tilespmem:v13+s30+$0x0] =	vst.idx.msk $0xffff, v16  }
0x365: {  	v13 =	vld.idx.msk [tilespmem:v15+s23+$0x0], $0xffff  }
0x366: {  	v14 =	vld.idx.msk [tilespmem:v14+s28+$0x0], $0xffff;
	_ =	sdelay $0x5  }
0x367: {  	v13 =	vadd.f32 v14, v13;
	_ =	sdelay $0x1  }
0x368: {  	vm0 =	vge.f32 v13, $0.0e+00;
	v14 =	vmul.f32 $2.000000030e-01, v13;
	_ =	sdelay $0x1  }
0x369: {  	v13 =	vsel vm0, v13, v14  }
0x36a: {  	v13 =	vmul.f32 $1.442695020e+00, v13;
	_ =	sdelay $0x1  }
0x36b: {  	(erf) = vpow2.f32 v13;
	_ =	sdelay $0x5  }
0x36c: {  	v14 =	vor.u32 v4, v12;
	v13 =	vor.u32 v3, v12;
	_ =	sdelay $0x2  }
0x36d: {  	v15 =	vpop (erf)  }
0x36e: {  	[tilespmem:v12+s30+$0x0] =	vst.idx.msk $0xffff, v15  }
0x36f: {  	v13 =	vld.idx.msk [tilespmem:v13+s23+$0x0], $0xffff  }
0x370: {  	v14 =	vld.idx.msk [tilespmem:v14+s28+$0x0], $0xffff;
	_ =	sdelay $0x5  }
0x371: {  	v13 =	vadd.f32 v14, v13;
	_ =	sdelay $0x1  }
0x372: {  	vm0 =	vge.f32 v13, $0.0e+00;
	v14 =	vmul.f32 $2.000000030e-01, v13;
	_ =	sdelay $0x1  }
0x373: {  	v13 =	vsel vm0, v13, v14  }
0x374: {  	v13 =	vmul.f32 $1.442695020e+00, v13;
	_ =	sdelay $0x1  }
0x375: {  	(erf) = vpow2.f32 v13;
	_ =	sdelay $0x1  }
.Ltmp3:
0x376: {  	(pc) =	sbr.rel @p0 .LBB2_8-.Ltmp3, $4  }
0x377: {  	v14 =	vmov s3;
	v13 =	vor.u32 $0x1, v12  }
0x378: {  	v12 =	vshll.u32 v14, $0x4  }
0x379: {  	v12 =	vor.u32 v11, v12  }
0x37a: {  	v15 =	vor.u32 v1, v12;
	v14 =	vor.u32 v2, v12  }
0x37b: {  	_ =	sdelay $0x2  }
0x37c: {  	v16 =	vpop (erf)  }
0x37d: {  	[tilespmem:v13+s30+$0x0] =	vst.idx.msk $0xffff, v16  }
0x37e: {  	v13 =	vld.idx.msk [tilespmem:v15+s23+$0x0], $0xffff  }
0x37f: {  	v14 =	vld.idx.msk [tilespmem:v14+s28+$0x0], $0xffff;
	_ =	sdelay $0x4  }
0x380: {  	v13 =	vadd.f32 v14, v13;
	_ =	sdelay $0x1  }
0x381: {  	v14 =	vmul.f32 $2.000000030e-01, v13  }
0x382: {  	vm0 =	vge.f32 v13, $0.0e+00  }
0x383: {  	v13 =	vsel vm0, v13, v14  }
0x384: {  	v13 =	vmul.f32 $1.442695020e+00, v13;
	_ =	sdelay $0x1  }
0x385: {  	(erf) = vpow2.f32 v13;
	_ =	sdelay $0x5  }
0x386: {  	v60 =	vor.u32 v3, v12  }
0x387: {  	v61 =	vor.u32 v4, v12;
	_ =	sdelay $0x1  }
0x388: {  	v62 =	vpop (erf)  }
0x389: {  	[tilespmem:v12+s30+$0x0] =	vst.idx.msk $0xffff, v62  }
0x38a: {  	v13 =	vld.idx.msk [tilespmem:v60+s23+$0x0], $0xffff  }
0x38b: {  	v14 =	vld.idx.msk [tilespmem:v61+s28+$0x0], $0xffff;
	_ =	sdelay $0x4  }
0x38c: {  	v13 =	vadd.f32 v14, v13;
	_ =	sdelay $0x1  }
0x38d: {  	v14 =	vmul.f32 $2.000000030e-01, v13  }
0x38e: {  	vm15 =	vge.f32 v13, $0.0e+00  }
0x38f: {  	v13 =	vsel vm15, v13, v14  }
0x390: {  	v13 =	vmul.f32 $1.442695020e+00, v13;
	_ =	sdelay $0x1  }
0x391: {  	(erf) = vpow2.f32 v13;
	_ =	sdelay $0x4  }
0x392: {  	v63 =	vor.u32 $0x1, v12;
	_ =	sdelay $0x3  }
0x393: {  	v13 =	vpop (erf)  }
0x394: {  	[tilespmem:v63+s30+$0x0] =	vst.idx.msk $0xffff, v13  }
0x395: {  	_ =	swait.ge [sflag:s31], $0x1400  }
0x396: {  	[sflag:s31] =	ssyncset.done $0x0  }
0x397: {  	s0 =	simm.s32 $0x0;
	[sflag:s31] =	ssyncadd.s32 $0xFFFFEC00  }
.LBB2_10:
0x398: {  	v12 =	vor.u32 s0, v5  }
0x399: {  	v13 =	vshll.u32 v12, $0x4  }
0x39a: {  	v12 =	vshll.u32 v12, $0x6;
	_ =	sdelay $0x3  }
0x39b: {  	v14 =	vld.idx.msk [tilespmem:v13+s30+$0x0], $0xffff  }
0x39c: {  	v15 =	vld.idx.msk [tilespmem:v12+s22+$0x0], $0xffff;
	_ =	sdelay $0x2  }
0x39d: {  	v16 =	vor.u32 $0x1, v12;
	_ =	sdelay $0x1  }
0x39e: {  	v15 =	vmul.f32 v15, v14;
	_ =	sdelay $0x1  }
0x39f: {  	[tilespmem:v12+s1+$0x0] =	vst.idx.msk $0xffff, v15  }
0x3a0: {  	v15 =	vld.idx.msk [tilespmem:v16+s22+$0x0], $0xffff;
	_ =	sdelay $0x2  }
0x3a1: {  	v17 =	vor.u32 $0x2, v12;
	_ =	sdelay $0x1  }
0x3a2: {  	v15 =	vmul.f32 v15, v14;
	_ =	sdelay $0x1  }
0x3a3: {  	[tilespmem:v16+s1+$0x0] =	vst.idx.msk $0xffff, v15  }
0x3a4: {  	v15 =	vld.idx.msk [tilespmem:v17+s22+$0x0], $0xffff;
	_ =	sdelay $0x2  }
0x3a5: {  	v48 =	vor.u32 $0x3, v12;
	_ =	sdelay $0x1  }
0x3a6: {  	v15 =	vmul.f32 v15, v14;
	_ =	sdelay $0x1  }
0x3a7: {  	[tilespmem:v17+s1+$0x0] =	vst.idx.msk $0xffff, v15  }
0x3a8: {  	v15 =	vld.idx.msk [tilespmem:v48+s22+$0x0], $0xffff;
	_ =	sdelay $0x2  }
0x3a9: {  	v49 =	vor.u32 $0x4, v12;
	_ =	sdelay $0x1  }
0x3aa: {  	v15 =	vmul.f32 v15, v14;
	_ =	sdelay $0x1  }
0x3ab: {  	[tilespmem:v48+s1+$0x0] =	vst.idx.msk $0xffff, v15  }
0x3ac: {  	v15 =	vld.idx.msk [tilespmem:v49+s22+$0x0], $0xffff;
	_ =	sdelay $0x2  }
0x3ad: {  	v50 =	vor.u32 $0x5, v12;
	_ =	sdelay $0x1  }
0x3ae: {  	v15 =	vmul.f32 v15, v14;
	_ =	sdelay $0x1  }
0x3af: {  	[tilespmem:v49+s1+$0x0] =	vst.idx.msk $0xffff, v15  }
0x3b0: {  	v15 =	vld.idx.msk [tilespmem:v50+s22+$0x0], $0xffff;
	_ =	sdelay $0x2  }
0x3b1: {  	v51 =	vor.u32 $0x6, v12;
	_ =	sdelay $0x1  }
0x3b2: {  	v15 =	vmul.f32 v15, v14;
	_ =	sdelay $0x1  }
0x3b3: {  	[tilespmem:v50+s1+$0x0] =	vst.idx.msk $0xffff, v15  }
0x3b4: {  	v15 =	vld.idx.msk [tilespmem:v51+s22+$0x0], $0xffff;
	_ =	sdelay $0x2  }
0x3b5: {  	v52 =	vor.u32 $0x7, v12;
	_ =	sdelay $0x1  }
0x3b6: {  	v15 =	vmul.f32 v15, v14;
	_ =	sdelay $0x1  }
0x3b7: {  	[tilespmem:v51+s1+$0x0] =	vst.idx.msk $0xffff, v15  }
0x3b8: {  	v15 =	vld.idx.msk [tilespmem:v52+s22+$0x0], $0xffff;
	_ =	sdelay $0x2  }
0x3b9: {  	v53 =	vor.u32 $0x8, v12;
	_ =	sdelay $0x1  }
0x3ba: {  	v15 =	vmul.f32 v15, v14;
	_ =	sdelay $0x1  }
0x3bb: {  	[tilespmem:v52+s1+$0x0] =	vst.idx.msk $0xffff, v15  }
0x3bc: {  	v15 =	vld.idx.msk [tilespmem:v53+s22+$0x0], $0xffff;
	_ =	sdelay $0x2  }
0x3bd: {  	v54 =	vor.u32 $0x9, v12;
	_ =	sdelay $0x1  }
0x3be: {  	v15 =	vmul.f32 v15, v14;
	_ =	sdelay $0x1  }
0x3bf: {  	[tilespmem:v53+s1+$0x0] =	vst.idx.msk $0xffff, v15  }
0x3c0: {  	v15 =	vld.idx.msk [tilespmem:v54+s22+$0x0], $0xffff;
	_ =	sdelay $0x2  }
0x3c1: {  	v55 =	vor.u32 $0xA, v12;
	_ =	sdelay $0x1  }
0x3c2: {  	v15 =	vmul.f32 v15, v14;
	_ =	sdelay $0x1  }
0x3c3: {  	[tilespmem:v54+s1+$0x0] =	vst.idx.msk $0xffff, v15  }
0x3c4: {  	v15 =	vld.idx.msk [tilespmem:v55+s22+$0x0], $0xffff;
	_ =	sdelay $0x2  }
0x3c5: {  	v56 =	vor.u32 $0xB, v12;
	_ =	sdelay $0x1  }
0x3c6: {  	v15 =	vmul.f32 v15, v14;
	_ =	sdelay $0x1  }
0x3c7: {  	[tilespmem:v55+s1+$0x0] =	vst.idx.msk $0xffff, v15  }
0x3c8: {  	v15 =	vld.idx.msk [tilespmem:v56+s22+$0x0], $0xffff;
	_ =	sdelay $0x2  }
0x3c9: {  	v57 =	vor.u32 $0xC, v12;
	_ =	sdelay $0x1  }
0x3ca: {  	v15 =	vmul.f32 v15, v14;
	_ =	sdelay $0x1  }
0x3cb: {  	[tilespmem:v56+s1+$0x0] =	vst.idx.msk $0xffff, v15  }
0x3cc: {  	v15 =	vld.idx.msk [tilespmem:v57+s22+$0x0], $0xffff;
	_ =	sdelay $0x2  }
0x3cd: {  	v58 =	vor.u32 $0xD, v12;
	_ =	sdelay $0x1  }
0x3ce: {  	v15 =	vmul.f32 v15, v14;
	_ =	sdelay $0x1  }
0x3cf: {  	[tilespmem:v57+s1+$0x0] =	vst.idx.msk $0xffff, v15  }
0x3d0: {  	v15 =	vld.idx.msk [tilespmem:v58+s22+$0x0], $0xffff;
	_ =	sdelay $0x2  }
0x3d1: {  	v59 =	vor.u32 $0xE, v12;
	_ =	sdelay $0x1  }
0x3d2: {  	v15 =	vmul.f32 v15, v14;
	_ =	sdelay $0x1  }
0x3d3: {  	[tilespmem:v58+s1+$0x0] =	vst.idx.msk $0xffff, v15  }
0x3d4: {  	v15 =	vld.idx.msk [tilespmem:v59+s22+$0x0], $0xffff;
	_ =	sdelay $0x2  }
0x3d5: {  	v60 =	vor.u32 $0xF, v12;
	_ =	sdelay $0x1  }
0x3d6: {  	v15 =	vmul.f32 v15, v14;
	_ =	sdelay $0x1  }
0x3d7: {  	[tilespmem:v59+s1+$0x0] =	vst.idx.msk $0xffff, v15  }
0x3d8: {  	v15 =	vld.idx.msk [tilespmem:v60+s22+$0x0], $0xffff;
	_ =	sdelay $0x2  }
0x3d9: {  	v61 =	vor.u32 $0x10, v12;
	_ =	sdelay $0x1  }
0x3da: {  	v15 =	vmul.f32 v15, v14;
	_ =	sdelay $0x1  }
0x3db: {  	[tilespmem:v60+s1+$0x0] =	vst.idx.msk $0xffff, v15  }
0x3dc: {  	v15 =	vld.idx.msk [tilespmem:v61+s22+$0x0], $0xffff;
	_ =	sdelay $0x2  }
0x3dd: {  	v62 =	vor.u32 $0x11, v12;
	_ =	sdelay $0x1  }
0x3de: {  	v15 =	vmul.f32 v15, v14;
	_ =	sdelay $0x1  }
0x3df: {  	[tilespmem:v61+s1+$0x0] =	vst.idx.msk $0xffff, v15  }
0x3e0: {  	v15 =	vld.idx.msk [tilespmem:v62+s22+$0x0], $0xffff;
	_ =	sdelay $0x2  }
0x3e1: {  	v63 =	vor.u32 $0x12, v12;
	_ =	sdelay $0x1  }
0x3e2: {  	v15 =	vmul.f32 v15, v14;
	_ =	sdelay $0x1  }
0x3e3: {  	[tilespmem:v62+s1+$0x0] =	vst.idx.msk $0xffff, v15  }
0x3e4: {  	v15 =	vld.idx.msk [tilespmem:v63+s22+$0x0], $0xffff;
	_ =	sdelay $0x2  }
0x3e5: {  	v20 =	vor.u32 $0x13, v12;
	_ =	sdelay $0x1  }
0x3e6: {  	v15 =	vmul.f32 v15, v14;
	_ =	sdelay $0x1  }
0x3e7: {  	[tilespmem:v63+s1+$0x0] =	vst.idx.msk $0xffff, v15  }
0x3e8: {  	v15 =	vld.idx.msk [tilespmem:v20+s22+$0x0], $0xffff;
	_ =	sdelay $0x2  }
0x3e9: {  	v21 =	vor.u32 $0x14, v12;
	_ =	sdelay $0x1  }
0x3ea: {  	v15 =	vmul.f32 v15, v14;
	_ =	sdelay $0x1  }
0x3eb: {  	[tilespmem:v20+s1+$0x0] =	vst.idx.msk $0xffff, v15  }
0x3ec: {  	v15 =	vld.idx.msk [tilespmem:v21+s22+$0x0], $0xffff;
	_ =	sdelay $0x2  }
0x3ed: {  	v22 =	vor.u32 $0x15, v12;
	_ =	sdelay $0x1  }
0x3ee: {  	v15 =	vmul.f32 v15, v14;
	_ =	sdelay $0x1  }
0x3ef: {  	[tilespmem:v21+s1+$0x0] =	vst.idx.msk $0xffff, v15  }
0x3f0: {  	v15 =	vld.idx.msk [tilespmem:v22+s22+$0x0], $0xffff;
	_ =	sdelay $0x2  }
0x3f1: {  	v23 =	vor.u32 $0x16, v12;
	_ =	sdelay $0x1  }
0x3f2: {  	v15 =	vmul.f32 v15, v14;
	_ =	sdelay $0x1  }
0x3f3: {  	[tilespmem:v22+s1+$0x0] =	vst.idx.msk $0xffff, v15  }
0x3f4: {  	v15 =	vld.idx.msk [tilespmem:v23+s22+$0x0], $0xffff;
	_ =	sdelay $0x2  }
0x3f5: {  	v24 =	vor.u32 $0x17, v12;
	_ =	sdelay $0x1  }
0x3f6: {  	v15 =	vmul.f32 v15, v14;
	_ =	sdelay $0x1  }
0x3f7: {  	[tilespmem:v23+s1+$0x0] =	vst.idx.msk $0xffff, v15  }
0x3f8: {  	v15 =	vld.idx.msk [tilespmem:v24+s22+$0x0], $0xffff;
	_ =	sdelay $0x2  }
0x3f9: {  	v25 =	vor.u32 $0x18, v12;
	_ =	sdelay $0x1  }
0x3fa: {  	v15 =	vmul.f32 v15, v14;
	_ =	sdelay $0x1  }
0x3fb: {  	[tilespmem:v24+s1+$0x0] =	vst.idx.msk $0xffff, v15  }
0x3fc: {  	v15 =	vld.idx.msk [tilespmem:v25+s22+$0x0], $0xffff;
	_ =	sdelay $0x2  }
0x3fd: {  	v26 =	vor.u32 $0x19, v12;
	_ =	sdelay $0x1  }
0x3fe: {  	v15 =	vmul.f32 v15, v14;
	_ =	sdelay $0x1  }
0x3ff: {  	[tilespmem:v25+s1+$0x0] =	vst.idx.msk $0xffff, v15  }
0x400: {  	v15 =	vld.idx.msk [tilespmem:v26+s22+$0x0], $0xffff;
	_ =	sdelay $0x2  }
0x401: {  	v27 =	vor.u32 $0x1A, v12;
	_ =	sdelay $0x1  }
0x402: {  	v15 =	vmul.f32 v15, v14;
	_ =	sdelay $0x1  }
0x403: {  	[tilespmem:v26+s1+$0x0] =	vst.idx.msk $0xffff, v15  }
0x404: {  	v15 =	vld.idx.msk [tilespmem:v27+s22+$0x0], $0xffff;
	_ =	sdelay $0x2  }
0x405: {  	v28 =	vor.u32 $0x1B, v12;
	_ =	sdelay $0x1  }
0x406: {  	v15 =	vmul.f32 v15, v14;
	_ =	sdelay $0x1  }
0x407: {  	[tilespmem:v27+s1+$0x0] =	vst.idx.msk $0xffff, v15  }
0x408: {  	v15 =	vld.idx.msk [tilespmem:v28+s22+$0x0], $0xffff;
	_ =	sdelay $0x2  }
0x409: {  	v29 =	vor.u32 $0x1C, v12;
	_ =	sdelay $0x1  }
0x40a: {  	v15 =	vmul.f32 v15, v14;
	_ =	sdelay $0x1  }
0x40b: {  	[tilespmem:v28+s1+$0x0] =	vst.idx.msk $0xffff, v15  }
0x40c: {  	v15 =	vld.idx.msk [tilespmem:v29+s22+$0x0], $0xffff;
	_ =	sdelay $0x2  }
0x40d: {  	v30 =	vor.u32 $0x1D, v12;
	_ =	sdelay $0x1  }
0x40e: {  	v15 =	vmul.f32 v15, v14;
	_ =	sdelay $0x1  }
0x40f: {  	[tilespmem:v29+s1+$0x0] =	vst.idx.msk $0xffff, v15  }
0x410: {  	v15 =	vld.idx.msk [tilespmem:v30+s22+$0x0], $0xffff;
	_ =	sdelay $0x2  }
0x411: {  	v31 =	vor.u32 $0x1E, v12;
	_ =	sdelay $0x1  }
0x412: {  	v15 =	vmul.f32 v15, v14;
	_ =	sdelay $0x1  }
0x413: {  	[tilespmem:v30+s1+$0x0] =	vst.idx.msk $0xffff, v15  }
0x414: {  	v15 =	vld.idx.msk [tilespmem:v31+s22+$0x0], $0xffff;
	_ =	sdelay $0x2  }
0x415: {  	v32 =	vor.u32 $0x1F, v12;
	_ =	sdelay $0x1  }
0x416: {  	v15 =	vmul.f32 v15, v14;
	_ =	sdelay $0x1  }
0x417: {  	[tilespmem:v31+s1+$0x0] =	vst.idx.msk $0xffff, v15  }
0x418: {  	v15 =	vld.idx.msk [tilespmem:v32+s22+$0x0], $0xffff;
	_ =	sdelay $0x2  }
0x419: {  	v13 =	vor.u32 $0x1, v13  }
0x41a: {  	v33 =	vor.u32 $0x20, v12  }
0x41b: {  	v14 =	vmul.f32 v15, v14;
	_ =	sdelay $0x1  }
0x41c: {  	[tilespmem:v32+s1+$0x0] =	vst.idx.msk $0xffff, v14  }
0x41d: {  	v13 =	vld.idx.msk [tilespmem:v13+s30+$0x0], $0xffff  }
0x41e: {  	v14 =	vld.idx.msk [tilespmem:v33+s22+$0x0], $0xffff;
	_ =	sdelay $0x2  }
0x41f: {  	v34 =	vor.u32 $0x21, v12;
	_ =	sdelay $0x1  }
0x420: {  	v14 =	vmul.f32 v14, v13;
	_ =	sdelay $0x1  }
0x421: {  	[tilespmem:v33+s1+$0x0] =	vst.idx.msk $0xffff, v14  }
0x422: {  	v14 =	vld.idx.msk [tilespmem:v34+s22+$0x0], $0xffff;
	_ =	sdelay $0x2  }
0x423: {  	v35 =	vor.u32 $0x22, v12;
	_ =	sdelay $0x1  }
0x424: {  	v14 =	vmul.f32 v14, v13;
	_ =	sdelay $0x1  }
0x425: {  	[tilespmem:v34+s1+$0x0] =	vst.idx.msk $0xffff, v14  }
0x426: {  	v14 =	vld.idx.msk [tilespmem:v35+s22+$0x0], $0xffff;
	_ =	sdelay $0x2  }
0x427: {  	v36 =	vor.u32 $0x23, v12;
	_ =	sdelay $0x1  }
0x428: {  	v14 =	vmul.f32 v14, v13;
	_ =	sdelay $0x1  }
0x429: {  	[tilespmem:v35+s1+$0x0] =	vst.idx.msk $0xffff, v14  }
0x42a: {  	v14 =	vld.idx.msk [tilespmem:v36+s22+$0x0], $0xffff;
	_ =	sdelay $0x2  }
0x42b: {  	v37 =	vor.u32 $0x24, v12;
	_ =	sdelay $0x1  }
0x42c: {  	v14 =	vmul.f32 v14, v13;
	_ =	sdelay $0x1  }
0x42d: {  	[tilespmem:v36+s1+$0x0] =	vst.idx.msk $0xffff, v14  }
0x42e: {  	v14 =	vld.idx.msk [tilespmem:v37+s22+$0x0], $0xffff;
	_ =	sdelay $0x2  }
0x42f: {  	v38 =	vor.u32 $0x25, v12;
	_ =	sdelay $0x1  }
0x430: {  	v14 =	vmul.f32 v14, v13;
	_ =	sdelay $0x1  }
0x431: {  	[tilespmem:v37+s1+$0x0] =	vst.idx.msk $0xffff, v14  }
0x432: {  	v14 =	vld.idx.msk [tilespmem:v38+s22+$0x0], $0xffff;
	_ =	sdelay $0x2  }
0x433: {  	v39 =	vor.u32 $0x26, v12;
	_ =	sdelay $0x1  }
0x434: {  	v14 =	vmul.f32 v14, v13;
	_ =	sdelay $0x1  }
0x435: {  	[tilespmem:v38+s1+$0x0] =	vst.idx.msk $0xffff, v14  }
0x436: {  	v14 =	vld.idx.msk [tilespmem:v39+s22+$0x0], $0xffff;
	_ =	sdelay $0x2  }
0x437: {  	v40 =	vor.u32 $0x27, v12;
	_ =	sdelay $0x1  }
0x438: {  	v14 =	vmul.f32 v14, v13;
	_ =	sdelay $0x1  }
0x439: {  	[tilespmem:v39+s1+$0x0] =	vst.idx.msk $0xffff, v14  }
0x43a: {  	v14 =	vld.idx.msk [tilespmem:v40+s22+$0x0], $0xffff;
	_ =	sdelay $0x2  }
0x43b: {  	v41 =	vor.u32 $0x28, v12;
	_ =	sdelay $0x1  }
0x43c: {  	v14 =	vmul.f32 v14, v13;
	_ =	sdelay $0x1  }
0x43d: {  	[tilespmem:v40+s1+$0x0] =	vst.idx.msk $0xffff, v14  }
0x43e: {  	v14 =	vld.idx.msk [tilespmem:v41+s22+$0x0], $0xffff;
	_ =	sdelay $0x2  }
0x43f: {  	v42 =	vor.u32 $0x29, v12;
	_ =	sdelay $0x1  }
0x440: {  	v14 =	vmul.f32 v14, v13;
	_ =	sdelay $0x1  }
0x441: {  	[tilespmem:v41+s1+$0x0] =	vst.idx.msk $0xffff, v14  }
0x442: {  	v14 =	vld.idx.msk [tilespmem:v42+s22+$0x0], $0xffff;
	_ =	sdelay $0x2  }
0x443: {  	v43 =	vor.u32 $0x2A, v12;
	_ =	sdelay $0x1  }
0x444: {  	v14 =	vmul.f32 v14, v13;
	_ =	sdelay $0x1  }
0x445: {  	[tilespmem:v42+s1+$0x0] =	vst.idx.msk $0xffff, v14  }
0x446: {  	v14 =	vld.idx.msk [tilespmem:v43+s22+$0x0], $0xffff;
	_ =	sdelay $0x2  }
0x447: {  	v44 =	vor.u32 $0x2B, v12;
	_ =	sdelay $0x1  }
0x448: {  	v14 =	vmul.f32 v14, v13;
	_ =	sdelay $0x1  }
0x449: {  	[tilespmem:v43+s1+$0x0] =	vst.idx.msk $0xffff, v14  }
0x44a: {  	v14 =	vld.idx.msk [tilespmem:v44+s22+$0x0], $0xffff;
	_ =	sdelay $0x2  }
0x44b: {  	v45 =	vor.u32 $0x2C, v12;
	_ =	sdelay $0x1  }
0x44c: {  	v14 =	vmul.f32 v14, v13;
	_ =	sdelay $0x1  }
0x44d: {  	[tilespmem:v44+s1+$0x0] =	vst.idx.msk $0xffff, v14  }
0x44e: {  	v14 =	vld.idx.msk [tilespmem:v45+s22+$0x0], $0xffff;
	_ =	sdelay $0x2  }
0x44f: {  	v46 =	vor.u32 $0x2D, v12;
	_ =	sdelay $0x1  }
0x450: {  	v14 =	vmul.f32 v14, v13;
	_ =	sdelay $0x1  }
0x451: {  	[tilespmem:v45+s1+$0x0] =	vst.idx.msk $0xffff, v14  }
0x452: {  	v14 =	vld.idx.msk [tilespmem:v46+s22+$0x0], $0xffff;
	_ =	sdelay $0x2  }
0x453: {  	v47 =	vor.u32 $0x2E, v12;
	_ =	sdelay $0x1  }
0x454: {  	v14 =	vmul.f32 v14, v13;
	_ =	sdelay $0x1  }
0x455: {  	[tilespmem:v46+s1+$0x0] =	vst.idx.msk $0xffff, v14  }
0x456: {  	v14 =	vld.idx.msk [tilespmem:v47+s22+$0x0], $0xffff;
	_ =	sdelay $0x2  }
0x457: {  	v48 =	vor.u32 $0x2F, v12;
	_ =	sdelay $0x1  }
0x458: {  	v14 =	vmul.f32 v14, v13;
	_ =	sdelay $0x1  }
0x459: {  	[tilespmem:v47+s1+$0x0] =	vst.idx.msk $0xffff, v14  }
0x45a: {  	v14 =	vld.idx.msk [tilespmem:v48+s22+$0x0], $0xffff;
	_ =	sdelay $0x2  }
0x45b: {  	v49 =	vor.u32 $0x30, v12;
	_ =	sdelay $0x1  }
0x45c: {  	v14 =	vmul.f32 v14, v13;
	_ =	sdelay $0x1  }
0x45d: {  	[tilespmem:v48+s1+$0x0] =	vst.idx.msk $0xffff, v14  }
0x45e: {  	v14 =	vld.idx.msk [tilespmem:v49+s22+$0x0], $0xffff;
	_ =	sdelay $0x2  }
0x45f: {  	v50 =	vor.u32 $0x31, v12;
	_ =	sdelay $0x1  }
0x460: {  	v14 =	vmul.f32 v14, v13;
	_ =	sdelay $0x1  }
0x461: {  	[tilespmem:v49+s1+$0x0] =	vst.idx.msk $0xffff, v14  }
0x462: {  	v14 =	vld.idx.msk [tilespmem:v50+s22+$0x0], $0xffff;
	_ =	sdelay $0x2  }
0x463: {  	v51 =	vor.u32 $0x32, v12;
	_ =	sdelay $0x1  }
0x464: {  	v14 =	vmul.f32 v14, v13;
	_ =	sdelay $0x1  }
0x465: {  	[tilespmem:v50+s1+$0x0] =	vst.idx.msk $0xffff, v14  }
0x466: {  	v14 =	vld.idx.msk [tilespmem:v51+s22+$0x0], $0xffff;
	_ =	sdelay $0x2  }
0x467: {  	v52 =	vor.u32 $0x33, v12;
	_ =	sdelay $0x1  }
0x468: {  	v14 =	vmul.f32 v14, v13;
	_ =	sdelay $0x1  }
0x469: {  	[tilespmem:v51+s1+$0x0] =	vst.idx.msk $0xffff, v14  }
0x46a: {  	v14 =	vld.idx.msk [tilespmem:v52+s22+$0x0], $0xffff;
	_ =	sdelay $0x2  }
0x46b: {  	v53 =	vor.u32 $0x34, v12;
	_ =	sdelay $0x1  }
0x46c: {  	v14 =	vmul.f32 v14, v13;
	_ =	sdelay $0x1  }
0x46d: {  	[tilespmem:v52+s1+$0x0] =	vst.idx.msk $0xffff, v14  }
0x46e: {  	v14 =	vld.idx.msk [tilespmem:v53+s22+$0x0], $0xffff;
	_ =	sdelay $0x2  }
0x46f: {  	v54 =	vor.u32 $0x35, v12;
	_ =	sdelay $0x1  }
0x470: {  	v14 =	vmul.f32 v14, v13;
	_ =	sdelay $0x1  }
0x471: {  	[tilespmem:v53+s1+$0x0] =	vst.idx.msk $0xffff, v14  }
0x472: {  	v14 =	vld.idx.msk [tilespmem:v54+s22+$0x0], $0xffff;
	_ =	sdelay $0x2  }
0x473: {  	v55 =	vor.u32 $0x36, v12;
	_ =	sdelay $0x1  }
0x474: {  	v14 =	vmul.f32 v14, v13;
	_ =	sdelay $0x1  }
0x475: {  	[tilespmem:v54+s1+$0x0] =	vst.idx.msk $0xffff, v14  }
0x476: {  	v14 =	vld.idx.msk [tilespmem:v55+s22+$0x0], $0xffff;
	_ =	sdelay $0x2  }
0x477: {  	v56 =	vor.u32 $0x37, v12;
	_ =	sdelay $0x1  }
0x478: {  	v14 =	vmul.f32 v14, v13;
	_ =	sdelay $0x1  }
0x479: {  	[tilespmem:v55+s1+$0x0] =	vst.idx.msk $0xffff, v14  }
0x47a: {  	v14 =	vld.idx.msk [tilespmem:v56+s22+$0x0], $0xffff;
	_ =	sdelay $0x2  }
0x47b: {  	v57 =	vor.u32 $0x38, v12;
	_ =	sdelay $0x1  }
0x47c: {  	v14 =	vmul.f32 v14, v13;
	_ =	sdelay $0x1  }
0x47d: {  	[tilespmem:v56+s1+$0x0] =	vst.idx.msk $0xffff, v14  }
0x47e: {  	v14 =	vld.idx.msk [tilespmem:v57+s22+$0x0], $0xffff;
	_ =	sdelay $0x2  }
0x47f: {  	v58 =	vor.u32 $0x39, v12;
	_ =	sdelay $0x1  }
0x480: {  	v14 =	vmul.f32 v14, v13;
	_ =	sdelay $0x1  }
0x481: {  	[tilespmem:v57+s1+$0x0] =	vst.idx.msk $0xffff, v14  }
0x482: {  	v14 =	vld.idx.msk [tilespmem:v58+s22+$0x0], $0xffff;
	_ =	sdelay $0x2  }
0x483: {  	v59 =	vor.u32 $0x3A, v12;
	_ =	sdelay $0x1  }
0x484: {  	v14 =	vmul.f32 v14, v13;
	_ =	sdelay $0x1  }
0x485: {  	[tilespmem:v58+s1+$0x0] =	vst.idx.msk $0xffff, v14  }
0x486: {  	v14 =	vld.idx.msk [tilespmem:v59+s22+$0x0], $0xffff;
	_ =	sdelay $0x2  }
0x487: {  	v60 =	vor.u32 $0x3B, v12;
	_ =	sdelay $0x1  }
0x488: {  	v14 =	vmul.f32 v14, v13;
	_ =	sdelay $0x1  }
0x489: {  	[tilespmem:v59+s1+$0x0] =	vst.idx.msk $0xffff, v14  }
0x48a: {  	v14 =	vld.idx.msk [tilespmem:v60+s22+$0x0], $0xffff;
	_ =	sdelay $0x2  }
0x48b: {  	v61 =	vor.u32 $0x3C, v12;
	_ =	sdelay $0x1  }
0x48c: {  	v14 =	vmul.f32 v14, v13;
	_ =	sdelay $0x1  }
0x48d: {  	[tilespmem:v60+s1+$0x0] =	vst.idx.msk $0xffff, v14  }
0x48e: {  	v14 =	vld.idx.msk [tilespmem:v61+s22+$0x0], $0xffff;
	_ =	sdelay $0x2  }
0x48f: {  	v62 =	vor.u32 $0x3D, v12;
	_ =	sdelay $0x1  }
0x490: {  	v14 =	vmul.f32 v14, v13;
	_ =	sdelay $0x1  }
0x491: {  	[tilespmem:v61+s1+$0x0] =	vst.idx.msk $0xffff, v14  }
0x492: {  	v14 =	vld.idx.msk [tilespmem:v62+s22+$0x0], $0xffff;
	_ =	sdelay $0x2  }
0x493: {  	v63 =	vor.u32 $0x3E, v12;
	_ =	sdelay $0x1  }
0x494: {  	v14 =	vmul.f32 v14, v13;
	_ =	sdelay $0x1  }
0x495: {  	[tilespmem:v62+s1+$0x0] =	vst.idx.msk $0xffff, v14  }
0x496: {  	v14 =	vld.idx.msk [tilespmem:v63+s22+$0x0], $0xffff;
	_ =	sdelay $0x2  }
0x497: {  	v12 =	vor.u32 $0x3F, v12;
	_ =	sdelay $0x1  }
0x498: {  	v14 =	vmul.f32 v14, v13;
	_ =	sdelay $0x1  }
0x499: {  	[tilespmem:v63+s1+$0x0] =	vst.idx.msk $0xffff, v14  }
0x49a: {  	v14 =	vld.idx.msk [tilespmem:v12+s22+$0x0], $0xffff;
	_ =	sdelay $0x1  }
0x49b: {  	p0 =	sne.s32 s0, $0x40  }
.Ltmp4:
0x49c: {  	_ = 	snop;
	(pc) =	sbr.rel @p0 .LBB2_10-.Ltmp4, $3  }
0x49d: {  	_ = 	snop  }
0x49e: {  	v13 =	vmul.f32 v14, v13;
	_ =	sdelay $0x1  }
0x49f: {  	s0 =	sadd.s32 $0x10, s0;
	[tilespmem:v12+s1+$0x0] =	vst.idx.msk $0xffff, v13  }
0x4a0: {  	s0 =	rddreg [dreg:$0x2]  }
0x4a1: {  	[spmem:s0] =	stream.indirect.scatter.add.f32 [tilespmem:s1], [sflag:$0x6], $0x40, s20, s10, $0xb8;
	[tilespmem:$0x133D0] =	vst v63  }
0x4a2: {  	s26 =	rddreg [dreg:$0x3]  }
0x4a3: {  	[spmem:s26] =	stream.indirect.scatter.add.f32 [tilespmem:s30], [sflag:$0x6], $0x10, s20, s10, $0xb8;
	[tilespmem:$0x133D0] =	vst v63  }
0x4a4: {  	s26 =	simm.s32 $0x0  }
.LBB2_12:
0x4a5: {  	_ =	swait.ge [sflag:s5], $0x1400  }
0x4a6: {  	[sflag:s5] =	ssyncset.done $0x0  }
0x4a7: {  	[sflag:s5] =	ssyncadd.s32 $0xFFFFEC00  }
0x4a8: {  	s0 =	smul.u32 $0xA0, s26;
	_ =	swait.ge [sflag:s5], $0x500  }
0x4a9: {  	s3 =	rddreg [dreg:$0x16]  }
0x4aa: {  	s3 =	sadd.s32 s0, s3  }
0x4ab: {  	[sflag:s5] =	ssyncset.done $0x0;
	s3 =	sshrl.u32 s3, $0x3  }
0x4ac: {  	[sflag:s5] =	ssyncadd.s32 $0xFFFFFB00;
	s3 =	sadd.s32 s7, s3  }
0x4ad: {  	[tilespmem:s25], [sflag:$0x7] =	stream.linear.gather [hbm4b:s3+s25], $0x50, $0x38;
	[tilespmem:$0x133D0] =	vst v63  }
0x4ae: {  	_ =	swait.ge [sflag:s9], $0x50  }
0x4af: {  	[sflag:s9] =	ssyncset.done $0x0  }
0x4b0: {  	[sflag:s9] =	ssyncadd.s32 $0xFFFFFFB0  }
0x4b1: {  	v12 =	vld.idx.msk [tilespmem:v5+s25+$0x0], $0xffff;
	_ =	sdelay $0x4  }
0x4b2: {  	v13 =	vand.u32 $0x3FFF, v12  }
0x4b3: {  	v12 =	vshra.s32 v12, $0xE;
	[tilespmem:v5+s10+$0x0] =	vst.idx.msk $0xffff, v13  }
0x4b4: {  	[tilespmem:v5+s11+$0x0] =	vst.idx.msk $0xffff, v12;
	v12 =	vadd.s32 v0, v13  }
0x4b5: {  	[tilespmem:v5+s12+$0x0] =	vst.idx.msk $0xffff, v12  }
0x4b6: {  	v12 =	vld.idx.msk [tilespmem:v7+s25+$0x0], $0xffff;
	_ =	sdelay $0x4  }
0x4b7: {  	v13 =	vand.u32 $0x3FFF, v12  }
0x4b8: {  	v12 =	vshra.s32 v12, $0xE;
	[tilespmem:v7+s10+$0x0] =	vst.idx.msk $0xffff, v13  }
0x4b9: {  	[tilespmem:v7+s11+$0x0] =	vst.idx.msk $0xffff, v12;
	v12 =	vadd.s32 v0, v13  }
0x4ba: {  	[tilespmem:v7+s12+$0x0] =	vst.idx.msk $0xffff, v12  }
0x4bb: {  	v12 =	vld.idx.msk [tilespmem:v8+s25+$0x0], $0xffff;
	_ =	sdelay $0x4  }
0x4bc: {  	v13 =	vand.u32 $0x3FFF, v12  }
0x4bd: {  	v12 =	vshra.s32 v12, $0xE;
	[tilespmem:v8+s10+$0x0] =	vst.idx.msk $0xffff, v13  }
0x4be: {  	[tilespmem:v8+s11+$0x0] =	vst.idx.msk $0xffff, v12;
	v12 =	vadd.s32 v0, v13  }
0x4bf: {  	[tilespmem:v8+s12+$0x0] =	vst.idx.msk $0xffff, v12  }
0x4c0: {  	v12 =	vld.idx.msk [tilespmem:v9+s25+$0x0], $0xffff;
	_ =	sdelay $0x4  }
0x4c1: {  	v13 =	vand.u32 $0x3FFF, v12  }
0x4c2: {  	v12 =	vshra.s32 v12, $0xE;
	[tilespmem:v9+s10+$0x0] =	vst.idx.msk $0xffff, v13  }
0x4c3: {  	[tilespmem:v9+s11+$0x0] =	vst.idx.msk $0xffff, v12;
	v12 =	vadd.s32 v0, v13  }
0x4c4: {  	[tilespmem:v9+s12+$0x0] =	vst.idx.msk $0xffff, v12  }
0x4c5: {  	v12 =	vld.idx.msk [tilespmem:v10+s25+$0x0], $0xffff;
	_ =	sdelay $0x4  }
0x4c6: {  	v13 =	vand.u32 $0x3FFF, v12  }
0x4c7: {  	v12 =	vshra.s32 v12, $0xE;
	[tilespmem:v10+s10+$0x0] =	vst.idx.msk $0xffff, v13  }
0x4c8: {  	[tilespmem:v10+s11+$0x0] =	vst.idx.msk $0xffff, v12;
	v12 =	vadd.s32 v0, v13  }
0x4c9: {  	[tilespmem:v10+s12+$0x0] =	vst.idx.msk $0xffff, v12  }
0x4ca: {  	[tilespmem:s2], [sflag:$0x1] =	stream.indirect.gather [hbm4b:s4+s10], $0x40, s12, s10, $0xb8;
	[tilespmem:$0x133D0] =	vst v63  }
0x4cb: {  	_ = 	snop  }
0x4cc: {  	[tilespmem:s13], [sflag:$0x2] =	stream.indirect.gather [hbm4b:s6+s10], $0x10, s10, s10, $0xb8;
	[tilespmem:$0x133D0] =	vst v63  }
0x4cd: {  	v12 =	vmov s25  }
0x4ce: {  	v12 =	vshll.u32 v12, $0x4;
	[tilespmem:s14], [sflag:$0x2] =	stream.indirect.gather [hbm4b:s6+s10], $0x10, s11, s10, $0xb8;
	[tilespmem:$0x133D0] =	vst v63  }
0x4cf: {  	v13 =	vor.u32 v11, v12;
	_ =	swait.ge [sflag:s15], $0x500  }
0x4d0: {  	v12 =	vor.u32 v1, v13;
	[sflag:s15] =	ssyncset.done $0x0  }
0x4d1: {  	v14 =	vor.u32 v2, v13;
	[sflag:s15] =	ssyncadd.s32 $0xFFFFFB00  }
0x4d2: {  	_ =	swait.ge [sflag:s15], $0x500  }
0x4d3: {  	[sflag:s15] =	ssyncset.done $0x0  }
0x4d4: {  	[sflag:s15] =	ssyncadd.s32 $0xFFFFFB00  }
0x4d5: {  	v12 =	vld.idx.msk [tilespmem:v12+s13+$0x0], $0xffff  }
0x4d6: {  	v14 =	vld.idx.msk [tilespmem:v14+s14+$0x0], $0xffff;
	_ =	sdelay $0x4  }
0x4d7: {  	v12 =	vadd.f32 v14, v12;
	_ =	sdelay $0x1  }
0x4d8: {  	v14 =	vmul.f32 $2.000000030e-01, v12  }
0x4d9: {  	vm0 =	vge.f32 v12, $0.0e+00  }
0x4da: {  	v12 =	vsel vm0, v12, v14  }
0x4db: {  	v12 =	vmul.f32 $1.442695020e+00, v12;
	_ =	sdelay $0x1  }
0x4dc: {  	(erf) = vpow2.f32 v12;
	_ =	sdelay $0x5  }
0x4dd: {  	v12 =	vor.u32 v3, v13  }
0x4de: {  	v14 =	vor.u32 v4, v13;
	_ =	sdelay $0x1  }
0x4df: {  	v15 =	vpop (erf)  }
0x4e0: {  	[tilespmem:v13+s8+$0x0] =	vst.idx.msk $0xffff, v15  }
0x4e1: {  	v12 =	vld.idx.msk [tilespmem:v12+s13+$0x0], $0xffff  }
0x4e2: {  	v14 =	vld.idx.msk [tilespmem:v14+s14+$0x0], $0xffff;
	_ =	sdelay $0x4  }
0x4e3: {  	v12 =	vadd.f32 v14, v12;
	_ =	sdelay $0x1  }
0x4e4: {  	v14 =	vmul.f32 $2.000000030e-01, v12  }
0x4e5: {  	vm15 =	vge.f32 v12, $0.0e+00  }
0x4e6: {  	v12 =	vsel vm15, v12, v14  }
0x4e7: {  	v12 =	vmul.f32 $1.442695020e+00, v12;
	_ =	sdelay $0x1  }
0x4e8: {  	(erf) = vpow2.f32 v12;
	_ =	sdelay $0x1  }
0x4e9: {  	s16 =	smov.u32 s4;
	s4 =	simm.s32 $0x10  }
0x4ea: {  	v14 =	vmov s4  }
0x4eb: {  	v14 =	vshll.u32 v14, $0x4  }
0x4ec: {  	v13 =	vor.u32 $0x1, v13;
	v12 =	vor.u32 v11, v14  }
0x4ed: {  	s3 =	simm.s32 $0x20;
	v15 =	vor.u32 v1, v12;
	v14 =	vor.u32 v2, v12  }
.LBB2_13:
0x4ee: {  	_ = 	snop  }
0x4ef: {  	p0 =	sne.s32 s3, $0x40;
	s4 =	smov.u32 s3;
	s3 =	sadd.s32 $0x10, s3  }
0x4f0: {  	v16 =	vpop (erf)  }
0x4f1: {  	[tilespmem:v13+s8+$0x0] =	vst.idx.msk $0xffff, v16  }
0x4f2: {  	v13 =	vld.idx.msk [tilespmem:v15+s13+$0x0], $0xffff  }
0x4f3: {  	v14 =	vld.idx.msk [tilespmem:v14+s14+$0x0], $0xffff;
	_ =	sdelay $0x5  }
0x4f4: {  	v13 =	vadd.f32 v14, v13;
	_ =	sdelay $0x1  }
0x4f5: {  	vm0 =	vge.f32 v13, $0.0e+00;
	v14 =	vmul.f32 $2.000000030e-01, v13;
	_ =	sdelay $0x1  }
0x4f6: {  	v13 =	vsel vm0, v13, v14  }
0x4f7: {  	v13 =	vmul.f32 $1.442695020e+00, v13;
	_ =	sdelay $0x1  }
0x4f8: {  	(erf) = vpow2.f32 v13;
	_ =	sdelay $0x5  }
0x4f9: {  	v14 =	vor.u32 v4, v12;
	v13 =	vor.u32 v3, v12;
	_ =	sdelay $0x2  }
0x4fa: {  	v15 =	vpop (erf)  }
0x4fb: {  	[tilespmem:v12+s8+$0x0] =	vst.idx.msk $0xffff, v15  }
0x4fc: {  	v13 =	vld.idx.msk [tilespmem:v13+s13+$0x0], $0xffff  }
0x4fd: {  	v14 =	vld.idx.msk [tilespmem:v14+s14+$0x0], $0xffff;
	_ =	sdelay $0x5  }
0x4fe: {  	v13 =	vadd.f32 v14, v13;
	_ =	sdelay $0x1  }
0x4ff: {  	vm0 =	vge.f32 v13, $0.0e+00;
	v14 =	vmul.f32 $2.000000030e-01, v13;
	_ =	sdelay $0x1  }
0x500: {  	v13 =	vsel vm0, v13, v14  }
0x501: {  	v13 =	vmul.f32 $1.442695020e+00, v13;
	_ =	sdelay $0x1  }
0x502: {  	(erf) = vpow2.f32 v13;
	_ =	sdelay $0x1  }
.Ltmp5:
0x503: {  	(pc) =	sbr.rel @p0 .LBB2_13-.Ltmp5, $4  }
0x504: {  	v14 =	vmov s4;
	v13 =	vor.u32 $0x1, v12  }
0x505: {  	v12 =	vshll.u32 v14, $0x4  }
0x506: {  	v12 =	vor.u32 v11, v12  }
0x507: {  	v15 =	vor.u32 v1, v12;
	v14 =	vor.u32 v2, v12  }
0x508: {  	_ =	sdelay $0x2  }
0x509: {  	v16 =	vpop (erf)  }
0x50a: {  	[tilespmem:v13+s8+$0x0] =	vst.idx.msk $0xffff, v16  }
0x50b: {  	v13 =	vld.idx.msk [tilespmem:v15+s13+$0x0], $0xffff  }
0x50c: {  	v14 =	vld.idx.msk [tilespmem:v14+s14+$0x0], $0xffff;
	_ =	sdelay $0x4  }
0x50d: {  	v13 =	vadd.f32 v14, v13;
	_ =	sdelay $0x1  }
0x50e: {  	v14 =	vmul.f32 $2.000000030e-01, v13  }
0x50f: {  	vm0 =	vge.f32 v13, $0.0e+00  }
0x510: {  	v13 =	vsel vm0, v13, v14  }
0x511: {  	v13 =	vmul.f32 $1.442695020e+00, v13;
	_ =	sdelay $0x1  }
0x512: {  	(erf) = vpow2.f32 v13;
	_ =	sdelay $0x5  }
0x513: {  	v60 =	vor.u32 v3, v12  }
0x514: {  	v61 =	vor.u32 v4, v12;
	_ =	sdelay $0x1  }
0x515: {  	v62 =	vpop (erf)  }
0x516: {  	[tilespmem:v12+s8+$0x0] =	vst.idx.msk $0xffff, v62  }
0x517: {  	v13 =	vld.idx.msk [tilespmem:v60+s13+$0x0], $0xffff  }
0x518: {  	v14 =	vld.idx.msk [tilespmem:v61+s14+$0x0], $0xffff;
	_ =	sdelay $0x4  }
0x519: {  	v13 =	vadd.f32 v14, v13;
	_ =	sdelay $0x1  }
0x51a: {  	v14 =	vmul.f32 $2.000000030e-01, v13  }
0x51b: {  	vm15 =	vge.f32 v13, $0.0e+00  }
0x51c: {  	v13 =	vsel vm15, v13, v14  }
0x51d: {  	v13 =	vmul.f32 $1.442695020e+00, v13;
	_ =	sdelay $0x1  }
0x51e: {  	(erf) = vpow2.f32 v13;
	_ =	sdelay $0x4  }
0x51f: {  	v63 =	vor.u32 $0x1, v12;
	_ =	sdelay $0x3  }
0x520: {  	v13 =	vpop (erf)  }
0x521: {  	s3 =	simm.s32 $0x1;
	[tilespmem:v63+s8+$0x0] =	vst.idx.msk $0xffff, v13  }
0x522: {  	_ =	swait.ge [sflag:s3], $0x1400  }
0x523: {  	[sflag:s3] =	ssyncset.done $0x0  }
0x524: {  	[sflag:s3] =	ssyncadd.s32 $0xFFFFEC00;
	s3 =	simm.s32 $0x0  }
.LBB2_15:
0x525: {  	v12 =	vor.u32 s3, v5  }
0x526: {  	v13 =	vshll.u32 v12, $0x4  }
0x527: {  	v12 =	vshll.u32 v12, $0x6;
	_ =	sdelay $0x3  }
0x528: {  	v14 =	vld.idx.msk [tilespmem:v13+s8+$0x0], $0xffff  }
0x529: {  	v15 =	vld.idx.msk [tilespmem:v12+s2+$0x0], $0xffff;
	_ =	sdelay $0x2  }
0x52a: {  	v16 =	vor.u32 $0x1, v12;
	_ =	sdelay $0x1  }
0x52b: {  	v15 =	vmul.f32 v15, v14;
	_ =	sdelay $0x1  }
0x52c: {  	[tilespmem:v12+s17+$0x0] =	vst.idx.msk $0xffff, v15  }
0x52d: {  	v15 =	vld.idx.msk [tilespmem:v16+s2+$0x0], $0xffff;
	_ =	sdelay $0x2  }
0x52e: {  	v17 =	vor.u32 $0x2, v12;
	_ =	sdelay $0x1  }
0x52f: {  	v15 =	vmul.f32 v15, v14;
	_ =	sdelay $0x1  }
0x530: {  	[tilespmem:v16+s17+$0x0] =	vst.idx.msk $0xffff, v15  }
0x531: {  	v15 =	vld.idx.msk [tilespmem:v17+s2+$0x0], $0xffff;
	_ =	sdelay $0x2  }
0x532: {  	v48 =	vor.u32 $0x3, v12;
	_ =	sdelay $0x1  }
0x533: {  	v15 =	vmul.f32 v15, v14;
	_ =	sdelay $0x1  }
0x534: {  	[tilespmem:v17+s17+$0x0] =	vst.idx.msk $0xffff, v15  }
0x535: {  	v15 =	vld.idx.msk [tilespmem:v48+s2+$0x0], $0xffff;
	_ =	sdelay $0x2  }
0x536: {  	v49 =	vor.u32 $0x4, v12;
	_ =	sdelay $0x1  }
0x537: {  	v15 =	vmul.f32 v15, v14;
	_ =	sdelay $0x1  }
0x538: {  	[tilespmem:v48+s17+$0x0] =	vst.idx.msk $0xffff, v15  }
0x539: {  	v15 =	vld.idx.msk [tilespmem:v49+s2+$0x0], $0xffff;
	_ =	sdelay $0x2  }
0x53a: {  	v50 =	vor.u32 $0x5, v12;
	_ =	sdelay $0x1  }
0x53b: {  	v15 =	vmul.f32 v15, v14;
	_ =	sdelay $0x1  }
0x53c: {  	[tilespmem:v49+s17+$0x0] =	vst.idx.msk $0xffff, v15  }
0x53d: {  	v15 =	vld.idx.msk [tilespmem:v50+s2+$0x0], $0xffff;
	_ =	sdelay $0x2  }
0x53e: {  	v51 =	vor.u32 $0x6, v12;
	_ =	sdelay $0x1  }
0x53f: {  	v15 =	vmul.f32 v15, v14;
	_ =	sdelay $0x1  }
0x540: {  	[tilespmem:v50+s17+$0x0] =	vst.idx.msk $0xffff, v15  }
0x541: {  	v15 =	vld.idx.msk [tilespmem:v51+s2+$0x0], $0xffff;
	_ =	sdelay $0x2  }
0x542: {  	v52 =	vor.u32 $0x7, v12;
	_ =	sdelay $0x1  }
0x543: {  	v15 =	vmul.f32 v15, v14;
	_ =	sdelay $0x1  }
0x544: {  	[tilespmem:v51+s17+$0x0] =	vst.idx.msk $0xffff, v15  }
0x545: {  	v15 =	vld.idx.msk [tilespmem:v52+s2+$0x0], $0xffff;
	_ =	sdelay $0x2  }
0x546: {  	v53 =	vor.u32 $0x8, v12;
	_ =	sdelay $0x1  }
0x547: {  	v15 =	vmul.f32 v15, v14;
	_ =	sdelay $0x1  }
0x548: {  	[tilespmem:v52+s17+$0x0] =	vst.idx.msk $0xffff, v15  }
0x549: {  	v15 =	vld.idx.msk [tilespmem:v53+s2+$0x0], $0xffff;
	_ =	sdelay $0x2  }
0x54a: {  	v54 =	vor.u32 $0x9, v12;
	_ =	sdelay $0x1  }
0x54b: {  	v15 =	vmul.f32 v15, v14;
	_ =	sdelay $0x1  }
0x54c: {  	[tilespmem:v53+s17+$0x0] =	vst.idx.msk $0xffff, v15  }
0x54d: {  	v15 =	vld.idx.msk [tilespmem:v54+s2+$0x0], $0xffff;
	_ =	sdelay $0x2  }
0x54e: {  	v55 =	vor.u32 $0xA, v12;
	_ =	sdelay $0x1  }
0x54f: {  	v15 =	vmul.f32 v15, v14;
	_ =	sdelay $0x1  }
0x550: {  	[tilespmem:v54+s17+$0x0] =	vst.idx.msk $0xffff, v15  }
0x551: {  	v15 =	vld.idx.msk [tilespmem:v55+s2+$0x0], $0xffff;
	_ =	sdelay $0x2  }
0x552: {  	v56 =	vor.u32 $0xB, v12;
	_ =	sdelay $0x1  }
0x553: {  	v15 =	vmul.f32 v15, v14;
	_ =	sdelay $0x1  }
0x554: {  	[tilespmem:v55+s17+$0x0] =	vst.idx.msk $0xffff, v15  }
0x555: {  	v15 =	vld.idx.msk [tilespmem:v56+s2+$0x0], $0xffff;
	_ =	sdelay $0x2  }
0x556: {  	v57 =	vor.u32 $0xC, v12;
	_ =	sdelay $0x1  }
0x557: {  	v15 =	vmul.f32 v15, v14;
	_ =	sdelay $0x1  }
0x558: {  	[tilespmem:v56+s17+$0x0] =	vst.idx.msk $0xffff, v15  }
0x559: {  	v15 =	vld.idx.msk [tilespmem:v57+s2+$0x0], $0xffff;
	_ =	sdelay $0x2  }
0x55a: {  	v58 =	vor.u32 $0xD, v12;
	_ =	sdelay $0x1  }
0x55b: {  	v15 =	vmul.f32 v15, v14;
	_ =	sdelay $0x1  }
0x55c: {  	[tilespmem:v57+s17+$0x0] =	vst.idx.msk $0xffff, v15  }
0x55d: {  	v15 =	vld.idx.msk [tilespmem:v58+s2+$0x0], $0xffff;
	_ =	sdelay $0x2  }
0x55e: {  	v59 =	vor.u32 $0xE, v12;
	_ =	sdelay $0x1  }
0x55f: {  	v15 =	vmul.f32 v15, v14;
	_ =	sdelay $0x1  }
0x560: {  	[tilespmem:v58+s17+$0x0] =	vst.idx.msk $0xffff, v15  }
0x561: {  	v15 =	vld.idx.msk [tilespmem:v59+s2+$0x0], $0xffff;
	_ =	sdelay $0x2  }
0x562: {  	v60 =	vor.u32 $0xF, v12;
	_ =	sdelay $0x1  }
0x563: {  	v15 =	vmul.f32 v15, v14;
	_ =	sdelay $0x1  }
0x564: {  	[tilespmem:v59+s17+$0x0] =	vst.idx.msk $0xffff, v15  }
0x565: {  	v15 =	vld.idx.msk [tilespmem:v60+s2+$0x0], $0xffff;
	_ =	sdelay $0x2  }
0x566: {  	v61 =	vor.u32 $0x10, v12;
	_ =	sdelay $0x1  }
0x567: {  	v15 =	vmul.f32 v15, v14;
	_ =	sdelay $0x1  }
0x568: {  	[tilespmem:v60+s17+$0x0] =	vst.idx.msk $0xffff, v15  }
0x569: {  	v15 =	vld.idx.msk [tilespmem:v61+s2+$0x0], $0xffff;
	_ =	sdelay $0x2  }
0x56a: {  	v62 =	vor.u32 $0x11, v12;
	_ =	sdelay $0x1  }
0x56b: {  	v15 =	vmul.f32 v15, v14;
	_ =	sdelay $0x1  }
0x56c: {  	[tilespmem:v61+s17+$0x0] =	vst.idx.msk $0xffff, v15  }
0x56d: {  	v15 =	vld.idx.msk [tilespmem:v62+s2+$0x0], $0xffff;
	_ =	sdelay $0x2  }
0x56e: {  	v63 =	vor.u32 $0x12, v12;
	_ =	sdelay $0x1  }
0x56f: {  	v15 =	vmul.f32 v15, v14;
	_ =	sdelay $0x1  }
0x570: {  	[tilespmem:v62+s17+$0x0] =	vst.idx.msk $0xffff, v15  }
0x571: {  	v15 =	vld.idx.msk [tilespmem:v63+s2+$0x0], $0xffff;
	_ =	sdelay $0x2  }
0x572: {  	v20 =	vor.u32 $0x13, v12;
	_ =	sdelay $0x1  }
0x573: {  	v15 =	vmul.f32 v15, v14;
	_ =	sdelay $0x1  }
0x574: {  	[tilespmem:v63+s17+$0x0] =	vst.idx.msk $0xffff, v15  }
0x575: {  	v15 =	vld.idx.msk [tilespmem:v20+s2+$0x0], $0xffff;
	_ =	sdelay $0x2  }
0x576: {  	v21 =	vor.u32 $0x14, v12;
	_ =	sdelay $0x1  }
0x577: {  	v15 =	vmul.f32 v15, v14;
	_ =	sdelay $0x1  }
0x578: {  	[tilespmem:v20+s17+$0x0] =	vst.idx.msk $0xffff, v15  }
0x579: {  	v15 =	vld.idx.msk [tilespmem:v21+s2+$0x0], $0xffff;
	_ =	sdelay $0x2  }
0x57a: {  	v22 =	vor.u32 $0x15, v12;
	_ =	sdelay $0x1  }
0x57b: {  	v15 =	vmul.f32 v15, v14;
	_ =	sdelay $0x1  }
0x57c: {  	[tilespmem:v21+s17+$0x0] =	vst.idx.msk $0xffff, v15  }
0x57d: {  	v15 =	vld.idx.msk [tilespmem:v22+s2+$0x0], $0xffff;
	_ =	sdelay $0x2  }
0x57e: {  	v23 =	vor.u32 $0x16, v12;
	_ =	sdelay $0x1  }
0x57f: {  	v15 =	vmul.f32 v15, v14;
	_ =	sdelay $0x1  }
0x580: {  	[tilespmem:v22+s17+$0x0] =	vst.idx.msk $0xffff, v15  }
0x581: {  	v15 =	vld.idx.msk [tilespmem:v23+s2+$0x0], $0xffff;
	_ =	sdelay $0x2  }
0x582: {  	v24 =	vor.u32 $0x17, v12;
	_ =	sdelay $0x1  }
0x583: {  	v15 =	vmul.f32 v15, v14;
	_ =	sdelay $0x1  }
0x584: {  	[tilespmem:v23+s17+$0x0] =	vst.idx.msk $0xffff, v15  }
0x585: {  	v15 =	vld.idx.msk [tilespmem:v24+s2+$0x0], $0xffff;
	_ =	sdelay $0x2  }
0x586: {  	v25 =	vor.u32 $0x18, v12;
	_ =	sdelay $0x1  }
0x587: {  	v15 =	vmul.f32 v15, v14;
	_ =	sdelay $0x1  }
0x588: {  	[tilespmem:v24+s17+$0x0] =	vst.idx.msk $0xffff, v15  }
0x589: {  	v15 =	vld.idx.msk [tilespmem:v25+s2+$0x0], $0xffff;
	_ =	sdelay $0x2  }
0x58a: {  	v26 =	vor.u32 $0x19, v12;
	_ =	sdelay $0x1  }
0x58b: {  	v15 =	vmul.f32 v15, v14;
	_ =	sdelay $0x1  }
0x58c: {  	[tilespmem:v25+s17+$0x0] =	vst.idx.msk $0xffff, v15  }
0x58d: {  	v15 =	vld.idx.msk [tilespmem:v26+s2+$0x0], $0xffff;
	_ =	sdelay $0x2  }
0x58e: {  	v27 =	vor.u32 $0x1A, v12;
	_ =	sdelay $0x1  }
0x58f: {  	v15 =	vmul.f32 v15, v14;
	_ =	sdelay $0x1  }
0x590: {  	[tilespmem:v26+s17+$0x0] =	vst.idx.msk $0xffff, v15  }
0x591: {  	v15 =	vld.idx.msk [tilespmem:v27+s2+$0x0], $0xffff;
	_ =	sdelay $0x2  }
0x592: {  	v28 =	vor.u32 $0x1B, v12;
	_ =	sdelay $0x1  }
0x593: {  	v15 =	vmul.f32 v15, v14;
	_ =	sdelay $0x1  }
0x594: {  	[tilespmem:v27+s17+$0x0] =	vst.idx.msk $0xffff, v15  }
0x595: {  	v15 =	vld.idx.msk [tilespmem:v28+s2+$0x0], $0xffff;
	_ =	sdelay $0x2  }
0x596: {  	v29 =	vor.u32 $0x1C, v12;
	_ =	sdelay $0x1  }
0x597: {  	v15 =	vmul.f32 v15, v14;
	_ =	sdelay $0x1  }
0x598: {  	[tilespmem:v28+s17+$0x0] =	vst.idx.msk $0xffff, v15  }
0x599: {  	v15 =	vld.idx.msk [tilespmem:v29+s2+$0x0], $0xffff;
	_ =	sdelay $0x2  }
0x59a: {  	v30 =	vor.u32 $0x1D, v12;
	_ =	sdelay $0x1  }
0x59b: {  	v15 =	vmul.f32 v15, v14;
	_ =	sdelay $0x1  }
0x59c: {  	[tilespmem:v29+s17+$0x0] =	vst.idx.msk $0xffff, v15  }
0x59d: {  	v15 =	vld.idx.msk [tilespmem:v30+s2+$0x0], $0xffff;
	_ =	sdelay $0x2  }
0x59e: {  	v31 =	vor.u32 $0x1E, v12;
	_ =	sdelay $0x1  }
0x59f: {  	v15 =	vmul.f32 v15, v14;
	_ =	sdelay $0x1  }
0x5a0: {  	[tilespmem:v30+s17+$0x0] =	vst.idx.msk $0xffff, v15  }
0x5a1: {  	v15 =	vld.idx.msk [tilespmem:v31+s2+$0x0], $0xffff;
	_ =	sdelay $0x2  }
0x5a2: {  	v32 =	vor.u32 $0x1F, v12;
	_ =	sdelay $0x1  }
0x5a3: {  	v15 =	vmul.f32 v15, v14;
	_ =	sdelay $0x1  }
0x5a4: {  	[tilespmem:v31+s17+$0x0] =	vst.idx.msk $0xffff, v15  }
0x5a5: {  	v15 =	vld.idx.msk [tilespmem:v32+s2+$0x0], $0xffff;
	_ =	sdelay $0x2  }
0x5a6: {  	v13 =	vor.u32 $0x1, v13  }
0x5a7: {  	v33 =	vor.u32 $0x20, v12  }
0x5a8: {  	v14 =	vmul.f32 v15, v14;
	_ =	sdelay $0x1  }
0x5a9: {  	[tilespmem:v32+s17+$0x0] =	vst.idx.msk $0xffff, v14  }
0x5aa: {  	v13 =	vld.idx.msk [tilespmem:v13+s8+$0x0], $0xffff  }
0x5ab: {  	v14 =	vld.idx.msk [tilespmem:v33+s2+$0x0], $0xffff;
	_ =	sdelay $0x2  }
0x5ac: {  	v34 =	vor.u32 $0x21, v12;
	_ =	sdelay $0x1  }
0x5ad: {  	v14 =	vmul.f32 v14, v13;
	_ =	sdelay $0x1  }
0x5ae: {  	[tilespmem:v33+s17+$0x0] =	vst.idx.msk $0xffff, v14  }
0x5af: {  	v14 =	vld.idx.msk [tilespmem:v34+s2+$0x0], $0xffff;
	_ =	sdelay $0x2  }
0x5b0: {  	v35 =	vor.u32 $0x22, v12;
	_ =	sdelay $0x1  }
0x5b1: {  	v14 =	vmul.f32 v14, v13;
	_ =	sdelay $0x1  }
0x5b2: {  	[tilespmem:v34+s17+$0x0] =	vst.idx.msk $0xffff, v14  }
0x5b3: {  	v14 =	vld.idx.msk [tilespmem:v35+s2+$0x0], $0xffff;
	_ =	sdelay $0x2  }
0x5b4: {  	v36 =	vor.u32 $0x23, v12;
	_ =	sdelay $0x1  }
0x5b5: {  	v14 =	vmul.f32 v14, v13;
	_ =	sdelay $0x1  }
0x5b6: {  	[tilespmem:v35+s17+$0x0] =	vst.idx.msk $0xffff, v14  }
0x5b7: {  	v14 =	vld.idx.msk [tilespmem:v36+s2+$0x0], $0xffff;
	_ =	sdelay $0x2  }
0x5b8: {  	v37 =	vor.u32 $0x24, v12;
	_ =	sdelay $0x1  }
0x5b9: {  	v14 =	vmul.f32 v14, v13;
	_ =	sdelay $0x1  }
0x5ba: {  	[tilespmem:v36+s17+$0x0] =	vst.idx.msk $0xffff, v14  }
0x5bb: {  	v14 =	vld.idx.msk [tilespmem:v37+s2+$0x0], $0xffff;
	_ =	sdelay $0x2  }
0x5bc: {  	v38 =	vor.u32 $0x25, v12;
	_ =	sdelay $0x1  }
0x5bd: {  	v14 =	vmul.f32 v14, v13;
	_ =	sdelay $0x1  }
0x5be: {  	[tilespmem:v37+s17+$0x0] =	vst.idx.msk $0xffff, v14  }
0x5bf: {  	v14 =	vld.idx.msk [tilespmem:v38+s2+$0x0], $0xffff;
	_ =	sdelay $0x2  }
0x5c0: {  	v39 =	vor.u32 $0x26, v12;
	_ =	sdelay $0x1  }
0x5c1: {  	v14 =	vmul.f32 v14, v13;
	_ =	sdelay $0x1  }
0x5c2: {  	[tilespmem:v38+s17+$0x0] =	vst.idx.msk $0xffff, v14  }
0x5c3: {  	v14 =	vld.idx.msk [tilespmem:v39+s2+$0x0], $0xffff;
	_ =	sdelay $0x2  }
0x5c4: {  	v40 =	vor.u32 $0x27, v12;
	_ =	sdelay $0x1  }
0x5c5: {  	v14 =	vmul.f32 v14, v13;
	_ =	sdelay $0x1  }
0x5c6: {  	[tilespmem:v39+s17+$0x0] =	vst.idx.msk $0xffff, v14  }
0x5c7: {  	v14 =	vld.idx.msk [tilespmem:v40+s2+$0x0], $0xffff;
	_ =	sdelay $0x2  }
0x5c8: {  	v41 =	vor.u32 $0x28, v12;
	_ =	sdelay $0x1  }
0x5c9: {  	v14 =	vmul.f32 v14, v13;
	_ =	sdelay $0x1  }
0x5ca: {  	[tilespmem:v40+s17+$0x0] =	vst.idx.msk $0xffff, v14  }
0x5cb: {  	v14 =	vld.idx.msk [tilespmem:v41+s2+$0x0], $0xffff;
	_ =	sdelay $0x2  }
0x5cc: {  	v42 =	vor.u32 $0x29, v12;
	_ =	sdelay $0x1  }
0x5cd: {  	v14 =	vmul.f32 v14, v13;
	_ =	sdelay $0x1  }
0x5ce: {  	[tilespmem:v41+s17+$0x0] =	vst.idx.msk $0xffff, v14  }
0x5cf: {  	v14 =	vld.idx.msk [tilespmem:v42+s2+$0x0], $0xffff;
	_ =	sdelay $0x2  }
0x5d0: {  	v43 =	vor.u32 $0x2A, v12;
	_ =	sdelay $0x1  }
0x5d1: {  	v14 =	vmul.f32 v14, v13;
	_ =	sdelay $0x1  }
0x5d2: {  	[tilespmem:v42+s17+$0x0] =	vst.idx.msk $0xffff, v14  }
0x5d3: {  	v14 =	vld.idx.msk [tilespmem:v43+s2+$0x0], $0xffff;
	_ =	sdelay $0x2  }
0x5d4: {  	v44 =	vor.u32 $0x2B, v12;
	_ =	sdelay $0x1  }
0x5d5: {  	v14 =	vmul.f32 v14, v13;
	_ =	sdelay $0x1  }
0x5d6: {  	[tilespmem:v43+s17+$0x0] =	vst.idx.msk $0xffff, v14  }
0x5d7: {  	v14 =	vld.idx.msk [tilespmem:v44+s2+$0x0], $0xffff;
	_ =	sdelay $0x2  }
0x5d8: {  	v45 =	vor.u32 $0x2C, v12;
	_ =	sdelay $0x1  }
0x5d9: {  	v14 =	vmul.f32 v14, v13;
	_ =	sdelay $0x1  }
0x5da: {  	[tilespmem:v44+s17+$0x0] =	vst.idx.msk $0xffff, v14  }
0x5db: {  	v14 =	vld.idx.msk [tilespmem:v45+s2+$0x0], $0xffff;
	_ =	sdelay $0x2  }
0x5dc: {  	v46 =	vor.u32 $0x2D, v12;
	_ =	sdelay $0x1  }
0x5dd: {  	v14 =	vmul.f32 v14, v13;
	_ =	sdelay $0x1  }
0x5de: {  	[tilespmem:v45+s17+$0x0] =	vst.idx.msk $0xffff, v14  }
0x5df: {  	v14 =	vld.idx.msk [tilespmem:v46+s2+$0x0], $0xffff;
	_ =	sdelay $0x2  }
0x5e0: {  	v47 =	vor.u32 $0x2E, v12;
	_ =	sdelay $0x1  }
0x5e1: {  	v14 =	vmul.f32 v14, v13;
	_ =	sdelay $0x1  }
0x5e2: {  	[tilespmem:v46+s17+$0x0] =	vst.idx.msk $0xffff, v14  }
0x5e3: {  	v14 =	vld.idx.msk [tilespmem:v47+s2+$0x0], $0xffff;
	_ =	sdelay $0x2  }
0x5e4: {  	v48 =	vor.u32 $0x2F, v12;
	_ =	sdelay $0x1  }
0x5e5: {  	v14 =	vmul.f32 v14, v13;
	_ =	sdelay $0x1  }
0x5e6: {  	[tilespmem:v47+s17+$0x0] =	vst.idx.msk $0xffff, v14  }
0x5e7: {  	v14 =	vld.idx.msk [tilespmem:v48+s2+$0x0], $0xffff;
	_ =	sdelay $0x2  }
0x5e8: {  	v49 =	vor.u32 $0x30, v12;
	_ =	sdelay $0x1  }
0x5e9: {  	v14 =	vmul.f32 v14, v13;
	_ =	sdelay $0x1  }
0x5ea: {  	[tilespmem:v48+s17+$0x0] =	vst.idx.msk $0xffff, v14  }
0x5eb: {  	v14 =	vld.idx.msk [tilespmem:v49+s2+$0x0], $0xffff;
	_ =	sdelay $0x2  }
0x5ec: {  	v50 =	vor.u32 $0x31, v12;
	_ =	sdelay $0x1  }
0x5ed: {  	v14 =	vmul.f32 v14, v13;
	_ =	sdelay $0x1  }
0x5ee: {  	[tilespmem:v49+s17+$0x0] =	vst.idx.msk $0xffff, v14  }
0x5ef: {  	v14 =	vld.idx.msk [tilespmem:v50+s2+$0x0], $0xffff;
	_ =	sdelay $0x2  }
0x5f0: {  	v51 =	vor.u32 $0x32, v12;
	_ =	sdelay $0x1  }
0x5f1: {  	v14 =	vmul.f32 v14, v13;
	_ =	sdelay $0x1  }
0x5f2: {  	[tilespmem:v50+s17+$0x0] =	vst.idx.msk $0xffff, v14  }
0x5f3: {  	v14 =	vld.idx.msk [tilespmem:v51+s2+$0x0], $0xffff;
	_ =	sdelay $0x2  }
0x5f4: {  	v52 =	vor.u32 $0x33, v12;
	_ =	sdelay $0x1  }
0x5f5: {  	v14 =	vmul.f32 v14, v13;
	_ =	sdelay $0x1  }
0x5f6: {  	[tilespmem:v51+s17+$0x0] =	vst.idx.msk $0xffff, v14  }
0x5f7: {  	v14 =	vld.idx.msk [tilespmem:v52+s2+$0x0], $0xffff;
	_ =	sdelay $0x2  }
0x5f8: {  	v53 =	vor.u32 $0x34, v12;
	_ =	sdelay $0x1  }
0x5f9: {  	v14 =	vmul.f32 v14, v13;
	_ =	sdelay $0x1  }
0x5fa: {  	[tilespmem:v52+s17+$0x0] =	vst.idx.msk $0xffff, v14  }
0x5fb: {  	v14 =	vld.idx.msk [tilespmem:v53+s2+$0x0], $0xffff;
	_ =	sdelay $0x2  }
0x5fc: {  	v54 =	vor.u32 $0x35, v12;
	_ =	sdelay $0x1  }
0x5fd: {  	v14 =	vmul.f32 v14, v13;
	_ =	sdelay $0x1  }
0x5fe: {  	[tilespmem:v53+s17+$0x0] =	vst.idx.msk $0xffff, v14  }
0x5ff: {  	v14 =	vld.idx.msk [tilespmem:v54+s2+$0x0], $0xffff;
	_ =	sdelay $0x2  }
0x600: {  	v55 =	vor.u32 $0x36, v12;
	_ =	sdelay $0x1  }
0x601: {  	v14 =	vmul.f32 v14, v13;
	_ =	sdelay $0x1  }
0x602: {  	[tilespmem:v54+s17+$0x0] =	vst.idx.msk $0xffff, v14  }
0x603: {  	v14 =	vld.idx.msk [tilespmem:v55+s2+$0x0], $0xffff;
	_ =	sdelay $0x2  }
0x604: {  	v56 =	vor.u32 $0x37, v12;
	_ =	sdelay $0x1  }
0x605: {  	v14 =	vmul.f32 v14, v13;
	_ =	sdelay $0x1  }
0x606: {  	[tilespmem:v55+s17+$0x0] =	vst.idx.msk $0xffff, v14  }
0x607: {  	v14 =	vld.idx.msk [tilespmem:v56+s2+$0x0], $0xffff;
	_ =	sdelay $0x2  }
0x608: {  	v57 =	vor.u32 $0x38, v12;
	_ =	sdelay $0x1  }
0x609: {  	v14 =	vmul.f32 v14, v13;
	_ =	sdelay $0x1  }
0x60a: {  	[tilespmem:v56+s17+$0x0] =	vst.idx.msk $0xffff, v14  }
0x60b: {  	v14 =	vld.idx.msk [tilespmem:v57+s2+$0x0], $0xffff;
	_ =	sdelay $0x2  }
0x60c: {  	v58 =	vor.u32 $0x39, v12;
	_ =	sdelay $0x1  }
0x60d: {  	v14 =	vmul.f32 v14, v13;
	_ =	sdelay $0x1  }
0x60e: {  	[tilespmem:v57+s17+$0x0] =	vst.idx.msk $0xffff, v14  }
0x60f: {  	v14 =	vld.idx.msk [tilespmem:v58+s2+$0x0], $0xffff;
	_ =	sdelay $0x2  }
0x610: {  	v59 =	vor.u32 $0x3A, v12;
	_ =	sdelay $0x1  }
0x611: {  	v14 =	vmul.f32 v14, v13;
	_ =	sdelay $0x1  }
0x612: {  	[tilespmem:v58+s17+$0x0] =	vst.idx.msk $0xffff, v14  }
0x613: {  	v14 =	vld.idx.msk [tilespmem:v59+s2+$0x0], $0xffff;
	_ =	sdelay $0x2  }
0x614: {  	v60 =	vor.u32 $0x3B, v12;
	_ =	sdelay $0x1  }
0x615: {  	v14 =	vmul.f32 v14, v13;
	_ =	sdelay $0x1  }
0x616: {  	[tilespmem:v59+s17+$0x0] =	vst.idx.msk $0xffff, v14  }
0x617: {  	v14 =	vld.idx.msk [tilespmem:v60+s2+$0x0], $0xffff;
	_ =	sdelay $0x2  }
0x618: {  	v61 =	vor.u32 $0x3C, v12;
	_ =	sdelay $0x1  }
0x619: {  	v14 =	vmul.f32 v14, v13;
	_ =	sdelay $0x1  }
0x61a: {  	[tilespmem:v60+s17+$0x0] =	vst.idx.msk $0xffff, v14  }
0x61b: {  	v14 =	vld.idx.msk [tilespmem:v61+s2+$0x0], $0xffff;
	_ =	sdelay $0x2  }
0x61c: {  	v62 =	vor.u32 $0x3D, v12;
	_ =	sdelay $0x1  }
0x61d: {  	v14 =	vmul.f32 v14, v13;
	_ =	sdelay $0x1  }
0x61e: {  	[tilespmem:v61+s17+$0x0] =	vst.idx.msk $0xffff, v14  }
0x61f: {  	v14 =	vld.idx.msk [tilespmem:v62+s2+$0x0], $0xffff;
	_ =	sdelay $0x2  }
0x620: {  	v63 =	vor.u32 $0x3E, v12;
	_ =	sdelay $0x1  }
0x621: {  	v14 =	vmul.f32 v14, v13;
	_ =	sdelay $0x1  }
0x622: {  	[tilespmem:v62+s17+$0x0] =	vst.idx.msk $0xffff, v14  }
0x623: {  	v14 =	vld.idx.msk [tilespmem:v63+s2+$0x0], $0xffff;
	_ =	sdelay $0x2  }
0x624: {  	v12 =	vor.u32 $0x3F, v12;
	_ =	sdelay $0x1  }
0x625: {  	v14 =	vmul.f32 v14, v13;
	_ =	sdelay $0x1  }
0x626: {  	[tilespmem:v63+s17+$0x0] =	vst.idx.msk $0xffff, v14  }
0x627: {  	v14 =	vld.idx.msk [tilespmem:v12+s2+$0x0], $0xffff;
	_ =	sdelay $0x1  }
0x628: {  	p0 =	sne.s32 s3, $0x40  }
.Ltmp6:
0x629: {  	_ = 	snop;
	(pc) =	sbr.rel @p0 .LBB2_15-.Ltmp6, $3  }
0x62a: {  	_ = 	snop  }
0x62b: {  	v13 =	vmul.f32 v14, v13;
	_ =	sdelay $0x1  }
0x62c: {  	s3 =	sadd.s32 $0x10, s3;
	[tilespmem:v12+s17+$0x0] =	vst.idx.msk $0xffff, v13  }
0x62d: {  	s3 =	rddreg [dreg:$0x2]  }
0x62e: {  	[spmem:s3] =	stream.indirect.scatter.add.f32 [tilespmem:s17], [sflag:$0x3], $0x40, s11, s10, $0xb8;
	[tilespmem:$0x133D0] =	vst v63  }
0x62f: {  	s4 =	rddreg [dreg:$0x3]  }
0x630: {  	[spmem:s4] =	stream.indirect.scatter.add.f32 [tilespmem:s8], [sflag:$0x3], $0x10, s11, s10, $0xb8;
	[tilespmem:$0x133D0] =	vst v63  }
0x631: {  	_ =	swait.ge [sflag:s24], $0x1400  }
0x632: {  	[sflag:s24] =	ssyncset.done $0x0  }
0x633: {  	[sflag:s24] =	ssyncadd.s32 $0xFFFFEC00  }
0x634: {  	_ =	swait.ge [sflag:s24], $0x500  }
0x635: {  	s4 =	rddreg [dreg:$0x17]  }
0x636: {  	s0 =	sadd.s32 s0, s4  }
0x637: {  	[sflag:s24] =	ssyncset.done $0x0;
	s0 =	sshrl.u32 s0, $0x3  }
0x638: {  	s3 =	simm.s32 $0x0;
	[sflag:s24] =	ssyncadd.s32 $0xFFFFFB00;
	s0 =	sadd.s32 s7, s0  }
0x639: {  	[tilespmem:s18], [sflag:$0x7] =	stream.linear.gather [hbm4b:s0+s3], $0x50, $0x38;
	[tilespmem:$0x133D0] =	vst v63  }
0x63a: {  	_ =	swait.ge [sflag:s9], $0x50  }
0x63b: {  	[sflag:s9] =	ssyncset.done $0x0  }
0x63c: {  	[sflag:s9] =	ssyncadd.s32 $0xFFFFFFB0  }
0x63d: {  	v12 =	vld.idx.msk [tilespmem:v5+s18+$0x0], $0xffff;
	_ =	sdelay $0x4  }
0x63e: {  	v13 =	vand.u32 $0x3FFF, v12  }
0x63f: {  	v12 =	vshra.s32 v12, $0xE;
	[tilespmem:v5+s19+$0x0] =	vst.idx.msk $0xffff, v13  }
0x640: {  	[tilespmem:v5+s20+$0x0] =	vst.idx.msk $0xffff, v12;
	v12 =	vadd.s32 v0, v13  }
0x641: {  	[tilespmem:v5+s21+$0x0] =	vst.idx.msk $0xffff, v12  }
0x642: {  	v12 =	vld.idx.msk [tilespmem:v7+s18+$0x0], $0xffff;
	_ =	sdelay $0x4  }
0x643: {  	v13 =	vand.u32 $0x3FFF, v12  }
0x644: {  	v12 =	vshra.s32 v12, $0xE;
	[tilespmem:v7+s19+$0x0] =	vst.idx.msk $0xffff, v13  }
0x645: {  	[tilespmem:v7+s20+$0x0] =	vst.idx.msk $0xffff, v12;
	v12 =	vadd.s32 v0, v13  }
0x646: {  	[tilespmem:v7+s21+$0x0] =	vst.idx.msk $0xffff, v12  }
0x647: {  	v12 =	vld.idx.msk [tilespmem:v8+s18+$0x0], $0xffff;
	_ =	sdelay $0x4  }
0x648: {  	v13 =	vand.u32 $0x3FFF, v12  }
0x649: {  	v12 =	vshra.s32 v12, $0xE;
	[tilespmem:v8+s19+$0x0] =	vst.idx.msk $0xffff, v13  }
0x64a: {  	[tilespmem:v8+s20+$0x0] =	vst.idx.msk $0xffff, v12;
	v12 =	vadd.s32 v0, v13  }
0x64b: {  	[tilespmem:v8+s21+$0x0] =	vst.idx.msk $0xffff, v12  }
0x64c: {  	v12 =	vld.idx.msk [tilespmem:v9+s18+$0x0], $0xffff;
	_ =	sdelay $0x4  }
0x64d: {  	v13 =	vand.u32 $0x3FFF, v12  }
0x64e: {  	v12 =	vshra.s32 v12, $0xE;
	[tilespmem:v9+s19+$0x0] =	vst.idx.msk $0xffff, v13  }
0x64f: {  	[tilespmem:v9+s20+$0x0] =	vst.idx.msk $0xffff, v12;
	v12 =	vadd.s32 v0, v13  }
0x650: {  	[tilespmem:v9+s21+$0x0] =	vst.idx.msk $0xffff, v12  }
0x651: {  	v12 =	vld.idx.msk [tilespmem:v10+s18+$0x0], $0xffff;
	_ =	sdelay $0x4  }
0x652: {  	v13 =	vand.u32 $0x3FFF, v12  }
0x653: {  	v12 =	vshra.s32 v12, $0xE;
	[tilespmem:v10+s19+$0x0] =	vst.idx.msk $0xffff, v13  }
0x654: {  	[tilespmem:v10+s20+$0x0] =	vst.idx.msk $0xffff, v12;
	v12 =	vadd.s32 v0, v13  }
0x655: {  	[tilespmem:v10+s21+$0x0] =	vst.idx.msk $0xffff, v12  }
0x656: {  	[tilespmem:s22], [sflag:$0x4] =	stream.indirect.gather [hbm4b:s16+s10], $0x40, s21, s10, $0xb8;
	[tilespmem:$0x133D0] =	vst v63  }
0x657: {  	_ = 	snop  }
0x658: {  	[tilespmem:s23], [sflag:$0x5] =	stream.indirect.gather [hbm4b:s6+s10], $0x10, s19, s10, $0xb8;
	[tilespmem:$0x133D0] =	vst v63  }
0x659: {  	v12 =	vmov s3  }
0x65a: {  	v12 =	vshll.u32 v12, $0x4;
	[tilespmem:s28], [sflag:$0x5] =	stream.indirect.gather [hbm4b:s6+s10], $0x10, s20, s10, $0xb8;
	[tilespmem:$0x133D0] =	vst v63  }
0x65b: {  	v13 =	vor.u32 v11, v12;
	_ =	swait.ge [sflag:s29], $0x500  }
0x65c: {  	v12 =	vor.u32 v1, v13;
	[sflag:s29] =	ssyncset.done $0x0  }
0x65d: {  	v14 =	vor.u32 v2, v13;
	[sflag:s29] =	ssyncadd.s32 $0xFFFFFB00  }
0x65e: {  	_ =	swait.ge [sflag:s29], $0x500  }
0x65f: {  	[sflag:s29] =	ssyncset.done $0x0  }
0x660: {  	[sflag:s29] =	ssyncadd.s32 $0xFFFFFB00  }
0x661: {  	v12 =	vld.idx.msk [tilespmem:v12+s23+$0x0], $0xffff  }
0x662: {  	v14 =	vld.idx.msk [tilespmem:v14+s28+$0x0], $0xffff;
	_ =	sdelay $0x4  }
0x663: {  	v12 =	vadd.f32 v14, v12;
	_ =	sdelay $0x1  }
0x664: {  	v14 =	vmul.f32 $2.000000030e-01, v12  }
0x665: {  	vm0 =	vge.f32 v12, $0.0e+00  }
0x666: {  	v12 =	vsel vm0, v12, v14  }
0x667: {  	v12 =	vmul.f32 $1.442695020e+00, v12;
	_ =	sdelay $0x1  }
0x668: {  	(erf) = vpow2.f32 v12;
	_ =	sdelay $0x5  }
0x669: {  	v12 =	vor.u32 v3, v13  }
0x66a: {  	v14 =	vor.u32 v4, v13;
	_ =	sdelay $0x1  }
0x66b: {  	v15 =	vpop (erf)  }
0x66c: {  	[tilespmem:v13+s30+$0x0] =	vst.idx.msk $0xffff, v15  }
0x66d: {  	v12 =	vld.idx.msk [tilespmem:v12+s23+$0x0], $0xffff  }
0x66e: {  	v14 =	vld.idx.msk [tilespmem:v14+s28+$0x0], $0xffff;
	_ =	sdelay $0x4  }
0x66f: {  	v12 =	vadd.f32 v14, v12;
	_ =	sdelay $0x1  }
0x670: {  	v14 =	vmul.f32 $2.000000030e-01, v12  }
0x671: {  	vm15 =	vge.f32 v12, $0.0e+00  }
0x672: {  	v12 =	vsel vm15, v12, v14  }
0x673: {  	v12 =	vmul.f32 $1.442695020e+00, v12;
	_ =	sdelay $0x1  }
0x674: {  	(erf) = vpow2.f32 v12;
	_ =	sdelay $0x1  }
0x675: {  	s4 =	smov.u32 s16;
	s16 =	simm.s32 $0x10  }
0x676: {  	v14 =	vmov s16  }
0x677: {  	v14 =	vshll.u32 v14, $0x4  }
0x678: {  	v13 =	vor.u32 $0x1, v13;
	v12 =	vor.u32 v11, v14  }
0x679: {  	s0 =	simm.s32 $0x20;
	v15 =	vor.u32 v1, v12;
	v14 =	vor.u32 v2, v12  }
.LBB2_17:
0x67a: {  	_ = 	snop  }
0x67b: {  	p0 =	sne.s32 s0, $0x40;
	s3 =	smov.u32 s0;
	s0 =	sadd.s32 $0x10, s0  }
0x67c: {  	v16 =	vpop (erf)  }
0x67d: {  	[tilespmem:v13+s30+$0x0] =	vst.idx.msk $0xffff, v16  }
0x67e: {  	v13 =	vld.idx.msk [tilespmem:v15+s23+$0x0], $0xffff  }
0x67f: {  	v14 =	vld.idx.msk [tilespmem:v14+s28+$0x0], $0xffff;
	_ =	sdelay $0x5  }
0x680: {  	v13 =	vadd.f32 v14, v13;
	_ =	sdelay $0x1  }
0x681: {  	vm0 =	vge.f32 v13, $0.0e+00;
	v14 =	vmul.f32 $2.000000030e-01, v13;
	_ =	sdelay $0x1  }
0x682: {  	v13 =	vsel vm0, v13, v14  }
0x683: {  	v13 =	vmul.f32 $1.442695020e+00, v13;
	_ =	sdelay $0x1  }
0x684: {  	(erf) = vpow2.f32 v13;
	_ =	sdelay $0x5  }
0x685: {  	v14 =	vor.u32 v4, v12;
	v13 =	vor.u32 v3, v12;
	_ =	sdelay $0x2  }
0x686: {  	v15 =	vpop (erf)  }
0x687: {  	[tilespmem:v12+s30+$0x0] =	vst.idx.msk $0xffff, v15  }
0x688: {  	v13 =	vld.idx.msk [tilespmem:v13+s23+$0x0], $0xffff  }
0x689: {  	v14 =	vld.idx.msk [tilespmem:v14+s28+$0x0], $0xffff;
	_ =	sdelay $0x5  }
0x68a: {  	v13 =	vadd.f32 v14, v13;
	_ =	sdelay $0x1  }
0x68b: {  	vm0 =	vge.f32 v13, $0.0e+00;
	v14 =	vmul.f32 $2.000000030e-01, v13;
	_ =	sdelay $0x1  }
0x68c: {  	v13 =	vsel vm0, v13, v14  }
0x68d: {  	v13 =	vmul.f32 $1.442695020e+00, v13;
	_ =	sdelay $0x1  }
0x68e: {  	(erf) = vpow2.f32 v13;
	_ =	sdelay $0x1  }
.Ltmp7:
0x68f: {  	(pc) =	sbr.rel @p0 .LBB2_17-.Ltmp7, $4  }
0x690: {  	v14 =	vmov s3;
	v13 =	vor.u32 $0x1, v12  }
0x691: {  	v12 =	vshll.u32 v14, $0x4  }
0x692: {  	v12 =	vor.u32 v11, v12  }
0x693: {  	v15 =	vor.u32 v1, v12;
	v14 =	vor.u32 v2, v12  }
0x694: {  	_ =	sdelay $0x2  }
0x695: {  	v16 =	vpop (erf)  }
0x696: {  	[tilespmem:v13+s30+$0x0] =	vst.idx.msk $0xffff, v16  }
0x697: {  	v13 =	vld.idx.msk [tilespmem:v15+s23+$0x0], $0xffff  }
0x698: {  	v14 =	vld.idx.msk [tilespmem:v14+s28+$0x0], $0xffff;
	_ =	sdelay $0x4  }
0x699: {  	v13 =	vadd.f32 v14, v13;
	_ =	sdelay $0x1  }
0x69a: {  	v14 =	vmul.f32 $2.000000030e-01, v13  }
0x69b: {  	vm0 =	vge.f32 v13, $0.0e+00  }
0x69c: {  	v13 =	vsel vm0, v13, v14  }
0x69d: {  	v13 =	vmul.f32 $1.442695020e+00, v13;
	_ =	sdelay $0x1  }
0x69e: {  	(erf) = vpow2.f32 v13;
	_ =	sdelay $0x5  }
0x69f: {  	v60 =	vor.u32 v3, v12  }
0x6a0: {  	v61 =	vor.u32 v4, v12;
	_ =	sdelay $0x1  }
0x6a1: {  	v62 =	vpop (erf)  }
0x6a2: {  	[tilespmem:v12+s30+$0x0] =	vst.idx.msk $0xffff, v62  }
0x6a3: {  	v13 =	vld.idx.msk [tilespmem:v60+s23+$0x0], $0xffff  }
0x6a4: {  	v14 =	vld.idx.msk [tilespmem:v61+s28+$0x0], $0xffff;
	_ =	sdelay $0x4  }
0x6a5: {  	v13 =	vadd.f32 v14, v13;
	_ =	sdelay $0x1  }
0x6a6: {  	v14 =	vmul.f32 $2.000000030e-01, v13  }
0x6a7: {  	vm15 =	vge.f32 v13, $0.0e+00  }
0x6a8: {  	v13 =	vsel vm15, v13, v14  }
0x6a9: {  	v13 =	vmul.f32 $1.442695020e+00, v13;
	_ =	sdelay $0x1  }
0x6aa: {  	(erf) = vpow2.f32 v13;
	_ =	sdelay $0x4  }
0x6ab: {  	v63 =	vor.u32 $0x1, v12;
	_ =	sdelay $0x3  }
0x6ac: {  	v13 =	vpop (erf)  }
0x6ad: {  	[tilespmem:v63+s30+$0x0] =	vst.idx.msk $0xffff, v13  }
0x6ae: {  	_ =	swait.ge [sflag:s31], $0x1400  }
0x6af: {  	[sflag:s31] =	ssyncset.done $0x0  }
0x6b0: {  	s0 =	simm.s32 $0x0;
	[sflag:s31] =	ssyncadd.s32 $0xFFFFEC00  }
.LBB2_19:
0x6b1: {  	v12 =	vor.u32 s0, v5  }
0x6b2: {  	v13 =	vshll.u32 v12, $0x4  }
0x6b3: {  	v12 =	vshll.u32 v12, $0x6;
	_ =	sdelay $0x3  }
0x6b4: {  	v14 =	vld.idx.msk [tilespmem:v13+s30+$0x0], $0xffff  }
0x6b5: {  	v15 =	vld.idx.msk [tilespmem:v12+s22+$0x0], $0xffff;
	_ =	sdelay $0x2  }
0x6b6: {  	v16 =	vor.u32 $0x1, v12;
	_ =	sdelay $0x1  }
0x6b7: {  	v15 =	vmul.f32 v15, v14;
	_ =	sdelay $0x1  }
0x6b8: {  	[tilespmem:v12+s1+$0x0] =	vst.idx.msk $0xffff, v15  }
0x6b9: {  	v15 =	vld.idx.msk [tilespmem:v16+s22+$0x0], $0xffff;
	_ =	sdelay $0x2  }
0x6ba: {  	v17 =	vor.u32 $0x2, v12;
	_ =	sdelay $0x1  }
0x6bb: {  	v15 =	vmul.f32 v15, v14;
	_ =	sdelay $0x1  }
0x6bc: {  	[tilespmem:v16+s1+$0x0] =	vst.idx.msk $0xffff, v15  }
0x6bd: {  	v15 =	vld.idx.msk [tilespmem:v17+s22+$0x0], $0xffff;
	_ =	sdelay $0x2  }
0x6be: {  	v48 =	vor.u32 $0x3, v12;
	_ =	sdelay $0x1  }
0x6bf: {  	v15 =	vmul.f32 v15, v14;
	_ =	sdelay $0x1  }
0x6c0: {  	[tilespmem:v17+s1+$0x0] =	vst.idx.msk $0xffff, v15  }
0x6c1: {  	v15 =	vld.idx.msk [tilespmem:v48+s22+$0x0], $0xffff;
	_ =	sdelay $0x2  }
0x6c2: {  	v49 =	vor.u32 $0x4, v12;
	_ =	sdelay $0x1  }
0x6c3: {  	v15 =	vmul.f32 v15, v14;
	_ =	sdelay $0x1  }
0x6c4: {  	[tilespmem:v48+s1+$0x0] =	vst.idx.msk $0xffff, v15  }
0x6c5: {  	v15 =	vld.idx.msk [tilespmem:v49+s22+$0x0], $0xffff;
	_ =	sdelay $0x2  }
0x6c6: {  	v50 =	vor.u32 $0x5, v12;
	_ =	sdelay $0x1  }
0x6c7: {  	v15 =	vmul.f32 v15, v14;
	_ =	sdelay $0x1  }
0x6c8: {  	[tilespmem:v49+s1+$0x0] =	vst.idx.msk $0xffff, v15  }
0x6c9: {  	v15 =	vld.idx.msk [tilespmem:v50+s22+$0x0], $0xffff;
	_ =	sdelay $0x2  }
0x6ca: {  	v51 =	vor.u32 $0x6, v12;
	_ =	sdelay $0x1  }
0x6cb: {  	v15 =	vmul.f32 v15, v14;
	_ =	sdelay $0x1  }
0x6cc: {  	[tilespmem:v50+s1+$0x0] =	vst.idx.msk $0xffff, v15  }
0x6cd: {  	v15 =	vld.idx.msk [tilespmem:v51+s22+$0x0], $0xffff;
	_ =	sdelay $0x2  }
0x6ce: {  	v52 =	vor.u32 $0x7, v12;
	_ =	sdelay $0x1  }
0x6cf: {  	v15 =	vmul.f32 v15, v14;
	_ =	sdelay $0x1  }
0x6d0: {  	[tilespmem:v51+s1+$0x0] =	vst.idx.msk $0xffff, v15  }
0x6d1: {  	v15 =	vld.idx.msk [tilespmem:v52+s22+$0x0], $0xffff;
	_ =	sdelay $0x2  }
0x6d2: {  	v53 =	vor.u32 $0x8, v12;
	_ =	sdelay $0x1  }
0x6d3: {  	v15 =	vmul.f32 v15, v14;
	_ =	sdelay $0x1  }
0x6d4: {  	[tilespmem:v52+s1+$0x0] =	vst.idx.msk $0xffff, v15  }
0x6d5: {  	v15 =	vld.idx.msk [tilespmem:v53+s22+$0x0], $0xffff;
	_ =	sdelay $0x2  }
0x6d6: {  	v54 =	vor.u32 $0x9, v12;
	_ =	sdelay $0x1  }
0x6d7: {  	v15 =	vmul.f32 v15, v14;
	_ =	sdelay $0x1  }
0x6d8: {  	[tilespmem:v53+s1+$0x0] =	vst.idx.msk $0xffff, v15  }
0x6d9: {  	v15 =	vld.idx.msk [tilespmem:v54+s22+$0x0], $0xffff;
	_ =	sdelay $0x2  }
0x6da: {  	v55 =	vor.u32 $0xA, v12;
	_ =	sdelay $0x1  }
0x6db: {  	v15 =	vmul.f32 v15, v14;
	_ =	sdelay $0x1  }
0x6dc: {  	[tilespmem:v54+s1+$0x0] =	vst.idx.msk $0xffff, v15  }
0x6dd: {  	v15 =	vld.idx.msk [tilespmem:v55+s22+$0x0], $0xffff;
	_ =	sdelay $0x2  }
0x6de: {  	v56 =	vor.u32 $0xB, v12;
	_ =	sdelay $0x1  }
0x6df: {  	v15 =	vmul.f32 v15, v14;
	_ =	sdelay $0x1  }
0x6e0: {  	[tilespmem:v55+s1+$0x0] =	vst.idx.msk $0xffff, v15  }
0x6e1: {  	v15 =	vld.idx.msk [tilespmem:v56+s22+$0x0], $0xffff;
	_ =	sdelay $0x2  }
0x6e2: {  	v57 =	vor.u32 $0xC, v12;
	_ =	sdelay $0x1  }
0x6e3: {  	v15 =	vmul.f32 v15, v14;
	_ =	sdelay $0x1  }
0x6e4: {  	[tilespmem:v56+s1+$0x0] =	vst.idx.msk $0xffff, v15  }
0x6e5: {  	v15 =	vld.idx.msk [tilespmem:v57+s22+$0x0], $0xffff;
	_ =	sdelay $0x2  }
0x6e6: {  	v58 =	vor.u32 $0xD, v12;
	_ =	sdelay $0x1  }
0x6e7: {  	v15 =	vmul.f32 v15, v14;
	_ =	sdelay $0x1  }
0x6e8: {  	[tilespmem:v57+s1+$0x0] =	vst.idx.msk $0xffff, v15  }
0x6e9: {  	v15 =	vld.idx.msk [tilespmem:v58+s22+$0x0], $0xffff;
	_ =	sdelay $0x2  }
0x6ea: {  	v59 =	vor.u32 $0xE, v12;
	_ =	sdelay $0x1  }
0x6eb: {  	v15 =	vmul.f32 v15, v14;
	_ =	sdelay $0x1  }
0x6ec: {  	[tilespmem:v58+s1+$0x0] =	vst.idx.msk $0xffff, v15  }
0x6ed: {  	v15 =	vld.idx.msk [tilespmem:v59+s22+$0x0], $0xffff;
	_ =	sdelay $0x2  }
0x6ee: {  	v60 =	vor.u32 $0xF, v12;
	_ =	sdelay $0x1  }
0x6ef: {  	v15 =	vmul.f32 v15, v14;
	_ =	sdelay $0x1  }
0x6f0: {  	[tilespmem:v59+s1+$0x0] =	vst.idx.msk $0xffff, v15  }
0x6f1: {  	v15 =	vld.idx.msk [tilespmem:v60+s22+$0x0], $0xffff;
	_ =	sdelay $0x2  }
0x6f2: {  	v61 =	vor.u32 $0x10, v12;
	_ =	sdelay $0x1  }
0x6f3: {  	v15 =	vmul.f32 v15, v14;
	_ =	sdelay $0x1  }
0x6f4: {  	[tilespmem:v60+s1+$0x0] =	vst.idx.msk $0xffff, v15  }
0x6f5: {  	v15 =	vld.idx.msk [tilespmem:v61+s22+$0x0], $0xffff;
	_ =	sdelay $0x2  }
0x6f6: {  	v62 =	vor.u32 $0x11, v12;
	_ =	sdelay $0x1  }
0x6f7: {  	v15 =	vmul.f32 v15, v14;
	_ =	sdelay $0x1  }
0x6f8: {  	[tilespmem:v61+s1+$0x0] =	vst.idx.msk $0xffff, v15  }
0x6f9: {  	v15 =	vld.idx.msk [tilespmem:v62+s22+$0x0], $0xffff;
	_ =	sdelay $0x2  }
0x6fa: {  	v63 =	vor.u32 $0x12, v12;
	_ =	sdelay $0x1  }
0x6fb: {  	v15 =	vmul.f32 v15, v14;
	_ =	sdelay $0x1  }
0x6fc: {  	[tilespmem:v62+s1+$0x0] =	vst.idx.msk $0xffff, v15  }
0x6fd: {  	v15 =	vld.idx.msk [tilespmem:v63+s22+$0x0], $0xffff;
	_ =	sdelay $0x2  }
0x6fe: {  	v20 =	vor.u32 $0x13, v12;
	_ =	sdelay $0x1  }
0x6ff: {  	v15 =	vmul.f32 v15, v14;
	_ =	sdelay $0x1  }
0x700: {  	[tilespmem:v63+s1+$0x0] =	vst.idx.msk $0xffff, v15  }
0x701: {  	v15 =	vld.idx.msk [tilespmem:v20+s22+$0x0], $0xffff;
	_ =	sdelay $0x2  }
0x702: {  	v21 =	vor.u32 $0x14, v12;
	_ =	sdelay $0x1  }
0x703: {  	v15 =	vmul.f32 v15, v14;
	_ =	sdelay $0x1  }
0x704: {  	[tilespmem:v20+s1+$0x0] =	vst.idx.msk $0xffff, v15  }
0x705: {  	v15 =	vld.idx.msk [tilespmem:v21+s22+$0x0], $0xffff;
	_ =	sdelay $0x2  }
0x706: {  	v22 =	vor.u32 $0x15, v12;
	_ =	sdelay $0x1  }
0x707: {  	v15 =	vmul.f32 v15, v14;
	_ =	sdelay $0x1  }
0x708: {  	[tilespmem:v21+s1+$0x0] =	vst.idx.msk $0xffff, v15  }
0x709: {  	v15 =	vld.idx.msk [tilespmem:v22+s22+$0x0], $0xffff;
	_ =	sdelay $0x2  }
0x70a: {  	v23 =	vor.u32 $0x16, v12;
	_ =	sdelay $0x1  }
0x70b: {  	v15 =	vmul.f32 v15, v14;
	_ =	sdelay $0x1  }
0x70c: {  	[tilespmem:v22+s1+$0x0] =	vst.idx.msk $0xffff, v15  }
0x70d: {  	v15 =	vld.idx.msk [tilespmem:v23+s22+$0x0], $0xffff;
	_ =	sdelay $0x2  }
0x70e: {  	v24 =	vor.u32 $0x17, v12;
	_ =	sdelay $0x1  }
0x70f: {  	v15 =	vmul.f32 v15, v14;
	_ =	sdelay $0x1  }
0x710: {  	[tilespmem:v23+s1+$0x0] =	vst.idx.msk $0xffff, v15  }
0x711: {  	v15 =	vld.idx.msk [tilespmem:v24+s22+$0x0], $0xffff;
	_ =	sdelay $0x2  }
0x712: {  	v25 =	vor.u32 $0x18, v12;
	_ =	sdelay $0x1  }
0x713: {  	v15 =	vmul.f32 v15, v14;
	_ =	sdelay $0x1  }
0x714: {  	[tilespmem:v24+s1+$0x0] =	vst.idx.msk $0xffff, v15  }
0x715: {  	v15 =	vld.idx.msk [tilespmem:v25+s22+$0x0], $0xffff;
	_ =	sdelay $0x2  }
0x716: {  	v26 =	vor.u32 $0x19, v12;
	_ =	sdelay $0x1  }
0x717: {  	v15 =	vmul.f32 v15, v14;
	_ =	sdelay $0x1  }
0x718: {  	[tilespmem:v25+s1+$0x0] =	vst.idx.msk $0xffff, v15  }
0x719: {  	v15 =	vld.idx.msk [tilespmem:v26+s22+$0x0], $0xffff;
	_ =	sdelay $0x2  }
0x71a: {  	v27 =	vor.u32 $0x1A, v12;
	_ =	sdelay $0x1  }
0x71b: {  	v15 =	vmul.f32 v15, v14;
	_ =	sdelay $0x1  }
0x71c: {  	[tilespmem:v26+s1+$0x0] =	vst.idx.msk $0xffff, v15  }
0x71d: {  	v15 =	vld.idx.msk [tilespmem:v27+s22+$0x0], $0xffff;
	_ =	sdelay $0x2  }
0x71e: {  	v28 =	vor.u32 $0x1B, v12;
	_ =	sdelay $0x1  }
0x71f: {  	v15 =	vmul.f32 v15, v14;
	_ =	sdelay $0x1  }
0x720: {  	[tilespmem:v27+s1+$0x0] =	vst.idx.msk $0xffff, v15  }
0x721: {  	v15 =	vld.idx.msk [tilespmem:v28+s22+$0x0], $0xffff;
	_ =	sdelay $0x2  }
0x722: {  	v29 =	vor.u32 $0x1C, v12;
	_ =	sdelay $0x1  }
0x723: {  	v15 =	vmul.f32 v15, v14;
	_ =	sdelay $0x1  }
0x724: {  	[tilespmem:v28+s1+$0x0] =	vst.idx.msk $0xffff, v15  }
0x725: {  	v15 =	vld.idx.msk [tilespmem:v29+s22+$0x0], $0xffff;
	_ =	sdelay $0x2  }
0x726: {  	v30 =	vor.u32 $0x1D, v12;
	_ =	sdelay $0x1  }
0x727: {  	v15 =	vmul.f32 v15, v14;
	_ =	sdelay $0x1  }
0x728: {  	[tilespmem:v29+s1+$0x0] =	vst.idx.msk $0xffff, v15  }
0x729: {  	v15 =	vld.idx.msk [tilespmem:v30+s22+$0x0], $0xffff;
	_ =	sdelay $0x2  }
0x72a: {  	v31 =	vor.u32 $0x1E, v12;
	_ =	sdelay $0x1  }
0x72b: {  	v15 =	vmul.f32 v15, v14;
	_ =	sdelay $0x1  }
0x72c: {  	[tilespmem:v30+s1+$0x0] =	vst.idx.msk $0xffff, v15  }
0x72d: {  	v15 =	vld.idx.msk [tilespmem:v31+s22+$0x0], $0xffff;
	_ =	sdelay $0x2  }
0x72e: {  	v32 =	vor.u32 $0x1F, v12;
	_ =	sdelay $0x1  }
0x72f: {  	v15 =	vmul.f32 v15, v14;
	_ =	sdelay $0x1  }
0x730: {  	[tilespmem:v31+s1+$0x0] =	vst.idx.msk $0xffff, v15  }
0x731: {  	v15 =	vld.idx.msk [tilespmem:v32+s22+$0x0], $0xffff;
	_ =	sdelay $0x2  }
0x732: {  	v13 =	vor.u32 $0x1, v13  }
0x733: {  	v33 =	vor.u32 $0x20, v12  }
0x734: {  	v14 =	vmul.f32 v15, v14;
	_ =	sdelay $0x1  }
0x735: {  	[tilespmem:v32+s1+$0x0] =	vst.idx.msk $0xffff, v14  }
0x736: {  	v13 =	vld.idx.msk [tilespmem:v13+s30+$0x0], $0xffff  }
0x737: {  	v14 =	vld.idx.msk [tilespmem:v33+s22+$0x0], $0xffff;
	_ =	sdelay $0x2  }
0x738: {  	v34 =	vor.u32 $0x21, v12;
	_ =	sdelay $0x1  }
0x739: {  	v14 =	vmul.f32 v14, v13;
	_ =	sdelay $0x1  }
0x73a: {  	[tilespmem:v33+s1+$0x0] =	vst.idx.msk $0xffff, v14  }
0x73b: {  	v14 =	vld.idx.msk [tilespmem:v34+s22+$0x0], $0xffff;
	_ =	sdelay $0x2  }
0x73c: {  	v35 =	vor.u32 $0x22, v12;
	_ =	sdelay $0x1  }
0x73d: {  	v14 =	vmul.f32 v14, v13;
	_ =	sdelay $0x1  }
0x73e: {  	[tilespmem:v34+s1+$0x0] =	vst.idx.msk $0xffff, v14  }
0x73f: {  	v14 =	vld.idx.msk [tilespmem:v35+s22+$0x0], $0xffff;
	_ =	sdelay $0x2  }
0x740: {  	v36 =	vor.u32 $0x23, v12;
	_ =	sdelay $0x1  }
0x741: {  	v14 =	vmul.f32 v14, v13;
	_ =	sdelay $0x1  }
0x742: {  	[tilespmem:v35+s1+$0x0] =	vst.idx.msk $0xffff, v14  }
0x743: {  	v14 =	vld.idx.msk [tilespmem:v36+s22+$0x0], $0xffff;
	_ =	sdelay $0x2  }
0x744: {  	v37 =	vor.u32 $0x24, v12;
	_ =	sdelay $0x1  }
0x745: {  	v14 =	vmul.f32 v14, v13;
	_ =	sdelay $0x1  }
0x746: {  	[tilespmem:v36+s1+$0x0] =	vst.idx.msk $0xffff, v14  }
0x747: {  	v14 =	vld.idx.msk [tilespmem:v37+s22+$0x0], $0xffff;
	_ =	sdelay $0x2  }
0x748: {  	v38 =	vor.u32 $0x25, v12;
	_ =	sdelay $0x1  }
0x749: {  	v14 =	vmul.f32 v14, v13;
	_ =	sdelay $0x1  }
0x74a: {  	[tilespmem:v37+s1+$0x0] =	vst.idx.msk $0xffff, v14  }
0x74b: {  	v14 =	vld.idx.msk [tilespmem:v38+s22+$0x0], $0xffff;
	_ =	sdelay $0x2  }
0x74c: {  	v39 =	vor.u32 $0x26, v12;
	_ =	sdelay $0x1  }
0x74d: {  	v14 =	vmul.f32 v14, v13;
	_ =	sdelay $0x1  }
0x74e: {  	[tilespmem:v38+s1+$0x0] =	vst.idx.msk $0xffff, v14  }
0x74f: {  	v14 =	vld.idx.msk [tilespmem:v39+s22+$0x0], $0xffff;
	_ =	sdelay $0x2  }
0x750: {  	v40 =	vor.u32 $0x27, v12;
	_ =	sdelay $0x1  }
0x751: {  	v14 =	vmul.f32 v14, v13;
	_ =	sdelay $0x1  }
0x752: {  	[tilespmem:v39+s1+$0x0] =	vst.idx.msk $0xffff, v14  }
0x753: {  	v14 =	vld.idx.msk [tilespmem:v40+s22+$0x0], $0xffff;
	_ =	sdelay $0x2  }
0x754: {  	v41 =	vor.u32 $0x28, v12;
	_ =	sdelay $0x1  }
0x755: {  	v14 =	vmul.f32 v14, v13;
	_ =	sdelay $0x1  }
0x756: {  	[tilespmem:v40+s1+$0x0] =	vst.idx.msk $0xffff, v14  }
0x757: {  	v14 =	vld.idx.msk [tilespmem:v41+s22+$0x0], $0xffff;
	_ =	sdelay $0x2  }
0x758: {  	v42 =	vor.u32 $0x29, v12;
	_ =	sdelay $0x1  }
0x759: {  	v14 =	vmul.f32 v14, v13;
	_ =	sdelay $0x1  }
0x75a: {  	[tilespmem:v41+s1+$0x0] =	vst.idx.msk $0xffff, v14  }
0x75b: {  	v14 =	vld.idx.msk [tilespmem:v42+s22+$0x0], $0xffff;
	_ =	sdelay $0x2  }
0x75c: {  	v43 =	vor.u32 $0x2A, v12;
	_ =	sdelay $0x1  }
0x75d: {  	v14 =	vmul.f32 v14, v13;
	_ =	sdelay $0x1  }
0x75e: {  	[tilespmem:v42+s1+$0x0] =	vst.idx.msk $0xffff, v14  }
0x75f: {  	v14 =	vld.idx.msk [tilespmem:v43+s22+$0x0], $0xffff;
	_ =	sdelay $0x2  }
0x760: {  	v44 =	vor.u32 $0x2B, v12;
	_ =	sdelay $0x1  }
0x761: {  	v14 =	vmul.f32 v14, v13;
	_ =	sdelay $0x1  }
0x762: {  	[tilespmem:v43+s1+$0x0] =	vst.idx.msk $0xffff, v14  }
0x763: {  	v14 =	vld.idx.msk [tilespmem:v44+s22+$0x0], $0xffff;
	_ =	sdelay $0x2  }
0x764: {  	v45 =	vor.u32 $0x2C, v12;
	_ =	sdelay $0x1  }
0x765: {  	v14 =	vmul.f32 v14, v13;
	_ =	sdelay $0x1  }
0x766: {  	[tilespmem:v44+s1+$0x0] =	vst.idx.msk $0xffff, v14  }
0x767: {  	v14 =	vld.idx.msk [tilespmem:v45+s22+$0x0], $0xffff;
	_ =	sdelay $0x2  }
0x768: {  	v46 =	vor.u32 $0x2D, v12;
	_ =	sdelay $0x1  }
0x769: {  	v14 =	vmul.f32 v14, v13;
	_ =	sdelay $0x1  }
0x76a: {  	[tilespmem:v45+s1+$0x0] =	vst.idx.msk $0xffff, v14  }
0x76b: {  	v14 =	vld.idx.msk [tilespmem:v46+s22+$0x0], $0xffff;
	_ =	sdelay $0x2  }
0x76c: {  	v47 =	vor.u32 $0x2E, v12;
	_ =	sdelay $0x1  }
0x76d: {  	v14 =	vmul.f32 v14, v13;
	_ =	sdelay $0x1  }
0x76e: {  	[tilespmem:v46+s1+$0x0] =	vst.idx.msk $0xffff, v14  }
0x76f: {  	v14 =	vld.idx.msk [tilespmem:v47+s22+$0x0], $0xffff;
	_ =	sdelay $0x2  }
0x770: {  	v48 =	vor.u32 $0x2F, v12;
	_ =	sdelay $0x1  }
0x771: {  	v14 =	vmul.f32 v14, v13;
	_ =	sdelay $0x1  }
0x772: {  	[tilespmem:v47+s1+$0x0] =	vst.idx.msk $0xffff, v14  }
0x773: {  	v14 =	vld.idx.msk [tilespmem:v48+s22+$0x0], $0xffff;
	_ =	sdelay $0x2  }
0x774: {  	v49 =	vor.u32 $0x30, v12;
	_ =	sdelay $0x1  }
0x775: {  	v14 =	vmul.f32 v14, v13;
	_ =	sdelay $0x1  }
0x776: {  	[tilespmem:v48+s1+$0x0] =	vst.idx.msk $0xffff, v14  }
0x777: {  	v14 =	vld.idx.msk [tilespmem:v49+s22+$0x0], $0xffff;
	_ =	sdelay $0x2  }
0x778: {  	v50 =	vor.u32 $0x31, v12;
	_ =	sdelay $0x1  }
0x779: {  	v14 =	vmul.f32 v14, v13;
	_ =	sdelay $0x1  }
0x77a: {  	[tilespmem:v49+s1+$0x0] =	vst.idx.msk $0xffff, v14  }
0x77b: {  	v14 =	vld.idx.msk [tilespmem:v50+s22+$0x0], $0xffff;
	_ =	sdelay $0x2  }
0x77c: {  	v51 =	vor.u32 $0x32, v12;
	_ =	sdelay $0x1  }
0x77d: {  	v14 =	vmul.f32 v14, v13;
	_ =	sdelay $0x1  }
0x77e: {  	[tilespmem:v50+s1+$0x0] =	vst.idx.msk $0xffff, v14  }
0x77f: {  	v14 =	vld.idx.msk [tilespmem:v51+s22+$0x0], $0xffff;
	_ =	sdelay $0x2  }
0x780: {  	v52 =	vor.u32 $0x33, v12;
	_ =	sdelay $0x1  }
0x781: {  	v14 =	vmul.f32 v14, v13;
	_ =	sdelay $0x1  }
0x782: {  	[tilespmem:v51+s1+$0x0] =	vst.idx.msk $0xffff, v14  }
0x783: {  	v14 =	vld.idx.msk [tilespmem:v52+s22+$0x0], $0xffff;
	_ =	sdelay $0x2  }
0x784: {  	v53 =	vor.u32 $0x34, v12;
	_ =	sdelay $0x1  }
0x785: {  	v14 =	vmul.f32 v14, v13;
	_ =	sdelay $0x1  }
0x786: {  	[tilespmem:v52+s1+$0x0] =	vst.idx.msk $0xffff, v14  }
0x787: {  	v14 =	vld.idx.msk [tilespmem:v53+s22+$0x0], $0xffff;
	_ =	sdelay $0x2  }
0x788: {  	v54 =	vor.u32 $0x35, v12;
	_ =	sdelay $0x1  }
0x789: {  	v14 =	vmul.f32 v14, v13;
	_ =	sdelay $0x1  }
0x78a: {  	[tilespmem:v53+s1+$0x0] =	vst.idx.msk $0xffff, v14  }
0x78b: {  	v14 =	vld.idx.msk [tilespmem:v54+s22+$0x0], $0xffff;
	_ =	sdelay $0x2  }
0x78c: {  	v55 =	vor.u32 $0x36, v12;
	_ =	sdelay $0x1  }
0x78d: {  	v14 =	vmul.f32 v14, v13;
	_ =	sdelay $0x1  }
0x78e: {  	[tilespmem:v54+s1+$0x0] =	vst.idx.msk $0xffff, v14  }
0x78f: {  	v14 =	vld.idx.msk [tilespmem:v55+s22+$0x0], $0xffff;
	_ =	sdelay $0x2  }
0x790: {  	v56 =	vor.u32 $0x37, v12;
	_ =	sdelay $0x1  }
0x791: {  	v14 =	vmul.f32 v14, v13;
	_ =	sdelay $0x1  }
0x792: {  	[tilespmem:v55+s1+$0x0] =	vst.idx.msk $0xffff, v14  }
0x793: {  	v14 =	vld.idx.msk [tilespmem:v56+s22+$0x0], $0xffff;
	_ =	sdelay $0x2  }
0x794: {  	v57 =	vor.u32 $0x38, v12;
	_ =	sdelay $0x1  }
0x795: {  	v14 =	vmul.f32 v14, v13;
	_ =	sdelay $0x1  }
0x796: {  	[tilespmem:v56+s1+$0x0] =	vst.idx.msk $0xffff, v14  }
0x797: {  	v14 =	vld.idx.msk [tilespmem:v57+s22+$0x0], $0xffff;
	_ =	sdelay $0x2  }
0x798: {  	v58 =	vor.u32 $0x39, v12;
	_ =	sdelay $0x1  }
0x799: {  	v14 =	vmul.f32 v14, v13;
	_ =	sdelay $0x1  }
0x79a: {  	[tilespmem:v57+s1+$0x0] =	vst.idx.msk $0xffff, v14  }
0x79b: {  	v14 =	vld.idx.msk [tilespmem:v58+s22+$0x0], $0xffff;
	_ =	sdelay $0x2  }
0x79c: {  	v59 =	vor.u32 $0x3A, v12;
	_ =	sdelay $0x1  }
0x79d: {  	v14 =	vmul.f32 v14, v13;
	_ =	sdelay $0x1  }
0x79e: {  	[tilespmem:v58+s1+$0x0] =	vst.idx.msk $0xffff, v14  }
0x79f: {  	v14 =	vld.idx.msk [tilespmem:v59+s22+$0x0], $0xffff;
	_ =	sdelay $0x2  }
0x7a0: {  	v60 =	vor.u32 $0x3B, v12;
	_ =	sdelay $0x1  }
0x7a1: {  	v14 =	vmul.f32 v14, v13;
	_ =	sdelay $0x1  }
0x7a2: {  	[tilespmem:v59+s1+$0x0] =	vst.idx.msk $0xffff, v14  }
0x7a3: {  	v14 =	vld.idx.msk [tilespmem:v60+s22+$0x0], $0xffff;
	_ =	sdelay $0x2  }
0x7a4: {  	v61 =	vor.u32 $0x3C, v12;
	_ =	sdelay $0x1  }
0x7a5: {  	v14 =	vmul.f32 v14, v13;
	_ =	sdelay $0x1  }
0x7a6: {  	[tilespmem:v60+s1+$0x0] =	vst.idx.msk $0xffff, v14  }
0x7a7: {  	v14 =	vld.idx.msk [tilespmem:v61+s22+$0x0], $0xffff;
	_ =	sdelay $0x2  }
0x7a8: {  	v62 =	vor.u32 $0x3D, v12;
	_ =	sdelay $0x1  }
0x7a9: {  	v14 =	vmul.f32 v14, v13;
	_ =	sdelay $0x1  }
0x7aa: {  	[tilespmem:v61+s1+$0x0] =	vst.idx.msk $0xffff, v14  }
0x7ab: {  	v14 =	vld.idx.msk [tilespmem:v62+s22+$0x0], $0xffff;
	_ =	sdelay $0x2  }
0x7ac: {  	v63 =	vor.u32 $0x3E, v12;
	_ =	sdelay $0x1  }
0x7ad: {  	v14 =	vmul.f32 v14, v13;
	_ =	sdelay $0x1  }
0x7ae: {  	[tilespmem:v62+s1+$0x0] =	vst.idx.msk $0xffff, v14  }
0x7af: {  	v14 =	vld.idx.msk [tilespmem:v63+s22+$0x0], $0xffff;
	_ =	sdelay $0x2  }
0x7b0: {  	v12 =	vor.u32 $0x3F, v12;
	_ =	sdelay $0x1  }
0x7b1: {  	v14 =	vmul.f32 v14, v13;
	_ =	sdelay $0x1  }
0x7b2: {  	[tilespmem:v63+s1+$0x0] =	vst.idx.msk $0xffff, v14  }
0x7b3: {  	v14 =	vld.idx.msk [tilespmem:v12+s22+$0x0], $0xffff;
	_ =	sdelay $0x1  }
0x7b4: {  	p0 =	sne.s32 s0, $0x40  }
.Ltmp8:
0x7b5: {  	_ = 	snop;
	(pc) =	sbr.rel @p0 .LBB2_19-.Ltmp8, $3  }
0x7b6: {  	_ = 	snop  }
0x7b7: {  	v13 =	vmul.f32 v14, v13;
	_ =	sdelay $0x1  }
0x7b8: {  	s0 =	sadd.s32 $0x10, s0;
	[tilespmem:v12+s1+$0x0] =	vst.idx.msk $0xffff, v13  }
0x7b9: {  	s26 =	sadd.s32 $0x1, s26  }
0x7ba: {  	p0 =	sne.s32 s26, $0x7C  }
.Ltmp9:
0x7bb: {  	_ = 	snop;
	(pc) =	sbr.rel @p0 .LBB2_12-.Ltmp9, $4  }
0x7bc: {  	s0 =	rddreg [dreg:$0x2]  }
0x7bd: {  	[spmem:s0] =	stream.indirect.scatter.add.f32 [tilespmem:s1], [sflag:$0x6], $0x40, s20, s10, $0xb8;
	[tilespmem:$0x133D0] =	vst v63  }
0x7be: {  	s16 =	rddreg [dreg:$0x3]  }
0x7bf: {  	[spmem:s16] =	stream.indirect.scatter.add.f32 [tilespmem:s30], [sflag:$0x6], $0x10, s20, s10, $0xb8;
	[tilespmem:$0x133D0] =	vst v63  }
0x7c0: {  	_ =	swait.ge [sflag:s5], $0x1400  }
0x7c1: {  	[sflag:s5] =	ssyncset.done $0x0  }
0x7c2: {  	[sflag:s5] =	ssyncadd.s32 $0xFFFFEC00  }
0x7c3: {  	_ =	swait.ge [sflag:s5], $0x500  }
0x7c4: {  	[sflag:s5] =	ssyncset.done $0x0  }
0x7c5: {  	[sflag:s5] =	ssyncadd.s32 $0xFFFFFB00  }
0x7c6: {  	_ =	swait.ge [sflag:s24], $0x1400  }
0x7c7: {  	[sflag:s24] =	ssyncset.done $0x0  }
0x7c8: {  	[sflag:s24] =	ssyncadd.s32 $0xFFFFEC00  }
0x7c9: {  	_ =	swait.ge [sflag:s24], $0x500  }
0x7ca: {  	[sflag:s24] =	ssyncset.done $0x0  }
0x7cb: {  	[sflag:s24] =	ssyncadd.s32 $0xFFFFFB00  }
0x7cc: {  	s0 =	stileid.u32;
	[bflag:$0x0] =	sbarrier.arrive $0xFFFF  }
0x7cd: {  	s0 =	sshll.u32 s0, $0x6;
	s3 =	rddreg [dreg:$0x18]  }
0x7ce: {  	s0 =	sor.u32 $0x1C07, s0;
	s16 =	rddreg [dreg:$0x1b]  }
0x7cf: {  	[hbm:s3], [sflag:s0] =	dma.local [spmem:s16], $0x1400  }
0x7d0: {  	_ =	swait.ge [sflag:s9], $0x1400  }
0x7d1: {  	[sflag:s9] =	ssyncset.done $0x0;
	s16 =	rddreg [dreg:$0x19]  }
0x7d2: {  	s26 =	rddreg [dreg:$0x1c];
	[sflag:s9] =	ssyncadd.s32 $0xFFFFEC00  }
0x7d3: {  	[hbm:s16], [sflag:s0] =	dma.local [spmem:s26], $0x500  }
0x7d4: {  	_ =	swait.ge [sflag:s9], $0x500  }
0x7d5: {  	s16 =	rddreg [dreg:$0x1e]  }
0x7d6: {  	s26 =	rddreg [dreg:$0x1a];
	s3 =	sadd.s32 $0x1, s16  }
0x7d7: {  	p0 =	sne.s32 s3, s26  }
.Ltmp10:
0x7d8: {  	_ = 	snop;
	(pc) =	sbr.rel @p0 .LBB2_1-.Ltmp10, $3  }
0x7d9: {  	_ =	sdelay $0x1  }
0x7da: {  	[sflag:s9] =	ssyncset.done $0x0  }
0x7db: {  	[sflag:s9] =	ssyncadd.s32 $0xFFFFFB00  }
0x7dc: {  	_ =	sfence.sel $0x180000  }
0x7dd: {  	[bflag:$0x0] =	sbarrier.arrive $0xFFFF  }
0x7de: {  	_ =	strace $0x90000047  }
0x7df: {  	s0 =	stileid.u32;
	[bflag:$0x2] =	sbarrier.arrive $0xFFFF  }
0x7e0: {  	p0 =	sne.s32 s0, $0x0;
	s0 =	rddreg [dreg:$0x4]  }
0x7e1: {  	s0 =	sadd.s32 @!p0 $0x100000, s0  }
0x7e2: {  	[sflag:s0] =	ssyncadd.tile.s32 @!p0 $0x1;
	_ =	shalt  }
.Lfunc_end2:
_tile_overlayer_lowered:
.L_overlay_start_2:
0x7e3: {  	(tag) =	ssettag $0x2  }
0x7e4: {  	s0 =	rddreg [dreg:$0x0];
	s2 =	stileid.u32  }
0x7e5: {  	s1 =	rddreg [dreg:$0x1];
	p0 =	sne.s32 s2, $0x0  }
0x7e6: {  	s3 =	rddreg [dreg:$0x2];
	[bflag:$0x3] =	sbarrier.arrive $0xFFFF;
	s2 =	simm.s32 @!p0 $0x1C07  }
0x7e7: {  	[timem:s3], [sflag:s2] =	dma.local @!p0 [hbm:s0], s1  }
0x7e8: {  	s0 =	simm.s32 @!p0 $0x7  }
0x7e9: {  	_ =	swait.ge @!p0 [sflag:s0], s1  }
0x7ea: {  	s1 =	ssub.s32 @!p0 $0x0, s1;
	[sflag:s0] =	ssyncset.done @!p0 $0x0  }
0x7eb: {  	[sflag:s0] =	ssyncadd.s32 @!p0 s1  }
0x7ec: {  	[bflag:$0x3] =	sbarrier.arrive $0xFFFF  }
0x7ed: {  	_ =	shalt  }

</sc_bundles>
